<compile_context>
chip_gen: v7x
topology: tpu7x:2x2x1
jax: 0.10.2.dev20260603
libtpu: 0.0.44.dev20260713+nightly
codegen_flags: <defaults>
</compile_context>

<pallas_src>
import functools

import jax
import jax.numpy as jnp
from jax import lax
from jax.experimental import pallas as pl
from jax.experimental.pallas import tpu as pltpu
from jax.experimental.pallas import tpu_sc as plsc

_B = 16384
_D = 784
_K = 16
_NW = 32
_BPW = _B // _NW
_CH = 128
_NBC = _BPW // _CH
_RH = 14

_mesh = plsc.VectorSubcoreMesh(core_axis_name="c", subcore_axis_name="s")


@functools.partial(
    pl.kernel,
    out_type=jax.ShapeDtypeStruct((28, 28, _B), jnp.float32),
    mesh=_mesh,
    compiler_params=pltpu.CompilerParams(needs_layout_passes=False),
    scratch_types=[
        pltpu.VMEM((_BPW * _K,), jnp.int32),
        pltpu.VMEM((_RH, 32, _CH), jnp.float32),
        pltpu.VMEM((_RH, 32, _CH), jnp.float32),
        pltpu.SemaphoreType.DMA,
        pltpu.SemaphoreType.DMA,
    ],
)
def _build_mask(sel_hbm, out_hbm, sel_v, buf0, buf1, sem0, sem1):
    wid = lax.axis_index("s") * 2 + lax.axis_index("c")
    selc = pltpu.async_copy(
        sel_hbm.at[pl.ds(wid * (_BPW * _K), _BPW * _K)], sel_v, sem0
    )

    zeros = jnp.zeros((16,), jnp.float32)
    ones = jnp.ones((16,), jnp.float32)
    bufs = (buf0, buf1)

    iota16 = lax.iota(jnp.int32, 16)

    def zero_buf(buf):
        def zbody(i, _):
            r = i // 32
            c = i - r * 32
            rv = jnp.full((16,), 0, jnp.int32) + r
            cv = jnp.full((16,), 0, jnp.int32) + c
            for j in range(_CH // 16):
                plsc.store_scatter(buf, [rv, cv, iota16 + j * 16], zeros)
            return 0

        lax.fori_loop(0, _RH * 32, zbody, 0, unroll=4)

    zero_buf(buf0)
    selc.wait()

    def pbody(i, _):
        off = pl.multiple_of(i * _K, 16)
        s = sel_v[pl.ds(off, 16)]
        r = (s * 2341) >> 16
        c = s - r * 28
        sel_v[pl.ds(off, 16)] = (r << 5) | c
        return 0

    lax.fori_loop(0, _CH, pbody, 0, unroll=4)

    def scatter_rows(buf, bc, rh, val):
        def rbody(bi, _):
            soff = pl.multiple_of((bc * _CH + bi) * _K, 16)
            p = sel_v[pl.ds(soff, 16)]
            r = p >> 5
            c = p & 31
            bvec = jnp.full((16,), 0, jnp.int32) + bi
            if rh == 0:
                plsc.store_scatter(buf, [r, c, bvec], val, mask=r < _RH)
            else:
                plsc.store_scatter(
                    buf, [r - _RH, c, bvec], val, mask=r >= _RH
                )
            return 0

        lax.fori_loop(0, _CH, rbody, 0, unroll=4)

    b0 = wid * _BPW
    copies = [None, None]
    for bc in range(_NBC):
        for rh in range(2):
            if copies[rh] is not None:
                copies[rh].wait()
                scatter_rows(bufs[rh], bc - 1, rh, zeros)
            scatter_rows(bufs[rh], bc, rh, ones)
            copies[rh] = pltpu.async_copy(
                bufs[rh].at[:, pl.ds(0, 28), :],
                out_hbm.at[pl.ds(rh * _RH, _RH), :, pl.ds(b0 + bc * _CH, _CH)],
                sem0 if rh == 0 else sem1,
            )
            if bc == 0 and rh == 0:
                zero_buf(buf1)
                lax.fori_loop(_CH, _BPW, pbody, 0, unroll=4)
    copies[0].wait()
    copies[1].wait()


def kernel(indices, timestep):
    start = _K * jnp.asarray(timestep, jnp.int32)
    sel = lax.dynamic_slice(indices, (jnp.int32(0), start), (_B, _K))
    mask_t = _build_mask(sel.reshape(-1))
    return (jnp.transpose(mask_t, (2, 0, 1)), 0)

# --- scband reference (transcript-rebuilt; emitter-appended) ---
"""Pipeline reference for scband-rgattack-39152921870615 (READ-ONLY COPY).

The authoritative reference and input builder live on the scoring server;
editing this copy changes nothing except your own understanding.
"""

import jax, jax.numpy as jnp
import numpy as np

BATCH = 16384
D = 784
K = 16

def setup_inputs() -> dict:
    # module state: self.indices = arange(d)[None,:].repeat(batch_size, 1)
    indices = jnp.tile(jnp.arange(D, dtype=jnp.int32)[None, :], (BATCH, 1))
    return {"indices": indices, "timestep": 2}

def reference(indices, timestep):
    # timestep != 0, so the randperm shuffle branch is not taken.
    start = K * timestep
    sel = jax.lax.dynamic_slice(indices, (0, start), (BATCH, K))  # [BATCH, K]
    selected_mask = jnp.zeros((BATCH, D), dtype=jnp.float32)
    rows = jnp.arange(BATCH, dtype=jnp.int32)[:, None]
    # scatter_(-1, sel, 1) -> overwrite-scatter along last dim
    selected_mask = selected_mask.at[rows, sel].set(1.0)
    return (selected_mask.reshape(-1, 28, 28), 0)

if __name__ == "__main__":
    import jax
    _d = setup_inputs()
    print(jax.jit(kernel)(*tuple(_d.values())))

</pallas_src>

<mosaic_0001>
#map = affine_map<(d0, d1) -> (0)>
#map1 = affine_map<(d0, d1) -> (0, 0, 0)>
module attributes {stable_mosaic.version = 14 : i64} {
  func.func @_build_mask(%arg0: i32, %arg1: i32, %arg2: memref<262144xi32, #tpu.memory_space<hbm>>, %arg3: memref<28x28x16384xf32, #tpu.memory_space<hbm>>, %arg4: memref<8192xi32, #tpu.memory_space<vmem>>, %arg5: memref<14x32x128xf32, #tpu.memory_space<vmem>>, %arg6: memref<14x32x128xf32, #tpu.memory_space<vmem>>, %arg7: memref<!tpu.dma_semaphore, #tpu.memory_space<semaphore_mem>>, %arg8: memref<!tpu.dma_semaphore, #tpu.memory_space<semaphore_mem>>) attributes {dimension_semantics = [#tpu.dimension_semantics<core_parallel>, #tpu.dimension_semantics<subcore_parallel>], iteration_bounds = array<i64: 2, 16>, scalar_prefetch = 0 : i64, scratch_operands = 5 : i64, tpu.core_type = #tpu.core_type<sc_vector_subcore>, window_params = [{transform_indices = #map}, {transform_indices = #map1}]} {
    %mul3A = arith.constant 2 : i32
    %mul3A_0 = arith.muli %arg1, %mul3A : i32
    %add3A = arith.addi %mul3A_0, %arg0 : i32
    %mul3A_1 = arith.constant 8192 : i32
    %mul3A_2 = arith.muli %add3A, %mul3A_1 : i32
    %dma_start3A = tpu.memref_slice %arg2[%mul3A_2] : memref<262144xi32, #tpu.memory_space<hbm>> -> memref<8192xi32, #tpu.memory_space<hbm>>
    %dma_start3A_3 = tpu.memref_slice %arg2[%mul3A_2] : memref<262144xi32, #tpu.memory_space<hbm>> -> memref<8192xi32, #tpu.memory_space<hbm>>
    tpu.enqueue_dma source(%dma_start3A_3 : memref<8192xi32, #tpu.memory_space<hbm>>) target(%arg4 : memref<8192xi32, #tpu.memory_space<vmem>>) target_semaphore(%arg7 : memref<!tpu.dma_semaphore, #tpu.memory_space<semaphore_mem>>)
    %broadcast_in_dim3A = arith.constant 0.000000e+00 : f32
    %broadcast_in_dim3A_4 = vector.broadcast %broadcast_in_dim3A : f32 to vector<16xf32>
    %broadcast_in_dim3A_5 = arith.constant 1.000000e+00 : f32
    %broadcast_in_dim3A_6 = vector.broadcast %broadcast_in_dim3A_5 : f32 to vector<16xf32>
    %iota3A = tpu.iota {dimensions = array<i32: 0>} : vector<16xi32>
    %scan3A = arith.constant 0 : i32
    %scan3A_7 = arith.constant 0 : i32
    %scan3A_8 = arith.constant 448 : i32
    %scan3A_9 = arith.addi %scan3A_7, %scan3A_8 : i32
    %scan3A_10 = arith.constant 4 : i32
    %scan3A_11 = scf.for %scan3A_375 = %scan3A_7 to %scan3A_9 step %scan3A_10 iter_args(%scan3A_376 = %scan3A) -> (i32)  : i32 {
      %jit3A = arith.constant 32 : i32
      %div3A = arith.divsi %scan3A_375, %jit3A : i32
      %sign3A = arith.constant 0 : i32
      %sign3A_377 = arith.cmpi sgt, %scan3A_375, %sign3A : i32
      %sign3A_378 = arith.extui %sign3A_377 : i1 to i32
      %sign3A_379 = arith.constant 0 : i32
      %sign3A_380 = arith.cmpi slt, %scan3A_375, %sign3A_379 : i32
      %sign3A_381 = arith.extui %sign3A_380 : i1 to i32
      %sign3A_382 = arith.subi %sign3A_378, %sign3A_381 : i32
      %sign3A_383 = arith.constant 0 : i32
      %sign3A_384 = arith.cmpi sgt, %jit3A, %sign3A_383 : i32
      %sign3A_385 = arith.extui %sign3A_384 : i1 to i32
      %sign3A_386 = arith.constant 0 : i32
      %sign3A_387 = arith.cmpi slt, %jit3A, %sign3A_386 : i32
      %sign3A_388 = arith.extui %sign3A_387 : i1 to i32
      %sign3A_389 = arith.subi %sign3A_385, %sign3A_388 : i32
      %ne3A = arith.cmpi ne, %sign3A_382, %sign3A_389 : i32
      %rem3A = arith.remsi %scan3A_375, %jit3A : i32
      %ne3A_390 = arith.constant 0 : i32
      %ne3A_391 = arith.cmpi ne, %rem3A, %ne3A_390 : i32
      %and3A = arith.andi %ne3A, %ne3A_391 : i1
      %sub3A = arith.constant 1 : i32
      %sub3A_392 = arith.subi %div3A, %sub3A : i32
      %select_n3A = arith.select %and3A, %sub3A_392, %div3A : i32
      %mul3A_393 = arith.constant 32 : i32
      %mul3A_394 = arith.muli %select_n3A, %mul3A_393 : i32
      %sub3A_395 = arith.subi %scan3A_375, %mul3A_394 : i32
      %broadcast_in_dim3A_396 = arith.constant 0 : i32
      %broadcast_in_dim3A_397 = vector.broadcast %broadcast_in_dim3A_396 : i32 to vector<16xi32>
      %add3A_398 = vector.broadcast %select_n3A : i32 to vector<16xi32>
      %add3A_399 = arith.addi %broadcast_in_dim3A_397, %add3A_398 : vector<16xi32>
      %broadcast_in_dim3A_400 = arith.constant 0 : i32
      %broadcast_in_dim3A_401 = vector.broadcast %broadcast_in_dim3A_400 : i32 to vector<16xi32>
      %add3A_402 = vector.broadcast %sub3A_395 : i32 to vector<16xi32>
      %add3A_403 = arith.addi %broadcast_in_dim3A_401, %add3A_402 : vector<16xi32>
      %add3A_404 = arith.constant 0 : i32
      %add3A_405 = vector.broadcast %add3A_404 : i32 to vector<16xi32>
      %add3A_406 = arith.addi %iota3A, %add3A_405 : vector<16xi32>
      tpu.vector_store_idx %arg5[%add3A_399, %add3A_403, %add3A_406], %broadcast_in_dim3A_4 : memref<14x32x128xf32, #tpu.memory_space<vmem>>[vector<16xi32>, vector<16xi32>, vector<16xi32>], vector<16xf32>,
      %add3A_407 = arith.constant 16 : i32
      %add3A_408 = vector.broadcast %add3A_407 : i32 to vector<16xi32>
      %add3A_409 = arith.addi %iota3A, %add3A_408 : vector<16xi32>
      tpu.vector_store_idx %arg5[%add3A_399, %add3A_403, %add3A_409], %broadcast_in_dim3A_4 : memref<14x32x128xf32, #tpu.memory_space<vmem>>[vector<16xi32>, vector<16xi32>, vector<16xi32>], vector<16xf32>,
      %add3A_410 = arith.constant 32 : i32
      %add3A_411 = vector.broadcast %add3A_410 : i32 to vector<16xi32>
      %add3A_412 = arith.addi %iota3A, %add3A_411 : vector<16xi32>
      tpu.vector_store_idx %arg5[%add3A_399, %add3A_403, %add3A_412], %broadcast_in_dim3A_4 : memref<14x32x128xf32, #tpu.memory_space<vmem>>[vector<16xi32>, vector<16xi32>, vector<16xi32>], vector<16xf32>,
      %add3A_413 = arith.constant 48 : i32
      %add3A_414 = vector.broadcast %add3A_413 : i32 to vector<16xi32>
      %add3A_415 = arith.addi %iota3A, %add3A_414 : vector<16xi32>
      tpu.vector_store_idx %arg5[%add3A_399, %add3A_403, %add3A_415], %broadcast_in_dim3A_4 : memref<14x32x128xf32, #tpu.memory_space<vmem>>[vector<16xi32>, vector<16xi32>, vector<16xi32>], vector<16xf32>,
      %add3A_416 = arith.constant 64 : i32
      %add3A_417 = vector.broadcast %add3A_416 : i32 to vector<16xi32>
      %add3A_418 = arith.addi %iota3A, %add3A_417 : vector<16xi32>
      tpu.vector_store_idx %arg5[%add3A_399, %add3A_403, %add3A_418], %broadcast_in_dim3A_4 : memref<14x32x128xf32, #tpu.memory_space<vmem>>[vector<16xi32>, vector<16xi32>, vector<16xi32>], vector<16xf32>,
      %add3A_419 = arith.constant 80 : i32
      %add3A_420 = vector.broadcast %add3A_419 : i32 to vector<16xi32>
      %add3A_421 = arith.addi %iota3A, %add3A_420 : vector<16xi32>
      tpu.vector_store_idx %arg5[%add3A_399, %add3A_403, %add3A_421], %broadcast_in_dim3A_4 : memref<14x32x128xf32, #tpu.memory_space<vmem>>[vector<16xi32>, vector<16xi32>, vector<16xi32>], vector<16xf32>,
      %add3A_422 = arith.constant 96 : i32
      %add3A_423 = vector.broadcast %add3A_422 : i32 to vector<16xi32>
      %add3A_424 = arith.addi %iota3A, %add3A_423 : vector<16xi32>
      tpu.vector_store_idx %arg5[%add3A_399, %add3A_403, %add3A_424], %broadcast_in_dim3A_4 : memref<14x32x128xf32, #tpu.memory_space<vmem>>[vector<16xi32>, vector<16xi32>, vector<16xi32>], vector<16xf32>,
      %add3A_425 = arith.constant 112 : i32
      %add3A_426 = vector.broadcast %add3A_425 : i32 to vector<16xi32>
      %add3A_427 = arith.addi %iota3A, %add3A_426 : vector<16xi32>
      tpu.vector_store_idx %arg5[%add3A_399, %add3A_403, %add3A_427], %broadcast_in_dim3A_4 : memref<14x32x128xf32, #tpu.memory_space<vmem>>[vector<16xi32>, vector<16xi32>, vector<16xi32>], vector<16xf32>,
      %scan3A_428 = arith.constant 0 : i32
      %scan3A_429 = arith.constant 1 : i32
      %scan3A_430 = arith.addi %scan3A_375, %scan3A_429 : i32
      %jit3A_431 = arith.constant 32 : i32
      %div3A_432 = arith.divsi %scan3A_430, %jit3A_431 : i32
      %sign3A_433 = arith.constant 0 : i32
      %sign3A_434 = arith.cmpi sgt, %scan3A_430, %sign3A_433 : i32
      %sign3A_435 = arith.extui %sign3A_434 : i1 to i32
      %sign3A_436 = arith.constant 0 : i32
      %sign3A_437 = arith.cmpi slt, %scan3A_430, %sign3A_436 : i32
      %sign3A_438 = arith.extui %sign3A_437 : i1 to i32
      %sign3A_439 = arith.subi %sign3A_435, %sign3A_438 : i32
      %sign3A_440 = arith.constant 0 : i32
      %sign3A_441 = arith.cmpi sgt, %jit3A_431, %sign3A_440 : i32
      %sign3A_442 = arith.extui %sign3A_441 : i1 to i32
      %sign3A_443 = arith.constant 0 : i32
      %sign3A_444 = arith.cmpi slt, %jit3A_431, %sign3A_443 : i32
      %sign3A_445 = arith.extui %sign3A_444 : i1 to i32
      %sign3A_446 = arith.subi %sign3A_442, %sign3A_445 : i32
      %ne3A_447 = arith.cmpi ne, %sign3A_439, %sign3A_446 : i32
      %rem3A_448 = arith.remsi %scan3A_430, %jit3A_431 : i32
      %ne3A_449 = arith.constant 0 : i32
      %ne3A_450 = arith.cmpi ne, %rem3A_448, %ne3A_449 : i32
      %and3A_451 = arith.andi %ne3A_447, %ne3A_450 : i1
      %sub3A_452 = arith.constant 1 : i32
      %sub3A_453 = arith.subi %div3A_432, %sub3A_452 : i32
      %select_n3A_454 = arith.select %and3A_451, %sub3A_453, %div3A_432 : i32
      %mul3A_455 = arith.constant 32 : i32
      %mul3A_456 = arith.muli %select_n3A_454, %mul3A_455 : i32
      %sub3A_457 = arith.subi %scan3A_430, %mul3A_456 : i32
      %broadcast_in_dim3A_458 = arith.constant 0 : i32
      %broadcast_in_dim3A_459 = vector.broadcast %broadcast_in_dim3A_458 : i32 to vector<16xi32>
      %add3A_460 = vector.broadcast %select_n3A_454 : i32 to vector<16xi32>
      %add3A_461 = arith.addi %broadcast_in_dim3A_459, %add3A_460 : vector<16xi32>
      %broadcast_in_dim3A_462 = arith.constant 0 : i32
      %broadcast_in_dim3A_463 = vector.broadcast %broadcast_in_dim3A_462 : i32 to vector<16xi32>
      %add3A_464 = vector.broadcast %sub3A_457 : i32 to vector<16xi32>
      %add3A_465 = arith.addi %broadcast_in_dim3A_463, %add3A_464 : vector<16xi32>
      %add3A_466 = arith.constant 0 : i32
      %add3A_467 = vector.broadcast %add3A_466 : i32 to vector<16xi32>
      %add3A_468 = arith.addi %iota3A, %add3A_467 : vector<16xi32>
      tpu.vector_store_idx %arg5[%add3A_461, %add3A_465, %add3A_468], %broadcast_in_dim3A_4 : memref<14x32x128xf32, #tpu.memory_space<vmem>>[vector<16xi32>, vector<16xi32>, vector<16xi32>], vector<16xf32>,
      %add3A_469 = arith.constant 16 : i32
      %add3A_470 = vector.broadcast %add3A_469 : i32 to vector<16xi32>
      %add3A_471 = arith.addi %iota3A, %add3A_470 : vector<16xi32>
      tpu.vector_store_idx %arg5[%add3A_461, %add3A_465, %add3A_471], %broadcast_in_dim3A_4 : memref<14x32x128xf32, #tpu.memory_space<vmem>>[vector<16xi32>, vector<16xi32>, vector<16xi32>], vector<16xf32>,
      %add3A_472 = arith.constant 32 : i32
      %add3A_473 = vector.broadcast %add3A_472 : i32 to vector<16xi32>
      %add3A_474 = arith.addi %iota3A, %add3A_473 : vector<16xi32>
      tpu.vector_store_idx %arg5[%add3A_461, %add3A_465, %add3A_474], %broadcast_in_dim3A_4 : memref<14x32x128xf32, #tpu.memory_space<vmem>>[vector<16xi32>, vector<16xi32>, vector<16xi32>], vector<16xf32>,
      %add3A_475 = arith.constant 48 : i32
      %add3A_476 = vector.broadcast %add3A_475 : i32 to vector<16xi32>
      %add3A_477 = arith.addi %iota3A, %add3A_476 : vector<16xi32>
      tpu.vector_store_idx %arg5[%add3A_461, %add3A_465, %add3A_477], %broadcast_in_dim3A_4 : memref<14x32x128xf32, #tpu.memory_space<vmem>>[vector<16xi32>, vector<16xi32>, vector<16xi32>], vector<16xf32>,
      %add3A_478 = arith.constant 64 : i32
      %add3A_479 = vector.broadcast %add3A_478 : i32 to vector<16xi32>
      %add3A_480 = arith.addi %iota3A, %add3A_479 : vector<16xi32>
      tpu.vector_store_idx %arg5[%add3A_461, %add3A_465, %add3A_480], %broadcast_in_dim3A_4 : memref<14x32x128xf32, #tpu.memory_space<vmem>>[vector<16xi32>, vector<16xi32>, vector<16xi32>], vector<16xf32>,
      %add3A_481 = arith.constant 80 : i32
      %add3A_482 = vector.broadcast %add3A_481 : i32 to vector<16xi32>
      %add3A_483 = arith.addi %iota3A, %add3A_482 : vector<16xi32>
      tpu.vector_store_idx %arg5[%add3A_461, %add3A_465, %add3A_483], %broadcast_in_dim3A_4 : memref<14x32x128xf32, #tpu.memory_space<vmem>>[vector<16xi32>, vector<16xi32>, vector<16xi32>], vector<16xf32>,
      %add3A_484 = arith.constant 96 : i32
      %add3A_485 = vector.broadcast %add3A_484 : i32 to vector<16xi32>
      %add3A_486 = arith.addi %iota3A, %add3A_485 : vector<16xi32>
      tpu.vector_store_idx %arg5[%add3A_461, %add3A_465, %add3A_486], %broadcast_in_dim3A_4 : memref<14x32x128xf32, #tpu.memory_space<vmem>>[vector<16xi32>, vector<16xi32>, vector<16xi32>], vector<16xf32>,
      %add3A_487 = arith.constant 112 : i32
      %add3A_488 = vector.broadcast %add3A_487 : i32 to vector<16xi32>
      %add3A_489 = arith.addi %iota3A, %add3A_488 : vector<16xi32>
      tpu.vector_store_idx %arg5[%add3A_461, %add3A_465, %add3A_489], %broadcast_in_dim3A_4 : memref<14x32x128xf32, #tpu.memory_space<vmem>>[vector<16xi32>, vector<16xi32>, vector<16xi32>], vector<16xf32>,
      %scan3A_490 = arith.constant 0 : i32
      %scan3A_491 = arith.constant 2 : i32
      %scan3A_492 = arith.addi %scan3A_375, %scan3A_491 : i32
      %jit3A_493 = arith.constant 32 : i32
      %div3A_494 = arith.divsi %scan3A_492, %jit3A_493 : i32
      %sign3A_495 = arith.constant 0 : i32
      %sign3A_496 = arith.cmpi sgt, %scan3A_492, %sign3A_495 : i32
      %sign3A_497 = arith.extui %sign3A_496 : i1 to i32
      %sign3A_498 = arith.constant 0 : i32
      %sign3A_499 = arith.cmpi slt, %scan3A_492, %sign3A_498 : i32
      %sign3A_500 = arith.extui %sign3A_499 : i1 to i32
      %sign3A_501 = arith.subi %sign3A_497, %sign3A_500 : i32
      %sign3A_502 = arith.constant 0 : i32
      %sign3A_503 = arith.cmpi sgt, %jit3A_493, %sign3A_502 : i32
      %sign3A_504 = arith.extui %sign3A_503 : i1 to i32
      %sign3A_505 = arith.constant 0 : i32
      %sign3A_506 = arith.cmpi slt, %jit3A_493, %sign3A_505 : i32
      %sign3A_507 = arith.extui %sign3A_506 : i1 to i32
      %sign3A_508 = arith.subi %sign3A_504, %sign3A_507 : i32
      %ne3A_509 = arith.cmpi ne, %sign3A_501, %sign3A_508 : i32
      %rem3A_510 = arith.remsi %scan3A_492, %jit3A_493 : i32
      %ne3A_511 = arith.constant 0 : i32
      %ne3A_512 = arith.cmpi ne, %rem3A_510, %ne3A_511 : i32
      %and3A_513 = arith.andi %ne3A_509, %ne3A_512 : i1
      %sub3A_514 = arith.constant 1 : i32
      %sub3A_515 = arith.subi %div3A_494, %sub3A_514 : i32
      %select_n3A_516 = arith.select %and3A_513, %sub3A_515, %div3A_494 : i32
      %mul3A_517 = arith.constant 32 : i32
      %mul3A_518 = arith.muli %select_n3A_516, %mul3A_517 : i32
      %sub3A_519 = arith.subi %scan3A_492, %mul3A_518 : i32
      %broadcast_in_dim3A_520 = arith.constant 0 : i32
      %broadcast_in_dim3A_521 = vector.broadcast %broadcast_in_dim3A_520 : i32 to vector<16xi32>
      %add3A_522 = vector.broadcast %select_n3A_516 : i32 to vector<16xi32>
      %add3A_523 = arith.addi %broadcast_in_dim3A_521, %add3A_522 : vector<16xi32>
      %broadcast_in_dim3A_524 = arith.constant 0 : i32
      %broadcast_in_dim3A_525 = vector.broadcast %broadcast_in_dim3A_524 : i32 to vector<16xi32>
      %add3A_526 = vector.broadcast %sub3A_519 : i32 to vector<16xi32>
      %add3A_527 = arith.addi %broadcast_in_dim3A_525, %add3A_526 : vector<16xi32>
      %add3A_528 = arith.constant 0 : i32
      %add3A_529 = vector.broadcast %add3A_528 : i32 to vector<16xi32>
      %add3A_530 = arith.addi %iota3A, %add3A_529 : vector<16xi32>
      tpu.vector_store_idx %arg5[%add3A_523, %add3A_527, %add3A_530], %broadcast_in_dim3A_4 : memref<14x32x128xf32, #tpu.memory_space<vmem>>[vector<16xi32>, vector<16xi32>, vector<16xi32>], vector<16xf32>,
      %add3A_531 = arith.constant 16 : i32
      %add3A_532 = vector.broadcast %add3A_531 : i32 to vector<16xi32>
      %add3A_533 = arith.addi %iota3A, %add3A_532 : vector<16xi32>
      tpu.vector_store_idx %arg5[%add3A_523, %add3A_527, %add3A_533], %broadcast_in_dim3A_4 : memref<14x32x128xf32, #tpu.memory_space<vmem>>[vector<16xi32>, vector<16xi32>, vector<16xi32>], vector<16xf32>,
      %add3A_534 = arith.constant 32 : i32
      %add3A_535 = vector.broadcast %add3A_534 : i32 to vector<16xi32>
      %add3A_536 = arith.addi %iota3A, %add3A_535 : vector<16xi32>
      tpu.vector_store_idx %arg5[%add3A_523, %add3A_527, %add3A_536], %broadcast_in_dim3A_4 : memref<14x32x128xf32, #tpu.memory_space<vmem>>[vector<16xi32>, vector<16xi32>, vector<16xi32>], vector<16xf32>,
      %add3A_537 = arith.constant 48 : i32
      %add3A_538 = vector.broadcast %add3A_537 : i32 to vector<16xi32>
      %add3A_539 = arith.addi %iota3A, %add3A_538 : vector<16xi32>
      tpu.vector_store_idx %arg5[%add3A_523, %add3A_527, %add3A_539], %broadcast_in_dim3A_4 : memref<14x32x128xf32, #tpu.memory_space<vmem>>[vector<16xi32>, vector<16xi32>, vector<16xi32>], vector<16xf32>,
      %add3A_540 = arith.constant 64 : i32
      %add3A_541 = vector.broadcast %add3A_540 : i32 to vector<16xi32>
      %add3A_542 = arith.addi %iota3A, %add3A_541 : vector<16xi32>
      tpu.vector_store_idx %arg5[%add3A_523, %add3A_527, %add3A_542], %broadcast_in_dim3A_4 : memref<14x32x128xf32, #tpu.memory_space<vmem>>[vector<16xi32>, vector<16xi32>, vector<16xi32>], vector<16xf32>,
      %add3A_543 = arith.constant 80 : i32
      %add3A_544 = vector.broadcast %add3A_543 : i32 to vector<16xi32>
      %add3A_545 = arith.addi %iota3A, %add3A_544 : vector<16xi32>
      tpu.vector_store_idx %arg5[%add3A_523, %add3A_527, %add3A_545], %broadcast_in_dim3A_4 : memref<14x32x128xf32, #tpu.memory_space<vmem>>[vector<16xi32>, vector<16xi32>, vector<16xi32>], vector<16xf32>,
      %add3A_546 = arith.constant 96 : i32
      %add3A_547 = vector.broadcast %add3A_546 : i32 to vector<16xi32>
      %add3A_548 = arith.addi %iota3A, %add3A_547 : vector<16xi32>
      tpu.vector_store_idx %arg5[%add3A_523, %add3A_527, %add3A_548], %broadcast_in_dim3A_4 : memref<14x32x128xf32, #tpu.memory_space<vmem>>[vector<16xi32>, vector<16xi32>, vector<16xi32>], vector<16xf32>,
      %add3A_549 = arith.constant 112 : i32
      %add3A_550 = vector.broadcast %add3A_549 : i32 to vector<16xi32>
      %add3A_551 = arith.addi %iota3A, %add3A_550 : vector<16xi32>
      tpu.vector_store_idx %arg5[%add3A_523, %add3A_527, %add3A_551], %broadcast_in_dim3A_4 : memref<14x32x128xf32, #tpu.memory_space<vmem>>[vector<16xi32>, vector<16xi32>, vector<16xi32>], vector<16xf32>,
      %scan3A_552 = arith.constant 0 : i32
      %scan3A_553 = arith.constant 3 : i32
      %scan3A_554 = arith.addi %scan3A_375, %scan3A_553 : i32
      %jit3A_555 = arith.constant 32 : i32
      %div3A_556 = arith.divsi %scan3A_554, %jit3A_555 : i32
      %sign3A_557 = arith.constant 0 : i32
      %sign3A_558 = arith.cmpi sgt, %scan3A_554, %sign3A_557 : i32
      %sign3A_559 = arith.extui %sign3A_558 : i1 to i32
      %sign3A_560 = arith.constant 0 : i32
      %sign3A_561 = arith.cmpi slt, %scan3A_554, %sign3A_560 : i32
      %sign3A_562 = arith.extui %sign3A_561 : i1 to i32
      %sign3A_563 = arith.subi %sign3A_559, %sign3A_562 : i32
      %sign3A_564 = arith.constant 0 : i32
      %sign3A_565 = arith.cmpi sgt, %jit3A_555, %sign3A_564 : i32
      %sign3A_566 = arith.extui %sign3A_565 : i1 to i32
      %sign3A_567 = arith.constant 0 : i32
      %sign3A_568 = arith.cmpi slt, %jit3A_555, %sign3A_567 : i32
      %sign3A_569 = arith.extui %sign3A_568 : i1 to i32
      %sign3A_570 = arith.subi %sign3A_566, %sign3A_569 : i32
      %ne3A_571 = arith.cmpi ne, %sign3A_563, %sign3A_570 : i32
      %rem3A_572 = arith.remsi %scan3A_554, %jit3A_555 : i32
      %ne3A_573 = arith.constant 0 : i32
      %ne3A_574 = arith.cmpi ne, %rem3A_572, %ne3A_573 : i32
      %and3A_575 = arith.andi %ne3A_571, %ne3A_574 : i1
      %sub3A_576 = arith.constant 1 : i32
      %sub3A_577 = arith.subi %div3A_556, %sub3A_576 : i32
      %select_n3A_578 = arith.select %and3A_575, %sub3A_577, %div3A_556 : i32
      %mul3A_579 = arith.constant 32 : i32
      %mul3A_580 = arith.muli %select_n3A_578, %mul3A_579 : i32
      %sub3A_581 = arith.subi %scan3A_554, %mul3A_580 : i32
      %broadcast_in_dim3A_582 = arith.constant 0 : i32
      %broadcast_in_dim3A_583 = vector.broadcast %broadcast_in_dim3A_582 : i32 to vector<16xi32>
      %add3A_584 = vector.broadcast %select_n3A_578 : i32 to vector<16xi32>
      %add3A_585 = arith.addi %broadcast_in_dim3A_583, %add3A_584 : vector<16xi32>
      %broadcast_in_dim3A_586 = arith.constant 0 : i32
      %broadcast_in_dim3A_587 = vector.broadcast %broadcast_in_dim3A_586 : i32 to vector<16xi32>
      %add3A_588 = vector.broadcast %sub3A_581 : i32 to vector<16xi32>
      %add3A_589 = arith.addi %broadcast_in_dim3A_587, %add3A_588 : vector<16xi32>
      %add3A_590 = arith.constant 0 : i32
      %add3A_591 = vector.broadcast %add3A_590 : i32 to vector<16xi32>
      %add3A_592 = arith.addi %iota3A, %add3A_591 : vector<16xi32>
      tpu.vector_store_idx %arg5[%add3A_585, %add3A_589, %add3A_592], %broadcast_in_dim3A_4 : memref<14x32x128xf32, #tpu.memory_space<vmem>>[vector<16xi32>, vector<16xi32>, vector<16xi32>], vector<16xf32>,
      %add3A_593 = arith.constant 16 : i32
      %add3A_594 = vector.broadcast %add3A_593 : i32 to vector<16xi32>
      %add3A_595 = arith.addi %iota3A, %add3A_594 : vector<16xi32>
      tpu.vector_store_idx %arg5[%add3A_585, %add3A_589, %add3A_595], %broadcast_in_dim3A_4 : memref<14x32x128xf32, #tpu.memory_space<vmem>>[vector<16xi32>, vector<16xi32>, vector<16xi32>], vector<16xf32>,
      %add3A_596 = arith.constant 32 : i32
      %add3A_597 = vector.broadcast %add3A_596 : i32 to vector<16xi32>
      %add3A_598 = arith.addi %iota3A, %add3A_597 : vector<16xi32>
      tpu.vector_store_idx %arg5[%add3A_585, %add3A_589, %add3A_598], %broadcast_in_dim3A_4 : memref<14x32x128xf32, #tpu.memory_space<vmem>>[vector<16xi32>, vector<16xi32>, vector<16xi32>], vector<16xf32>,
      %add3A_599 = arith.constant 48 : i32
      %add3A_600 = vector.broadcast %add3A_599 : i32 to vector<16xi32>
      %add3A_601 = arith.addi %iota3A, %add3A_600 : vector<16xi32>
      tpu.vector_store_idx %arg5[%add3A_585, %add3A_589, %add3A_601], %broadcast_in_dim3A_4 : memref<14x32x128xf32, #tpu.memory_space<vmem>>[vector<16xi32>, vector<16xi32>, vector<16xi32>], vector<16xf32>,
      %add3A_602 = arith.constant 64 : i32
      %add3A_603 = vector.broadcast %add3A_602 : i32 to vector<16xi32>
      %add3A_604 = arith.addi %iota3A, %add3A_603 : vector<16xi32>
      tpu.vector_store_idx %arg5[%add3A_585, %add3A_589, %add3A_604], %broadcast_in_dim3A_4 : memref<14x32x128xf32, #tpu.memory_space<vmem>>[vector<16xi32>, vector<16xi32>, vector<16xi32>], vector<16xf32>,
      %add3A_605 = arith.constant 80 : i32
      %add3A_606 = vector.broadcast %add3A_605 : i32 to vector<16xi32>
      %add3A_607 = arith.addi %iota3A, %add3A_606 : vector<16xi32>
      tpu.vector_store_idx %arg5[%add3A_585, %add3A_589, %add3A_607], %broadcast_in_dim3A_4 : memref<14x32x128xf32, #tpu.memory_space<vmem>>[vector<16xi32>, vector<16xi32>, vector<16xi32>], vector<16xf32>,
      %add3A_608 = arith.constant 96 : i32
      %add3A_609 = vector.broadcast %add3A_608 : i32 to vector<16xi32>
      %add3A_610 = arith.addi %iota3A, %add3A_609 : vector<16xi32>
      tpu.vector_store_idx %arg5[%add3A_585, %add3A_589, %add3A_610], %broadcast_in_dim3A_4 : memref<14x32x128xf32, #tpu.memory_space<vmem>>[vector<16xi32>, vector<16xi32>, vector<16xi32>], vector<16xf32>,
      %add3A_611 = arith.constant 112 : i32
      %add3A_612 = vector.broadcast %add3A_611 : i32 to vector<16xi32>
      %add3A_613 = arith.addi %iota3A, %add3A_612 : vector<16xi32>
      tpu.vector_store_idx %arg5[%add3A_585, %add3A_589, %add3A_613], %broadcast_in_dim3A_4 : memref<14x32x128xf32, #tpu.memory_space<vmem>>[vector<16xi32>, vector<16xi32>, vector<16xi32>], vector<16xf32>,
      %scan3A_614 = arith.constant 0 : i32
      scf.yield %scan3A_614 : i32
    }
    %scan3A_12 = arith.constant 448 : i32
    %dma_wait3A = tpu.memref_slice %arg2[%mul3A_2] : memref<262144xi32, #tpu.memory_space<hbm>> -> memref<8192xi32, #tpu.memory_space<hbm>>
    %dma_wait3A_13 = tpu.memref_slice %arg2[%mul3A_2] : memref<262144xi32, #tpu.memory_space<hbm>> -> memref<8192xi32, #tpu.memory_space<hbm>>
    tpu.wait_dma2 semaphore(%arg7 : memref<!tpu.dma_semaphore, #tpu.memory_space<semaphore_mem>>) src(%dma_wait3A_13 : memref<8192xi32, #tpu.memory_space<hbm>>) dst(%arg4 : memref<8192xi32, #tpu.memory_space<vmem>>)
    %scan3A_14 = arith.constant 0 : i32
    %scan3A_15 = arith.constant 0 : i32
    %scan3A_16 = arith.constant 128 : i32
    %scan3A_17 = arith.addi %scan3A_15, %scan3A_16 : i32
    %scan3A_18 = arith.constant 4 : i32
    %scan3A_19 = scf.for %scan3A_375 = %scan3A_15 to %scan3A_17 step %scan3A_18 iter_args(%scan3A_376 = %scan3A_14) -> (i32)  : i32 {
      %mul3A_377 = arith.constant 16 : i32
      %mul3A_378 = arith.muli %scan3A_375, %mul3A_377 : i32
      %multiple_of3A = tpu.assume_multiple %mul3A_378, 16 : i32
      %get3A = arith.index_cast %multiple_of3A : i32 to index
      %get3A_379 = tpu.vector_load %arg4[%get3A] {strides = array<i32>} : memref<8192xi32, #tpu.memory_space<vmem>>, vector<16xi32>,
      %mul3A_380 = arith.constant 2341 : i32
      %mul3A_381 = vector.broadcast %mul3A_380 : i32 to vector<16xi32>
      %mul3A_382 = arith.muli %get3A_379, %mul3A_381 : vector<16xi32>
      %shift_right_arithmetic3A = arith.constant 16 : i32
      %shift_right_arithmetic3A_383 = vector.broadcast %shift_right_arithmetic3A : i32 to vector<16xi32>
      %shift_right_arithmetic3A_384 = arith.shrsi %mul3A_382, %shift_right_arithmetic3A_383 : vector<16xi32>
      %mul3A_385 = arith.constant 28 : i32
      %mul3A_386 = vector.broadcast %mul3A_385 : i32 to vector<16xi32>
      %mul3A_387 = arith.muli %shift_right_arithmetic3A_384, %mul3A_386 : vector<16xi32>
      %sub3A = arith.subi %get3A_379, %mul3A_387 : vector<16xi32>
      %shift_left3A = arith.constant 5 : i32
      %shift_left3A_388 = vector.broadcast %shift_left3A : i32 to vector<16xi32>
      %shift_left3A_389 = arith.shli %shift_right_arithmetic3A_384, %shift_left3A_388 : vector<16xi32>
      %or3A = arith.ori %shift_left3A_389, %sub3A : vector<16xi32>
      %swap3A = arith.index_cast %multiple_of3A : i32 to index
      %swap3A_390 = tpu.vector_load %arg4[%swap3A] {strides = array<i32>} : memref<8192xi32, #tpu.memory_space<vmem>>, vector<16xi32>,
      tpu.vector_store %arg4[%swap3A], %or3A {strides = array<i32>} : memref<8192xi32, #tpu.memory_space<vmem>>, vector<16xi32>,
      %scan3A_391 = arith.constant 0 : i32
      %scan3A_392 = arith.constant 1 : i32
      %scan3A_393 = arith.addi %scan3A_375, %scan3A_392 : i32
      %mul3A_394 = arith.constant 16 : i32
      %mul3A_395 = arith.muli %scan3A_393, %mul3A_394 : i32
      %multiple_of3A_396 = tpu.assume_multiple %mul3A_395, 16 : i32
      %get3A_397 = arith.index_cast %multiple_of3A_396 : i32 to index
      %get3A_398 = tpu.vector_load %arg4[%get3A_397] {strides = array<i32>} : memref<8192xi32, #tpu.memory_space<vmem>>, vector<16xi32>,
      %mul3A_399 = arith.constant 2341 : i32
      %mul3A_400 = vector.broadcast %mul3A_399 : i32 to vector<16xi32>
      %mul3A_401 = arith.muli %get3A_398, %mul3A_400 : vector<16xi32>
      %shift_right_arithmetic3A_402 = arith.constant 16 : i32
      %shift_right_arithmetic3A_403 = vector.broadcast %shift_right_arithmetic3A_402 : i32 to vector<16xi32>
      %shift_right_arithmetic3A_404 = arith.shrsi %mul3A_401, %shift_right_arithmetic3A_403 : vector<16xi32>
      %mul3A_405 = arith.constant 28 : i32
      %mul3A_406 = vector.broadcast %mul3A_405 : i32 to vector<16xi32>
      %mul3A_407 = arith.muli %shift_right_arithmetic3A_404, %mul3A_406 : vector<16xi32>
      %sub3A_408 = arith.subi %get3A_398, %mul3A_407 : vector<16xi32>
      %shift_left3A_409 = arith.constant 5 : i32
      %shift_left3A_410 = vector.broadcast %shift_left3A_409 : i32 to vector<16xi32>
      %shift_left3A_411 = arith.shli %shift_right_arithmetic3A_404, %shift_left3A_410 : vector<16xi32>
      %or3A_412 = arith.ori %shift_left3A_411, %sub3A_408 : vector<16xi32>
      %swap3A_413 = arith.index_cast %multiple_of3A_396 : i32 to index
      %swap3A_414 = tpu.vector_load %arg4[%swap3A_413] {strides = array<i32>} : memref<8192xi32, #tpu.memory_space<vmem>>, vector<16xi32>,
      tpu.vector_store %arg4[%swap3A_413], %or3A_412 {strides = array<i32>} : memref<8192xi32, #tpu.memory_space<vmem>>, vector<16xi32>,
      %scan3A_415 = arith.constant 0 : i32
      %scan3A_416 = arith.constant 2 : i32
      %scan3A_417 = arith.addi %scan3A_375, %scan3A_416 : i32
      %mul3A_418 = arith.constant 16 : i32
      %mul3A_419 = arith.muli %scan3A_417, %mul3A_418 : i32
      %multiple_of3A_420 = tpu.assume_multiple %mul3A_419, 16 : i32
      %get3A_421 = arith.index_cast %multiple_of3A_420 : i32 to index
      %get3A_422 = tpu.vector_load %arg4[%get3A_421] {strides = array<i32>} : memref<8192xi32, #tpu.memory_space<vmem>>, vector<16xi32>,
      %mul3A_423 = arith.constant 2341 : i32
      %mul3A_424 = vector.broadcast %mul3A_423 : i32 to vector<16xi32>
      %mul3A_425 = arith.muli %get3A_422, %mul3A_424 : vector<16xi32>
      %shift_right_arithmetic3A_426 = arith.constant 16 : i32
      %shift_right_arithmetic3A_427 = vector.broadcast %shift_right_arithmetic3A_426 : i32 to vector<16xi32>
      %shift_right_arithmetic3A_428 = arith.shrsi %mul3A_425, %shift_right_arithmetic3A_427 : vector<16xi32>
      %mul3A_429 = arith.constant 28 : i32
      %mul3A_430 = vector.broadcast %mul3A_429 : i32 to vector<16xi32>
      %mul3A_431 = arith.muli %shift_right_arithmetic3A_428, %mul3A_430 : vector<16xi32>
      %sub3A_432 = arith.subi %get3A_422, %mul3A_431 : vector<16xi32>
      %shift_left3A_433 = arith.constant 5 : i32
      %shift_left3A_434 = vector.broadcast %shift_left3A_433 : i32 to vector<16xi32>
      %shift_left3A_435 = arith.shli %shift_right_arithmetic3A_428, %shift_left3A_434 : vector<16xi32>
      %or3A_436 = arith.ori %shift_left3A_435, %sub3A_432 : vector<16xi32>
      %swap3A_437 = arith.index_cast %multiple_of3A_420 : i32 to index
      %swap3A_438 = tpu.vector_load %arg4[%swap3A_437] {strides = array<i32>} : memref<8192xi32, #tpu.memory_space<vmem>>, vector<16xi32>,
      tpu.vector_store %arg4[%swap3A_437], %or3A_436 {strides = array<i32>} : memref<8192xi32, #tpu.memory_space<vmem>>, vector<16xi32>,
      %scan3A_439 = arith.constant 0 : i32
      %scan3A_440 = arith.constant 3 : i32
      %scan3A_441 = arith.addi %scan3A_375, %scan3A_440 : i32
      %mul3A_442 = arith.constant 16 : i32
      %mul3A_443 = arith.muli %scan3A_441, %mul3A_442 : i32
      %multiple_of3A_444 = tpu.assume_multiple %mul3A_443, 16 : i32
      %get3A_445 = arith.index_cast %multiple_of3A_444 : i32 to index
      %get3A_446 = tpu.vector_load %arg4[%get3A_445] {strides = array<i32>} : memref<8192xi32, #tpu.memory_space<vmem>>, vector<16xi32>,
      %mul3A_447 = arith.constant 2341 : i32
      %mul3A_448 = vector.broadcast %mul3A_447 : i32 to vector<16xi32>
      %mul3A_449 = arith.muli %get3A_446, %mul3A_448 : vector<16xi32>
      %shift_right_arithmetic3A_450 = arith.constant 16 : i32
      %shift_right_arithmetic3A_451 = vector.broadcast %shift_right_arithmetic3A_450 : i32 to vector<16xi32>
      %shift_right_arithmetic3A_452 = arith.shrsi %mul3A_449, %shift_right_arithmetic3A_451 : vector<16xi32>
      %mul3A_453 = arith.constant 28 : i32
      %mul3A_454 = vector.broadcast %mul3A_453 : i32 to vector<16xi32>
      %mul3A_455 = arith.muli %shift_right_arithmetic3A_452, %mul3A_454 : vector<16xi32>
      %sub3A_456 = arith.subi %get3A_446, %mul3A_455 : vector<16xi32>
      %shift_left3A_457 = arith.constant 5 : i32
      %shift_left3A_458 = vector.broadcast %shift_left3A_457 : i32 to vector<16xi32>
      %shift_left3A_459 = arith.shli %shift_right_arithmetic3A_452, %shift_left3A_458 : vector<16xi32>
      %or3A_460 = arith.ori %shift_left3A_459, %sub3A_456 : vector<16xi32>
      %swap3A_461 = arith.index_cast %multiple_of3A_444 : i32 to index
      %swap3A_462 = tpu.vector_load %arg4[%swap3A_461] {strides = array<i32>} : memref<8192xi32, #tpu.memory_space<vmem>>, vector<16xi32>,
      tpu.vector_store %arg4[%swap3A_461], %or3A_460 {strides = array<i32>} : memref<8192xi32, #tpu.memory_space<vmem>>, vector<16xi32>,
      %scan3A_463 = arith.constant 0 : i32
      scf.yield %scan3A_463 : i32
    }
    %scan3A_20 = arith.constant 128 : i32
    %mul3A_21 = arith.constant 512 : i32
    %mul3A_22 = arith.muli %add3A, %mul3A_21 : i32
    %scan3A_23 = arith.constant 0 : i32
    %scan3A_24 = arith.constant 0 : i32
    %scan3A_25 = arith.constant 128 : i32
    %scan3A_26 = arith.addi %scan3A_24, %scan3A_25 : i32
    %scan3A_27 = arith.constant 4 : i32
    %scan3A_28 = scf.for %scan3A_375 = %scan3A_24 to %scan3A_26 step %scan3A_27 iter_args(%scan3A_376 = %scan3A_23) -> (i32)  : i32 {
      %add3A_377 = arith.constant 0 : i32
      %add3A_378 = arith.addi %add3A_377, %scan3A_375 : i32
      %mul3A_379 = arith.constant 16 : i32
      %mul3A_380 = arith.muli %add3A_378, %mul3A_379 : i32
      %multiple_of3A = tpu.assume_multiple %mul3A_380, 16 : i32
      %get3A = arith.index_cast %multiple_of3A : i32 to index
      %get3A_381 = tpu.vector_load %arg4[%get3A] {strides = array<i32>} : memref<8192xi32, #tpu.memory_space<vmem>>, vector<16xi32>,
      %shift_right_arithmetic3A = arith.constant 5 : i32
      %shift_right_arithmetic3A_382 = vector.broadcast %shift_right_arithmetic3A : i32 to vector<16xi32>
      %shift_right_arithmetic3A_383 = arith.shrsi %get3A_381, %shift_right_arithmetic3A_382 : vector<16xi32>
      %and3A = arith.constant 31 : i32
      %and3A_384 = vector.broadcast %and3A : i32 to vector<16xi32>
      %and3A_385 = arith.andi %get3A_381, %and3A_384 : vector<16xi32>
      %broadcast_in_dim3A_386 = arith.constant 0 : i32
      %broadcast_in_dim3A_387 = vector.broadcast %broadcast_in_dim3A_386 : i32 to vector<16xi32>
      %add3A_388 = vector.broadcast %scan3A_375 : i32 to vector<16xi32>
      %add3A_389 = arith.addi %broadcast_in_dim3A_387, %add3A_388 : vector<16xi32>
      %lt3A = arith.constant 14 : i32
      %lt3A_390 = vector.broadcast %lt3A : i32 to vector<16xi32>
      %lt3A_391 = arith.cmpi slt, %shift_right_arithmetic3A_383, %lt3A_390 : vector<16xi32>
      tpu.vector_store_idx %arg5[%shift_right_arithmetic3A_383, %and3A_385, %add3A_389], %broadcast_in_dim3A_6 masked %lt3A_391 : memref<14x32x128xf32, #tpu.memory_space<vmem>>[vector<16xi32>, vector<16xi32>, vector<16xi32>], vector<16xf32>, vector<16xi1>
      %scan3A_392 = arith.constant 0 : i32
      %scan3A_393 = arith.constant 1 : i32
      %scan3A_394 = arith.addi %scan3A_375, %scan3A_393 : i32
      %add3A_395 = arith.constant 0 : i32
      %add3A_396 = arith.addi %add3A_395, %scan3A_394 : i32
      %mul3A_397 = arith.constant 16 : i32
      %mul3A_398 = arith.muli %add3A_396, %mul3A_397 : i32
      %multiple_of3A_399 = tpu.assume_multiple %mul3A_398, 16 : i32
      %get3A_400 = arith.index_cast %multiple_of3A_399 : i32 to index
      %get3A_401 = tpu.vector_load %arg4[%get3A_400] {strides = array<i32>} : memref<8192xi32, #tpu.memory_space<vmem>>, vector<16xi32>,
      %shift_right_arithmetic3A_402 = arith.constant 5 : i32
      %shift_right_arithmetic3A_403 = vector.broadcast %shift_right_arithmetic3A_402 : i32 to vector<16xi32>
      %shift_right_arithmetic3A_404 = arith.shrsi %get3A_401, %shift_right_arithmetic3A_403 : vector<16xi32>
      %and3A_405 = arith.constant 31 : i32
      %and3A_406 = vector.broadcast %and3A_405 : i32 to vector<16xi32>
      %and3A_407 = arith.andi %get3A_401, %and3A_406 : vector<16xi32>
      %broadcast_in_dim3A_408 = arith.constant 0 : i32
      %broadcast_in_dim3A_409 = vector.broadcast %broadcast_in_dim3A_408 : i32 to vector<16xi32>
      %add3A_410 = vector.broadcast %scan3A_394 : i32 to vector<16xi32>
      %add3A_411 = arith.addi %broadcast_in_dim3A_409, %add3A_410 : vector<16xi32>
      %lt3A_412 = arith.constant 14 : i32
      %lt3A_413 = vector.broadcast %lt3A_412 : i32 to vector<16xi32>
      %lt3A_414 = arith.cmpi slt, %shift_right_arithmetic3A_404, %lt3A_413 : vector<16xi32>
      tpu.vector_store_idx %arg5[%shift_right_arithmetic3A_404, %and3A_407, %add3A_411], %broadcast_in_dim3A_6 masked %lt3A_414 : memref<14x32x128xf32, #tpu.memory_space<vmem>>[vector<16xi32>, vector<16xi32>, vector<16xi32>], vector<16xf32>, vector<16xi1>
      %scan3A_415 = arith.constant 0 : i32
      %scan3A_416 = arith.constant 2 : i32
      %scan3A_417 = arith.addi %scan3A_375, %scan3A_416 : i32
      %add3A_418 = arith.constant 0 : i32
      %add3A_419 = arith.addi %add3A_418, %scan3A_417 : i32
      %mul3A_420 = arith.constant 16 : i32
      %mul3A_421 = arith.muli %add3A_419, %mul3A_420 : i32
      %multiple_of3A_422 = tpu.assume_multiple %mul3A_421, 16 : i32
      %get3A_423 = arith.index_cast %multiple_of3A_422 : i32 to index
      %get3A_424 = tpu.vector_load %arg4[%get3A_423] {strides = array<i32>} : memref<8192xi32, #tpu.memory_space<vmem>>, vector<16xi32>,
      %shift_right_arithmetic3A_425 = arith.constant 5 : i32
      %shift_right_arithmetic3A_426 = vector.broadcast %shift_right_arithmetic3A_425 : i32 to vector<16xi32>
      %shift_right_arithmetic3A_427 = arith.shrsi %get3A_424, %shift_right_arithmetic3A_426 : vector<16xi32>
      %and3A_428 = arith.constant 31 : i32
      %and3A_429 = vector.broadcast %and3A_428 : i32 to vector<16xi32>
      %and3A_430 = arith.andi %get3A_424, %and3A_429 : vector<16xi32>
      %broadcast_in_dim3A_431 = arith.constant 0 : i32
      %broadcast_in_dim3A_432 = vector.broadcast %broadcast_in_dim3A_431 : i32 to vector<16xi32>
      %add3A_433 = vector.broadcast %scan3A_417 : i32 to vector<16xi32>
      %add3A_434 = arith.addi %broadcast_in_dim3A_432, %add3A_433 : vector<16xi32>
      %lt3A_435 = arith.constant 14 : i32
      %lt3A_436 = vector.broadcast %lt3A_435 : i32 to vector<16xi32>
      %lt3A_437 = arith.cmpi slt, %shift_right_arithmetic3A_427, %lt3A_436 : vector<16xi32>
      tpu.vector_store_idx %arg5[%shift_right_arithmetic3A_427, %and3A_430, %add3A_434], %broadcast_in_dim3A_6 masked %lt3A_437 : memref<14x32x128xf32, #tpu.memory_space<vmem>>[vector<16xi32>, vector<16xi32>, vector<16xi32>], vector<16xf32>, vector<16xi1>
      %scan3A_438 = arith.constant 0 : i32
      %scan3A_439 = arith.constant 3 : i32
      %scan3A_440 = arith.addi %scan3A_375, %scan3A_439 : i32
      %add3A_441 = arith.constant 0 : i32
      %add3A_442 = arith.addi %add3A_441, %scan3A_440 : i32
      %mul3A_443 = arith.constant 16 : i32
      %mul3A_444 = arith.muli %add3A_442, %mul3A_443 : i32
      %multiple_of3A_445 = tpu.assume_multiple %mul3A_444, 16 : i32
      %get3A_446 = arith.index_cast %multiple_of3A_445 : i32 to index
      %get3A_447 = tpu.vector_load %arg4[%get3A_446] {strides = array<i32>} : memref<8192xi32, #tpu.memory_space<vmem>>, vector<16xi32>,
      %shift_right_arithmetic3A_448 = arith.constant 5 : i32
      %shift_right_arithmetic3A_449 = vector.broadcast %shift_right_arithmetic3A_448 : i32 to vector<16xi32>
      %shift_right_arithmetic3A_450 = arith.shrsi %get3A_447, %shift_right_arithmetic3A_449 : vector<16xi32>
      %and3A_451 = arith.constant 31 : i32
      %and3A_452 = vector.broadcast %and3A_451 : i32 to vector<16xi32>
      %and3A_453 = arith.andi %get3A_447, %and3A_452 : vector<16xi32>
      %broadcast_in_dim3A_454 = arith.constant 0 : i32
      %broadcast_in_dim3A_455 = vector.broadcast %broadcast_in_dim3A_454 : i32 to vector<16xi32>
      %add3A_456 = vector.broadcast %scan3A_440 : i32 to vector<16xi32>
      %add3A_457 = arith.addi %broadcast_in_dim3A_455, %add3A_456 : vector<16xi32>
      %lt3A_458 = arith.constant 14 : i32
      %lt3A_459 = vector.broadcast %lt3A_458 : i32 to vector<16xi32>
      %lt3A_460 = arith.cmpi slt, %shift_right_arithmetic3A_450, %lt3A_459 : vector<16xi32>
      tpu.vector_store_idx %arg5[%shift_right_arithmetic3A_450, %and3A_453, %add3A_457], %broadcast_in_dim3A_6 masked %lt3A_460 : memref<14x32x128xf32, #tpu.memory_space<vmem>>[vector<16xi32>, vector<16xi32>, vector<16xi32>], vector<16xf32>, vector<16xi1>
      %scan3A_461 = arith.constant 0 : i32
      scf.yield %scan3A_461 : i32
    }
    %scan3A_29 = arith.constant 128 : i32
    %add3A_30 = arith.constant 0 : i32
    %add3A_31 = arith.addi %mul3A_22, %add3A_30 : i32
    %dma_start3A_32 = arith.constant 0 : i32
    %dma_start3A_33 = arith.constant 0 : i32
    %dma_start3A_34 = arith.constant 0 : i32
    %dma_start3A_35 = tpu.memref_slice %arg5[%dma_start3A_32, %dma_start3A_33, %dma_start3A_34] : memref<14x32x128xf32, #tpu.memory_space<vmem>> -> memref<14x28x128xf32, #tpu.memory_space<vmem>>
    %dma_start3A_36 = arith.constant 0 : i32
    %dma_start3A_37 = arith.constant 0 : i32
    %dma_start3A_38 = tpu.memref_slice %arg3[%dma_start3A_36, %dma_start3A_37, %add3A_31] : memref<28x28x16384xf32, #tpu.memory_space<hbm>> -> memref<14x28x128xf32, #tpu.memory_space<hbm>>
    %dma_start3A_39 = arith.constant 0 : i32
    %dma_start3A_40 = arith.constant 0 : i32
    %dma_start3A_41 = tpu.memref_slice %arg3[%dma_start3A_39, %dma_start3A_40, %add3A_31] : memref<28x28x16384xf32, #tpu.memory_space<hbm>> -> memref<14x28x128xf32, #tpu.memory_space<hbm>>
    %dma_start3A_42 = arith.constant 0 : i32
    %dma_start3A_43 = arith.constant 0 : i32
    %dma_start3A_44 = arith.constant 0 : i32
    %dma_start3A_45 = tpu.memref_slice %arg5[%dma_start3A_42, %dma_start3A_43, %dma_start3A_44] : memref<14x32x128xf32, #tpu.memory_space<vmem>> -> memref<14x28x128xf32, #tpu.memory_space<vmem>>
    tpu.enqueue_dma source(%dma_start3A_45 : memref<14x28x128xf32, #tpu.memory_space<vmem>>) target(%dma_start3A_41 : memref<14x28x128xf32, #tpu.memory_space<hbm>>) target_semaphore(%arg7 : memref<!tpu.dma_semaphore, #tpu.memory_space<semaphore_mem>>)
    %scan3A_46 = arith.constant 0 : i32
    %scan3A_47 = arith.constant 0 : i32
    %scan3A_48 = arith.constant 448 : i32
    %scan3A_49 = arith.addi %scan3A_47, %scan3A_48 : i32
    %scan3A_50 = arith.constant 4 : i32
    %scan3A_51 = scf.for %scan3A_375 = %scan3A_47 to %scan3A_49 step %scan3A_50 iter_args(%scan3A_376 = %scan3A_46) -> (i32)  : i32 {
      %jit3A = arith.constant 32 : i32
      %div3A = arith.divsi %scan3A_375, %jit3A : i32
      %sign3A = arith.constant 0 : i32
      %sign3A_377 = arith.cmpi sgt, %scan3A_375, %sign3A : i32
      %sign3A_378 = arith.extui %sign3A_377 : i1 to i32
      %sign3A_379 = arith.constant 0 : i32
      %sign3A_380 = arith.cmpi slt, %scan3A_375, %sign3A_379 : i32
      %sign3A_381 = arith.extui %sign3A_380 : i1 to i32
      %sign3A_382 = arith.subi %sign3A_378, %sign3A_381 : i32
      %sign3A_383 = arith.constant 0 : i32
      %sign3A_384 = arith.cmpi sgt, %jit3A, %sign3A_383 : i32
      %sign3A_385 = arith.extui %sign3A_384 : i1 to i32
      %sign3A_386 = arith.constant 0 : i32
      %sign3A_387 = arith.cmpi slt, %jit3A, %sign3A_386 : i32
      %sign3A_388 = arith.extui %sign3A_387 : i1 to i32
      %sign3A_389 = arith.subi %sign3A_385, %sign3A_388 : i32
      %ne3A = arith.cmpi ne, %sign3A_382, %sign3A_389 : i32
      %rem3A = arith.remsi %scan3A_375, %jit3A : i32
      %ne3A_390 = arith.constant 0 : i32
      %ne3A_391 = arith.cmpi ne, %rem3A, %ne3A_390 : i32
      %and3A = arith.andi %ne3A, %ne3A_391 : i1
      %sub3A = arith.constant 1 : i32
      %sub3A_392 = arith.subi %div3A, %sub3A : i32
      %select_n3A = arith.select %and3A, %sub3A_392, %div3A : i32
      %mul3A_393 = arith.constant 32 : i32
      %mul3A_394 = arith.muli %select_n3A, %mul3A_393 : i32
      %sub3A_395 = arith.subi %scan3A_375, %mul3A_394 : i32
      %broadcast_in_dim3A_396 = arith.constant 0 : i32
      %broadcast_in_dim3A_397 = vector.broadcast %broadcast_in_dim3A_396 : i32 to vector<16xi32>
      %add3A_398 = vector.broadcast %select_n3A : i32 to vector<16xi32>
      %add3A_399 = arith.addi %broadcast_in_dim3A_397, %add3A_398 : vector<16xi32>
      %broadcast_in_dim3A_400 = arith.constant 0 : i32
      %broadcast_in_dim3A_401 = vector.broadcast %broadcast_in_dim3A_400 : i32 to vector<16xi32>
      %add3A_402 = vector.broadcast %sub3A_395 : i32 to vector<16xi32>
      %add3A_403 = arith.addi %broadcast_in_dim3A_401, %add3A_402 : vector<16xi32>
      %add3A_404 = arith.constant 0 : i32
      %add3A_405 = vector.broadcast %add3A_404 : i32 to vector<16xi32>
      %add3A_406 = arith.addi %iota3A, %add3A_405 : vector<16xi32>
      tpu.vector_store_idx %arg6[%add3A_399, %add3A_403, %add3A_406], %broadcast_in_dim3A_4 : memref<14x32x128xf32, #tpu.memory_space<vmem>>[vector<16xi32>, vector<16xi32>, vector<16xi32>], vector<16xf32>,
      %add3A_407 = arith.constant 16 : i32
      %add3A_408 = vector.broadcast %add3A_407 : i32 to vector<16xi32>
      %add3A_409 = arith.addi %iota3A, %add3A_408 : vector<16xi32>
      tpu.vector_store_idx %arg6[%add3A_399, %add3A_403, %add3A_409], %broadcast_in_dim3A_4 : memref<14x32x128xf32, #tpu.memory_space<vmem>>[vector<16xi32>, vector<16xi32>, vector<16xi32>], vector<16xf32>,
      %add3A_410 = arith.constant 32 : i32
      %add3A_411 = vector.broadcast %add3A_410 : i32 to vector<16xi32>
      %add3A_412 = arith.addi %iota3A, %add3A_411 : vector<16xi32>
      tpu.vector_store_idx %arg6[%add3A_399, %add3A_403, %add3A_412], %broadcast_in_dim3A_4 : memref<14x32x128xf32, #tpu.memory_space<vmem>>[vector<16xi32>, vector<16xi32>, vector<16xi32>], vector<16xf32>,
      %add3A_413 = arith.constant 48 : i32
      %add3A_414 = vector.broadcast %add3A_413 : i32 to vector<16xi32>
      %add3A_415 = arith.addi %iota3A, %add3A_414 : vector<16xi32>
      tpu.vector_store_idx %arg6[%add3A_399, %add3A_403, %add3A_415], %broadcast_in_dim3A_4 : memref<14x32x128xf32, #tpu.memory_space<vmem>>[vector<16xi32>, vector<16xi32>, vector<16xi32>], vector<16xf32>,
      %add3A_416 = arith.constant 64 : i32
      %add3A_417 = vector.broadcast %add3A_416 : i32 to vector<16xi32>
      %add3A_418 = arith.addi %iota3A, %add3A_417 : vector<16xi32>
      tpu.vector_store_idx %arg6[%add3A_399, %add3A_403, %add3A_418], %broadcast_in_dim3A_4 : memref<14x32x128xf32, #tpu.memory_space<vmem>>[vector<16xi32>, vector<16xi32>, vector<16xi32>], vector<16xf32>,
      %add3A_419 = arith.constant 80 : i32
      %add3A_420 = vector.broadcast %add3A_419 : i32 to vector<16xi32>
      %add3A_421 = arith.addi %iota3A, %add3A_420 : vector<16xi32>
      tpu.vector_store_idx %arg6[%add3A_399, %add3A_403, %add3A_421], %broadcast_in_dim3A_4 : memref<14x32x128xf32, #tpu.memory_space<vmem>>[vector<16xi32>, vector<16xi32>, vector<16xi32>], vector<16xf32>,
      %add3A_422 = arith.constant 96 : i32
      %add3A_423 = vector.broadcast %add3A_422 : i32 to vector<16xi32>
      %add3A_424 = arith.addi %iota3A, %add3A_423 : vector<16xi32>
      tpu.vector_store_idx %arg6[%add3A_399, %add3A_403, %add3A_424], %broadcast_in_dim3A_4 : memref<14x32x128xf32, #tpu.memory_space<vmem>>[vector<16xi32>, vector<16xi32>, vector<16xi32>], vector<16xf32>,
      %add3A_425 = arith.constant 112 : i32
      %add3A_426 = vector.broadcast %add3A_425 : i32 to vector<16xi32>
      %add3A_427 = arith.addi %iota3A, %add3A_426 : vector<16xi32>
      tpu.vector_store_idx %arg6[%add3A_399, %add3A_403, %add3A_427], %broadcast_in_dim3A_4 : memref<14x32x128xf32, #tpu.memory_space<vmem>>[vector<16xi32>, vector<16xi32>, vector<16xi32>], vector<16xf32>,
      %scan3A_428 = arith.constant 0 : i32
      %scan3A_429 = arith.constant 1 : i32
      %scan3A_430 = arith.addi %scan3A_375, %scan3A_429 : i32
      %jit3A_431 = arith.constant 32 : i32
      %div3A_432 = arith.divsi %scan3A_430, %jit3A_431 : i32
      %sign3A_433 = arith.constant 0 : i32
      %sign3A_434 = arith.cmpi sgt, %scan3A_430, %sign3A_433 : i32
      %sign3A_435 = arith.extui %sign3A_434 : i1 to i32
      %sign3A_436 = arith.constant 0 : i32
      %sign3A_437 = arith.cmpi slt, %scan3A_430, %sign3A_436 : i32
      %sign3A_438 = arith.extui %sign3A_437 : i1 to i32
      %sign3A_439 = arith.subi %sign3A_435, %sign3A_438 : i32
      %sign3A_440 = arith.constant 0 : i32
      %sign3A_441 = arith.cmpi sgt, %jit3A_431, %sign3A_440 : i32
      %sign3A_442 = arith.extui %sign3A_441 : i1 to i32
      %sign3A_443 = arith.constant 0 : i32
      %sign3A_444 = arith.cmpi slt, %jit3A_431, %sign3A_443 : i32
      %sign3A_445 = arith.extui %sign3A_444 : i1 to i32
      %sign3A_446 = arith.subi %sign3A_442, %sign3A_445 : i32
      %ne3A_447 = arith.cmpi ne, %sign3A_439, %sign3A_446 : i32
      %rem3A_448 = arith.remsi %scan3A_430, %jit3A_431 : i32
      %ne3A_449 = arith.constant 0 : i32
      %ne3A_450 = arith.cmpi ne, %rem3A_448, %ne3A_449 : i32
      %and3A_451 = arith.andi %ne3A_447, %ne3A_450 : i1
      %sub3A_452 = arith.constant 1 : i32
      %sub3A_453 = arith.subi %div3A_432, %sub3A_452 : i32
      %select_n3A_454 = arith.select %and3A_451, %sub3A_453, %div3A_432 : i32
      %mul3A_455 = arith.constant 32 : i32
      %mul3A_456 = arith.muli %select_n3A_454, %mul3A_455 : i32
      %sub3A_457 = arith.subi %scan3A_430, %mul3A_456 : i32
      %broadcast_in_dim3A_458 = arith.constant 0 : i32
      %broadcast_in_dim3A_459 = vector.broadcast %broadcast_in_dim3A_458 : i32 to vector<16xi32>
      %add3A_460 = vector.broadcast %select_n3A_454 : i32 to vector<16xi32>
      %add3A_461 = arith.addi %broadcast_in_dim3A_459, %add3A_460 : vector<16xi32>
      %broadcast_in_dim3A_462 = arith.constant 0 : i32
      %broadcast_in_dim3A_463 = vector.broadcast %broadcast_in_dim3A_462 : i32 to vector<16xi32>
      %add3A_464 = vector.broadcast %sub3A_457 : i32 to vector<16xi32>
      %add3A_465 = arith.addi %broadcast_in_dim3A_463, %add3A_464 : vector<16xi32>
      %add3A_466 = arith.constant 0 : i32
      %add3A_467 = vector.broadcast %add3A_466 : i32 to vector<16xi32>
      %add3A_468 = arith.addi %iota3A, %add3A_467 : vector<16xi32>
      tpu.vector_store_idx %arg6[%add3A_461, %add3A_465, %add3A_468], %broadcast_in_dim3A_4 : memref<14x32x128xf32, #tpu.memory_space<vmem>>[vector<16xi32>, vector<16xi32>, vector<16xi32>], vector<16xf32>,
      %add3A_469 = arith.constant 16 : i32
      %add3A_470 = vector.broadcast %add3A_469 : i32 to vector<16xi32>
      %add3A_471 = arith.addi %iota3A, %add3A_470 : vector<16xi32>
      tpu.vector_store_idx %arg6[%add3A_461, %add3A_465, %add3A_471], %broadcast_in_dim3A_4 : memref<14x32x128xf32, #tpu.memory_space<vmem>>[vector<16xi32>, vector<16xi32>, vector<16xi32>], vector<16xf32>,
      %add3A_472 = arith.constant 32 : i32
      %add3A_473 = vector.broadcast %add3A_472 : i32 to vector<16xi32>
      %add3A_474 = arith.addi %iota3A, %add3A_473 : vector<16xi32>
      tpu.vector_store_idx %arg6[%add3A_461, %add3A_465, %add3A_474], %broadcast_in_dim3A_4 : memref<14x32x128xf32, #tpu.memory_space<vmem>>[vector<16xi32>, vector<16xi32>, vector<16xi32>], vector<16xf32>,
      %add3A_475 = arith.constant 48 : i32
      %add3A_476 = vector.broadcast %add3A_475 : i32 to vector<16xi32>
      %add3A_477 = arith.addi %iota3A, %add3A_476 : vector<16xi32>
      tpu.vector_store_idx %arg6[%add3A_461, %add3A_465, %add3A_477], %broadcast_in_dim3A_4 : memref<14x32x128xf32, #tpu.memory_space<vmem>>[vector<16xi32>, vector<16xi32>, vector<16xi32>], vector<16xf32>,
      %add3A_478 = arith.constant 64 : i32
      %add3A_479 = vector.broadcast %add3A_478 : i32 to vector<16xi32>
      %add3A_480 = arith.addi %iota3A, %add3A_479 : vector<16xi32>
      tpu.vector_store_idx %arg6[%add3A_461, %add3A_465, %add3A_480], %broadcast_in_dim3A_4 : memref<14x32x128xf32, #tpu.memory_space<vmem>>[vector<16xi32>, vector<16xi32>, vector<16xi32>], vector<16xf32>,
      %add3A_481 = arith.constant 80 : i32
      %add3A_482 = vector.broadcast %add3A_481 : i32 to vector<16xi32>
      %add3A_483 = arith.addi %iota3A, %add3A_482 : vector<16xi32>
      tpu.vector_store_idx %arg6[%add3A_461, %add3A_465, %add3A_483], %broadcast_in_dim3A_4 : memref<14x32x128xf32, #tpu.memory_space<vmem>>[vector<16xi32>, vector<16xi32>, vector<16xi32>], vector<16xf32>,
      %add3A_484 = arith.constant 96 : i32
      %add3A_485 = vector.broadcast %add3A_484 : i32 to vector<16xi32>
      %add3A_486 = arith.addi %iota3A, %add3A_485 : vector<16xi32>
      tpu.vector_store_idx %arg6[%add3A_461, %add3A_465, %add3A_486], %broadcast_in_dim3A_4 : memref<14x32x128xf32, #tpu.memory_space<vmem>>[vector<16xi32>, vector<16xi32>, vector<16xi32>], vector<16xf32>,
      %add3A_487 = arith.constant 112 : i32
      %add3A_488 = vector.broadcast %add3A_487 : i32 to vector<16xi32>
      %add3A_489 = arith.addi %iota3A, %add3A_488 : vector<16xi32>
      tpu.vector_store_idx %arg6[%add3A_461, %add3A_465, %add3A_489], %broadcast_in_dim3A_4 : memref<14x32x128xf32, #tpu.memory_space<vmem>>[vector<16xi32>, vector<16xi32>, vector<16xi32>], vector<16xf32>,
      %scan3A_490 = arith.constant 0 : i32
      %scan3A_491 = arith.constant 2 : i32
      %scan3A_492 = arith.addi %scan3A_375, %scan3A_491 : i32
      %jit3A_493 = arith.constant 32 : i32
      %div3A_494 = arith.divsi %scan3A_492, %jit3A_493 : i32
      %sign3A_495 = arith.constant 0 : i32
      %sign3A_496 = arith.cmpi sgt, %scan3A_492, %sign3A_495 : i32
      %sign3A_497 = arith.extui %sign3A_496 : i1 to i32
      %sign3A_498 = arith.constant 0 : i32
      %sign3A_499 = arith.cmpi slt, %scan3A_492, %sign3A_498 : i32
      %sign3A_500 = arith.extui %sign3A_499 : i1 to i32
      %sign3A_501 = arith.subi %sign3A_497, %sign3A_500 : i32
      %sign3A_502 = arith.constant 0 : i32
      %sign3A_503 = arith.cmpi sgt, %jit3A_493, %sign3A_502 : i32
      %sign3A_504 = arith.extui %sign3A_503 : i1 to i32
      %sign3A_505 = arith.constant 0 : i32
      %sign3A_506 = arith.cmpi slt, %jit3A_493, %sign3A_505 : i32
      %sign3A_507 = arith.extui %sign3A_506 : i1 to i32
      %sign3A_508 = arith.subi %sign3A_504, %sign3A_507 : i32
      %ne3A_509 = arith.cmpi ne, %sign3A_501, %sign3A_508 : i32
      %rem3A_510 = arith.remsi %scan3A_492, %jit3A_493 : i32
      %ne3A_511 = arith.constant 0 : i32
      %ne3A_512 = arith.cmpi ne, %rem3A_510, %ne3A_511 : i32
      %and3A_513 = arith.andi %ne3A_509, %ne3A_512 : i1
      %sub3A_514 = arith.constant 1 : i32
      %sub3A_515 = arith.subi %div3A_494, %sub3A_514 : i32
      %select_n3A_516 = arith.select %and3A_513, %sub3A_515, %div3A_494 : i32
      %mul3A_517 = arith.constant 32 : i32
      %mul3A_518 = arith.muli %select_n3A_516, %mul3A_517 : i32
      %sub3A_519 = arith.subi %scan3A_492, %mul3A_518 : i32
      %broadcast_in_dim3A_520 = arith.constant 0 : i32
      %broadcast_in_dim3A_521 = vector.broadcast %broadcast_in_dim3A_520 : i32 to vector<16xi32>
      %add3A_522 = vector.broadcast %select_n3A_516 : i32 to vector<16xi32>
      %add3A_523 = arith.addi %broadcast_in_dim3A_521, %add3A_522 : vector<16xi32>
      %broadcast_in_dim3A_524 = arith.constant 0 : i32
      %broadcast_in_dim3A_525 = vector.broadcast %broadcast_in_dim3A_524 : i32 to vector<16xi32>
      %add3A_526 = vector.broadcast %sub3A_519 : i32 to vector<16xi32>
      %add3A_527 = arith.addi %broadcast_in_dim3A_525, %add3A_526 : vector<16xi32>
      %add3A_528 = arith.constant 0 : i32
      %add3A_529 = vector.broadcast %add3A_528 : i32 to vector<16xi32>
      %add3A_530 = arith.addi %iota3A, %add3A_529 : vector<16xi32>
      tpu.vector_store_idx %arg6[%add3A_523, %add3A_527, %add3A_530], %broadcast_in_dim3A_4 : memref<14x32x128xf32, #tpu.memory_space<vmem>>[vector<16xi32>, vector<16xi32>, vector<16xi32>], vector<16xf32>,
      %add3A_531 = arith.constant 16 : i32
      %add3A_532 = vector.broadcast %add3A_531 : i32 to vector<16xi32>
      %add3A_533 = arith.addi %iota3A, %add3A_532 : vector<16xi32>
      tpu.vector_store_idx %arg6[%add3A_523, %add3A_527, %add3A_533], %broadcast_in_dim3A_4 : memref<14x32x128xf32, #tpu.memory_space<vmem>>[vector<16xi32>, vector<16xi32>, vector<16xi32>], vector<16xf32>,
      %add3A_534 = arith.constant 32 : i32
      %add3A_535 = vector.broadcast %add3A_534 : i32 to vector<16xi32>
      %add3A_536 = arith.addi %iota3A, %add3A_535 : vector<16xi32>
      tpu.vector_store_idx %arg6[%add3A_523, %add3A_527, %add3A_536], %broadcast_in_dim3A_4 : memref<14x32x128xf32, #tpu.memory_space<vmem>>[vector<16xi32>, vector<16xi32>, vector<16xi32>], vector<16xf32>,
      %add3A_537 = arith.constant 48 : i32
      %add3A_538 = vector.broadcast %add3A_537 : i32 to vector<16xi32>
      %add3A_539 = arith.addi %iota3A, %add3A_538 : vector<16xi32>
      tpu.vector_store_idx %arg6[%add3A_523, %add3A_527, %add3A_539], %broadcast_in_dim3A_4 : memref<14x32x128xf32, #tpu.memory_space<vmem>>[vector<16xi32>, vector<16xi32>, vector<16xi32>], vector<16xf32>,
      %add3A_540 = arith.constant 64 : i32
      %add3A_541 = vector.broadcast %add3A_540 : i32 to vector<16xi32>
      %add3A_542 = arith.addi %iota3A, %add3A_541 : vector<16xi32>
      tpu.vector_store_idx %arg6[%add3A_523, %add3A_527, %add3A_542], %broadcast_in_dim3A_4 : memref<14x32x128xf32, #tpu.memory_space<vmem>>[vector<16xi32>, vector<16xi32>, vector<16xi32>], vector<16xf32>,
      %add3A_543 = arith.constant 80 : i32
      %add3A_544 = vector.broadcast %add3A_543 : i32 to vector<16xi32>
      %add3A_545 = arith.addi %iota3A, %add3A_544 : vector<16xi32>
      tpu.vector_store_idx %arg6[%add3A_523, %add3A_527, %add3A_545], %broadcast_in_dim3A_4 : memref<14x32x128xf32, #tpu.memory_space<vmem>>[vector<16xi32>, vector<16xi32>, vector<16xi32>], vector<16xf32>,
      %add3A_546 = arith.constant 96 : i32
      %add3A_547 = vector.broadcast %add3A_546 : i32 to vector<16xi32>
      %add3A_548 = arith.addi %iota3A, %add3A_547 : vector<16xi32>
      tpu.vector_store_idx %arg6[%add3A_523, %add3A_527, %add3A_548], %broadcast_in_dim3A_4 : memref<14x32x128xf32, #tpu.memory_space<vmem>>[vector<16xi32>, vector<16xi32>, vector<16xi32>], vector<16xf32>,
      %add3A_549 = arith.constant 112 : i32
      %add3A_550 = vector.broadcast %add3A_549 : i32 to vector<16xi32>
      %add3A_551 = arith.addi %iota3A, %add3A_550 : vector<16xi32>
      tpu.vector_store_idx %arg6[%add3A_523, %add3A_527, %add3A_551], %broadcast_in_dim3A_4 : memref<14x32x128xf32, #tpu.memory_space<vmem>>[vector<16xi32>, vector<16xi32>, vector<16xi32>], vector<16xf32>,
      %scan3A_552 = arith.constant 0 : i32
      %scan3A_553 = arith.constant 3 : i32
      %scan3A_554 = arith.addi %scan3A_375, %scan3A_553 : i32
      %jit3A_555 = arith.constant 32 : i32
      %div3A_556 = arith.divsi %scan3A_554, %jit3A_555 : i32
      %sign3A_557 = arith.constant 0 : i32
      %sign3A_558 = arith.cmpi sgt, %scan3A_554, %sign3A_557 : i32
      %sign3A_559 = arith.extui %sign3A_558 : i1 to i32
      %sign3A_560 = arith.constant 0 : i32
      %sign3A_561 = arith.cmpi slt, %scan3A_554, %sign3A_560 : i32
      %sign3A_562 = arith.extui %sign3A_561 : i1 to i32
      %sign3A_563 = arith.subi %sign3A_559, %sign3A_562 : i32
      %sign3A_564 = arith.constant 0 : i32
      %sign3A_565 = arith.cmpi sgt, %jit3A_555, %sign3A_564 : i32
      %sign3A_566 = arith.extui %sign3A_565 : i1 to i32
      %sign3A_567 = arith.constant 0 : i32
      %sign3A_568 = arith.cmpi slt, %jit3A_555, %sign3A_567 : i32
      %sign3A_569 = arith.extui %sign3A_568 : i1 to i32
      %sign3A_570 = arith.subi %sign3A_566, %sign3A_569 : i32
      %ne3A_571 = arith.cmpi ne, %sign3A_563, %sign3A_570 : i32
      %rem3A_572 = arith.remsi %scan3A_554, %jit3A_555 : i32
      %ne3A_573 = arith.constant 0 : i32
      %ne3A_574 = arith.cmpi ne, %rem3A_572, %ne3A_573 : i32
      %and3A_575 = arith.andi %ne3A_571, %ne3A_574 : i1
      %sub3A_576 = arith.constant 1 : i32
      %sub3A_577 = arith.subi %div3A_556, %sub3A_576 : i32
      %select_n3A_578 = arith.select %and3A_575, %sub3A_577, %div3A_556 : i32
      %mul3A_579 = arith.constant 32 : i32
      %mul3A_580 = arith.muli %select_n3A_578, %mul3A_579 : i32
      %sub3A_581 = arith.subi %scan3A_554, %mul3A_580 : i32
      %broadcast_in_dim3A_582 = arith.constant 0 : i32
      %broadcast_in_dim3A_583 = vector.broadcast %broadcast_in_dim3A_582 : i32 to vector<16xi32>
      %add3A_584 = vector.broadcast %select_n3A_578 : i32 to vector<16xi32>
      %add3A_585 = arith.addi %broadcast_in_dim3A_583, %add3A_584 : vector<16xi32>
      %broadcast_in_dim3A_586 = arith.constant 0 : i32
      %broadcast_in_dim3A_587 = vector.broadcast %broadcast_in_dim3A_586 : i32 to vector<16xi32>
      %add3A_588 = vector.broadcast %sub3A_581 : i32 to vector<16xi32>
      %add3A_589 = arith.addi %broadcast_in_dim3A_587, %add3A_588 : vector<16xi32>
      %add3A_590 = arith.constant 0 : i32
      %add3A_591 = vector.broadcast %add3A_590 : i32 to vector<16xi32>
      %add3A_592 = arith.addi %iota3A, %add3A_591 : vector<16xi32>
      tpu.vector_store_idx %arg6[%add3A_585, %add3A_589, %add3A_592], %broadcast_in_dim3A_4 : memref<14x32x128xf32, #tpu.memory_space<vmem>>[vector<16xi32>, vector<16xi32>, vector<16xi32>], vector<16xf32>,
      %add3A_593 = arith.constant 16 : i32
      %add3A_594 = vector.broadcast %add3A_593 : i32 to vector<16xi32>
      %add3A_595 = arith.addi %iota3A, %add3A_594 : vector<16xi32>
      tpu.vector_store_idx %arg6[%add3A_585, %add3A_589, %add3A_595], %broadcast_in_dim3A_4 : memref<14x32x128xf32, #tpu.memory_space<vmem>>[vector<16xi32>, vector<16xi32>, vector<16xi32>], vector<16xf32>,
      %add3A_596 = arith.constant 32 : i32
      %add3A_597 = vector.broadcast %add3A_596 : i32 to vector<16xi32>
      %add3A_598 = arith.addi %iota3A, %add3A_597 : vector<16xi32>
      tpu.vector_store_idx %arg6[%add3A_585, %add3A_589, %add3A_598], %broadcast_in_dim3A_4 : memref<14x32x128xf32, #tpu.memory_space<vmem>>[vector<16xi32>, vector<16xi32>, vector<16xi32>], vector<16xf32>,
      %add3A_599 = arith.constant 48 : i32
      %add3A_600 = vector.broadcast %add3A_599 : i32 to vector<16xi32>
      %add3A_601 = arith.addi %iota3A, %add3A_600 : vector<16xi32>
      tpu.vector_store_idx %arg6[%add3A_585, %add3A_589, %add3A_601], %broadcast_in_dim3A_4 : memref<14x32x128xf32, #tpu.memory_space<vmem>>[vector<16xi32>, vector<16xi32>, vector<16xi32>], vector<16xf32>,
      %add3A_602 = arith.constant 64 : i32
      %add3A_603 = vector.broadcast %add3A_602 : i32 to vector<16xi32>
      %add3A_604 = arith.addi %iota3A, %add3A_603 : vector<16xi32>
      tpu.vector_store_idx %arg6[%add3A_585, %add3A_589, %add3A_604], %broadcast_in_dim3A_4 : memref<14x32x128xf32, #tpu.memory_space<vmem>>[vector<16xi32>, vector<16xi32>, vector<16xi32>], vector<16xf32>,
      %add3A_605 = arith.constant 80 : i32
      %add3A_606 = vector.broadcast %add3A_605 : i32 to vector<16xi32>
      %add3A_607 = arith.addi %iota3A, %add3A_606 : vector<16xi32>
      tpu.vector_store_idx %arg6[%add3A_585, %add3A_589, %add3A_607], %broadcast_in_dim3A_4 : memref<14x32x128xf32, #tpu.memory_space<vmem>>[vector<16xi32>, vector<16xi32>, vector<16xi32>], vector<16xf32>,
      %add3A_608 = arith.constant 96 : i32
      %add3A_609 = vector.broadcast %add3A_608 : i32 to vector<16xi32>
      %add3A_610 = arith.addi %iota3A, %add3A_609 : vector<16xi32>
      tpu.vector_store_idx %arg6[%add3A_585, %add3A_589, %add3A_610], %broadcast_in_dim3A_4 : memref<14x32x128xf32, #tpu.memory_space<vmem>>[vector<16xi32>, vector<16xi32>, vector<16xi32>], vector<16xf32>,
      %add3A_611 = arith.constant 112 : i32
      %add3A_612 = vector.broadcast %add3A_611 : i32 to vector<16xi32>
      %add3A_613 = arith.addi %iota3A, %add3A_612 : vector<16xi32>
      tpu.vector_store_idx %arg6[%add3A_585, %add3A_589, %add3A_613], %broadcast_in_dim3A_4 : memref<14x32x128xf32, #tpu.memory_space<vmem>>[vector<16xi32>, vector<16xi32>, vector<16xi32>], vector<16xf32>,
      %scan3A_614 = arith.constant 0 : i32
      scf.yield %scan3A_614 : i32
    }
    %scan3A_52 = arith.constant 448 : i32
    %scan3A_53 = arith.constant 0 : i32
    %scan3A_54 = arith.constant 128 : i32
    %scan3A_55 = arith.constant 384 : i32
    %scan3A_56 = arith.addi %scan3A_54, %scan3A_55 : i32
    %scan3A_57 = arith.constant 4 : i32
    %scan3A_58 = scf.for %scan3A_375 = %scan3A_54 to %scan3A_56 step %scan3A_57 iter_args(%scan3A_376 = %scan3A_53) -> (i32)  : i32 {
      %mul3A_377 = arith.constant 16 : i32
      %mul3A_378 = arith.muli %scan3A_375, %mul3A_377 : i32
      %multiple_of3A = tpu.assume_multiple %mul3A_378, 16 : i32
      %get3A = arith.index_cast %multiple_of3A : i32 to index
      %get3A_379 = tpu.vector_load %arg4[%get3A] {strides = array<i32>} : memref<8192xi32, #tpu.memory_space<vmem>>, vector<16xi32>,
      %mul3A_380 = arith.constant 2341 : i32
      %mul3A_381 = vector.broadcast %mul3A_380 : i32 to vector<16xi32>
      %mul3A_382 = arith.muli %get3A_379, %mul3A_381 : vector<16xi32>
      %shift_right_arithmetic3A = arith.constant 16 : i32
      %shift_right_arithmetic3A_383 = vector.broadcast %shift_right_arithmetic3A : i32 to vector<16xi32>
      %shift_right_arithmetic3A_384 = arith.shrsi %mul3A_382, %shift_right_arithmetic3A_383 : vector<16xi32>
      %mul3A_385 = arith.constant 28 : i32
      %mul3A_386 = vector.broadcast %mul3A_385 : i32 to vector<16xi32>
      %mul3A_387 = arith.muli %shift_right_arithmetic3A_384, %mul3A_386 : vector<16xi32>
      %sub3A = arith.subi %get3A_379, %mul3A_387 : vector<16xi32>
      %shift_left3A = arith.constant 5 : i32
      %shift_left3A_388 = vector.broadcast %shift_left3A : i32 to vector<16xi32>
      %shift_left3A_389 = arith.shli %shift_right_arithmetic3A_384, %shift_left3A_388 : vector<16xi32>
      %or3A = arith.ori %shift_left3A_389, %sub3A : vector<16xi32>
      %swap3A = arith.index_cast %multiple_of3A : i32 to index
      %swap3A_390 = tpu.vector_load %arg4[%swap3A] {strides = array<i32>} : memref<8192xi32, #tpu.memory_space<vmem>>, vector<16xi32>,
      tpu.vector_store %arg4[%swap3A], %or3A {strides = array<i32>} : memref<8192xi32, #tpu.memory_space<vmem>>, vector<16xi32>,
      %scan3A_391 = arith.constant 0 : i32
      %scan3A_392 = arith.constant 1 : i32
      %scan3A_393 = arith.addi %scan3A_375, %scan3A_392 : i32
      %mul3A_394 = arith.constant 16 : i32
      %mul3A_395 = arith.muli %scan3A_393, %mul3A_394 : i32
      %multiple_of3A_396 = tpu.assume_multiple %mul3A_395, 16 : i32
      %get3A_397 = arith.index_cast %multiple_of3A_396 : i32 to index
      %get3A_398 = tpu.vector_load %arg4[%get3A_397] {strides = array<i32>} : memref<8192xi32, #tpu.memory_space<vmem>>, vector<16xi32>,
      %mul3A_399 = arith.constant 2341 : i32
      %mul3A_400 = vector.broadcast %mul3A_399 : i32 to vector<16xi32>
      %mul3A_401 = arith.muli %get3A_398, %mul3A_400 : vector<16xi32>
      %shift_right_arithmetic3A_402 = arith.constant 16 : i32
      %shift_right_arithmetic3A_403 = vector.broadcast %shift_right_arithmetic3A_402 : i32 to vector<16xi32>
      %shift_right_arithmetic3A_404 = arith.shrsi %mul3A_401, %shift_right_arithmetic3A_403 : vector<16xi32>
      %mul3A_405 = arith.constant 28 : i32
      %mul3A_406 = vector.broadcast %mul3A_405 : i32 to vector<16xi32>
      %mul3A_407 = arith.muli %shift_right_arithmetic3A_404, %mul3A_406 : vector<16xi32>
      %sub3A_408 = arith.subi %get3A_398, %mul3A_407 : vector<16xi32>
      %shift_left3A_409 = arith.constant 5 : i32
      %shift_left3A_410 = vector.broadcast %shift_left3A_409 : i32 to vector<16xi32>
      %shift_left3A_411 = arith.shli %shift_right_arithmetic3A_404, %shift_left3A_410 : vector<16xi32>
      %or3A_412 = arith.ori %shift_left3A_411, %sub3A_408 : vector<16xi32>
      %swap3A_413 = arith.index_cast %multiple_of3A_396 : i32 to index
      %swap3A_414 = tpu.vector_load %arg4[%swap3A_413] {strides = array<i32>} : memref<8192xi32, #tpu.memory_space<vmem>>, vector<16xi32>,
      tpu.vector_store %arg4[%swap3A_413], %or3A_412 {strides = array<i32>} : memref<8192xi32, #tpu.memory_space<vmem>>, vector<16xi32>,
      %scan3A_415 = arith.constant 0 : i32
      %scan3A_416 = arith.constant 2 : i32
      %scan3A_417 = arith.addi %scan3A_375, %scan3A_416 : i32
      %mul3A_418 = arith.constant 16 : i32
      %mul3A_419 = arith.muli %scan3A_417, %mul3A_418 : i32
      %multiple_of3A_420 = tpu.assume_multiple %mul3A_419, 16 : i32
      %get3A_421 = arith.index_cast %multiple_of3A_420 : i32 to index
      %get3A_422 = tpu.vector_load %arg4[%get3A_421] {strides = array<i32>} : memref<8192xi32, #tpu.memory_space<vmem>>, vector<16xi32>,
      %mul3A_423 = arith.constant 2341 : i32
      %mul3A_424 = vector.broadcast %mul3A_423 : i32 to vector<16xi32>
      %mul3A_425 = arith.muli %get3A_422, %mul3A_424 : vector<16xi32>
      %shift_right_arithmetic3A_426 = arith.constant 16 : i32
      %shift_right_arithmetic3A_427 = vector.broadcast %shift_right_arithmetic3A_426 : i32 to vector<16xi32>
      %shift_right_arithmetic3A_428 = arith.shrsi %mul3A_425, %shift_right_arithmetic3A_427 : vector<16xi32>
      %mul3A_429 = arith.constant 28 : i32
      %mul3A_430 = vector.broadcast %mul3A_429 : i32 to vector<16xi32>
      %mul3A_431 = arith.muli %shift_right_arithmetic3A_428, %mul3A_430 : vector<16xi32>
      %sub3A_432 = arith.subi %get3A_422, %mul3A_431 : vector<16xi32>
      %shift_left3A_433 = arith.constant 5 : i32
      %shift_left3A_434 = vector.broadcast %shift_left3A_433 : i32 to vector<16xi32>
      %shift_left3A_435 = arith.shli %shift_right_arithmetic3A_428, %shift_left3A_434 : vector<16xi32>
      %or3A_436 = arith.ori %shift_left3A_435, %sub3A_432 : vector<16xi32>
      %swap3A_437 = arith.index_cast %multiple_of3A_420 : i32 to index
      %swap3A_438 = tpu.vector_load %arg4[%swap3A_437] {strides = array<i32>} : memref<8192xi32, #tpu.memory_space<vmem>>, vector<16xi32>,
      tpu.vector_store %arg4[%swap3A_437], %or3A_436 {strides = array<i32>} : memref<8192xi32, #tpu.memory_space<vmem>>, vector<16xi32>,
      %scan3A_439 = arith.constant 0 : i32
      %scan3A_440 = arith.constant 3 : i32
      %scan3A_441 = arith.addi %scan3A_375, %scan3A_440 : i32
      %mul3A_442 = arith.constant 16 : i32
      %mul3A_443 = arith.muli %scan3A_441, %mul3A_442 : i32
      %multiple_of3A_444 = tpu.assume_multiple %mul3A_443, 16 : i32
      %get3A_445 = arith.index_cast %multiple_of3A_444 : i32 to index
      %get3A_446 = tpu.vector_load %arg4[%get3A_445] {strides = array<i32>} : memref<8192xi32, #tpu.memory_space<vmem>>, vector<16xi32>,
      %mul3A_447 = arith.constant 2341 : i32
      %mul3A_448 = vector.broadcast %mul3A_447 : i32 to vector<16xi32>
      %mul3A_449 = arith.muli %get3A_446, %mul3A_448 : vector<16xi32>
      %shift_right_arithmetic3A_450 = arith.constant 16 : i32
      %shift_right_arithmetic3A_451 = vector.broadcast %shift_right_arithmetic3A_450 : i32 to vector<16xi32>
      %shift_right_arithmetic3A_452 = arith.shrsi %mul3A_449, %shift_right_arithmetic3A_451 : vector<16xi32>
      %mul3A_453 = arith.constant 28 : i32
      %mul3A_454 = vector.broadcast %mul3A_453 : i32 to vector<16xi32>
      %mul3A_455 = arith.muli %shift_right_arithmetic3A_452, %mul3A_454 : vector<16xi32>
      %sub3A_456 = arith.subi %get3A_446, %mul3A_455 : vector<16xi32>
      %shift_left3A_457 = arith.constant 5 : i32
      %shift_left3A_458 = vector.broadcast %shift_left3A_457 : i32 to vector<16xi32>
      %shift_left3A_459 = arith.shli %shift_right_arithmetic3A_452, %shift_left3A_458 : vector<16xi32>
      %or3A_460 = arith.ori %shift_left3A_459, %sub3A_456 : vector<16xi32>
      %swap3A_461 = arith.index_cast %multiple_of3A_444 : i32 to index
      %swap3A_462 = tpu.vector_load %arg4[%swap3A_461] {strides = array<i32>} : memref<8192xi32, #tpu.memory_space<vmem>>, vector<16xi32>,
      tpu.vector_store %arg4[%swap3A_461], %or3A_460 {strides = array<i32>} : memref<8192xi32, #tpu.memory_space<vmem>>, vector<16xi32>,
      %scan3A_463 = arith.constant 0 : i32
      scf.yield %scan3A_463 : i32
    }
    %scan3A_59 = arith.constant 384 : i32
    %scan3A_60 = arith.constant 0 : i32
    %scan3A_61 = arith.constant 0 : i32
    %scan3A_62 = arith.constant 128 : i32
    %scan3A_63 = arith.addi %scan3A_61, %scan3A_62 : i32
    %scan3A_64 = arith.constant 4 : i32
    %scan3A_65 = scf.for %scan3A_375 = %scan3A_61 to %scan3A_63 step %scan3A_64 iter_args(%scan3A_376 = %scan3A_60) -> (i32)  : i32 {
      %add3A_377 = arith.constant 0 : i32
      %add3A_378 = arith.addi %add3A_377, %scan3A_375 : i32
      %mul3A_379 = arith.constant 16 : i32
      %mul3A_380 = arith.muli %add3A_378, %mul3A_379 : i32
      %multiple_of3A = tpu.assume_multiple %mul3A_380, 16 : i32
      %get3A = arith.index_cast %multiple_of3A : i32 to index
      %get3A_381 = tpu.vector_load %arg4[%get3A] {strides = array<i32>} : memref<8192xi32, #tpu.memory_space<vmem>>, vector<16xi32>,
      %shift_right_arithmetic3A = arith.constant 5 : i32
      %shift_right_arithmetic3A_382 = vector.broadcast %shift_right_arithmetic3A : i32 to vector<16xi32>
      %shift_right_arithmetic3A_383 = arith.shrsi %get3A_381, %shift_right_arithmetic3A_382 : vector<16xi32>
      %and3A = arith.constant 31 : i32
      %and3A_384 = vector.broadcast %and3A : i32 to vector<16xi32>
      %and3A_385 = arith.andi %get3A_381, %and3A_384 : vector<16xi32>
      %broadcast_in_dim3A_386 = arith.constant 0 : i32
      %broadcast_in_dim3A_387 = vector.broadcast %broadcast_in_dim3A_386 : i32 to vector<16xi32>
      %add3A_388 = vector.broadcast %scan3A_375 : i32 to vector<16xi32>
      %add3A_389 = arith.addi %broadcast_in_dim3A_387, %add3A_388 : vector<16xi32>
      %sub3A = arith.constant 14 : i32
      %sub3A_390 = vector.broadcast %sub3A : i32 to vector<16xi32>
      %sub3A_391 = arith.subi %shift_right_arithmetic3A_383, %sub3A_390 : vector<16xi32>
      %ge3A = arith.constant 14 : i32
      %ge3A_392 = vector.broadcast %ge3A : i32 to vector<16xi32>
      %ge3A_393 = arith.cmpi sge, %shift_right_arithmetic3A_383, %ge3A_392 : vector<16xi32>
      tpu.vector_store_idx %arg6[%sub3A_391, %and3A_385, %add3A_389], %broadcast_in_dim3A_6 masked %ge3A_393 : memref<14x32x128xf32, #tpu.memory_space<vmem>>[vector<16xi32>, vector<16xi32>, vector<16xi32>], vector<16xf32>, vector<16xi1>
      %scan3A_394 = arith.constant 0 : i32
      %scan3A_395 = arith.constant 1 : i32
      %scan3A_396 = arith.addi %scan3A_375, %scan3A_395 : i32
      %add3A_397 = arith.constant 0 : i32
      %add3A_398 = arith.addi %add3A_397, %scan3A_396 : i32
      %mul3A_399 = arith.constant 16 : i32
      %mul3A_400 = arith.muli %add3A_398, %mul3A_399 : i32
      %multiple_of3A_401 = tpu.assume_multiple %mul3A_400, 16 : i32
      %get3A_402 = arith.index_cast %multiple_of3A_401 : i32 to index
      %get3A_403 = tpu.vector_load %arg4[%get3A_402] {strides = array<i32>} : memref<8192xi32, #tpu.memory_space<vmem>>, vector<16xi32>,
      %shift_right_arithmetic3A_404 = arith.constant 5 : i32
      %shift_right_arithmetic3A_405 = vector.broadcast %shift_right_arithmetic3A_404 : i32 to vector<16xi32>
      %shift_right_arithmetic3A_406 = arith.shrsi %get3A_403, %shift_right_arithmetic3A_405 : vector<16xi32>
      %and3A_407 = arith.constant 31 : i32
      %and3A_408 = vector.broadcast %and3A_407 : i32 to vector<16xi32>
      %and3A_409 = arith.andi %get3A_403, %and3A_408 : vector<16xi32>
      %broadcast_in_dim3A_410 = arith.constant 0 : i32
      %broadcast_in_dim3A_411 = vector.broadcast %broadcast_in_dim3A_410 : i32 to vector<16xi32>
      %add3A_412 = vector.broadcast %scan3A_396 : i32 to vector<16xi32>
      %add3A_413 = arith.addi %broadcast_in_dim3A_411, %add3A_412 : vector<16xi32>
      %sub3A_414 = arith.constant 14 : i32
      %sub3A_415 = vector.broadcast %sub3A_414 : i32 to vector<16xi32>
      %sub3A_416 = arith.subi %shift_right_arithmetic3A_406, %sub3A_415 : vector<16xi32>
      %ge3A_417 = arith.constant 14 : i32
      %ge3A_418 = vector.broadcast %ge3A_417 : i32 to vector<16xi32>
      %ge3A_419 = arith.cmpi sge, %shift_right_arithmetic3A_406, %ge3A_418 : vector<16xi32>
      tpu.vector_store_idx %arg6[%sub3A_416, %and3A_409, %add3A_413], %broadcast_in_dim3A_6 masked %ge3A_419 : memref<14x32x128xf32, #tpu.memory_space<vmem>>[vector<16xi32>, vector<16xi32>, vector<16xi32>], vector<16xf32>, vector<16xi1>
      %scan3A_420 = arith.constant 0 : i32
      %scan3A_421 = arith.constant 2 : i32
      %scan3A_422 = arith.addi %scan3A_375, %scan3A_421 : i32
      %add3A_423 = arith.constant 0 : i32
      %add3A_424 = arith.addi %add3A_423, %scan3A_422 : i32
      %mul3A_425 = arith.constant 16 : i32
      %mul3A_426 = arith.muli %add3A_424, %mul3A_425 : i32
      %multiple_of3A_427 = tpu.assume_multiple %mul3A_426, 16 : i32
      %get3A_428 = arith.index_cast %multiple_of3A_427 : i32 to index
      %get3A_429 = tpu.vector_load %arg4[%get3A_428] {strides = array<i32>} : memref<8192xi32, #tpu.memory_space<vmem>>, vector<16xi32>,
      %shift_right_arithmetic3A_430 = arith.constant 5 : i32
      %shift_right_arithmetic3A_431 = vector.broadcast %shift_right_arithmetic3A_430 : i32 to vector<16xi32>
      %shift_right_arithmetic3A_432 = arith.shrsi %get3A_429, %shift_right_arithmetic3A_431 : vector<16xi32>
      %and3A_433 = arith.constant 31 : i32
      %and3A_434 = vector.broadcast %and3A_433 : i32 to vector<16xi32>
      %and3A_435 = arith.andi %get3A_429, %and3A_434 : vector<16xi32>
      %broadcast_in_dim3A_436 = arith.constant 0 : i32
      %broadcast_in_dim3A_437 = vector.broadcast %broadcast_in_dim3A_436 : i32 to vector<16xi32>
      %add3A_438 = vector.broadcast %scan3A_422 : i32 to vector<16xi32>
      %add3A_439 = arith.addi %broadcast_in_dim3A_437, %add3A_438 : vector<16xi32>
      %sub3A_440 = arith.constant 14 : i32
      %sub3A_441 = vector.broadcast %sub3A_440 : i32 to vector<16xi32>
      %sub3A_442 = arith.subi %shift_right_arithmetic3A_432, %sub3A_441 : vector<16xi32>
      %ge3A_443 = arith.constant 14 : i32
      %ge3A_444 = vector.broadcast %ge3A_443 : i32 to vector<16xi32>
      %ge3A_445 = arith.cmpi sge, %shift_right_arithmetic3A_432, %ge3A_444 : vector<16xi32>
      tpu.vector_store_idx %arg6[%sub3A_442, %and3A_435, %add3A_439], %broadcast_in_dim3A_6 masked %ge3A_445 : memref<14x32x128xf32, #tpu.memory_space<vmem>>[vector<16xi32>, vector<16xi32>, vector<16xi32>], vector<16xf32>, vector<16xi1>
      %scan3A_446 = arith.constant 0 : i32
      %scan3A_447 = arith.constant 3 : i32
      %scan3A_448 = arith.addi %scan3A_375, %scan3A_447 : i32
      %add3A_449 = arith.constant 0 : i32
      %add3A_450 = arith.addi %add3A_449, %scan3A_448 : i32
      %mul3A_451 = arith.constant 16 : i32
      %mul3A_452 = arith.muli %add3A_450, %mul3A_451 : i32
      %multiple_of3A_453 = tpu.assume_multiple %mul3A_452, 16 : i32
      %get3A_454 = arith.index_cast %multiple_of3A_453 : i32 to index
      %get3A_455 = tpu.vector_load %arg4[%get3A_454] {strides = array<i32>} : memref<8192xi32, #tpu.memory_space<vmem>>, vector<16xi32>,
      %shift_right_arithmetic3A_456 = arith.constant 5 : i32
      %shift_right_arithmetic3A_457 = vector.broadcast %shift_right_arithmetic3A_456 : i32 to vector<16xi32>
      %shift_right_arithmetic3A_458 = arith.shrsi %get3A_455, %shift_right_arithmetic3A_457 : vector<16xi32>
      %and3A_459 = arith.constant 31 : i32
      %and3A_460 = vector.broadcast %and3A_459 : i32 to vector<16xi32>
      %and3A_461 = arith.andi %get3A_455, %and3A_460 : vector<16xi32>
      %broadcast_in_dim3A_462 = arith.constant 0 : i32
      %broadcast_in_dim3A_463 = vector.broadcast %broadcast_in_dim3A_462 : i32 to vector<16xi32>
      %add3A_464 = vector.broadcast %scan3A_448 : i32 to vector<16xi32>
      %add3A_465 = arith.addi %broadcast_in_dim3A_463, %add3A_464 : vector<16xi32>
      %sub3A_466 = arith.constant 14 : i32
      %sub3A_467 = vector.broadcast %sub3A_466 : i32 to vector<16xi32>
      %sub3A_468 = arith.subi %shift_right_arithmetic3A_458, %sub3A_467 : vector<16xi32>
      %ge3A_469 = arith.constant 14 : i32
      %ge3A_470 = vector.broadcast %ge3A_469 : i32 to vector<16xi32>
      %ge3A_471 = arith.cmpi sge, %shift_right_arithmetic3A_458, %ge3A_470 : vector<16xi32>
      tpu.vector_store_idx %arg6[%sub3A_468, %and3A_461, %add3A_465], %broadcast_in_dim3A_6 masked %ge3A_471 : memref<14x32x128xf32, #tpu.memory_space<vmem>>[vector<16xi32>, vector<16xi32>, vector<16xi32>], vector<16xf32>, vector<16xi1>
      %scan3A_472 = arith.constant 0 : i32
      scf.yield %scan3A_472 : i32
    }
    %scan3A_66 = arith.constant 128 : i32
    %add3A_67 = arith.constant 0 : i32
    %add3A_68 = arith.addi %mul3A_22, %add3A_67 : i32
    %dma_start3A_69 = arith.constant 0 : i32
    %dma_start3A_70 = arith.constant 0 : i32
    %dma_start3A_71 = arith.constant 0 : i32
    %dma_start3A_72 = tpu.memref_slice %arg6[%dma_start3A_69, %dma_start3A_70, %dma_start3A_71] : memref<14x32x128xf32, #tpu.memory_space<vmem>> -> memref<14x28x128xf32, #tpu.memory_space<vmem>>
    %dma_start3A_73 = arith.constant 14 : i32
    %dma_start3A_74 = arith.constant 0 : i32
    %dma_start3A_75 = tpu.memref_slice %arg3[%dma_start3A_73, %dma_start3A_74, %add3A_68] : memref<28x28x16384xf32, #tpu.memory_space<hbm>> -> memref<14x28x128xf32, #tpu.memory_space<hbm>>
    %dma_start3A_76 = arith.constant 14 : i32
    %dma_start3A_77 = arith.constant 0 : i32
    %dma_start3A_78 = tpu.memref_slice %arg3[%dma_start3A_76, %dma_start3A_77, %add3A_68] : memref<28x28x16384xf32, #tpu.memory_space<hbm>> -> memref<14x28x128xf32, #tpu.memory_space<hbm>>
    %dma_start3A_79 = arith.constant 0 : i32
    %dma_start3A_80 = arith.constant 0 : i32
    %dma_start3A_81 = arith.constant 0 : i32
    %dma_start3A_82 = tpu.memref_slice %arg6[%dma_start3A_79, %dma_start3A_80, %dma_start3A_81] : memref<14x32x128xf32, #tpu.memory_space<vmem>> -> memref<14x28x128xf32, #tpu.memory_space<vmem>>
    tpu.enqueue_dma source(%dma_start3A_82 : memref<14x28x128xf32, #tpu.memory_space<vmem>>) target(%dma_start3A_78 : memref<14x28x128xf32, #tpu.memory_space<hbm>>) target_semaphore(%arg8 : memref<!tpu.dma_semaphore, #tpu.memory_space<semaphore_mem>>)
    %dma_wait3A_83 = arith.constant 0 : i32
    %dma_wait3A_84 = arith.constant 0 : i32
    %dma_wait3A_85 = arith.constant 0 : i32
    %dma_wait3A_86 = tpu.memref_slice %arg5[%dma_wait3A_83, %dma_wait3A_84, %dma_wait3A_85] : memref<14x32x128xf32, #tpu.memory_space<vmem>> -> memref<14x28x128xf32, #tpu.memory_space<vmem>>
    %dma_wait3A_87 = arith.constant 0 : i32
    %dma_wait3A_88 = arith.constant 0 : i32
    %dma_wait3A_89 = tpu.memref_slice %arg3[%dma_wait3A_87, %dma_wait3A_88, %add3A_31] : memref<28x28x16384xf32, #tpu.memory_space<hbm>> -> memref<14x28x128xf32, #tpu.memory_space<hbm>>
    %dma_wait3A_90 = arith.constant 0 : i32
    %dma_wait3A_91 = arith.constant 0 : i32
    %dma_wait3A_92 = tpu.memref_slice %arg3[%dma_wait3A_90, %dma_wait3A_91, %add3A_31] : memref<28x28x16384xf32, #tpu.memory_space<hbm>> -> memref<14x28x128xf32, #tpu.memory_space<hbm>>
    %dma_wait3A_93 = arith.constant 0 : i32
    %dma_wait3A_94 = arith.constant 0 : i32
    %dma_wait3A_95 = arith.constant 0 : i32
    %dma_wait3A_96 = tpu.memref_slice %arg5[%dma_wait3A_93, %dma_wait3A_94, %dma_wait3A_95] : memref<14x32x128xf32, #tpu.memory_space<vmem>> -> memref<14x28x128xf32, #tpu.memory_space<vmem>>
    tpu.wait_dma2 semaphore(%arg7 : memref<!tpu.dma_semaphore, #tpu.memory_space<semaphore_mem>>) src(%dma_wait3A_96 : memref<14x28x128xf32, #tpu.memory_space<vmem>>) dst(%dma_wait3A_92 : memref<14x28x128xf32, #tpu.memory_space<hbm>>)
    %scan3A_97 = arith.constant 0 : i32
    %scan3A_98 = arith.constant 0 : i32
    %scan3A_99 = arith.constant 128 : i32
    %scan3A_100 = arith.addi %scan3A_98, %scan3A_99 : i32
    %scan3A_101 = arith.constant 4 : i32
    %scan3A_102 = scf.for %scan3A_375 = %scan3A_98 to %scan3A_100 step %scan3A_101 iter_args(%scan3A_376 = %scan3A_97) -> (i32)  : i32 {
      %add3A_377 = arith.constant 0 : i32
      %add3A_378 = arith.addi %add3A_377, %scan3A_375 : i32
      %mul3A_379 = arith.constant 16 : i32
      %mul3A_380 = arith.muli %add3A_378, %mul3A_379 : i32
      %multiple_of3A = tpu.assume_multiple %mul3A_380, 16 : i32
      %get3A = arith.index_cast %multiple_of3A : i32 to index
      %get3A_381 = tpu.vector_load %arg4[%get3A] {strides = array<i32>} : memref<8192xi32, #tpu.memory_space<vmem>>, vector<16xi32>,
      %shift_right_arithmetic3A = arith.constant 5 : i32
      %shift_right_arithmetic3A_382 = vector.broadcast %shift_right_arithmetic3A : i32 to vector<16xi32>
      %shift_right_arithmetic3A_383 = arith.shrsi %get3A_381, %shift_right_arithmetic3A_382 : vector<16xi32>
      %and3A = arith.constant 31 : i32
      %and3A_384 = vector.broadcast %and3A : i32 to vector<16xi32>
      %and3A_385 = arith.andi %get3A_381, %and3A_384 : vector<16xi32>
      %broadcast_in_dim3A_386 = arith.constant 0 : i32
      %broadcast_in_dim3A_387 = vector.broadcast %broadcast_in_dim3A_386 : i32 to vector<16xi32>
      %add3A_388 = vector.broadcast %scan3A_375 : i32 to vector<16xi32>
      %add3A_389 = arith.addi %broadcast_in_dim3A_387, %add3A_388 : vector<16xi32>
      %lt3A = arith.constant 14 : i32
      %lt3A_390 = vector.broadcast %lt3A : i32 to vector<16xi32>
      %lt3A_391 = arith.cmpi slt, %shift_right_arithmetic3A_383, %lt3A_390 : vector<16xi32>
      tpu.vector_store_idx %arg5[%shift_right_arithmetic3A_383, %and3A_385, %add3A_389], %broadcast_in_dim3A_4 masked %lt3A_391 : memref<14x32x128xf32, #tpu.memory_space<vmem>>[vector<16xi32>, vector<16xi32>, vector<16xi32>], vector<16xf32>, vector<16xi1>
      %scan3A_392 = arith.constant 0 : i32
      %scan3A_393 = arith.constant 1 : i32
      %scan3A_394 = arith.addi %scan3A_375, %scan3A_393 : i32
      %add3A_395 = arith.constant 0 : i32
      %add3A_396 = arith.addi %add3A_395, %scan3A_394 : i32
      %mul3A_397 = arith.constant 16 : i32
      %mul3A_398 = arith.muli %add3A_396, %mul3A_397 : i32
      %multiple_of3A_399 = tpu.assume_multiple %mul3A_398, 16 : i32
      %get3A_400 = arith.index_cast %multiple_of3A_399 : i32 to index
      %get3A_401 = tpu.vector_load %arg4[%get3A_400] {strides = array<i32>} : memref<8192xi32, #tpu.memory_space<vmem>>, vector<16xi32>,
      %shift_right_arithmetic3A_402 = arith.constant 5 : i32
      %shift_right_arithmetic3A_403 = vector.broadcast %shift_right_arithmetic3A_402 : i32 to vector<16xi32>
      %shift_right_arithmetic3A_404 = arith.shrsi %get3A_401, %shift_right_arithmetic3A_403 : vector<16xi32>
      %and3A_405 = arith.constant 31 : i32
      %and3A_406 = vector.broadcast %and3A_405 : i32 to vector<16xi32>
      %and3A_407 = arith.andi %get3A_401, %and3A_406 : vector<16xi32>
      %broadcast_in_dim3A_408 = arith.constant 0 : i32
      %broadcast_in_dim3A_409 = vector.broadcast %broadcast_in_dim3A_408 : i32 to vector<16xi32>
      %add3A_410 = vector.broadcast %scan3A_394 : i32 to vector<16xi32>
      %add3A_411 = arith.addi %broadcast_in_dim3A_409, %add3A_410 : vector<16xi32>
      %lt3A_412 = arith.constant 14 : i32
      %lt3A_413 = vector.broadcast %lt3A_412 : i32 to vector<16xi32>
      %lt3A_414 = arith.cmpi slt, %shift_right_arithmetic3A_404, %lt3A_413 : vector<16xi32>
      tpu.vector_store_idx %arg5[%shift_right_arithmetic3A_404, %and3A_407, %add3A_411], %broadcast_in_dim3A_4 masked %lt3A_414 : memref<14x32x128xf32, #tpu.memory_space<vmem>>[vector<16xi32>, vector<16xi32>, vector<16xi32>], vector<16xf32>, vector<16xi1>
      %scan3A_415 = arith.constant 0 : i32
      %scan3A_416 = arith.constant 2 : i32
      %scan3A_417 = arith.addi %scan3A_375, %scan3A_416 : i32
      %add3A_418 = arith.constant 0 : i32
      %add3A_419 = arith.addi %add3A_418, %scan3A_417 : i32
      %mul3A_420 = arith.constant 16 : i32
      %mul3A_421 = arith.muli %add3A_419, %mul3A_420 : i32
      %multiple_of3A_422 = tpu.assume_multiple %mul3A_421, 16 : i32
      %get3A_423 = arith.index_cast %multiple_of3A_422 : i32 to index
      %get3A_424 = tpu.vector_load %arg4[%get3A_423] {strides = array<i32>} : memref<8192xi32, #tpu.memory_space<vmem>>, vector<16xi32>,
      %shift_right_arithmetic3A_425 = arith.constant 5 : i32
      %shift_right_arithmetic3A_426 = vector.broadcast %shift_right_arithmetic3A_425 : i32 to vector<16xi32>
      %shift_right_arithmetic3A_427 = arith.shrsi %get3A_424, %shift_right_arithmetic3A_426 : vector<16xi32>
      %and3A_428 = arith.constant 31 : i32
      %and3A_429 = vector.broadcast %and3A_428 : i32 to vector<16xi32>
      %and3A_430 = arith.andi %get3A_424, %and3A_429 : vector<16xi32>
      %broadcast_in_dim3A_431 = arith.constant 0 : i32
      %broadcast_in_dim3A_432 = vector.broadcast %broadcast_in_dim3A_431 : i32 to vector<16xi32>
      %add3A_433 = vector.broadcast %scan3A_417 : i32 to vector<16xi32>
      %add3A_434 = arith.addi %broadcast_in_dim3A_432, %add3A_433 : vector<16xi32>
      %lt3A_435 = arith.constant 14 : i32
      %lt3A_436 = vector.broadcast %lt3A_435 : i32 to vector<16xi32>
      %lt3A_437 = arith.cmpi slt, %shift_right_arithmetic3A_427, %lt3A_436 : vector<16xi32>
      tpu.vector_store_idx %arg5[%shift_right_arithmetic3A_427, %and3A_430, %add3A_434], %broadcast_in_dim3A_4 masked %lt3A_437 : memref<14x32x128xf32, #tpu.memory_space<vmem>>[vector<16xi32>, vector<16xi32>, vector<16xi32>], vector<16xf32>, vector<16xi1>
      %scan3A_438 = arith.constant 0 : i32
      %scan3A_439 = arith.constant 3 : i32
      %scan3A_440 = arith.addi %scan3A_375, %scan3A_439 : i32
      %add3A_441 = arith.constant 0 : i32
      %add3A_442 = arith.addi %add3A_441, %scan3A_440 : i32
      %mul3A_443 = arith.constant 16 : i32
      %mul3A_444 = arith.muli %add3A_442, %mul3A_443 : i32
      %multiple_of3A_445 = tpu.assume_multiple %mul3A_444, 16 : i32
      %get3A_446 = arith.index_cast %multiple_of3A_445 : i32 to index
      %get3A_447 = tpu.vector_load %arg4[%get3A_446] {strides = array<i32>} : memref<8192xi32, #tpu.memory_space<vmem>>, vector<16xi32>,
      %shift_right_arithmetic3A_448 = arith.constant 5 : i32
      %shift_right_arithmetic3A_449 = vector.broadcast %shift_right_arithmetic3A_448 : i32 to vector<16xi32>
      %shift_right_arithmetic3A_450 = arith.shrsi %get3A_447, %shift_right_arithmetic3A_449 : vector<16xi32>
      %and3A_451 = arith.constant 31 : i32
      %and3A_452 = vector.broadcast %and3A_451 : i32 to vector<16xi32>
      %and3A_453 = arith.andi %get3A_447, %and3A_452 : vector<16xi32>
      %broadcast_in_dim3A_454 = arith.constant 0 : i32
      %broadcast_in_dim3A_455 = vector.broadcast %broadcast_in_dim3A_454 : i32 to vector<16xi32>
      %add3A_456 = vector.broadcast %scan3A_440 : i32 to vector<16xi32>
      %add3A_457 = arith.addi %broadcast_in_dim3A_455, %add3A_456 : vector<16xi32>
      %lt3A_458 = arith.constant 14 : i32
      %lt3A_459 = vector.broadcast %lt3A_458 : i32 to vector<16xi32>
      %lt3A_460 = arith.cmpi slt, %shift_right_arithmetic3A_450, %lt3A_459 : vector<16xi32>
      tpu.vector_store_idx %arg5[%shift_right_arithmetic3A_450, %and3A_453, %add3A_457], %broadcast_in_dim3A_4 masked %lt3A_460 : memref<14x32x128xf32, #tpu.memory_space<vmem>>[vector<16xi32>, vector<16xi32>, vector<16xi32>], vector<16xf32>, vector<16xi1>
      %scan3A_461 = arith.constant 0 : i32
      scf.yield %scan3A_461 : i32
    }
    %scan3A_103 = arith.constant 128 : i32
    %scan3A_104 = arith.constant 0 : i32
    %scan3A_105 = arith.constant 0 : i32
    %scan3A_106 = arith.constant 128 : i32
    %scan3A_107 = arith.addi %scan3A_105, %scan3A_106 : i32
    %scan3A_108 = arith.constant 4 : i32
    %scan3A_109 = scf.for %scan3A_375 = %scan3A_105 to %scan3A_107 step %scan3A_108 iter_args(%scan3A_376 = %scan3A_104) -> (i32)  : i32 {
      %add3A_377 = arith.constant 128 : i32
      %add3A_378 = arith.addi %add3A_377, %scan3A_375 : i32
      %mul3A_379 = arith.constant 16 : i32
      %mul3A_380 = arith.muli %add3A_378, %mul3A_379 : i32
      %multiple_of3A = tpu.assume_multiple %mul3A_380, 16 : i32
      %get3A = arith.index_cast %multiple_of3A : i32 to index
      %get3A_381 = tpu.vector_load %arg4[%get3A] {strides = array<i32>} : memref<8192xi32, #tpu.memory_space<vmem>>, vector<16xi32>,
      %shift_right_arithmetic3A = arith.constant 5 : i32
      %shift_right_arithmetic3A_382 = vector.broadcast %shift_right_arithmetic3A : i32 to vector<16xi32>
      %shift_right_arithmetic3A_383 = arith.shrsi %get3A_381, %shift_right_arithmetic3A_382 : vector<16xi32>
      %and3A = arith.constant 31 : i32
      %and3A_384 = vector.broadcast %and3A : i32 to vector<16xi32>
      %and3A_385 = arith.andi %get3A_381, %and3A_384 : vector<16xi32>
      %broadcast_in_dim3A_386 = arith.constant 0 : i32
      %broadcast_in_dim3A_387 = vector.broadcast %broadcast_in_dim3A_386 : i32 to vector<16xi32>
      %add3A_388 = vector.broadcast %scan3A_375 : i32 to vector<16xi32>
      %add3A_389 = arith.addi %broadcast_in_dim3A_387, %add3A_388 : vector<16xi32>
      %lt3A = arith.constant 14 : i32
      %lt3A_390 = vector.broadcast %lt3A : i32 to vector<16xi32>
      %lt3A_391 = arith.cmpi slt, %shift_right_arithmetic3A_383, %lt3A_390 : vector<16xi32>
      tpu.vector_store_idx %arg5[%shift_right_arithmetic3A_383, %and3A_385, %add3A_389], %broadcast_in_dim3A_6 masked %lt3A_391 : memref<14x32x128xf32, #tpu.memory_space<vmem>>[vector<16xi32>, vector<16xi32>, vector<16xi32>], vector<16xf32>, vector<16xi1>
      %scan3A_392 = arith.constant 0 : i32
      %scan3A_393 = arith.constant 1 : i32
      %scan3A_394 = arith.addi %scan3A_375, %scan3A_393 : i32
      %add3A_395 = arith.constant 128 : i32
      %add3A_396 = arith.addi %add3A_395, %scan3A_394 : i32
      %mul3A_397 = arith.constant 16 : i32
      %mul3A_398 = arith.muli %add3A_396, %mul3A_397 : i32
      %multiple_of3A_399 = tpu.assume_multiple %mul3A_398, 16 : i32
      %get3A_400 = arith.index_cast %multiple_of3A_399 : i32 to index
      %get3A_401 = tpu.vector_load %arg4[%get3A_400] {strides = array<i32>} : memref<8192xi32, #tpu.memory_space<vmem>>, vector<16xi32>,
      %shift_right_arithmetic3A_402 = arith.constant 5 : i32
      %shift_right_arithmetic3A_403 = vector.broadcast %shift_right_arithmetic3A_402 : i32 to vector<16xi32>
      %shift_right_arithmetic3A_404 = arith.shrsi %get3A_401, %shift_right_arithmetic3A_403 : vector<16xi32>
      %and3A_405 = arith.constant 31 : i32
      %and3A_406 = vector.broadcast %and3A_405 : i32 to vector<16xi32>
      %and3A_407 = arith.andi %get3A_401, %and3A_406 : vector<16xi32>
      %broadcast_in_dim3A_408 = arith.constant 0 : i32
      %broadcast_in_dim3A_409 = vector.broadcast %broadcast_in_dim3A_408 : i32 to vector<16xi32>
      %add3A_410 = vector.broadcast %scan3A_394 : i32 to vector<16xi32>
      %add3A_411 = arith.addi %broadcast_in_dim3A_409, %add3A_410 : vector<16xi32>
      %lt3A_412 = arith.constant 14 : i32
      %lt3A_413 = vector.broadcast %lt3A_412 : i32 to vector<16xi32>
      %lt3A_414 = arith.cmpi slt, %shift_right_arithmetic3A_404, %lt3A_413 : vector<16xi32>
      tpu.vector_store_idx %arg5[%shift_right_arithmetic3A_404, %and3A_407, %add3A_411], %broadcast_in_dim3A_6 masked %lt3A_414 : memref<14x32x128xf32, #tpu.memory_space<vmem>>[vector<16xi32>, vector<16xi32>, vector<16xi32>], vector<16xf32>, vector<16xi1>
      %scan3A_415 = arith.constant 0 : i32
      %scan3A_416 = arith.constant 2 : i32
      %scan3A_417 = arith.addi %scan3A_375, %scan3A_416 : i32
      %add3A_418 = arith.constant 128 : i32
      %add3A_419 = arith.addi %add3A_418, %scan3A_417 : i32
      %mul3A_420 = arith.constant 16 : i32
      %mul3A_421 = arith.muli %add3A_419, %mul3A_420 : i32
      %multiple_of3A_422 = tpu.assume_multiple %mul3A_421, 16 : i32
      %get3A_423 = arith.index_cast %multiple_of3A_422 : i32 to index
      %get3A_424 = tpu.vector_load %arg4[%get3A_423] {strides = array<i32>} : memref<8192xi32, #tpu.memory_space<vmem>>, vector<16xi32>,
      %shift_right_arithmetic3A_425 = arith.constant 5 : i32
      %shift_right_arithmetic3A_426 = vector.broadcast %shift_right_arithmetic3A_425 : i32 to vector<16xi32>
      %shift_right_arithmetic3A_427 = arith.shrsi %get3A_424, %shift_right_arithmetic3A_426 : vector<16xi32>
      %and3A_428 = arith.constant 31 : i32
      %and3A_429 = vector.broadcast %and3A_428 : i32 to vector<16xi32>
      %and3A_430 = arith.andi %get3A_424, %and3A_429 : vector<16xi32>
      %broadcast_in_dim3A_431 = arith.constant 0 : i32
      %broadcast_in_dim3A_432 = vector.broadcast %broadcast_in_dim3A_431 : i32 to vector<16xi32>
      %add3A_433 = vector.broadcast %scan3A_417 : i32 to vector<16xi32>
      %add3A_434 = arith.addi %broadcast_in_dim3A_432, %add3A_433 : vector<16xi32>
      %lt3A_435 = arith.constant 14 : i32
      %lt3A_436 = vector.broadcast %lt3A_435 : i32 to vector<16xi32>
      %lt3A_437 = arith.cmpi slt, %shift_right_arithmetic3A_427, %lt3A_436 : vector<16xi32>
      tpu.vector_store_idx %arg5[%shift_right_arithmetic3A_427, %and3A_430, %add3A_434], %broadcast_in_dim3A_6 masked %lt3A_437 : memref<14x32x128xf32, #tpu.memory_space<vmem>>[vector<16xi32>, vector<16xi32>, vector<16xi32>], vector<16xf32>, vector<16xi1>
      %scan3A_438 = arith.constant 0 : i32
      %scan3A_439 = arith.constant 3 : i32
      %scan3A_440 = arith.addi %scan3A_375, %scan3A_439 : i32
      %add3A_441 = arith.constant 128 : i32
      %add3A_442 = arith.addi %add3A_441, %scan3A_440 : i32
      %mul3A_443 = arith.constant 16 : i32
      %mul3A_444 = arith.muli %add3A_442, %mul3A_443 : i32
      %multiple_of3A_445 = tpu.assume_multiple %mul3A_444, 16 : i32
      %get3A_446 = arith.index_cast %multiple_of3A_445 : i32 to index
      %get3A_447 = tpu.vector_load %arg4[%get3A_446] {strides = array<i32>} : memref<8192xi32, #tpu.memory_space<vmem>>, vector<16xi32>,
      %shift_right_arithmetic3A_448 = arith.constant 5 : i32
      %shift_right_arithmetic3A_449 = vector.broadcast %shift_right_arithmetic3A_448 : i32 to vector<16xi32>
      %shift_right_arithmetic3A_450 = arith.shrsi %get3A_447, %shift_right_arithmetic3A_449 : vector<16xi32>
      %and3A_451 = arith.constant 31 : i32
      %and3A_452 = vector.broadcast %and3A_451 : i32 to vector<16xi32>
      %and3A_453 = arith.andi %get3A_447, %and3A_452 : vector<16xi32>
      %broadcast_in_dim3A_454 = arith.constant 0 : i32
      %broadcast_in_dim3A_455 = vector.broadcast %broadcast_in_dim3A_454 : i32 to vector<16xi32>
      %add3A_456 = vector.broadcast %scan3A_440 : i32 to vector<16xi32>
      %add3A_457 = arith.addi %broadcast_in_dim3A_455, %add3A_456 : vector<16xi32>
      %lt3A_458 = arith.constant 14 : i32
      %lt3A_459 = vector.broadcast %lt3A_458 : i32 to vector<16xi32>
      %lt3A_460 = arith.cmpi slt, %shift_right_arithmetic3A_450, %lt3A_459 : vector<16xi32>
      tpu.vector_store_idx %arg5[%shift_right_arithmetic3A_450, %and3A_453, %add3A_457], %broadcast_in_dim3A_6 masked %lt3A_460 : memref<14x32x128xf32, #tpu.memory_space<vmem>>[vector<16xi32>, vector<16xi32>, vector<16xi32>], vector<16xf32>, vector<16xi1>
      %scan3A_461 = arith.constant 0 : i32
      scf.yield %scan3A_461 : i32
    }
    %scan3A_110 = arith.constant 128 : i32
    %add3A_111 = arith.constant 128 : i32
    %add3A_112 = arith.addi %mul3A_22, %add3A_111 : i32
    %dma_start3A_113 = arith.constant 0 : i32
    %dma_start3A_114 = arith.constant 0 : i32
    %dma_start3A_115 = arith.constant 0 : i32
    %dma_start3A_116 = tpu.memref_slice %arg5[%dma_start3A_113, %dma_start3A_114, %dma_start3A_115] : memref<14x32x128xf32, #tpu.memory_space<vmem>> -> memref<14x28x128xf32, #tpu.memory_space<vmem>>
    %dma_start3A_117 = arith.constant 0 : i32
    %dma_start3A_118 = arith.constant 0 : i32
    %dma_start3A_119 = tpu.memref_slice %arg3[%dma_start3A_117, %dma_start3A_118, %add3A_112] : memref<28x28x16384xf32, #tpu.memory_space<hbm>> -> memref<14x28x128xf32, #tpu.memory_space<hbm>>
    %dma_start3A_120 = arith.constant 0 : i32
    %dma_start3A_121 = arith.constant 0 : i32
    %dma_start3A_122 = tpu.memref_slice %arg3[%dma_start3A_120, %dma_start3A_121, %add3A_112] : memref<28x28x16384xf32, #tpu.memory_space<hbm>> -> memref<14x28x128xf32, #tpu.memory_space<hbm>>
    %dma_start3A_123 = arith.constant 0 : i32
    %dma_start3A_124 = arith.constant 0 : i32
    %dma_start3A_125 = arith.constant 0 : i32
    %dma_start3A_126 = tpu.memref_slice %arg5[%dma_start3A_123, %dma_start3A_124, %dma_start3A_125] : memref<14x32x128xf32, #tpu.memory_space<vmem>> -> memref<14x28x128xf32, #tpu.memory_space<vmem>>
    tpu.enqueue_dma source(%dma_start3A_126 : memref<14x28x128xf32, #tpu.memory_space<vmem>>) target(%dma_start3A_122 : memref<14x28x128xf32, #tpu.memory_space<hbm>>) target_semaphore(%arg7 : memref<!tpu.dma_semaphore, #tpu.memory_space<semaphore_mem>>)
    %dma_wait3A_127 = arith.constant 0 : i32
    %dma_wait3A_128 = arith.constant 0 : i32
    %dma_wait3A_129 = arith.constant 0 : i32
    %dma_wait3A_130 = tpu.memref_slice %arg6[%dma_wait3A_127, %dma_wait3A_128, %dma_wait3A_129] : memref<14x32x128xf32, #tpu.memory_space<vmem>> -> memref<14x28x128xf32, #tpu.memory_space<vmem>>
    %dma_wait3A_131 = arith.constant 14 : i32
    %dma_wait3A_132 = arith.constant 0 : i32
    %dma_wait3A_133 = tpu.memref_slice %arg3[%dma_wait3A_131, %dma_wait3A_132, %add3A_68] : memref<28x28x16384xf32, #tpu.memory_space<hbm>> -> memref<14x28x128xf32, #tpu.memory_space<hbm>>
    %dma_wait3A_134 = arith.constant 14 : i32
    %dma_wait3A_135 = arith.constant 0 : i32
    %dma_wait3A_136 = tpu.memref_slice %arg3[%dma_wait3A_134, %dma_wait3A_135, %add3A_68] : memref<28x28x16384xf32, #tpu.memory_space<hbm>> -> memref<14x28x128xf32, #tpu.memory_space<hbm>>
    %dma_wait3A_137 = arith.constant 0 : i32
    %dma_wait3A_138 = arith.constant 0 : i32
    %dma_wait3A_139 = arith.constant 0 : i32
    %dma_wait3A_140 = tpu.memref_slice %arg6[%dma_wait3A_137, %dma_wait3A_138, %dma_wait3A_139] : memref<14x32x128xf32, #tpu.memory_space<vmem>> -> memref<14x28x128xf32, #tpu.memory_space<vmem>>
    tpu.wait_dma2 semaphore(%arg8 : memref<!tpu.dma_semaphore, #tpu.memory_space<semaphore_mem>>) src(%dma_wait3A_140 : memref<14x28x128xf32, #tpu.memory_space<vmem>>) dst(%dma_wait3A_136 : memref<14x28x128xf32, #tpu.memory_space<hbm>>)
    %scan3A_141 = arith.constant 0 : i32
    %scan3A_142 = arith.constant 0 : i32
    %scan3A_143 = arith.constant 128 : i32
    %scan3A_144 = arith.addi %scan3A_142, %scan3A_143 : i32
    %scan3A_145 = arith.constant 4 : i32
    %scan3A_146 = scf.for %scan3A_375 = %scan3A_142 to %scan3A_144 step %scan3A_145 iter_args(%scan3A_376 = %scan3A_141) -> (i32)  : i32 {
      %add3A_377 = arith.constant 0 : i32
      %add3A_378 = arith.addi %add3A_377, %scan3A_375 : i32
      %mul3A_379 = arith.constant 16 : i32
      %mul3A_380 = arith.muli %add3A_378, %mul3A_379 : i32
      %multiple_of3A = tpu.assume_multiple %mul3A_380, 16 : i32
      %get3A = arith.index_cast %multiple_of3A : i32 to index
      %get3A_381 = tpu.vector_load %arg4[%get3A] {strides = array<i32>} : memref<8192xi32, #tpu.memory_space<vmem>>, vector<16xi32>,
      %shift_right_arithmetic3A = arith.constant 5 : i32
      %shift_right_arithmetic3A_382 = vector.broadcast %shift_right_arithmetic3A : i32 to vector<16xi32>
      %shift_right_arithmetic3A_383 = arith.shrsi %get3A_381, %shift_right_arithmetic3A_382 : vector<16xi32>
      %and3A = arith.constant 31 : i32
      %and3A_384 = vector.broadcast %and3A : i32 to vector<16xi32>
      %and3A_385 = arith.andi %get3A_381, %and3A_384 : vector<16xi32>
      %broadcast_in_dim3A_386 = arith.constant 0 : i32
      %broadcast_in_dim3A_387 = vector.broadcast %broadcast_in_dim3A_386 : i32 to vector<16xi32>
      %add3A_388 = vector.broadcast %scan3A_375 : i32 to vector<16xi32>
      %add3A_389 = arith.addi %broadcast_in_dim3A_387, %add3A_388 : vector<16xi32>
      %sub3A = arith.constant 14 : i32
      %sub3A_390 = vector.broadcast %sub3A : i32 to vector<16xi32>
      %sub3A_391 = arith.subi %shift_right_arithmetic3A_383, %sub3A_390 : vector<16xi32>
      %ge3A = arith.constant 14 : i32
      %ge3A_392 = vector.broadcast %ge3A : i32 to vector<16xi32>
      %ge3A_393 = arith.cmpi sge, %shift_right_arithmetic3A_383, %ge3A_392 : vector<16xi32>
      tpu.vector_store_idx %arg6[%sub3A_391, %and3A_385, %add3A_389], %broadcast_in_dim3A_4 masked %ge3A_393 : memref<14x32x128xf32, #tpu.memory_space<vmem>>[vector<16xi32>, vector<16xi32>, vector<16xi32>], vector<16xf32>, vector<16xi1>
      %scan3A_394 = arith.constant 0 : i32
      %scan3A_395 = arith.constant 1 : i32
      %scan3A_396 = arith.addi %scan3A_375, %scan3A_395 : i32
      %add3A_397 = arith.constant 0 : i32
      %add3A_398 = arith.addi %add3A_397, %scan3A_396 : i32
      %mul3A_399 = arith.constant 16 : i32
      %mul3A_400 = arith.muli %add3A_398, %mul3A_399 : i32
      %multiple_of3A_401 = tpu.assume_multiple %mul3A_400, 16 : i32
      %get3A_402 = arith.index_cast %multiple_of3A_401 : i32 to index
      %get3A_403 = tpu.vector_load %arg4[%get3A_402] {strides = array<i32>} : memref<8192xi32, #tpu.memory_space<vmem>>, vector<16xi32>,
      %shift_right_arithmetic3A_404 = arith.constant 5 : i32
      %shift_right_arithmetic3A_405 = vector.broadcast %shift_right_arithmetic3A_404 : i32 to vector<16xi32>
      %shift_right_arithmetic3A_406 = arith.shrsi %get3A_403, %shift_right_arithmetic3A_405 : vector<16xi32>
      %and3A_407 = arith.constant 31 : i32
      %and3A_408 = vector.broadcast %and3A_407 : i32 to vector<16xi32>
      %and3A_409 = arith.andi %get3A_403, %and3A_408 : vector<16xi32>
      %broadcast_in_dim3A_410 = arith.constant 0 : i32
      %broadcast_in_dim3A_411 = vector.broadcast %broadcast_in_dim3A_410 : i32 to vector<16xi32>
      %add3A_412 = vector.broadcast %scan3A_396 : i32 to vector<16xi32>
      %add3A_413 = arith.addi %broadcast_in_dim3A_411, %add3A_412 : vector<16xi32>
      %sub3A_414 = arith.constant 14 : i32
      %sub3A_415 = vector.broadcast %sub3A_414 : i32 to vector<16xi32>
      %sub3A_416 = arith.subi %shift_right_arithmetic3A_406, %sub3A_415 : vector<16xi32>
      %ge3A_417 = arith.constant 14 : i32
      %ge3A_418 = vector.broadcast %ge3A_417 : i32 to vector<16xi32>
      %ge3A_419 = arith.cmpi sge, %shift_right_arithmetic3A_406, %ge3A_418 : vector<16xi32>
      tpu.vector_store_idx %arg6[%sub3A_416, %and3A_409, %add3A_413], %broadcast_in_dim3A_4 masked %ge3A_419 : memref<14x32x128xf32, #tpu.memory_space<vmem>>[vector<16xi32>, vector<16xi32>, vector<16xi32>], vector<16xf32>, vector<16xi1>
      %scan3A_420 = arith.constant 0 : i32
      %scan3A_421 = arith.constant 2 : i32
      %scan3A_422 = arith.addi %scan3A_375, %scan3A_421 : i32
      %add3A_423 = arith.constant 0 : i32
      %add3A_424 = arith.addi %add3A_423, %scan3A_422 : i32
      %mul3A_425 = arith.constant 16 : i32
      %mul3A_426 = arith.muli %add3A_424, %mul3A_425 : i32
      %multiple_of3A_427 = tpu.assume_multiple %mul3A_426, 16 : i32
      %get3A_428 = arith.index_cast %multiple_of3A_427 : i32 to index
      %get3A_429 = tpu.vector_load %arg4[%get3A_428] {strides = array<i32>} : memref<8192xi32, #tpu.memory_space<vmem>>, vector<16xi32>,
      %shift_right_arithmetic3A_430 = arith.constant 5 : i32
      %shift_right_arithmetic3A_431 = vector.broadcast %shift_right_arithmetic3A_430 : i32 to vector<16xi32>
      %shift_right_arithmetic3A_432 = arith.shrsi %get3A_429, %shift_right_arithmetic3A_431 : vector<16xi32>
      %and3A_433 = arith.constant 31 : i32
      %and3A_434 = vector.broadcast %and3A_433 : i32 to vector<16xi32>
      %and3A_435 = arith.andi %get3A_429, %and3A_434 : vector<16xi32>
      %broadcast_in_dim3A_436 = arith.constant 0 : i32
      %broadcast_in_dim3A_437 = vector.broadcast %broadcast_in_dim3A_436 : i32 to vector<16xi32>
      %add3A_438 = vector.broadcast %scan3A_422 : i32 to vector<16xi32>
      %add3A_439 = arith.addi %broadcast_in_dim3A_437, %add3A_438 : vector<16xi32>
      %sub3A_440 = arith.constant 14 : i32
      %sub3A_441 = vector.broadcast %sub3A_440 : i32 to vector<16xi32>
      %sub3A_442 = arith.subi %shift_right_arithmetic3A_432, %sub3A_441 : vector<16xi32>
      %ge3A_443 = arith.constant 14 : i32
      %ge3A_444 = vector.broadcast %ge3A_443 : i32 to vector<16xi32>
      %ge3A_445 = arith.cmpi sge, %shift_right_arithmetic3A_432, %ge3A_444 : vector<16xi32>
      tpu.vector_store_idx %arg6[%sub3A_442, %and3A_435, %add3A_439], %broadcast_in_dim3A_4 masked %ge3A_445 : memref<14x32x128xf32, #tpu.memory_space<vmem>>[vector<16xi32>, vector<16xi32>, vector<16xi32>], vector<16xf32>, vector<16xi1>
      %scan3A_446 = arith.constant 0 : i32
      %scan3A_447 = arith.constant 3 : i32
      %scan3A_448 = arith.addi %scan3A_375, %scan3A_447 : i32
      %add3A_449 = arith.constant 0 : i32
      %add3A_450 = arith.addi %add3A_449, %scan3A_448 : i32
      %mul3A_451 = arith.constant 16 : i32
      %mul3A_452 = arith.muli %add3A_450, %mul3A_451 : i32
      %multiple_of3A_453 = tpu.assume_multiple %mul3A_452, 16 : i32
      %get3A_454 = arith.index_cast %multiple_of3A_453 : i32 to index
      %get3A_455 = tpu.vector_load %arg4[%get3A_454] {strides = array<i32>} : memref<8192xi32, #tpu.memory_space<vmem>>, vector<16xi32>,
      %shift_right_arithmetic3A_456 = arith.constant 5 : i32
      %shift_right_arithmetic3A_457 = vector.broadcast %shift_right_arithmetic3A_456 : i32 to vector<16xi32>
      %shift_right_arithmetic3A_458 = arith.shrsi %get3A_455, %shift_right_arithmetic3A_457 : vector<16xi32>
      %and3A_459 = arith.constant 31 : i32
      %and3A_460 = vector.broadcast %and3A_459 : i32 to vector<16xi32>
      %and3A_461 = arith.andi %get3A_455, %and3A_460 : vector<16xi32>
      %broadcast_in_dim3A_462 = arith.constant 0 : i32
      %broadcast_in_dim3A_463 = vector.broadcast %broadcast_in_dim3A_462 : i32 to vector<16xi32>
      %add3A_464 = vector.broadcast %scan3A_448 : i32 to vector<16xi32>
      %add3A_465 = arith.addi %broadcast_in_dim3A_463, %add3A_464 : vector<16xi32>
      %sub3A_466 = arith.constant 14 : i32
      %sub3A_467 = vector.broadcast %sub3A_466 : i32 to vector<16xi32>
      %sub3A_468 = arith.subi %shift_right_arithmetic3A_458, %sub3A_467 : vector<16xi32>
      %ge3A_469 = arith.constant 14 : i32
      %ge3A_470 = vector.broadcast %ge3A_469 : i32 to vector<16xi32>
      %ge3A_471 = arith.cmpi sge, %shift_right_arithmetic3A_458, %ge3A_470 : vector<16xi32>
      tpu.vector_store_idx %arg6[%sub3A_468, %and3A_461, %add3A_465], %broadcast_in_dim3A_4 masked %ge3A_471 : memref<14x32x128xf32, #tpu.memory_space<vmem>>[vector<16xi32>, vector<16xi32>, vector<16xi32>], vector<16xf32>, vector<16xi1>
      %scan3A_472 = arith.constant 0 : i32
      scf.yield %scan3A_472 : i32
    }
    %scan3A_147 = arith.constant 128 : i32
    %scan3A_148 = arith.constant 0 : i32
    %scan3A_149 = arith.constant 0 : i32
    %scan3A_150 = arith.constant 128 : i32
    %scan3A_151 = arith.addi %scan3A_149, %scan3A_150 : i32
    %scan3A_152 = arith.constant 4 : i32
    %scan3A_153 = scf.for %scan3A_375 = %scan3A_149 to %scan3A_151 step %scan3A_152 iter_args(%scan3A_376 = %scan3A_148) -> (i32)  : i32 {
      %add3A_377 = arith.constant 128 : i32
      %add3A_378 = arith.addi %add3A_377, %scan3A_375 : i32
      %mul3A_379 = arith.constant 16 : i32
      %mul3A_380 = arith.muli %add3A_378, %mul3A_379 : i32
      %multiple_of3A = tpu.assume_multiple %mul3A_380, 16 : i32
      %get3A = arith.index_cast %multiple_of3A : i32 to index
      %get3A_381 = tpu.vector_load %arg4[%get3A] {strides = array<i32>} : memref<8192xi32, #tpu.memory_space<vmem>>, vector<16xi32>,
      %shift_right_arithmetic3A = arith.constant 5 : i32
      %shift_right_arithmetic3A_382 = vector.broadcast %shift_right_arithmetic3A : i32 to vector<16xi32>
      %shift_right_arithmetic3A_383 = arith.shrsi %get3A_381, %shift_right_arithmetic3A_382 : vector<16xi32>
      %and3A = arith.constant 31 : i32
      %and3A_384 = vector.broadcast %and3A : i32 to vector<16xi32>
      %and3A_385 = arith.andi %get3A_381, %and3A_384 : vector<16xi32>
      %broadcast_in_dim3A_386 = arith.constant 0 : i32
      %broadcast_in_dim3A_387 = vector.broadcast %broadcast_in_dim3A_386 : i32 to vector<16xi32>
      %add3A_388 = vector.broadcast %scan3A_375 : i32 to vector<16xi32>
      %add3A_389 = arith.addi %broadcast_in_dim3A_387, %add3A_388 : vector<16xi32>
      %sub3A = arith.constant 14 : i32
      %sub3A_390 = vector.broadcast %sub3A : i32 to vector<16xi32>
      %sub3A_391 = arith.subi %shift_right_arithmetic3A_383, %sub3A_390 : vector<16xi32>
      %ge3A = arith.constant 14 : i32
      %ge3A_392 = vector.broadcast %ge3A : i32 to vector<16xi32>
      %ge3A_393 = arith.cmpi sge, %shift_right_arithmetic3A_383, %ge3A_392 : vector<16xi32>
      tpu.vector_store_idx %arg6[%sub3A_391, %and3A_385, %add3A_389], %broadcast_in_dim3A_6 masked %ge3A_393 : memref<14x32x128xf32, #tpu.memory_space<vmem>>[vector<16xi32>, vector<16xi32>, vector<16xi32>], vector<16xf32>, vector<16xi1>
      %scan3A_394 = arith.constant 0 : i32
      %scan3A_395 = arith.constant 1 : i32
      %scan3A_396 = arith.addi %scan3A_375, %scan3A_395 : i32
      %add3A_397 = arith.constant 128 : i32
      %add3A_398 = arith.addi %add3A_397, %scan3A_396 : i32
      %mul3A_399 = arith.constant 16 : i32
      %mul3A_400 = arith.muli %add3A_398, %mul3A_399 : i32
      %multiple_of3A_401 = tpu.assume_multiple %mul3A_400, 16 : i32
      %get3A_402 = arith.index_cast %multiple_of3A_401 : i32 to index
      %get3A_403 = tpu.vector_load %arg4[%get3A_402] {strides = array<i32>} : memref<8192xi32, #tpu.memory_space<vmem>>, vector<16xi32>,
      %shift_right_arithmetic3A_404 = arith.constant 5 : i32
      %shift_right_arithmetic3A_405 = vector.broadcast %shift_right_arithmetic3A_404 : i32 to vector<16xi32>
      %shift_right_arithmetic3A_406 = arith.shrsi %get3A_403, %shift_right_arithmetic3A_405 : vector<16xi32>
      %and3A_407 = arith.constant 31 : i32
      %and3A_408 = vector.broadcast %and3A_407 : i32 to vector<16xi32>
      %and3A_409 = arith.andi %get3A_403, %and3A_408 : vector<16xi32>
      %broadcast_in_dim3A_410 = arith.constant 0 : i32
      %broadcast_in_dim3A_411 = vector.broadcast %broadcast_in_dim3A_410 : i32 to vector<16xi32>
      %add3A_412 = vector.broadcast %scan3A_396 : i32 to vector<16xi32>
      %add3A_413 = arith.addi %broadcast_in_dim3A_411, %add3A_412 : vector<16xi32>
      %sub3A_414 = arith.constant 14 : i32
      %sub3A_415 = vector.broadcast %sub3A_414 : i32 to vector<16xi32>
      %sub3A_416 = arith.subi %shift_right_arithmetic3A_406, %sub3A_415 : vector<16xi32>
      %ge3A_417 = arith.constant 14 : i32
      %ge3A_418 = vector.broadcast %ge3A_417 : i32 to vector<16xi32>
      %ge3A_419 = arith.cmpi sge, %shift_right_arithmetic3A_406, %ge3A_418 : vector<16xi32>
      tpu.vector_store_idx %arg6[%sub3A_416, %and3A_409, %add3A_413], %broadcast_in_dim3A_6 masked %ge3A_419 : memref<14x32x128xf32, #tpu.memory_space<vmem>>[vector<16xi32>, vector<16xi32>, vector<16xi32>], vector<16xf32>, vector<16xi1>
      %scan3A_420 = arith.constant 0 : i32
      %scan3A_421 = arith.constant 2 : i32
      %scan3A_422 = arith.addi %scan3A_375, %scan3A_421 : i32
      %add3A_423 = arith.constant 128 : i32
      %add3A_424 = arith.addi %add3A_423, %scan3A_422 : i32
      %mul3A_425 = arith.constant 16 : i32
      %mul3A_426 = arith.muli %add3A_424, %mul3A_425 : i32
      %multiple_of3A_427 = tpu.assume_multiple %mul3A_426, 16 : i32
      %get3A_428 = arith.index_cast %multiple_of3A_427 : i32 to index
      %get3A_429 = tpu.vector_load %arg4[%get3A_428] {strides = array<i32>} : memref<8192xi32, #tpu.memory_space<vmem>>, vector<16xi32>,
      %shift_right_arithmetic3A_430 = arith.constant 5 : i32
      %shift_right_arithmetic3A_431 = vector.broadcast %shift_right_arithmetic3A_430 : i32 to vector<16xi32>
      %shift_right_arithmetic3A_432 = arith.shrsi %get3A_429, %shift_right_arithmetic3A_431 : vector<16xi32>
      %and3A_433 = arith.constant 31 : i32
      %and3A_434 = vector.broadcast %and3A_433 : i32 to vector<16xi32>
      %and3A_435 = arith.andi %get3A_429, %and3A_434 : vector<16xi32>
      %broadcast_in_dim3A_436 = arith.constant 0 : i32
      %broadcast_in_dim3A_437 = vector.broadcast %broadcast_in_dim3A_436 : i32 to vector<16xi32>
      %add3A_438 = vector.broadcast %scan3A_422 : i32 to vector<16xi32>
      %add3A_439 = arith.addi %broadcast_in_dim3A_437, %add3A_438 : vector<16xi32>
      %sub3A_440 = arith.constant 14 : i32
      %sub3A_441 = vector.broadcast %sub3A_440 : i32 to vector<16xi32>
      %sub3A_442 = arith.subi %shift_right_arithmetic3A_432, %sub3A_441 : vector<16xi32>
      %ge3A_443 = arith.constant 14 : i32
      %ge3A_444 = vector.broadcast %ge3A_443 : i32 to vector<16xi32>
      %ge3A_445 = arith.cmpi sge, %shift_right_arithmetic3A_432, %ge3A_444 : vector<16xi32>
      tpu.vector_store_idx %arg6[%sub3A_442, %and3A_435, %add3A_439], %broadcast_in_dim3A_6 masked %ge3A_445 : memref<14x32x128xf32, #tpu.memory_space<vmem>>[vector<16xi32>, vector<16xi32>, vector<16xi32>], vector<16xf32>, vector<16xi1>
      %scan3A_446 = arith.constant 0 : i32
      %scan3A_447 = arith.constant 3 : i32
      %scan3A_448 = arith.addi %scan3A_375, %scan3A_447 : i32
      %add3A_449 = arith.constant 128 : i32
      %add3A_450 = arith.addi %add3A_449, %scan3A_448 : i32
      %mul3A_451 = arith.constant 16 : i32
      %mul3A_452 = arith.muli %add3A_450, %mul3A_451 : i32
      %multiple_of3A_453 = tpu.assume_multiple %mul3A_452, 16 : i32
      %get3A_454 = arith.index_cast %multiple_of3A_453 : i32 to index
      %get3A_455 = tpu.vector_load %arg4[%get3A_454] {strides = array<i32>} : memref<8192xi32, #tpu.memory_space<vmem>>, vector<16xi32>,
      %shift_right_arithmetic3A_456 = arith.constant 5 : i32
      %shift_right_arithmetic3A_457 = vector.broadcast %shift_right_arithmetic3A_456 : i32 to vector<16xi32>
      %shift_right_arithmetic3A_458 = arith.shrsi %get3A_455, %shift_right_arithmetic3A_457 : vector<16xi32>
      %and3A_459 = arith.constant 31 : i32
      %and3A_460 = vector.broadcast %and3A_459 : i32 to vector<16xi32>
      %and3A_461 = arith.andi %get3A_455, %and3A_460 : vector<16xi32>
      %broadcast_in_dim3A_462 = arith.constant 0 : i32
      %broadcast_in_dim3A_463 = vector.broadcast %broadcast_in_dim3A_462 : i32 to vector<16xi32>
      %add3A_464 = vector.broadcast %scan3A_448 : i32 to vector<16xi32>
      %add3A_465 = arith.addi %broadcast_in_dim3A_463, %add3A_464 : vector<16xi32>
      %sub3A_466 = arith.constant 14 : i32
      %sub3A_467 = vector.broadcast %sub3A_466 : i32 to vector<16xi32>
      %sub3A_468 = arith.subi %shift_right_arithmetic3A_458, %sub3A_467 : vector<16xi32>
      %ge3A_469 = arith.constant 14 : i32
      %ge3A_470 = vector.broadcast %ge3A_469 : i32 to vector<16xi32>
      %ge3A_471 = arith.cmpi sge, %shift_right_arithmetic3A_458, %ge3A_470 : vector<16xi32>
      tpu.vector_store_idx %arg6[%sub3A_468, %and3A_461, %add3A_465], %broadcast_in_dim3A_6 masked %ge3A_471 : memref<14x32x128xf32, #tpu.memory_space<vmem>>[vector<16xi32>, vector<16xi32>, vector<16xi32>], vector<16xf32>, vector<16xi1>
      %scan3A_472 = arith.constant 0 : i32
      scf.yield %scan3A_472 : i32
    }
    %scan3A_154 = arith.constant 128 : i32
    %add3A_155 = arith.constant 128 : i32
    %add3A_156 = arith.addi %mul3A_22, %add3A_155 : i32
    %dma_start3A_157 = arith.constant 0 : i32
    %dma_start3A_158 = arith.constant 0 : i32
    %dma_start3A_159 = arith.constant 0 : i32
    %dma_start3A_160 = tpu.memref_slice %arg6[%dma_start3A_157, %dma_start3A_158, %dma_start3A_159] : memref<14x32x128xf32, #tpu.memory_space<vmem>> -> memref<14x28x128xf32, #tpu.memory_space<vmem>>
    %dma_start3A_161 = arith.constant 14 : i32
    %dma_start3A_162 = arith.constant 0 : i32
    %dma_start3A_163 = tpu.memref_slice %arg3[%dma_start3A_161, %dma_start3A_162, %add3A_156] : memref<28x28x16384xf32, #tpu.memory_space<hbm>> -> memref<14x28x128xf32, #tpu.memory_space<hbm>>
    %dma_start3A_164 = arith.constant 14 : i32
    %dma_start3A_165 = arith.constant 0 : i32
    %dma_start3A_166 = tpu.memref_slice %arg3[%dma_start3A_164, %dma_start3A_165, %add3A_156] : memref<28x28x16384xf32, #tpu.memory_space<hbm>> -> memref<14x28x128xf32, #tpu.memory_space<hbm>>
    %dma_start3A_167 = arith.constant 0 : i32
    %dma_start3A_168 = arith.constant 0 : i32
    %dma_start3A_169 = arith.constant 0 : i32
    %dma_start3A_170 = tpu.memref_slice %arg6[%dma_start3A_167, %dma_start3A_168, %dma_start3A_169] : memref<14x32x128xf32, #tpu.memory_space<vmem>> -> memref<14x28x128xf32, #tpu.memory_space<vmem>>
    tpu.enqueue_dma source(%dma_start3A_170 : memref<14x28x128xf32, #tpu.memory_space<vmem>>) target(%dma_start3A_166 : memref<14x28x128xf32, #tpu.memory_space<hbm>>) target_semaphore(%arg8 : memref<!tpu.dma_semaphore, #tpu.memory_space<semaphore_mem>>)
    %dma_wait3A_171 = arith.constant 0 : i32
    %dma_wait3A_172 = arith.constant 0 : i32
    %dma_wait3A_173 = arith.constant 0 : i32
    %dma_wait3A_174 = tpu.memref_slice %arg5[%dma_wait3A_171, %dma_wait3A_172, %dma_wait3A_173] : memref<14x32x128xf32, #tpu.memory_space<vmem>> -> memref<14x28x128xf32, #tpu.memory_space<vmem>>
    %dma_wait3A_175 = arith.constant 0 : i32
    %dma_wait3A_176 = arith.constant 0 : i32
    %dma_wait3A_177 = tpu.memref_slice %arg3[%dma_wait3A_175, %dma_wait3A_176, %add3A_112] : memref<28x28x16384xf32, #tpu.memory_space<hbm>> -> memref<14x28x128xf32, #tpu.memory_space<hbm>>
    %dma_wait3A_178 = arith.constant 0 : i32
    %dma_wait3A_179 = arith.constant 0 : i32
    %dma_wait3A_180 = tpu.memref_slice %arg3[%dma_wait3A_178, %dma_wait3A_179, %add3A_112] : memref<28x28x16384xf32, #tpu.memory_space<hbm>> -> memref<14x28x128xf32, #tpu.memory_space<hbm>>
    %dma_wait3A_181 = arith.constant 0 : i32
    %dma_wait3A_182 = arith.constant 0 : i32
    %dma_wait3A_183 = arith.constant 0 : i32
    %dma_wait3A_184 = tpu.memref_slice %arg5[%dma_wait3A_181, %dma_wait3A_182, %dma_wait3A_183] : memref<14x32x128xf32, #tpu.memory_space<vmem>> -> memref<14x28x128xf32, #tpu.memory_space<vmem>>
    tpu.wait_dma2 semaphore(%arg7 : memref<!tpu.dma_semaphore, #tpu.memory_space<semaphore_mem>>) src(%dma_wait3A_184 : memref<14x28x128xf32, #tpu.memory_space<vmem>>) dst(%dma_wait3A_180 : memref<14x28x128xf32, #tpu.memory_space<hbm>>)
    %scan3A_185 = arith.constant 0 : i32
    %scan3A_186 = arith.constant 0 : i32
    %scan3A_187 = arith.constant 128 : i32
    %scan3A_188 = arith.addi %scan3A_186, %scan3A_187 : i32
    %scan3A_189 = arith.constant 4 : i32
    %scan3A_190 = scf.for %scan3A_375 = %scan3A_186 to %scan3A_188 step %scan3A_189 iter_args(%scan3A_376 = %scan3A_185) -> (i32)  : i32 {
      %add3A_377 = arith.constant 128 : i32
      %add3A_378 = arith.addi %add3A_377, %scan3A_375 : i32
      %mul3A_379 = arith.constant 16 : i32
      %mul3A_380 = arith.muli %add3A_378, %mul3A_379 : i32
      %multiple_of3A = tpu.assume_multiple %mul3A_380, 16 : i32
      %get3A = arith.index_cast %multiple_of3A : i32 to index
      %get3A_381 = tpu.vector_load %arg4[%get3A] {strides = array<i32>} : memref<8192xi32, #tpu.memory_space<vmem>>, vector<16xi32>,
      %shift_right_arithmetic3A = arith.constant 5 : i32
      %shift_right_arithmetic3A_382 = vector.broadcast %shift_right_arithmetic3A : i32 to vector<16xi32>
      %shift_right_arithmetic3A_383 = arith.shrsi %get3A_381, %shift_right_arithmetic3A_382 : vector<16xi32>
      %and3A = arith.constant 31 : i32
      %and3A_384 = vector.broadcast %and3A : i32 to vector<16xi32>
      %and3A_385 = arith.andi %get3A_381, %and3A_384 : vector<16xi32>
      %broadcast_in_dim3A_386 = arith.constant 0 : i32
      %broadcast_in_dim3A_387 = vector.broadcast %broadcast_in_dim3A_386 : i32 to vector<16xi32>
      %add3A_388 = vector.broadcast %scan3A_375 : i32 to vector<16xi32>
      %add3A_389 = arith.addi %broadcast_in_dim3A_387, %add3A_388 : vector<16xi32>
      %lt3A = arith.constant 14 : i32
      %lt3A_390 = vector.broadcast %lt3A : i32 to vector<16xi32>
      %lt3A_391 = arith.cmpi slt, %shift_right_arithmetic3A_383, %lt3A_390 : vector<16xi32>
      tpu.vector_store_idx %arg5[%shift_right_arithmetic3A_383, %and3A_385, %add3A_389], %broadcast_in_dim3A_4 masked %lt3A_391 : memref<14x32x128xf32, #tpu.memory_space<vmem>>[vector<16xi32>, vector<16xi32>, vector<16xi32>], vector<16xf32>, vector<16xi1>
      %scan3A_392 = arith.constant 0 : i32
      %scan3A_393 = arith.constant 1 : i32
      %scan3A_394 = arith.addi %scan3A_375, %scan3A_393 : i32
      %add3A_395 = arith.constant 128 : i32
      %add3A_396 = arith.addi %add3A_395, %scan3A_394 : i32
      %mul3A_397 = arith.constant 16 : i32
      %mul3A_398 = arith.muli %add3A_396, %mul3A_397 : i32
      %multiple_of3A_399 = tpu.assume_multiple %mul3A_398, 16 : i32
      %get3A_400 = arith.index_cast %multiple_of3A_399 : i32 to index
      %get3A_401 = tpu.vector_load %arg4[%get3A_400] {strides = array<i32>} : memref<8192xi32, #tpu.memory_space<vmem>>, vector<16xi32>,
      %shift_right_arithmetic3A_402 = arith.constant 5 : i32
      %shift_right_arithmetic3A_403 = vector.broadcast %shift_right_arithmetic3A_402 : i32 to vector<16xi32>
      %shift_right_arithmetic3A_404 = arith.shrsi %get3A_401, %shift_right_arithmetic3A_403 : vector<16xi32>
      %and3A_405 = arith.constant 31 : i32
      %and3A_406 = vector.broadcast %and3A_405 : i32 to vector<16xi32>
      %and3A_407 = arith.andi %get3A_401, %and3A_406 : vector<16xi32>
      %broadcast_in_dim3A_408 = arith.constant 0 : i32
      %broadcast_in_dim3A_409 = vector.broadcast %broadcast_in_dim3A_408 : i32 to vector<16xi32>
      %add3A_410 = vector.broadcast %scan3A_394 : i32 to vector<16xi32>
      %add3A_411 = arith.addi %broadcast_in_dim3A_409, %add3A_410 : vector<16xi32>
      %lt3A_412 = arith.constant 14 : i32
      %lt3A_413 = vector.broadcast %lt3A_412 : i32 to vector<16xi32>
      %lt3A_414 = arith.cmpi slt, %shift_right_arithmetic3A_404, %lt3A_413 : vector<16xi32>
      tpu.vector_store_idx %arg5[%shift_right_arithmetic3A_404, %and3A_407, %add3A_411], %broadcast_in_dim3A_4 masked %lt3A_414 : memref<14x32x128xf32, #tpu.memory_space<vmem>>[vector<16xi32>, vector<16xi32>, vector<16xi32>], vector<16xf32>, vector<16xi1>
      %scan3A_415 = arith.constant 0 : i32
      %scan3A_416 = arith.constant 2 : i32
      %scan3A_417 = arith.addi %scan3A_375, %scan3A_416 : i32
      %add3A_418 = arith.constant 128 : i32
      %add3A_419 = arith.addi %add3A_418, %scan3A_417 : i32
      %mul3A_420 = arith.constant 16 : i32
      %mul3A_421 = arith.muli %add3A_419, %mul3A_420 : i32
      %multiple_of3A_422 = tpu.assume_multiple %mul3A_421, 16 : i32
      %get3A_423 = arith.index_cast %multiple_of3A_422 : i32 to index
      %get3A_424 = tpu.vector_load %arg4[%get3A_423] {strides = array<i32>} : memref<8192xi32, #tpu.memory_space<vmem>>, vector<16xi32>,
      %shift_right_arithmetic3A_425 = arith.constant 5 : i32
      %shift_right_arithmetic3A_426 = vector.broadcast %shift_right_arithmetic3A_425 : i32 to vector<16xi32>
      %shift_right_arithmetic3A_427 = arith.shrsi %get3A_424, %shift_right_arithmetic3A_426 : vector<16xi32>
      %and3A_428 = arith.constant 31 : i32
      %and3A_429 = vector.broadcast %and3A_428 : i32 to vector<16xi32>
      %and3A_430 = arith.andi %get3A_424, %and3A_429 : vector<16xi32>
      %broadcast_in_dim3A_431 = arith.constant 0 : i32
      %broadcast_in_dim3A_432 = vector.broadcast %broadcast_in_dim3A_431 : i32 to vector<16xi32>
      %add3A_433 = vector.broadcast %scan3A_417 : i32 to vector<16xi32>
      %add3A_434 = arith.addi %broadcast_in_dim3A_432, %add3A_433 : vector<16xi32>
      %lt3A_435 = arith.constant 14 : i32
      %lt3A_436 = vector.broadcast %lt3A_435 : i32 to vector<16xi32>
      %lt3A_437 = arith.cmpi slt, %shift_right_arithmetic3A_427, %lt3A_436 : vector<16xi32>
      tpu.vector_store_idx %arg5[%shift_right_arithmetic3A_427, %and3A_430, %add3A_434], %broadcast_in_dim3A_4 masked %lt3A_437 : memref<14x32x128xf32, #tpu.memory_space<vmem>>[vector<16xi32>, vector<16xi32>, vector<16xi32>], vector<16xf32>, vector<16xi1>
      %scan3A_438 = arith.constant 0 : i32
      %scan3A_439 = arith.constant 3 : i32
      %scan3A_440 = arith.addi %scan3A_375, %scan3A_439 : i32
      %add3A_441 = arith.constant 128 : i32
      %add3A_442 = arith.addi %add3A_441, %scan3A_440 : i32
      %mul3A_443 = arith.constant 16 : i32
      %mul3A_444 = arith.muli %add3A_442, %mul3A_443 : i32
      %multiple_of3A_445 = tpu.assume_multiple %mul3A_444, 16 : i32
      %get3A_446 = arith.index_cast %multiple_of3A_445 : i32 to index
      %get3A_447 = tpu.vector_load %arg4[%get3A_446] {strides = array<i32>} : memref<8192xi32, #tpu.memory_space<vmem>>, vector<16xi32>,
      %shift_right_arithmetic3A_448 = arith.constant 5 : i32
      %shift_right_arithmetic3A_449 = vector.broadcast %shift_right_arithmetic3A_448 : i32 to vector<16xi32>
      %shift_right_arithmetic3A_450 = arith.shrsi %get3A_447, %shift_right_arithmetic3A_449 : vector<16xi32>
      %and3A_451 = arith.constant 31 : i32
      %and3A_452 = vector.broadcast %and3A_451 : i32 to vector<16xi32>
      %and3A_453 = arith.andi %get3A_447, %and3A_452 : vector<16xi32>
      %broadcast_in_dim3A_454 = arith.constant 0 : i32
      %broadcast_in_dim3A_455 = vector.broadcast %broadcast_in_dim3A_454 : i32 to vector<16xi32>
      %add3A_456 = vector.broadcast %scan3A_440 : i32 to vector<16xi32>
      %add3A_457 = arith.addi %broadcast_in_dim3A_455, %add3A_456 : vector<16xi32>
      %lt3A_458 = arith.constant 14 : i32
      %lt3A_459 = vector.broadcast %lt3A_458 : i32 to vector<16xi32>
      %lt3A_460 = arith.cmpi slt, %shift_right_arithmetic3A_450, %lt3A_459 : vector<16xi32>
      tpu.vector_store_idx %arg5[%shift_right_arithmetic3A_450, %and3A_453, %add3A_457], %broadcast_in_dim3A_4 masked %lt3A_460 : memref<14x32x128xf32, #tpu.memory_space<vmem>>[vector<16xi32>, vector<16xi32>, vector<16xi32>], vector<16xf32>, vector<16xi1>
      %scan3A_461 = arith.constant 0 : i32
      scf.yield %scan3A_461 : i32
    }
    %scan3A_191 = arith.constant 128 : i32
    %scan3A_192 = arith.constant 0 : i32
    %scan3A_193 = arith.constant 0 : i32
    %scan3A_194 = arith.constant 128 : i32
    %scan3A_195 = arith.addi %scan3A_193, %scan3A_194 : i32
    %scan3A_196 = arith.constant 4 : i32
    %scan3A_197 = scf.for %scan3A_375 = %scan3A_193 to %scan3A_195 step %scan3A_196 iter_args(%scan3A_376 = %scan3A_192) -> (i32)  : i32 {
      %add3A_377 = arith.constant 256 : i32
      %add3A_378 = arith.addi %add3A_377, %scan3A_375 : i32
      %mul3A_379 = arith.constant 16 : i32
      %mul3A_380 = arith.muli %add3A_378, %mul3A_379 : i32
      %multiple_of3A = tpu.assume_multiple %mul3A_380, 16 : i32
      %get3A = arith.index_cast %multiple_of3A : i32 to index
      %get3A_381 = tpu.vector_load %arg4[%get3A] {strides = array<i32>} : memref<8192xi32, #tpu.memory_space<vmem>>, vector<16xi32>,
      %shift_right_arithmetic3A = arith.constant 5 : i32
      %shift_right_arithmetic3A_382 = vector.broadcast %shift_right_arithmetic3A : i32 to vector<16xi32>
      %shift_right_arithmetic3A_383 = arith.shrsi %get3A_381, %shift_right_arithmetic3A_382 : vector<16xi32>
      %and3A = arith.constant 31 : i32
      %and3A_384 = vector.broadcast %and3A : i32 to vector<16xi32>
      %and3A_385 = arith.andi %get3A_381, %and3A_384 : vector<16xi32>
      %broadcast_in_dim3A_386 = arith.constant 0 : i32
      %broadcast_in_dim3A_387 = vector.broadcast %broadcast_in_dim3A_386 : i32 to vector<16xi32>
      %add3A_388 = vector.broadcast %scan3A_375 : i32 to vector<16xi32>
      %add3A_389 = arith.addi %broadcast_in_dim3A_387, %add3A_388 : vector<16xi32>
      %lt3A = arith.constant 14 : i32
      %lt3A_390 = vector.broadcast %lt3A : i32 to vector<16xi32>
      %lt3A_391 = arith.cmpi slt, %shift_right_arithmetic3A_383, %lt3A_390 : vector<16xi32>
      tpu.vector_store_idx %arg5[%shift_right_arithmetic3A_383, %and3A_385, %add3A_389], %broadcast_in_dim3A_6 masked %lt3A_391 : memref<14x32x128xf32, #tpu.memory_space<vmem>>[vector<16xi32>, vector<16xi32>, vector<16xi32>], vector<16xf32>, vector<16xi1>
      %scan3A_392 = arith.constant 0 : i32
      %scan3A_393 = arith.constant 1 : i32
      %scan3A_394 = arith.addi %scan3A_375, %scan3A_393 : i32
      %add3A_395 = arith.constant 256 : i32
      %add3A_396 = arith.addi %add3A_395, %scan3A_394 : i32
      %mul3A_397 = arith.constant 16 : i32
      %mul3A_398 = arith.muli %add3A_396, %mul3A_397 : i32
      %multiple_of3A_399 = tpu.assume_multiple %mul3A_398, 16 : i32
      %get3A_400 = arith.index_cast %multiple_of3A_399 : i32 to index
      %get3A_401 = tpu.vector_load %arg4[%get3A_400] {strides = array<i32>} : memref<8192xi32, #tpu.memory_space<vmem>>, vector<16xi32>,
      %shift_right_arithmetic3A_402 = arith.constant 5 : i32
      %shift_right_arithmetic3A_403 = vector.broadcast %shift_right_arithmetic3A_402 : i32 to vector<16xi32>
      %shift_right_arithmetic3A_404 = arith.shrsi %get3A_401, %shift_right_arithmetic3A_403 : vector<16xi32>
      %and3A_405 = arith.constant 31 : i32
      %and3A_406 = vector.broadcast %and3A_405 : i32 to vector<16xi32>
      %and3A_407 = arith.andi %get3A_401, %and3A_406 : vector<16xi32>
      %broadcast_in_dim3A_408 = arith.constant 0 : i32
      %broadcast_in_dim3A_409 = vector.broadcast %broadcast_in_dim3A_408 : i32 to vector<16xi32>
      %add3A_410 = vector.broadcast %scan3A_394 : i32 to vector<16xi32>
      %add3A_411 = arith.addi %broadcast_in_dim3A_409, %add3A_410 : vector<16xi32>
      %lt3A_412 = arith.constant 14 : i32
      %lt3A_413 = vector.broadcast %lt3A_412 : i32 to vector<16xi32>
      %lt3A_414 = arith.cmpi slt, %shift_right_arithmetic3A_404, %lt3A_413 : vector<16xi32>
      tpu.vector_store_idx %arg5[%shift_right_arithmetic3A_404, %and3A_407, %add3A_411], %broadcast_in_dim3A_6 masked %lt3A_414 : memref<14x32x128xf32, #tpu.memory_space<vmem>>[vector<16xi32>, vector<16xi32>, vector<16xi32>], vector<16xf32>, vector<16xi1>
      %scan3A_415 = arith.constant 0 : i32
      %scan3A_416 = arith.constant 2 : i32
      %scan3A_417 = arith.addi %scan3A_375, %scan3A_416 : i32
      %add3A_418 = arith.constant 256 : i32
      %add3A_419 = arith.addi %add3A_418, %scan3A_417 : i32
      %mul3A_420 = arith.constant 16 : i32
      %mul3A_421 = arith.muli %add3A_419, %mul3A_420 : i32
      %multiple_of3A_422 = tpu.assume_multiple %mul3A_421, 16 : i32
      %get3A_423 = arith.index_cast %multiple_of3A_422 : i32 to index
      %get3A_424 = tpu.vector_load %arg4[%get3A_423] {strides = array<i32>} : memref<8192xi32, #tpu.memory_space<vmem>>, vector<16xi32>,
      %shift_right_arithmetic3A_425 = arith.constant 5 : i32
      %shift_right_arithmetic3A_426 = vector.broadcast %shift_right_arithmetic3A_425 : i32 to vector<16xi32>
      %shift_right_arithmetic3A_427 = arith.shrsi %get3A_424, %shift_right_arithmetic3A_426 : vector<16xi32>
      %and3A_428 = arith.constant 31 : i32
      %and3A_429 = vector.broadcast %and3A_428 : i32 to vector<16xi32>
      %and3A_430 = arith.andi %get3A_424, %and3A_429 : vector<16xi32>
      %broadcast_in_dim3A_431 = arith.constant 0 : i32
      %broadcast_in_dim3A_432 = vector.broadcast %broadcast_in_dim3A_431 : i32 to vector<16xi32>
      %add3A_433 = vector.broadcast %scan3A_417 : i32 to vector<16xi32>
      %add3A_434 = arith.addi %broadcast_in_dim3A_432, %add3A_433 : vector<16xi32>
      %lt3A_435 = arith.constant 14 : i32
      %lt3A_436 = vector.broadcast %lt3A_435 : i32 to vector<16xi32>
      %lt3A_437 = arith.cmpi slt, %shift_right_arithmetic3A_427, %lt3A_436 : vector<16xi32>
      tpu.vector_store_idx %arg5[%shift_right_arithmetic3A_427, %and3A_430, %add3A_434], %broadcast_in_dim3A_6 masked %lt3A_437 : memref<14x32x128xf32, #tpu.memory_space<vmem>>[vector<16xi32>, vector<16xi32>, vector<16xi32>], vector<16xf32>, vector<16xi1>
      %scan3A_438 = arith.constant 0 : i32
      %scan3A_439 = arith.constant 3 : i32
      %scan3A_440 = arith.addi %scan3A_375, %scan3A_439 : i32
      %add3A_441 = arith.constant 256 : i32
      %add3A_442 = arith.addi %add3A_441, %scan3A_440 : i32
      %mul3A_443 = arith.constant 16 : i32
      %mul3A_444 = arith.muli %add3A_442, %mul3A_443 : i32
      %multiple_of3A_445 = tpu.assume_multiple %mul3A_444, 16 : i32
      %get3A_446 = arith.index_cast %multiple_of3A_445 : i32 to index
      %get3A_447 = tpu.vector_load %arg4[%get3A_446] {strides = array<i32>} : memref<8192xi32, #tpu.memory_space<vmem>>, vector<16xi32>,
      %shift_right_arithmetic3A_448 = arith.constant 5 : i32
      %shift_right_arithmetic3A_449 = vector.broadcast %shift_right_arithmetic3A_448 : i32 to vector<16xi32>
      %shift_right_arithmetic3A_450 = arith.shrsi %get3A_447, %shift_right_arithmetic3A_449 : vector<16xi32>
      %and3A_451 = arith.constant 31 : i32
      %and3A_452 = vector.broadcast %and3A_451 : i32 to vector<16xi32>
      %and3A_453 = arith.andi %get3A_447, %and3A_452 : vector<16xi32>
      %broadcast_in_dim3A_454 = arith.constant 0 : i32
      %broadcast_in_dim3A_455 = vector.broadcast %broadcast_in_dim3A_454 : i32 to vector<16xi32>
      %add3A_456 = vector.broadcast %scan3A_440 : i32 to vector<16xi32>
      %add3A_457 = arith.addi %broadcast_in_dim3A_455, %add3A_456 : vector<16xi32>
      %lt3A_458 = arith.constant 14 : i32
      %lt3A_459 = vector.broadcast %lt3A_458 : i32 to vector<16xi32>
      %lt3A_460 = arith.cmpi slt, %shift_right_arithmetic3A_450, %lt3A_459 : vector<16xi32>
      tpu.vector_store_idx %arg5[%shift_right_arithmetic3A_450, %and3A_453, %add3A_457], %broadcast_in_dim3A_6 masked %lt3A_460 : memref<14x32x128xf32, #tpu.memory_space<vmem>>[vector<16xi32>, vector<16xi32>, vector<16xi32>], vector<16xf32>, vector<16xi1>
      %scan3A_461 = arith.constant 0 : i32
      scf.yield %scan3A_461 : i32
    }
    %scan3A_198 = arith.constant 128 : i32
    %add3A_199 = arith.constant 256 : i32
    %add3A_200 = arith.addi %mul3A_22, %add3A_199 : i32
    %dma_start3A_201 = arith.constant 0 : i32
    %dma_start3A_202 = arith.constant 0 : i32
    %dma_start3A_203 = arith.constant 0 : i32
    %dma_start3A_204 = tpu.memref_slice %arg5[%dma_start3A_201, %dma_start3A_202, %dma_start3A_203] : memref<14x32x128xf32, #tpu.memory_space<vmem>> -> memref<14x28x128xf32, #tpu.memory_space<vmem>>
    %dma_start3A_205 = arith.constant 0 : i32
    %dma_start3A_206 = arith.constant 0 : i32
    %dma_start3A_207 = tpu.memref_slice %arg3[%dma_start3A_205, %dma_start3A_206, %add3A_200] : memref<28x28x16384xf32, #tpu.memory_space<hbm>> -> memref<14x28x128xf32, #tpu.memory_space<hbm>>
    %dma_start3A_208 = arith.constant 0 : i32
    %dma_start3A_209 = arith.constant 0 : i32
    %dma_start3A_210 = tpu.memref_slice %arg3[%dma_start3A_208, %dma_start3A_209, %add3A_200] : memref<28x28x16384xf32, #tpu.memory_space<hbm>> -> memref<14x28x128xf32, #tpu.memory_space<hbm>>
    %dma_start3A_211 = arith.constant 0 : i32
    %dma_start3A_212 = arith.constant 0 : i32
    %dma_start3A_213 = arith.constant 0 : i32
    %dma_start3A_214 = tpu.memref_slice %arg5[%dma_start3A_211, %dma_start3A_212, %dma_start3A_213] : memref<14x32x128xf32, #tpu.memory_space<vmem>> -> memref<14x28x128xf32, #tpu.memory_space<vmem>>
    tpu.enqueue_dma source(%dma_start3A_214 : memref<14x28x128xf32, #tpu.memory_space<vmem>>) target(%dma_start3A_210 : memref<14x28x128xf32, #tpu.memory_space<hbm>>) target_semaphore(%arg7 : memref<!tpu.dma_semaphore, #tpu.memory_space<semaphore_mem>>)
    %dma_wait3A_215 = arith.constant 0 : i32
    %dma_wait3A_216 = arith.constant 0 : i32
    %dma_wait3A_217 = arith.constant 0 : i32
    %dma_wait3A_218 = tpu.memref_slice %arg6[%dma_wait3A_215, %dma_wait3A_216, %dma_wait3A_217] : memref<14x32x128xf32, #tpu.memory_space<vmem>> -> memref<14x28x128xf32, #tpu.memory_space<vmem>>
    %dma_wait3A_219 = arith.constant 14 : i32
    %dma_wait3A_220 = arith.constant 0 : i32
    %dma_wait3A_221 = tpu.memref_slice %arg3[%dma_wait3A_219, %dma_wait3A_220, %add3A_156] : memref<28x28x16384xf32, #tpu.memory_space<hbm>> -> memref<14x28x128xf32, #tpu.memory_space<hbm>>
    %dma_wait3A_222 = arith.constant 14 : i32
    %dma_wait3A_223 = arith.constant 0 : i32
    %dma_wait3A_224 = tpu.memref_slice %arg3[%dma_wait3A_222, %dma_wait3A_223, %add3A_156] : memref<28x28x16384xf32, #tpu.memory_space<hbm>> -> memref<14x28x128xf32, #tpu.memory_space<hbm>>
    %dma_wait3A_225 = arith.constant 0 : i32
    %dma_wait3A_226 = arith.constant 0 : i32
    %dma_wait3A_227 = arith.constant 0 : i32
    %dma_wait3A_228 = tpu.memref_slice %arg6[%dma_wait3A_225, %dma_wait3A_226, %dma_wait3A_227] : memref<14x32x128xf32, #tpu.memory_space<vmem>> -> memref<14x28x128xf32, #tpu.memory_space<vmem>>
    tpu.wait_dma2 semaphore(%arg8 : memref<!tpu.dma_semaphore, #tpu.memory_space<semaphore_mem>>) src(%dma_wait3A_228 : memref<14x28x128xf32, #tpu.memory_space<vmem>>) dst(%dma_wait3A_224 : memref<14x28x128xf32, #tpu.memory_space<hbm>>)
    %scan3A_229 = arith.constant 0 : i32
    %scan3A_230 = arith.constant 0 : i32
    %scan3A_231 = arith.constant 128 : i32
    %scan3A_232 = arith.addi %scan3A_230, %scan3A_231 : i32
    %scan3A_233 = arith.constant 4 : i32
    %scan3A_234 = scf.for %scan3A_375 = %scan3A_230 to %scan3A_232 step %scan3A_233 iter_args(%scan3A_376 = %scan3A_229) -> (i32)  : i32 {
      %add3A_377 = arith.constant 128 : i32
      %add3A_378 = arith.addi %add3A_377, %scan3A_375 : i32
      %mul3A_379 = arith.constant 16 : i32
      %mul3A_380 = arith.muli %add3A_378, %mul3A_379 : i32
      %multiple_of3A = tpu.assume_multiple %mul3A_380, 16 : i32
      %get3A = arith.index_cast %multiple_of3A : i32 to index
      %get3A_381 = tpu.vector_load %arg4[%get3A] {strides = array<i32>} : memref<8192xi32, #tpu.memory_space<vmem>>, vector<16xi32>,
      %shift_right_arithmetic3A = arith.constant 5 : i32
      %shift_right_arithmetic3A_382 = vector.broadcast %shift_right_arithmetic3A : i32 to vector<16xi32>
      %shift_right_arithmetic3A_383 = arith.shrsi %get3A_381, %shift_right_arithmetic3A_382 : vector<16xi32>
      %and3A = arith.constant 31 : i32
      %and3A_384 = vector.broadcast %and3A : i32 to vector<16xi32>
      %and3A_385 = arith.andi %get3A_381, %and3A_384 : vector<16xi32>
      %broadcast_in_dim3A_386 = arith.constant 0 : i32
      %broadcast_in_dim3A_387 = vector.broadcast %broadcast_in_dim3A_386 : i32 to vector<16xi32>
      %add3A_388 = vector.broadcast %scan3A_375 : i32 to vector<16xi32>
      %add3A_389 = arith.addi %broadcast_in_dim3A_387, %add3A_388 : vector<16xi32>
      %sub3A = arith.constant 14 : i32
      %sub3A_390 = vector.broadcast %sub3A : i32 to vector<16xi32>
      %sub3A_391 = arith.subi %shift_right_arithmetic3A_383, %sub3A_390 : vector<16xi32>
      %ge3A = arith.constant 14 : i32
      %ge3A_392 = vector.broadcast %ge3A : i32 to vector<16xi32>
      %ge3A_393 = arith.cmpi sge, %shift_right_arithmetic3A_383, %ge3A_392 : vector<16xi32>
      tpu.vector_store_idx %arg6[%sub3A_391, %and3A_385, %add3A_389], %broadcast_in_dim3A_4 masked %ge3A_393 : memref<14x32x128xf32, #tpu.memory_space<vmem>>[vector<16xi32>, vector<16xi32>, vector<16xi32>], vector<16xf32>, vector<16xi1>
      %scan3A_394 = arith.constant 0 : i32
      %scan3A_395 = arith.constant 1 : i32
      %scan3A_396 = arith.addi %scan3A_375, %scan3A_395 : i32
      %add3A_397 = arith.constant 128 : i32
      %add3A_398 = arith.addi %add3A_397, %scan3A_396 : i32
      %mul3A_399 = arith.constant 16 : i32
      %mul3A_400 = arith.muli %add3A_398, %mul3A_399 : i32
      %multiple_of3A_401 = tpu.assume_multiple %mul3A_400, 16 : i32
      %get3A_402 = arith.index_cast %multiple_of3A_401 : i32 to index
      %get3A_403 = tpu.vector_load %arg4[%get3A_402] {strides = array<i32>} : memref<8192xi32, #tpu.memory_space<vmem>>, vector<16xi32>,
      %shift_right_arithmetic3A_404 = arith.constant 5 : i32
      %shift_right_arithmetic3A_405 = vector.broadcast %shift_right_arithmetic3A_404 : i32 to vector<16xi32>
      %shift_right_arithmetic3A_406 = arith.shrsi %get3A_403, %shift_right_arithmetic3A_405 : vector<16xi32>
      %and3A_407 = arith.constant 31 : i32
      %and3A_408 = vector.broadcast %and3A_407 : i32 to vector<16xi32>
      %and3A_409 = arith.andi %get3A_403, %and3A_408 : vector<16xi32>
      %broadcast_in_dim3A_410 = arith.constant 0 : i32
      %broadcast_in_dim3A_411 = vector.broadcast %broadcast_in_dim3A_410 : i32 to vector<16xi32>
      %add3A_412 = vector.broadcast %scan3A_396 : i32 to vector<16xi32>
      %add3A_413 = arith.addi %broadcast_in_dim3A_411, %add3A_412 : vector<16xi32>
      %sub3A_414 = arith.constant 14 : i32
      %sub3A_415 = vector.broadcast %sub3A_414 : i32 to vector<16xi32>
      %sub3A_416 = arith.subi %shift_right_arithmetic3A_406, %sub3A_415 : vector<16xi32>
      %ge3A_417 = arith.constant 14 : i32
      %ge3A_418 = vector.broadcast %ge3A_417 : i32 to vector<16xi32>
      %ge3A_419 = arith.cmpi sge, %shift_right_arithmetic3A_406, %ge3A_418 : vector<16xi32>
      tpu.vector_store_idx %arg6[%sub3A_416, %and3A_409, %add3A_413], %broadcast_in_dim3A_4 masked %ge3A_419 : memref<14x32x128xf32, #tpu.memory_space<vmem>>[vector<16xi32>, vector<16xi32>, vector<16xi32>], vector<16xf32>, vector<16xi1>
      %scan3A_420 = arith.constant 0 : i32
      %scan3A_421 = arith.constant 2 : i32
      %scan3A_422 = arith.addi %scan3A_375, %scan3A_421 : i32
      %add3A_423 = arith.constant 128 : i32
      %add3A_424 = arith.addi %add3A_423, %scan3A_422 : i32
      %mul3A_425 = arith.constant 16 : i32
      %mul3A_426 = arith.muli %add3A_424, %mul3A_425 : i32
      %multiple_of3A_427 = tpu.assume_multiple %mul3A_426, 16 : i32
      %get3A_428 = arith.index_cast %multiple_of3A_427 : i32 to index
      %get3A_429 = tpu.vector_load %arg4[%get3A_428] {strides = array<i32>} : memref<8192xi32, #tpu.memory_space<vmem>>, vector<16xi32>,
      %shift_right_arithmetic3A_430 = arith.constant 5 : i32
      %shift_right_arithmetic3A_431 = vector.broadcast %shift_right_arithmetic3A_430 : i32 to vector<16xi32>
      %shift_right_arithmetic3A_432 = arith.shrsi %get3A_429, %shift_right_arithmetic3A_431 : vector<16xi32>
      %and3A_433 = arith.constant 31 : i32
      %and3A_434 = vector.broadcast %and3A_433 : i32 to vector<16xi32>
      %and3A_435 = arith.andi %get3A_429, %and3A_434 : vector<16xi32>
      %broadcast_in_dim3A_436 = arith.constant 0 : i32
      %broadcast_in_dim3A_437 = vector.broadcast %broadcast_in_dim3A_436 : i32 to vector<16xi32>
      %add3A_438 = vector.broadcast %scan3A_422 : i32 to vector<16xi32>
      %add3A_439 = arith.addi %broadcast_in_dim3A_437, %add3A_438 : vector<16xi32>
      %sub3A_440 = arith.constant 14 : i32
      %sub3A_441 = vector.broadcast %sub3A_440 : i32 to vector<16xi32>
      %sub3A_442 = arith.subi %shift_right_arithmetic3A_432, %sub3A_441 : vector<16xi32>
      %ge3A_443 = arith.constant 14 : i32
      %ge3A_444 = vector.broadcast %ge3A_443 : i32 to vector<16xi32>
      %ge3A_445 = arith.cmpi sge, %shift_right_arithmetic3A_432, %ge3A_444 : vector<16xi32>
      tpu.vector_store_idx %arg6[%sub3A_442, %and3A_435, %add3A_439], %broadcast_in_dim3A_4 masked %ge3A_445 : memref<14x32x128xf32, #tpu.memory_space<vmem>>[vector<16xi32>, vector<16xi32>, vector<16xi32>], vector<16xf32>, vector<16xi1>
      %scan3A_446 = arith.constant 0 : i32
      %scan3A_447 = arith.constant 3 : i32
      %scan3A_448 = arith.addi %scan3A_375, %scan3A_447 : i32
      %add3A_449 = arith.constant 128 : i32
      %add3A_450 = arith.addi %add3A_449, %scan3A_448 : i32
      %mul3A_451 = arith.constant 16 : i32
      %mul3A_452 = arith.muli %add3A_450, %mul3A_451 : i32
      %multiple_of3A_453 = tpu.assume_multiple %mul3A_452, 16 : i32
      %get3A_454 = arith.index_cast %multiple_of3A_453 : i32 to index
      %get3A_455 = tpu.vector_load %arg4[%get3A_454] {strides = array<i32>} : memref<8192xi32, #tpu.memory_space<vmem>>, vector<16xi32>,
      %shift_right_arithmetic3A_456 = arith.constant 5 : i32
      %shift_right_arithmetic3A_457 = vector.broadcast %shift_right_arithmetic3A_456 : i32 to vector<16xi32>
      %shift_right_arithmetic3A_458 = arith.shrsi %get3A_455, %shift_right_arithmetic3A_457 : vector<16xi32>
      %and3A_459 = arith.constant 31 : i32
      %and3A_460 = vector.broadcast %and3A_459 : i32 to vector<16xi32>
      %and3A_461 = arith.andi %get3A_455, %and3A_460 : vector<16xi32>
      %broadcast_in_dim3A_462 = arith.constant 0 : i32
      %broadcast_in_dim3A_463 = vector.broadcast %broadcast_in_dim3A_462 : i32 to vector<16xi32>
      %add3A_464 = vector.broadcast %scan3A_448 : i32 to vector<16xi32>
      %add3A_465 = arith.addi %broadcast_in_dim3A_463, %add3A_464 : vector<16xi32>
      %sub3A_466 = arith.constant 14 : i32
      %sub3A_467 = vector.broadcast %sub3A_466 : i32 to vector<16xi32>
      %sub3A_468 = arith.subi %shift_right_arithmetic3A_458, %sub3A_467 : vector<16xi32>
      %ge3A_469 = arith.constant 14 : i32
      %ge3A_470 = vector.broadcast %ge3A_469 : i32 to vector<16xi32>
      %ge3A_471 = arith.cmpi sge, %shift_right_arithmetic3A_458, %ge3A_470 : vector<16xi32>
      tpu.vector_store_idx %arg6[%sub3A_468, %and3A_461, %add3A_465], %broadcast_in_dim3A_4 masked %ge3A_471 : memref<14x32x128xf32, #tpu.memory_space<vmem>>[vector<16xi32>, vector<16xi32>, vector<16xi32>], vector<16xf32>, vector<16xi1>
      %scan3A_472 = arith.constant 0 : i32
      scf.yield %scan3A_472 : i32
    }
    %scan3A_235 = arith.constant 128 : i32
    %scan3A_236 = arith.constant 0 : i32
    %scan3A_237 = arith.constant 0 : i32
    %scan3A_238 = arith.constant 128 : i32
    %scan3A_239 = arith.addi %scan3A_237, %scan3A_238 : i32
    %scan3A_240 = arith.constant 4 : i32
    %scan3A_241 = scf.for %scan3A_375 = %scan3A_237 to %scan3A_239 step %scan3A_240 iter_args(%scan3A_376 = %scan3A_236) -> (i32)  : i32 {
      %add3A_377 = arith.constant 256 : i32
      %add3A_378 = arith.addi %add3A_377, %scan3A_375 : i32
      %mul3A_379 = arith.constant 16 : i32
      %mul3A_380 = arith.muli %add3A_378, %mul3A_379 : i32
      %multiple_of3A = tpu.assume_multiple %mul3A_380, 16 : i32
      %get3A = arith.index_cast %multiple_of3A : i32 to index
      %get3A_381 = tpu.vector_load %arg4[%get3A] {strides = array<i32>} : memref<8192xi32, #tpu.memory_space<vmem>>, vector<16xi32>,
      %shift_right_arithmetic3A = arith.constant 5 : i32
      %shift_right_arithmetic3A_382 = vector.broadcast %shift_right_arithmetic3A : i32 to vector<16xi32>
      %shift_right_arithmetic3A_383 = arith.shrsi %get3A_381, %shift_right_arithmetic3A_382 : vector<16xi32>
      %and3A = arith.constant 31 : i32
      %and3A_384 = vector.broadcast %and3A : i32 to vector<16xi32>
      %and3A_385 = arith.andi %get3A_381, %and3A_384 : vector<16xi32>
      %broadcast_in_dim3A_386 = arith.constant 0 : i32
      %broadcast_in_dim3A_387 = vector.broadcast %broadcast_in_dim3A_386 : i32 to vector<16xi32>
      %add3A_388 = vector.broadcast %scan3A_375 : i32 to vector<16xi32>
      %add3A_389 = arith.addi %broadcast_in_dim3A_387, %add3A_388 : vector<16xi32>
      %sub3A = arith.constant 14 : i32
      %sub3A_390 = vector.broadcast %sub3A : i32 to vector<16xi32>
      %sub3A_391 = arith.subi %shift_right_arithmetic3A_383, %sub3A_390 : vector<16xi32>
      %ge3A = arith.constant 14 : i32
      %ge3A_392 = vector.broadcast %ge3A : i32 to vector<16xi32>
      %ge3A_393 = arith.cmpi sge, %shift_right_arithmetic3A_383, %ge3A_392 : vector<16xi32>
      tpu.vector_store_idx %arg6[%sub3A_391, %and3A_385, %add3A_389], %broadcast_in_dim3A_6 masked %ge3A_393 : memref<14x32x128xf32, #tpu.memory_space<vmem>>[vector<16xi32>, vector<16xi32>, vector<16xi32>], vector<16xf32>, vector<16xi1>
      %scan3A_394 = arith.constant 0 : i32
      %scan3A_395 = arith.constant 1 : i32
      %scan3A_396 = arith.addi %scan3A_375, %scan3A_395 : i32
      %add3A_397 = arith.constant 256 : i32
      %add3A_398 = arith.addi %add3A_397, %scan3A_396 : i32
      %mul3A_399 = arith.constant 16 : i32
      %mul3A_400 = arith.muli %add3A_398, %mul3A_399 : i32
      %multiple_of3A_401 = tpu.assume_multiple %mul3A_400, 16 : i32
      %get3A_402 = arith.index_cast %multiple_of3A_401 : i32 to index
      %get3A_403 = tpu.vector_load %arg4[%get3A_402] {strides = array<i32>} : memref<8192xi32, #tpu.memory_space<vmem>>, vector<16xi32>,
      %shift_right_arithmetic3A_404 = arith.constant 5 : i32
      %shift_right_arithmetic3A_405 = vector.broadcast %shift_right_arithmetic3A_404 : i32 to vector<16xi32>
      %shift_right_arithmetic3A_406 = arith.shrsi %get3A_403, %shift_right_arithmetic3A_405 : vector<16xi32>
      %and3A_407 = arith.constant 31 : i32
      %and3A_408 = vector.broadcast %and3A_407 : i32 to vector<16xi32>
      %and3A_409 = arith.andi %get3A_403, %and3A_408 : vector<16xi32>
      %broadcast_in_dim3A_410 = arith.constant 0 : i32
      %broadcast_in_dim3A_411 = vector.broadcast %broadcast_in_dim3A_410 : i32 to vector<16xi32>
      %add3A_412 = vector.broadcast %scan3A_396 : i32 to vector<16xi32>
      %add3A_413 = arith.addi %broadcast_in_dim3A_411, %add3A_412 : vector<16xi32>
      %sub3A_414 = arith.constant 14 : i32
      %sub3A_415 = vector.broadcast %sub3A_414 : i32 to vector<16xi32>
      %sub3A_416 = arith.subi %shift_right_arithmetic3A_406, %sub3A_415 : vector<16xi32>
      %ge3A_417 = arith.constant 14 : i32
      %ge3A_418 = vector.broadcast %ge3A_417 : i32 to vector<16xi32>
      %ge3A_419 = arith.cmpi sge, %shift_right_arithmetic3A_406, %ge3A_418 : vector<16xi32>
      tpu.vector_store_idx %arg6[%sub3A_416, %and3A_409, %add3A_413], %broadcast_in_dim3A_6 masked %ge3A_419 : memref<14x32x128xf32, #tpu.memory_space<vmem>>[vector<16xi32>, vector<16xi32>, vector<16xi32>], vector<16xf32>, vector<16xi1>
      %scan3A_420 = arith.constant 0 : i32
      %scan3A_421 = arith.constant 2 : i32
      %scan3A_422 = arith.addi %scan3A_375, %scan3A_421 : i32
      %add3A_423 = arith.constant 256 : i32
      %add3A_424 = arith.addi %add3A_423, %scan3A_422 : i32
      %mul3A_425 = arith.constant 16 : i32
      %mul3A_426 = arith.muli %add3A_424, %mul3A_425 : i32
      %multiple_of3A_427 = tpu.assume_multiple %mul3A_426, 16 : i32
      %get3A_428 = arith.index_cast %multiple_of3A_427 : i32 to index
      %get3A_429 = tpu.vector_load %arg4[%get3A_428] {strides = array<i32>} : memref<8192xi32, #tpu.memory_space<vmem>>, vector<16xi32>,
      %shift_right_arithmetic3A_430 = arith.constant 5 : i32
      %shift_right_arithmetic3A_431 = vector.broadcast %shift_right_arithmetic3A_430 : i32 to vector<16xi32>
      %shift_right_arithmetic3A_432 = arith.shrsi %get3A_429, %shift_right_arithmetic3A_431 : vector<16xi32>
      %and3A_433 = arith.constant 31 : i32
      %and3A_434 = vector.broadcast %and3A_433 : i32 to vector<16xi32>
      %and3A_435 = arith.andi %get3A_429, %and3A_434 : vector<16xi32>
      %broadcast_in_dim3A_436 = arith.constant 0 : i32
      %broadcast_in_dim3A_437 = vector.broadcast %broadcast_in_dim3A_436 : i32 to vector<16xi32>
      %add3A_438 = vector.broadcast %scan3A_422 : i32 to vector<16xi32>
      %add3A_439 = arith.addi %broadcast_in_dim3A_437, %add3A_438 : vector<16xi32>
      %sub3A_440 = arith.constant 14 : i32
      %sub3A_441 = vector.broadcast %sub3A_440 : i32 to vector<16xi32>
      %sub3A_442 = arith.subi %shift_right_arithmetic3A_432, %sub3A_441 : vector<16xi32>
      %ge3A_443 = arith.constant 14 : i32
      %ge3A_444 = vector.broadcast %ge3A_443 : i32 to vector<16xi32>
      %ge3A_445 = arith.cmpi sge, %shift_right_arithmetic3A_432, %ge3A_444 : vector<16xi32>
      tpu.vector_store_idx %arg6[%sub3A_442, %and3A_435, %add3A_439], %broadcast_in_dim3A_6 masked %ge3A_445 : memref<14x32x128xf32, #tpu.memory_space<vmem>>[vector<16xi32>, vector<16xi32>, vector<16xi32>], vector<16xf32>, vector<16xi1>
      %scan3A_446 = arith.constant 0 : i32
      %scan3A_447 = arith.constant 3 : i32
      %scan3A_448 = arith.addi %scan3A_375, %scan3A_447 : i32
      %add3A_449 = arith.constant 256 : i32
      %add3A_450 = arith.addi %add3A_449, %scan3A_448 : i32
      %mul3A_451 = arith.constant 16 : i32
      %mul3A_452 = arith.muli %add3A_450, %mul3A_451 : i32
      %multiple_of3A_453 = tpu.assume_multiple %mul3A_452, 16 : i32
      %get3A_454 = arith.index_cast %multiple_of3A_453 : i32 to index
      %get3A_455 = tpu.vector_load %arg4[%get3A_454] {strides = array<i32>} : memref<8192xi32, #tpu.memory_space<vmem>>, vector<16xi32>,
      %shift_right_arithmetic3A_456 = arith.constant 5 : i32
      %shift_right_arithmetic3A_457 = vector.broadcast %shift_right_arithmetic3A_456 : i32 to vector<16xi32>
      %shift_right_arithmetic3A_458 = arith.shrsi %get3A_455, %shift_right_arithmetic3A_457 : vector<16xi32>
      %and3A_459 = arith.constant 31 : i32
      %and3A_460 = vector.broadcast %and3A_459 : i32 to vector<16xi32>
      %and3A_461 = arith.andi %get3A_455, %and3A_460 : vector<16xi32>
      %broadcast_in_dim3A_462 = arith.constant 0 : i32
      %broadcast_in_dim3A_463 = vector.broadcast %broadcast_in_dim3A_462 : i32 to vector<16xi32>
      %add3A_464 = vector.broadcast %scan3A_448 : i32 to vector<16xi32>
      %add3A_465 = arith.addi %broadcast_in_dim3A_463, %add3A_464 : vector<16xi32>
      %sub3A_466 = arith.constant 14 : i32
      %sub3A_467 = vector.broadcast %sub3A_466 : i32 to vector<16xi32>
      %sub3A_468 = arith.subi %shift_right_arithmetic3A_458, %sub3A_467 : vector<16xi32>
      %ge3A_469 = arith.constant 14 : i32
      %ge3A_470 = vector.broadcast %ge3A_469 : i32 to vector<16xi32>
      %ge3A_471 = arith.cmpi sge, %shift_right_arithmetic3A_458, %ge3A_470 : vector<16xi32>
      tpu.vector_store_idx %arg6[%sub3A_468, %and3A_461, %add3A_465], %broadcast_in_dim3A_6 masked %ge3A_471 : memref<14x32x128xf32, #tpu.memory_space<vmem>>[vector<16xi32>, vector<16xi32>, vector<16xi32>], vector<16xf32>, vector<16xi1>
      %scan3A_472 = arith.constant 0 : i32
      scf.yield %scan3A_472 : i32
    }
    %scan3A_242 = arith.constant 128 : i32
    %add3A_243 = arith.constant 256 : i32
    %add3A_244 = arith.addi %mul3A_22, %add3A_243 : i32
    %dma_start3A_245 = arith.constant 0 : i32
    %dma_start3A_246 = arith.constant 0 : i32
    %dma_start3A_247 = arith.constant 0 : i32
    %dma_start3A_248 = tpu.memref_slice %arg6[%dma_start3A_245, %dma_start3A_246, %dma_start3A_247] : memref<14x32x128xf32, #tpu.memory_space<vmem>> -> memref<14x28x128xf32, #tpu.memory_space<vmem>>
    %dma_start3A_249 = arith.constant 14 : i32
    %dma_start3A_250 = arith.constant 0 : i32
    %dma_start3A_251 = tpu.memref_slice %arg3[%dma_start3A_249, %dma_start3A_250, %add3A_244] : memref<28x28x16384xf32, #tpu.memory_space<hbm>> -> memref<14x28x128xf32, #tpu.memory_space<hbm>>
    %dma_start3A_252 = arith.constant 14 : i32
    %dma_start3A_253 = arith.constant 0 : i32
    %dma_start3A_254 = tpu.memref_slice %arg3[%dma_start3A_252, %dma_start3A_253, %add3A_244] : memref<28x28x16384xf32, #tpu.memory_space<hbm>> -> memref<14x28x128xf32, #tpu.memory_space<hbm>>
    %dma_start3A_255 = arith.constant 0 : i32
    %dma_start3A_256 = arith.constant 0 : i32
    %dma_start3A_257 = arith.constant 0 : i32
    %dma_start3A_258 = tpu.memref_slice %arg6[%dma_start3A_255, %dma_start3A_256, %dma_start3A_257] : memref<14x32x128xf32, #tpu.memory_space<vmem>> -> memref<14x28x128xf32, #tpu.memory_space<vmem>>
    tpu.enqueue_dma source(%dma_start3A_258 : memref<14x28x128xf32, #tpu.memory_space<vmem>>) target(%dma_start3A_254 : memref<14x28x128xf32, #tpu.memory_space<hbm>>) target_semaphore(%arg8 : memref<!tpu.dma_semaphore, #tpu.memory_space<semaphore_mem>>)
    %dma_wait3A_259 = arith.constant 0 : i32
    %dma_wait3A_260 = arith.constant 0 : i32
    %dma_wait3A_261 = arith.constant 0 : i32
    %dma_wait3A_262 = tpu.memref_slice %arg5[%dma_wait3A_259, %dma_wait3A_260, %dma_wait3A_261] : memref<14x32x128xf32, #tpu.memory_space<vmem>> -> memref<14x28x128xf32, #tpu.memory_space<vmem>>
    %dma_wait3A_263 = arith.constant 0 : i32
    %dma_wait3A_264 = arith.constant 0 : i32
    %dma_wait3A_265 = tpu.memref_slice %arg3[%dma_wait3A_263, %dma_wait3A_264, %add3A_200] : memref<28x28x16384xf32, #tpu.memory_space<hbm>> -> memref<14x28x128xf32, #tpu.memory_space<hbm>>
    %dma_wait3A_266 = arith.constant 0 : i32
    %dma_wait3A_267 = arith.constant 0 : i32
    %dma_wait3A_268 = tpu.memref_slice %arg3[%dma_wait3A_266, %dma_wait3A_267, %add3A_200] : memref<28x28x16384xf32, #tpu.memory_space<hbm>> -> memref<14x28x128xf32, #tpu.memory_space<hbm>>
    %dma_wait3A_269 = arith.constant 0 : i32
    %dma_wait3A_270 = arith.constant 0 : i32
    %dma_wait3A_271 = arith.constant 0 : i32
    %dma_wait3A_272 = tpu.memref_slice %arg5[%dma_wait3A_269, %dma_wait3A_270, %dma_wait3A_271] : memref<14x32x128xf32, #tpu.memory_space<vmem>> -> memref<14x28x128xf32, #tpu.memory_space<vmem>>
    tpu.wait_dma2 semaphore(%arg7 : memref<!tpu.dma_semaphore, #tpu.memory_space<semaphore_mem>>) src(%dma_wait3A_272 : memref<14x28x128xf32, #tpu.memory_space<vmem>>) dst(%dma_wait3A_268 : memref<14x28x128xf32, #tpu.memory_space<hbm>>)
    %scan3A_273 = arith.constant 0 : i32
    %scan3A_274 = arith.constant 0 : i32
    %scan3A_275 = arith.constant 128 : i32
    %scan3A_276 = arith.addi %scan3A_274, %scan3A_275 : i32
    %scan3A_277 = arith.constant 4 : i32
    %scan3A_278 = scf.for %scan3A_375 = %scan3A_274 to %scan3A_276 step %scan3A_277 iter_args(%scan3A_376 = %scan3A_273) -> (i32)  : i32 {
      %add3A_377 = arith.constant 256 : i32
      %add3A_378 = arith.addi %add3A_377, %scan3A_375 : i32
      %mul3A_379 = arith.constant 16 : i32
      %mul3A_380 = arith.muli %add3A_378, %mul3A_379 : i32
      %multiple_of3A = tpu.assume_multiple %mul3A_380, 16 : i32
      %get3A = arith.index_cast %multiple_of3A : i32 to index
      %get3A_381 = tpu.vector_load %arg4[%get3A] {strides = array<i32>} : memref<8192xi32, #tpu.memory_space<vmem>>, vector<16xi32>,
      %shift_right_arithmetic3A = arith.constant 5 : i32
      %shift_right_arithmetic3A_382 = vector.broadcast %shift_right_arithmetic3A : i32 to vector<16xi32>
      %shift_right_arithmetic3A_383 = arith.shrsi %get3A_381, %shift_right_arithmetic3A_382 : vector<16xi32>
      %and3A = arith.constant 31 : i32
      %and3A_384 = vector.broadcast %and3A : i32 to vector<16xi32>
      %and3A_385 = arith.andi %get3A_381, %and3A_384 : vector<16xi32>
      %broadcast_in_dim3A_386 = arith.constant 0 : i32
      %broadcast_in_dim3A_387 = vector.broadcast %broadcast_in_dim3A_386 : i32 to vector<16xi32>
      %add3A_388 = vector.broadcast %scan3A_375 : i32 to vector<16xi32>
      %add3A_389 = arith.addi %broadcast_in_dim3A_387, %add3A_388 : vector<16xi32>
      %lt3A = arith.constant 14 : i32
      %lt3A_390 = vector.broadcast %lt3A : i32 to vector<16xi32>
      %lt3A_391 = arith.cmpi slt, %shift_right_arithmetic3A_383, %lt3A_390 : vector<16xi32>
      tpu.vector_store_idx %arg5[%shift_right_arithmetic3A_383, %and3A_385, %add3A_389], %broadcast_in_dim3A_4 masked %lt3A_391 : memref<14x32x128xf32, #tpu.memory_space<vmem>>[vector<16xi32>, vector<16xi32>, vector<16xi32>], vector<16xf32>, vector<16xi1>
      %scan3A_392 = arith.constant 0 : i32
      %scan3A_393 = arith.constant 1 : i32
      %scan3A_394 = arith.addi %scan3A_375, %scan3A_393 : i32
      %add3A_395 = arith.constant 256 : i32
      %add3A_396 = arith.addi %add3A_395, %scan3A_394 : i32
      %mul3A_397 = arith.constant 16 : i32
      %mul3A_398 = arith.muli %add3A_396, %mul3A_397 : i32
      %multiple_of3A_399 = tpu.assume_multiple %mul3A_398, 16 : i32
      %get3A_400 = arith.index_cast %multiple_of3A_399 : i32 to index
      %get3A_401 = tpu.vector_load %arg4[%get3A_400] {strides = array<i32>} : memref<8192xi32, #tpu.memory_space<vmem>>, vector<16xi32>,
      %shift_right_arithmetic3A_402 = arith.constant 5 : i32
      %shift_right_arithmetic3A_403 = vector.broadcast %shift_right_arithmetic3A_402 : i32 to vector<16xi32>
      %shift_right_arithmetic3A_404 = arith.shrsi %get3A_401, %shift_right_arithmetic3A_403 : vector<16xi32>
      %and3A_405 = arith.constant 31 : i32
      %and3A_406 = vector.broadcast %and3A_405 : i32 to vector<16xi32>
      %and3A_407 = arith.andi %get3A_401, %and3A_406 : vector<16xi32>
      %broadcast_in_dim3A_408 = arith.constant 0 : i32
      %broadcast_in_dim3A_409 = vector.broadcast %broadcast_in_dim3A_408 : i32 to vector<16xi32>
      %add3A_410 = vector.broadcast %scan3A_394 : i32 to vector<16xi32>
      %add3A_411 = arith.addi %broadcast_in_dim3A_409, %add3A_410 : vector<16xi32>
      %lt3A_412 = arith.constant 14 : i32
      %lt3A_413 = vector.broadcast %lt3A_412 : i32 to vector<16xi32>
      %lt3A_414 = arith.cmpi slt, %shift_right_arithmetic3A_404, %lt3A_413 : vector<16xi32>
      tpu.vector_store_idx %arg5[%shift_right_arithmetic3A_404, %and3A_407, %add3A_411], %broadcast_in_dim3A_4 masked %lt3A_414 : memref<14x32x128xf32, #tpu.memory_space<vmem>>[vector<16xi32>, vector<16xi32>, vector<16xi32>], vector<16xf32>, vector<16xi1>
      %scan3A_415 = arith.constant 0 : i32
      %scan3A_416 = arith.constant 2 : i32
      %scan3A_417 = arith.addi %scan3A_375, %scan3A_416 : i32
      %add3A_418 = arith.constant 256 : i32
      %add3A_419 = arith.addi %add3A_418, %scan3A_417 : i32
      %mul3A_420 = arith.constant 16 : i32
      %mul3A_421 = arith.muli %add3A_419, %mul3A_420 : i32
      %multiple_of3A_422 = tpu.assume_multiple %mul3A_421, 16 : i32
      %get3A_423 = arith.index_cast %multiple_of3A_422 : i32 to index
      %get3A_424 = tpu.vector_load %arg4[%get3A_423] {strides = array<i32>} : memref<8192xi32, #tpu.memory_space<vmem>>, vector<16xi32>,
      %shift_right_arithmetic3A_425 = arith.constant 5 : i32
      %shift_right_arithmetic3A_426 = vector.broadcast %shift_right_arithmetic3A_425 : i32 to vector<16xi32>
      %shift_right_arithmetic3A_427 = arith.shrsi %get3A_424, %shift_right_arithmetic3A_426 : vector<16xi32>
      %and3A_428 = arith.constant 31 : i32
      %and3A_429 = vector.broadcast %and3A_428 : i32 to vector<16xi32>
      %and3A_430 = arith.andi %get3A_424, %and3A_429 : vector<16xi32>
      %broadcast_in_dim3A_431 = arith.constant 0 : i32
      %broadcast_in_dim3A_432 = vector.broadcast %broadcast_in_dim3A_431 : i32 to vector<16xi32>
      %add3A_433 = vector.broadcast %scan3A_417 : i32 to vector<16xi32>
      %add3A_434 = arith.addi %broadcast_in_dim3A_432, %add3A_433 : vector<16xi32>
      %lt3A_435 = arith.constant 14 : i32
      %lt3A_436 = vector.broadcast %lt3A_435 : i32 to vector<16xi32>
      %lt3A_437 = arith.cmpi slt, %shift_right_arithmetic3A_427, %lt3A_436 : vector<16xi32>
      tpu.vector_store_idx %arg5[%shift_right_arithmetic3A_427, %and3A_430, %add3A_434], %broadcast_in_dim3A_4 masked %lt3A_437 : memref<14x32x128xf32, #tpu.memory_space<vmem>>[vector<16xi32>, vector<16xi32>, vector<16xi32>], vector<16xf32>, vector<16xi1>
      %scan3A_438 = arith.constant 0 : i32
      %scan3A_439 = arith.constant 3 : i32
      %scan3A_440 = arith.addi %scan3A_375, %scan3A_439 : i32
      %add3A_441 = arith.constant 256 : i32
      %add3A_442 = arith.addi %add3A_441, %scan3A_440 : i32
      %mul3A_443 = arith.constant 16 : i32
      %mul3A_444 = arith.muli %add3A_442, %mul3A_443 : i32
      %multiple_of3A_445 = tpu.assume_multiple %mul3A_444, 16 : i32
      %get3A_446 = arith.index_cast %multiple_of3A_445 : i32 to index
      %get3A_447 = tpu.vector_load %arg4[%get3A_446] {strides = array<i32>} : memref<8192xi32, #tpu.memory_space<vmem>>, vector<16xi32>,
      %shift_right_arithmetic3A_448 = arith.constant 5 : i32
      %shift_right_arithmetic3A_449 = vector.broadcast %shift_right_arithmetic3A_448 : i32 to vector<16xi32>
      %shift_right_arithmetic3A_450 = arith.shrsi %get3A_447, %shift_right_arithmetic3A_449 : vector<16xi32>
      %and3A_451 = arith.constant 31 : i32
      %and3A_452 = vector.broadcast %and3A_451 : i32 to vector<16xi32>
      %and3A_453 = arith.andi %get3A_447, %and3A_452 : vector<16xi32>
      %broadcast_in_dim3A_454 = arith.constant 0 : i32
      %broadcast_in_dim3A_455 = vector.broadcast %broadcast_in_dim3A_454 : i32 to vector<16xi32>
      %add3A_456 = vector.broadcast %scan3A_440 : i32 to vector<16xi32>
      %add3A_457 = arith.addi %broadcast_in_dim3A_455, %add3A_456 : vector<16xi32>
      %lt3A_458 = arith.constant 14 : i32
      %lt3A_459 = vector.broadcast %lt3A_458 : i32 to vector<16xi32>
      %lt3A_460 = arith.cmpi slt, %shift_right_arithmetic3A_450, %lt3A_459 : vector<16xi32>
      tpu.vector_store_idx %arg5[%shift_right_arithmetic3A_450, %and3A_453, %add3A_457], %broadcast_in_dim3A_4 masked %lt3A_460 : memref<14x32x128xf32, #tpu.memory_space<vmem>>[vector<16xi32>, vector<16xi32>, vector<16xi32>], vector<16xf32>, vector<16xi1>
      %scan3A_461 = arith.constant 0 : i32
      scf.yield %scan3A_461 : i32
    }
    %scan3A_279 = arith.constant 128 : i32
    %scan3A_280 = arith.constant 0 : i32
    %scan3A_281 = arith.constant 0 : i32
    %scan3A_282 = arith.constant 128 : i32
    %scan3A_283 = arith.addi %scan3A_281, %scan3A_282 : i32
    %scan3A_284 = arith.constant 4 : i32
    %scan3A_285 = scf.for %scan3A_375 = %scan3A_281 to %scan3A_283 step %scan3A_284 iter_args(%scan3A_376 = %scan3A_280) -> (i32)  : i32 {
      %add3A_377 = arith.constant 384 : i32
      %add3A_378 = arith.addi %add3A_377, %scan3A_375 : i32
      %mul3A_379 = arith.constant 16 : i32
      %mul3A_380 = arith.muli %add3A_378, %mul3A_379 : i32
      %multiple_of3A = tpu.assume_multiple %mul3A_380, 16 : i32
      %get3A = arith.index_cast %multiple_of3A : i32 to index
      %get3A_381 = tpu.vector_load %arg4[%get3A] {strides = array<i32>} : memref<8192xi32, #tpu.memory_space<vmem>>, vector<16xi32>,
      %shift_right_arithmetic3A = arith.constant 5 : i32
      %shift_right_arithmetic3A_382 = vector.broadcast %shift_right_arithmetic3A : i32 to vector<16xi32>
      %shift_right_arithmetic3A_383 = arith.shrsi %get3A_381, %shift_right_arithmetic3A_382 : vector<16xi32>
      %and3A = arith.constant 31 : i32
      %and3A_384 = vector.broadcast %and3A : i32 to vector<16xi32>
      %and3A_385 = arith.andi %get3A_381, %and3A_384 : vector<16xi32>
      %broadcast_in_dim3A_386 = arith.constant 0 : i32
      %broadcast_in_dim3A_387 = vector.broadcast %broadcast_in_dim3A_386 : i32 to vector<16xi32>
      %add3A_388 = vector.broadcast %scan3A_375 : i32 to vector<16xi32>
      %add3A_389 = arith.addi %broadcast_in_dim3A_387, %add3A_388 : vector<16xi32>
      %lt3A = arith.constant 14 : i32
      %lt3A_390 = vector.broadcast %lt3A : i32 to vector<16xi32>
      %lt3A_391 = arith.cmpi slt, %shift_right_arithmetic3A_383, %lt3A_390 : vector<16xi32>
      tpu.vector_store_idx %arg5[%shift_right_arithmetic3A_383, %and3A_385, %add3A_389], %broadcast_in_dim3A_6 masked %lt3A_391 : memref<14x32x128xf32, #tpu.memory_space<vmem>>[vector<16xi32>, vector<16xi32>, vector<16xi32>], vector<16xf32>, vector<16xi1>
      %scan3A_392 = arith.constant 0 : i32
      %scan3A_393 = arith.constant 1 : i32
      %scan3A_394 = arith.addi %scan3A_375, %scan3A_393 : i32
      %add3A_395 = arith.constant 384 : i32
      %add3A_396 = arith.addi %add3A_395, %scan3A_394 : i32
      %mul3A_397 = arith.constant 16 : i32
      %mul3A_398 = arith.muli %add3A_396, %mul3A_397 : i32
      %multiple_of3A_399 = tpu.assume_multiple %mul3A_398, 16 : i32
      %get3A_400 = arith.index_cast %multiple_of3A_399 : i32 to index
      %get3A_401 = tpu.vector_load %arg4[%get3A_400] {strides = array<i32>} : memref<8192xi32, #tpu.memory_space<vmem>>, vector<16xi32>,
      %shift_right_arithmetic3A_402 = arith.constant 5 : i32
      %shift_right_arithmetic3A_403 = vector.broadcast %shift_right_arithmetic3A_402 : i32 to vector<16xi32>
      %shift_right_arithmetic3A_404 = arith.shrsi %get3A_401, %shift_right_arithmetic3A_403 : vector<16xi32>
      %and3A_405 = arith.constant 31 : i32
      %and3A_406 = vector.broadcast %and3A_405 : i32 to vector<16xi32>
      %and3A_407 = arith.andi %get3A_401, %and3A_406 : vector<16xi32>
      %broadcast_in_dim3A_408 = arith.constant 0 : i32
      %broadcast_in_dim3A_409 = vector.broadcast %broadcast_in_dim3A_408 : i32 to vector<16xi32>
      %add3A_410 = vector.broadcast %scan3A_394 : i32 to vector<16xi32>
      %add3A_411 = arith.addi %broadcast_in_dim3A_409, %add3A_410 : vector<16xi32>
      %lt3A_412 = arith.constant 14 : i32
      %lt3A_413 = vector.broadcast %lt3A_412 : i32 to vector<16xi32>
      %lt3A_414 = arith.cmpi slt, %shift_right_arithmetic3A_404, %lt3A_413 : vector<16xi32>
      tpu.vector_store_idx %arg5[%shift_right_arithmetic3A_404, %and3A_407, %add3A_411], %broadcast_in_dim3A_6 masked %lt3A_414 : memref<14x32x128xf32, #tpu.memory_space<vmem>>[vector<16xi32>, vector<16xi32>, vector<16xi32>], vector<16xf32>, vector<16xi1>
      %scan3A_415 = arith.constant 0 : i32
      %scan3A_416 = arith.constant 2 : i32
      %scan3A_417 = arith.addi %scan3A_375, %scan3A_416 : i32
      %add3A_418 = arith.constant 384 : i32
      %add3A_419 = arith.addi %add3A_418, %scan3A_417 : i32
      %mul3A_420 = arith.constant 16 : i32
      %mul3A_421 = arith.muli %add3A_419, %mul3A_420 : i32
      %multiple_of3A_422 = tpu.assume_multiple %mul3A_421, 16 : i32
      %get3A_423 = arith.index_cast %multiple_of3A_422 : i32 to index
      %get3A_424 = tpu.vector_load %arg4[%get3A_423] {strides = array<i32>} : memref<8192xi32, #tpu.memory_space<vmem>>, vector<16xi32>,
      %shift_right_arithmetic3A_425 = arith.constant 5 : i32
      %shift_right_arithmetic3A_426 = vector.broadcast %shift_right_arithmetic3A_425 : i32 to vector<16xi32>
      %shift_right_arithmetic3A_427 = arith.shrsi %get3A_424, %shift_right_arithmetic3A_426 : vector<16xi32>
      %and3A_428 = arith.constant 31 : i32
      %and3A_429 = vector.broadcast %and3A_428 : i32 to vector<16xi32>
      %and3A_430 = arith.andi %get3A_424, %and3A_429 : vector<16xi32>
      %broadcast_in_dim3A_431 = arith.constant 0 : i32
      %broadcast_in_dim3A_432 = vector.broadcast %broadcast_in_dim3A_431 : i32 to vector<16xi32>
      %add3A_433 = vector.broadcast %scan3A_417 : i32 to vector<16xi32>
      %add3A_434 = arith.addi %broadcast_in_dim3A_432, %add3A_433 : vector<16xi32>
      %lt3A_435 = arith.constant 14 : i32
      %lt3A_436 = vector.broadcast %lt3A_435 : i32 to vector<16xi32>
      %lt3A_437 = arith.cmpi slt, %shift_right_arithmetic3A_427, %lt3A_436 : vector<16xi32>
      tpu.vector_store_idx %arg5[%shift_right_arithmetic3A_427, %and3A_430, %add3A_434], %broadcast_in_dim3A_6 masked %lt3A_437 : memref<14x32x128xf32, #tpu.memory_space<vmem>>[vector<16xi32>, vector<16xi32>, vector<16xi32>], vector<16xf32>, vector<16xi1>
      %scan3A_438 = arith.constant 0 : i32
      %scan3A_439 = arith.constant 3 : i32
      %scan3A_440 = arith.addi %scan3A_375, %scan3A_439 : i32
      %add3A_441 = arith.constant 384 : i32
      %add3A_442 = arith.addi %add3A_441, %scan3A_440 : i32
      %mul3A_443 = arith.constant 16 : i32
      %mul3A_444 = arith.muli %add3A_442, %mul3A_443 : i32
      %multiple_of3A_445 = tpu.assume_multiple %mul3A_444, 16 : i32
      %get3A_446 = arith.index_cast %multiple_of3A_445 : i32 to index
      %get3A_447 = tpu.vector_load %arg4[%get3A_446] {strides = array<i32>} : memref<8192xi32, #tpu.memory_space<vmem>>, vector<16xi32>,
      %shift_right_arithmetic3A_448 = arith.constant 5 : i32
      %shift_right_arithmetic3A_449 = vector.broadcast %shift_right_arithmetic3A_448 : i32 to vector<16xi32>
      %shift_right_arithmetic3A_450 = arith.shrsi %get3A_447, %shift_right_arithmetic3A_449 : vector<16xi32>
      %and3A_451 = arith.constant 31 : i32
      %and3A_452 = vector.broadcast %and3A_451 : i32 to vector<16xi32>
      %and3A_453 = arith.andi %get3A_447, %and3A_452 : vector<16xi32>
      %broadcast_in_dim3A_454 = arith.constant 0 : i32
      %broadcast_in_dim3A_455 = vector.broadcast %broadcast_in_dim3A_454 : i32 to vector<16xi32>
      %add3A_456 = vector.broadcast %scan3A_440 : i32 to vector<16xi32>
      %add3A_457 = arith.addi %broadcast_in_dim3A_455, %add3A_456 : vector<16xi32>
      %lt3A_458 = arith.constant 14 : i32
      %lt3A_459 = vector.broadcast %lt3A_458 : i32 to vector<16xi32>
      %lt3A_460 = arith.cmpi slt, %shift_right_arithmetic3A_450, %lt3A_459 : vector<16xi32>
      tpu.vector_store_idx %arg5[%shift_right_arithmetic3A_450, %and3A_453, %add3A_457], %broadcast_in_dim3A_6 masked %lt3A_460 : memref<14x32x128xf32, #tpu.memory_space<vmem>>[vector<16xi32>, vector<16xi32>, vector<16xi32>], vector<16xf32>, vector<16xi1>
      %scan3A_461 = arith.constant 0 : i32
      scf.yield %scan3A_461 : i32
    }
    %scan3A_286 = arith.constant 128 : i32
    %add3A_287 = arith.constant 384 : i32
    %add3A_288 = arith.addi %mul3A_22, %add3A_287 : i32
    %dma_start3A_289 = arith.constant 0 : i32
    %dma_start3A_290 = arith.constant 0 : i32
    %dma_start3A_291 = arith.constant 0 : i32
    %dma_start3A_292 = tpu.memref_slice %arg5[%dma_start3A_289, %dma_start3A_290, %dma_start3A_291] : memref<14x32x128xf32, #tpu.memory_space<vmem>> -> memref<14x28x128xf32, #tpu.memory_space<vmem>>
    %dma_start3A_293 = arith.constant 0 : i32
    %dma_start3A_294 = arith.constant 0 : i32
    %dma_start3A_295 = tpu.memref_slice %arg3[%dma_start3A_293, %dma_start3A_294, %add3A_288] : memref<28x28x16384xf32, #tpu.memory_space<hbm>> -> memref<14x28x128xf32, #tpu.memory_space<hbm>>
    %dma_start3A_296 = arith.constant 0 : i32
    %dma_start3A_297 = arith.constant 0 : i32
    %dma_start3A_298 = tpu.memref_slice %arg3[%dma_start3A_296, %dma_start3A_297, %add3A_288] : memref<28x28x16384xf32, #tpu.memory_space<hbm>> -> memref<14x28x128xf32, #tpu.memory_space<hbm>>
    %dma_start3A_299 = arith.constant 0 : i32
    %dma_start3A_300 = arith.constant 0 : i32
    %dma_start3A_301 = arith.constant 0 : i32
    %dma_start3A_302 = tpu.memref_slice %arg5[%dma_start3A_299, %dma_start3A_300, %dma_start3A_301] : memref<14x32x128xf32, #tpu.memory_space<vmem>> -> memref<14x28x128xf32, #tpu.memory_space<vmem>>
    tpu.enqueue_dma source(%dma_start3A_302 : memref<14x28x128xf32, #tpu.memory_space<vmem>>) target(%dma_start3A_298 : memref<14x28x128xf32, #tpu.memory_space<hbm>>) target_semaphore(%arg7 : memref<!tpu.dma_semaphore, #tpu.memory_space<semaphore_mem>>)
    %dma_wait3A_303 = arith.constant 0 : i32
    %dma_wait3A_304 = arith.constant 0 : i32
    %dma_wait3A_305 = arith.constant 0 : i32
    %dma_wait3A_306 = tpu.memref_slice %arg6[%dma_wait3A_303, %dma_wait3A_304, %dma_wait3A_305] : memref<14x32x128xf32, #tpu.memory_space<vmem>> -> memref<14x28x128xf32, #tpu.memory_space<vmem>>
    %dma_wait3A_307 = arith.constant 14 : i32
    %dma_wait3A_308 = arith.constant 0 : i32
    %dma_wait3A_309 = tpu.memref_slice %arg3[%dma_wait3A_307, %dma_wait3A_308, %add3A_244] : memref<28x28x16384xf32, #tpu.memory_space<hbm>> -> memref<14x28x128xf32, #tpu.memory_space<hbm>>
    %dma_wait3A_310 = arith.constant 14 : i32
    %dma_wait3A_311 = arith.constant 0 : i32
    %dma_wait3A_312 = tpu.memref_slice %arg3[%dma_wait3A_310, %dma_wait3A_311, %add3A_244] : memref<28x28x16384xf32, #tpu.memory_space<hbm>> -> memref<14x28x128xf32, #tpu.memory_space<hbm>>
    %dma_wait3A_313 = arith.constant 0 : i32
    %dma_wait3A_314 = arith.constant 0 : i32
    %dma_wait3A_315 = arith.constant 0 : i32
    %dma_wait3A_316 = tpu.memref_slice %arg6[%dma_wait3A_313, %dma_wait3A_314, %dma_wait3A_315] : memref<14x32x128xf32, #tpu.memory_space<vmem>> -> memref<14x28x128xf32, #tpu.memory_space<vmem>>
    tpu.wait_dma2 semaphore(%arg8 : memref<!tpu.dma_semaphore, #tpu.memory_space<semaphore_mem>>) src(%dma_wait3A_316 : memref<14x28x128xf32, #tpu.memory_space<vmem>>) dst(%dma_wait3A_312 : memref<14x28x128xf32, #tpu.memory_space<hbm>>)
    %scan3A_317 = arith.constant 0 : i32
    %scan3A_318 = arith.constant 0 : i32
    %scan3A_319 = arith.constant 128 : i32
    %scan3A_320 = arith.addi %scan3A_318, %scan3A_319 : i32
    %scan3A_321 = arith.constant 4 : i32
    %scan3A_322 = scf.for %scan3A_375 = %scan3A_318 to %scan3A_320 step %scan3A_321 iter_args(%scan3A_376 = %scan3A_317) -> (i32)  : i32 {
      %add3A_377 = arith.constant 256 : i32
      %add3A_378 = arith.addi %add3A_377, %scan3A_375 : i32
      %mul3A_379 = arith.constant 16 : i32
      %mul3A_380 = arith.muli %add3A_378, %mul3A_379 : i32
      %multiple_of3A = tpu.assume_multiple %mul3A_380, 16 : i32
      %get3A = arith.index_cast %multiple_of3A : i32 to index
      %get3A_381 = tpu.vector_load %arg4[%get3A] {strides = array<i32>} : memref<8192xi32, #tpu.memory_space<vmem>>, vector<16xi32>,
      %shift_right_arithmetic3A = arith.constant 5 : i32
      %shift_right_arithmetic3A_382 = vector.broadcast %shift_right_arithmetic3A : i32 to vector<16xi32>
      %shift_right_arithmetic3A_383 = arith.shrsi %get3A_381, %shift_right_arithmetic3A_382 : vector<16xi32>
      %and3A = arith.constant 31 : i32
      %and3A_384 = vector.broadcast %and3A : i32 to vector<16xi32>
      %and3A_385 = arith.andi %get3A_381, %and3A_384 : vector<16xi32>
      %broadcast_in_dim3A_386 = arith.constant 0 : i32
      %broadcast_in_dim3A_387 = vector.broadcast %broadcast_in_dim3A_386 : i32 to vector<16xi32>
      %add3A_388 = vector.broadcast %scan3A_375 : i32 to vector<16xi32>
      %add3A_389 = arith.addi %broadcast_in_dim3A_387, %add3A_388 : vector<16xi32>
      %sub3A = arith.constant 14 : i32
      %sub3A_390 = vector.broadcast %sub3A : i32 to vector<16xi32>
      %sub3A_391 = arith.subi %shift_right_arithmetic3A_383, %sub3A_390 : vector<16xi32>
      %ge3A = arith.constant 14 : i32
      %ge3A_392 = vector.broadcast %ge3A : i32 to vector<16xi32>
      %ge3A_393 = arith.cmpi sge, %shift_right_arithmetic3A_383, %ge3A_392 : vector<16xi32>
      tpu.vector_store_idx %arg6[%sub3A_391, %and3A_385, %add3A_389], %broadcast_in_dim3A_4 masked %ge3A_393 : memref<14x32x128xf32, #tpu.memory_space<vmem>>[vector<16xi32>, vector<16xi32>, vector<16xi32>], vector<16xf32>, vector<16xi1>
      %scan3A_394 = arith.constant 0 : i32
      %scan3A_395 = arith.constant 1 : i32
      %scan3A_396 = arith.addi %scan3A_375, %scan3A_395 : i32
      %add3A_397 = arith.constant 256 : i32
      %add3A_398 = arith.addi %add3A_397, %scan3A_396 : i32
      %mul3A_399 = arith.constant 16 : i32
      %mul3A_400 = arith.muli %add3A_398, %mul3A_399 : i32
      %multiple_of3A_401 = tpu.assume_multiple %mul3A_400, 16 : i32
      %get3A_402 = arith.index_cast %multiple_of3A_401 : i32 to index
      %get3A_403 = tpu.vector_load %arg4[%get3A_402] {strides = array<i32>} : memref<8192xi32, #tpu.memory_space<vmem>>, vector<16xi32>,
      %shift_right_arithmetic3A_404 = arith.constant 5 : i32
      %shift_right_arithmetic3A_405 = vector.broadcast %shift_right_arithmetic3A_404 : i32 to vector<16xi32>
      %shift_right_arithmetic3A_406 = arith.shrsi %get3A_403, %shift_right_arithmetic3A_405 : vector<16xi32>
      %and3A_407 = arith.constant 31 : i32
      %and3A_408 = vector.broadcast %and3A_407 : i32 to vector<16xi32>
      %and3A_409 = arith.andi %get3A_403, %and3A_408 : vector<16xi32>
      %broadcast_in_dim3A_410 = arith.constant 0 : i32
      %broadcast_in_dim3A_411 = vector.broadcast %broadcast_in_dim3A_410 : i32 to vector<16xi32>
      %add3A_412 = vector.broadcast %scan3A_396 : i32 to vector<16xi32>
      %add3A_413 = arith.addi %broadcast_in_dim3A_411, %add3A_412 : vector<16xi32>
      %sub3A_414 = arith.constant 14 : i32
      %sub3A_415 = vector.broadcast %sub3A_414 : i32 to vector<16xi32>
      %sub3A_416 = arith.subi %shift_right_arithmetic3A_406, %sub3A_415 : vector<16xi32>
      %ge3A_417 = arith.constant 14 : i32
      %ge3A_418 = vector.broadcast %ge3A_417 : i32 to vector<16xi32>
      %ge3A_419 = arith.cmpi sge, %shift_right_arithmetic3A_406, %ge3A_418 : vector<16xi32>
      tpu.vector_store_idx %arg6[%sub3A_416, %and3A_409, %add3A_413], %broadcast_in_dim3A_4 masked %ge3A_419 : memref<14x32x128xf32, #tpu.memory_space<vmem>>[vector<16xi32>, vector<16xi32>, vector<16xi32>], vector<16xf32>, vector<16xi1>
      %scan3A_420 = arith.constant 0 : i32
      %scan3A_421 = arith.constant 2 : i32
      %scan3A_422 = arith.addi %scan3A_375, %scan3A_421 : i32
      %add3A_423 = arith.constant 256 : i32
      %add3A_424 = arith.addi %add3A_423, %scan3A_422 : i32
      %mul3A_425 = arith.constant 16 : i32
      %mul3A_426 = arith.muli %add3A_424, %mul3A_425 : i32
      %multiple_of3A_427 = tpu.assume_multiple %mul3A_426, 16 : i32
      %get3A_428 = arith.index_cast %multiple_of3A_427 : i32 to index
      %get3A_429 = tpu.vector_load %arg4[%get3A_428] {strides = array<i32>} : memref<8192xi32, #tpu.memory_space<vmem>>, vector<16xi32>,
      %shift_right_arithmetic3A_430 = arith.constant 5 : i32
      %shift_right_arithmetic3A_431 = vector.broadcast %shift_right_arithmetic3A_430 : i32 to vector<16xi32>
      %shift_right_arithmetic3A_432 = arith.shrsi %get3A_429, %shift_right_arithmetic3A_431 : vector<16xi32>
      %and3A_433 = arith.constant 31 : i32
      %and3A_434 = vector.broadcast %and3A_433 : i32 to vector<16xi32>
      %and3A_435 = arith.andi %get3A_429, %and3A_434 : vector<16xi32>
      %broadcast_in_dim3A_436 = arith.constant 0 : i32
      %broadcast_in_dim3A_437 = vector.broadcast %broadcast_in_dim3A_436 : i32 to vector<16xi32>
      %add3A_438 = vector.broadcast %scan3A_422 : i32 to vector<16xi32>
      %add3A_439 = arith.addi %broadcast_in_dim3A_437, %add3A_438 : vector<16xi32>
      %sub3A_440 = arith.constant 14 : i32
      %sub3A_441 = vector.broadcast %sub3A_440 : i32 to vector<16xi32>
      %sub3A_442 = arith.subi %shift_right_arithmetic3A_432, %sub3A_441 : vector<16xi32>
      %ge3A_443 = arith.constant 14 : i32
      %ge3A_444 = vector.broadcast %ge3A_443 : i32 to vector<16xi32>
      %ge3A_445 = arith.cmpi sge, %shift_right_arithmetic3A_432, %ge3A_444 : vector<16xi32>
      tpu.vector_store_idx %arg6[%sub3A_442, %and3A_435, %add3A_439], %broadcast_in_dim3A_4 masked %ge3A_445 : memref<14x32x128xf32, #tpu.memory_space<vmem>>[vector<16xi32>, vector<16xi32>, vector<16xi32>], vector<16xf32>, vector<16xi1>
      %scan3A_446 = arith.constant 0 : i32
      %scan3A_447 = arith.constant 3 : i32
      %scan3A_448 = arith.addi %scan3A_375, %scan3A_447 : i32
      %add3A_449 = arith.constant 256 : i32
      %add3A_450 = arith.addi %add3A_449, %scan3A_448 : i32
      %mul3A_451 = arith.constant 16 : i32
      %mul3A_452 = arith.muli %add3A_450, %mul3A_451 : i32
      %multiple_of3A_453 = tpu.assume_multiple %mul3A_452, 16 : i32
      %get3A_454 = arith.index_cast %multiple_of3A_453 : i32 to index
      %get3A_455 = tpu.vector_load %arg4[%get3A_454] {strides = array<i32>} : memref<8192xi32, #tpu.memory_space<vmem>>, vector<16xi32>,
      %shift_right_arithmetic3A_456 = arith.constant 5 : i32
      %shift_right_arithmetic3A_457 = vector.broadcast %shift_right_arithmetic3A_456 : i32 to vector<16xi32>
      %shift_right_arithmetic3A_458 = arith.shrsi %get3A_455, %shift_right_arithmetic3A_457 : vector<16xi32>
      %and3A_459 = arith.constant 31 : i32
      %and3A_460 = vector.broadcast %and3A_459 : i32 to vector<16xi32>
      %and3A_461 = arith.andi %get3A_455, %and3A_460 : vector<16xi32>
      %broadcast_in_dim3A_462 = arith.constant 0 : i32
      %broadcast_in_dim3A_463 = vector.broadcast %broadcast_in_dim3A_462 : i32 to vector<16xi32>
      %add3A_464 = vector.broadcast %scan3A_448 : i32 to vector<16xi32>
      %add3A_465 = arith.addi %broadcast_in_dim3A_463, %add3A_464 : vector<16xi32>
      %sub3A_466 = arith.constant 14 : i32
      %sub3A_467 = vector.broadcast %sub3A_466 : i32 to vector<16xi32>
      %sub3A_468 = arith.subi %shift_right_arithmetic3A_458, %sub3A_467 : vector<16xi32>
      %ge3A_469 = arith.constant 14 : i32
      %ge3A_470 = vector.broadcast %ge3A_469 : i32 to vector<16xi32>
      %ge3A_471 = arith.cmpi sge, %shift_right_arithmetic3A_458, %ge3A_470 : vector<16xi32>
      tpu.vector_store_idx %arg6[%sub3A_468, %and3A_461, %add3A_465], %broadcast_in_dim3A_4 masked %ge3A_471 : memref<14x32x128xf32, #tpu.memory_space<vmem>>[vector<16xi32>, vector<16xi32>, vector<16xi32>], vector<16xf32>, vector<16xi1>
      %scan3A_472 = arith.constant 0 : i32
      scf.yield %scan3A_472 : i32
    }
    %scan3A_323 = arith.constant 128 : i32
    %scan3A_324 = arith.constant 0 : i32
    %scan3A_325 = arith.constant 0 : i32
    %scan3A_326 = arith.constant 128 : i32
    %scan3A_327 = arith.addi %scan3A_325, %scan3A_326 : i32
    %scan3A_328 = arith.constant 4 : i32
    %scan3A_329 = scf.for %scan3A_375 = %scan3A_325 to %scan3A_327 step %scan3A_328 iter_args(%scan3A_376 = %scan3A_324) -> (i32)  : i32 {
      %add3A_377 = arith.constant 384 : i32
      %add3A_378 = arith.addi %add3A_377, %scan3A_375 : i32
      %mul3A_379 = arith.constant 16 : i32
      %mul3A_380 = arith.muli %add3A_378, %mul3A_379 : i32
      %multiple_of3A = tpu.assume_multiple %mul3A_380, 16 : i32
      %get3A = arith.index_cast %multiple_of3A : i32 to index
      %get3A_381 = tpu.vector_load %arg4[%get3A] {strides = array<i32>} : memref<8192xi32, #tpu.memory_space<vmem>>, vector<16xi32>,
      %shift_right_arithmetic3A = arith.constant 5 : i32
      %shift_right_arithmetic3A_382 = vector.broadcast %shift_right_arithmetic3A : i32 to vector<16xi32>
      %shift_right_arithmetic3A_383 = arith.shrsi %get3A_381, %shift_right_arithmetic3A_382 : vector<16xi32>
      %and3A = arith.constant 31 : i32
      %and3A_384 = vector.broadcast %and3A : i32 to vector<16xi32>
      %and3A_385 = arith.andi %get3A_381, %and3A_384 : vector<16xi32>
      %broadcast_in_dim3A_386 = arith.constant 0 : i32
      %broadcast_in_dim3A_387 = vector.broadcast %broadcast_in_dim3A_386 : i32 to vector<16xi32>
      %add3A_388 = vector.broadcast %scan3A_375 : i32 to vector<16xi32>
      %add3A_389 = arith.addi %broadcast_in_dim3A_387, %add3A_388 : vector<16xi32>
      %sub3A = arith.constant 14 : i32
      %sub3A_390 = vector.broadcast %sub3A : i32 to vector<16xi32>
      %sub3A_391 = arith.subi %shift_right_arithmetic3A_383, %sub3A_390 : vector<16xi32>
      %ge3A = arith.constant 14 : i32
      %ge3A_392 = vector.broadcast %ge3A : i32 to vector<16xi32>
      %ge3A_393 = arith.cmpi sge, %shift_right_arithmetic3A_383, %ge3A_392 : vector<16xi32>
      tpu.vector_store_idx %arg6[%sub3A_391, %and3A_385, %add3A_389], %broadcast_in_dim3A_6 masked %ge3A_393 : memref<14x32x128xf32, #tpu.memory_space<vmem>>[vector<16xi32>, vector<16xi32>, vector<16xi32>], vector<16xf32>, vector<16xi1>
      %scan3A_394 = arith.constant 0 : i32
      %scan3A_395 = arith.constant 1 : i32
      %scan3A_396 = arith.addi %scan3A_375, %scan3A_395 : i32
      %add3A_397 = arith.constant 384 : i32
      %add3A_398 = arith.addi %add3A_397, %scan3A_396 : i32
      %mul3A_399 = arith.constant 16 : i32
      %mul3A_400 = arith.muli %add3A_398, %mul3A_399 : i32
      %multiple_of3A_401 = tpu.assume_multiple %mul3A_400, 16 : i32
      %get3A_402 = arith.index_cast %multiple_of3A_401 : i32 to index
      %get3A_403 = tpu.vector_load %arg4[%get3A_402] {strides = array<i32>} : memref<8192xi32, #tpu.memory_space<vmem>>, vector<16xi32>,
      %shift_right_arithmetic3A_404 = arith.constant 5 : i32
      %shift_right_arithmetic3A_405 = vector.broadcast %shift_right_arithmetic3A_404 : i32 to vector<16xi32>
      %shift_right_arithmetic3A_406 = arith.shrsi %get3A_403, %shift_right_arithmetic3A_405 : vector<16xi32>
      %and3A_407 = arith.constant 31 : i32
      %and3A_408 = vector.broadcast %and3A_407 : i32 to vector<16xi32>
      %and3A_409 = arith.andi %get3A_403, %and3A_408 : vector<16xi32>
      %broadcast_in_dim3A_410 = arith.constant 0 : i32
      %broadcast_in_dim3A_411 = vector.broadcast %broadcast_in_dim3A_410 : i32 to vector<16xi32>
      %add3A_412 = vector.broadcast %scan3A_396 : i32 to vector<16xi32>
      %add3A_413 = arith.addi %broadcast_in_dim3A_411, %add3A_412 : vector<16xi32>
      %sub3A_414 = arith.constant 14 : i32
      %sub3A_415 = vector.broadcast %sub3A_414 : i32 to vector<16xi32>
      %sub3A_416 = arith.subi %shift_right_arithmetic3A_406, %sub3A_415 : vector<16xi32>
      %ge3A_417 = arith.constant 14 : i32
      %ge3A_418 = vector.broadcast %ge3A_417 : i32 to vector<16xi32>
      %ge3A_419 = arith.cmpi sge, %shift_right_arithmetic3A_406, %ge3A_418 : vector<16xi32>
      tpu.vector_store_idx %arg6[%sub3A_416, %and3A_409, %add3A_413], %broadcast_in_dim3A_6 masked %ge3A_419 : memref<14x32x128xf32, #tpu.memory_space<vmem>>[vector<16xi32>, vector<16xi32>, vector<16xi32>], vector<16xf32>, vector<16xi1>
      %scan3A_420 = arith.constant 0 : i32
      %scan3A_421 = arith.constant 2 : i32
      %scan3A_422 = arith.addi %scan3A_375, %scan3A_421 : i32
      %add3A_423 = arith.constant 384 : i32
      %add3A_424 = arith.addi %add3A_423, %scan3A_422 : i32
      %mul3A_425 = arith.constant 16 : i32
      %mul3A_426 = arith.muli %add3A_424, %mul3A_425 : i32
      %multiple_of3A_427 = tpu.assume_multiple %mul3A_426, 16 : i32
      %get3A_428 = arith.index_cast %multiple_of3A_427 : i32 to index
      %get3A_429 = tpu.vector_load %arg4[%get3A_428] {strides = array<i32>} : memref<8192xi32, #tpu.memory_space<vmem>>, vector<16xi32>,
      %shift_right_arithmetic3A_430 = arith.constant 5 : i32
      %shift_right_arithmetic3A_431 = vector.broadcast %shift_right_arithmetic3A_430 : i32 to vector<16xi32>
      %shift_right_arithmetic3A_432 = arith.shrsi %get3A_429, %shift_right_arithmetic3A_431 : vector<16xi32>
      %and3A_433 = arith.constant 31 : i32
      %and3A_434 = vector.broadcast %and3A_433 : i32 to vector<16xi32>
      %and3A_435 = arith.andi %get3A_429, %and3A_434 : vector<16xi32>
      %broadcast_in_dim3A_436 = arith.constant 0 : i32
      %broadcast_in_dim3A_437 = vector.broadcast %broadcast_in_dim3A_436 : i32 to vector<16xi32>
      %add3A_438 = vector.broadcast %scan3A_422 : i32 to vector<16xi32>
      %add3A_439 = arith.addi %broadcast_in_dim3A_437, %add3A_438 : vector<16xi32>
      %sub3A_440 = arith.constant 14 : i32
      %sub3A_441 = vector.broadcast %sub3A_440 : i32 to vector<16xi32>
      %sub3A_442 = arith.subi %shift_right_arithmetic3A_432, %sub3A_441 : vector<16xi32>
      %ge3A_443 = arith.constant 14 : i32
      %ge3A_444 = vector.broadcast %ge3A_443 : i32 to vector<16xi32>
      %ge3A_445 = arith.cmpi sge, %shift_right_arithmetic3A_432, %ge3A_444 : vector<16xi32>
      tpu.vector_store_idx %arg6[%sub3A_442, %and3A_435, %add3A_439], %broadcast_in_dim3A_6 masked %ge3A_445 : memref<14x32x128xf32, #tpu.memory_space<vmem>>[vector<16xi32>, vector<16xi32>, vector<16xi32>], vector<16xf32>, vector<16xi1>
      %scan3A_446 = arith.constant 0 : i32
      %scan3A_447 = arith.constant 3 : i32
      %scan3A_448 = arith.addi %scan3A_375, %scan3A_447 : i32
      %add3A_449 = arith.constant 384 : i32
      %add3A_450 = arith.addi %add3A_449, %scan3A_448 : i32
      %mul3A_451 = arith.constant 16 : i32
      %mul3A_452 = arith.muli %add3A_450, %mul3A_451 : i32
      %multiple_of3A_453 = tpu.assume_multiple %mul3A_452, 16 : i32
      %get3A_454 = arith.index_cast %multiple_of3A_453 : i32 to index
      %get3A_455 = tpu.vector_load %arg4[%get3A_454] {strides = array<i32>} : memref<8192xi32, #tpu.memory_space<vmem>>, vector<16xi32>,
      %shift_right_arithmetic3A_456 = arith.constant 5 : i32
      %shift_right_arithmetic3A_457 = vector.broadcast %shift_right_arithmetic3A_456 : i32 to vector<16xi32>
      %shift_right_arithmetic3A_458 = arith.shrsi %get3A_455, %shift_right_arithmetic3A_457 : vector<16xi32>
      %and3A_459 = arith.constant 31 : i32
      %and3A_460 = vector.broadcast %and3A_459 : i32 to vector<16xi32>
      %and3A_461 = arith.andi %get3A_455, %and3A_460 : vector<16xi32>
      %broadcast_in_dim3A_462 = arith.constant 0 : i32
      %broadcast_in_dim3A_463 = vector.broadcast %broadcast_in_dim3A_462 : i32 to vector<16xi32>
      %add3A_464 = vector.broadcast %scan3A_448 : i32 to vector<16xi32>
      %add3A_465 = arith.addi %broadcast_in_dim3A_463, %add3A_464 : vector<16xi32>
      %sub3A_466 = arith.constant 14 : i32
      %sub3A_467 = vector.broadcast %sub3A_466 : i32 to vector<16xi32>
      %sub3A_468 = arith.subi %shift_right_arithmetic3A_458, %sub3A_467 : vector<16xi32>
      %ge3A_469 = arith.constant 14 : i32
      %ge3A_470 = vector.broadcast %ge3A_469 : i32 to vector<16xi32>
      %ge3A_471 = arith.cmpi sge, %shift_right_arithmetic3A_458, %ge3A_470 : vector<16xi32>
      tpu.vector_store_idx %arg6[%sub3A_468, %and3A_461, %add3A_465], %broadcast_in_dim3A_6 masked %ge3A_471 : memref<14x32x128xf32, #tpu.memory_space<vmem>>[vector<16xi32>, vector<16xi32>, vector<16xi32>], vector<16xf32>, vector<16xi1>
      %scan3A_472 = arith.constant 0 : i32
      scf.yield %scan3A_472 : i32
    }
    %scan3A_330 = arith.constant 128 : i32
    %add3A_331 = arith.constant 384 : i32
    %add3A_332 = arith.addi %mul3A_22, %add3A_331 : i32
    %dma_start3A_333 = arith.constant 0 : i32
    %dma_start3A_334 = arith.constant 0 : i32
    %dma_start3A_335 = arith.constant 0 : i32
    %dma_start3A_336 = tpu.memref_slice %arg6[%dma_start3A_333, %dma_start3A_334, %dma_start3A_335] : memref<14x32x128xf32, #tpu.memory_space<vmem>> -> memref<14x28x128xf32, #tpu.memory_space<vmem>>
    %dma_start3A_337 = arith.constant 14 : i32
    %dma_start3A_338 = arith.constant 0 : i32
    %dma_start3A_339 = tpu.memref_slice %arg3[%dma_start3A_337, %dma_start3A_338, %add3A_332] : memref<28x28x16384xf32, #tpu.memory_space<hbm>> -> memref<14x28x128xf32, #tpu.memory_space<hbm>>
    %dma_start3A_340 = arith.constant 14 : i32
    %dma_start3A_341 = arith.constant 0 : i32
    %dma_start3A_342 = tpu.memref_slice %arg3[%dma_start3A_340, %dma_start3A_341, %add3A_332] : memref<28x28x16384xf32, #tpu.memory_space<hbm>> -> memref<14x28x128xf32, #tpu.memory_space<hbm>>
    %dma_start3A_343 = arith.constant 0 : i32
    %dma_start3A_344 = arith.constant 0 : i32
    %dma_start3A_345 = arith.constant 0 : i32
    %dma_start3A_346 = tpu.memref_slice %arg6[%dma_start3A_343, %dma_start3A_344, %dma_start3A_345] : memref<14x32x128xf32, #tpu.memory_space<vmem>> -> memref<14x28x128xf32, #tpu.memory_space<vmem>>
    tpu.enqueue_dma source(%dma_start3A_346 : memref<14x28x128xf32, #tpu.memory_space<vmem>>) target(%dma_start3A_342 : memref<14x28x128xf32, #tpu.memory_space<hbm>>) target_semaphore(%arg8 : memref<!tpu.dma_semaphore, #tpu.memory_space<semaphore_mem>>)
    %dma_wait3A_347 = arith.constant 0 : i32
    %dma_wait3A_348 = arith.constant 0 : i32
    %dma_wait3A_349 = arith.constant 0 : i32
    %dma_wait3A_350 = tpu.memref_slice %arg5[%dma_wait3A_347, %dma_wait3A_348, %dma_wait3A_349] : memref<14x32x128xf32, #tpu.memory_space<vmem>> -> memref<14x28x128xf32, #tpu.memory_space<vmem>>
    %dma_wait3A_351 = arith.constant 0 : i32
    %dma_wait3A_352 = arith.constant 0 : i32
    %dma_wait3A_353 = tpu.memref_slice %arg3[%dma_wait3A_351, %dma_wait3A_352, %add3A_288] : memref<28x28x16384xf32, #tpu.memory_space<hbm>> -> memref<14x28x128xf32, #tpu.memory_space<hbm>>
    %dma_wait3A_354 = arith.constant 0 : i32
    %dma_wait3A_355 = arith.constant 0 : i32
    %dma_wait3A_356 = tpu.memref_slice %arg3[%dma_wait3A_354, %dma_wait3A_355, %add3A_288] : memref<28x28x16384xf32, #tpu.memory_space<hbm>> -> memref<14x28x128xf32, #tpu.memory_space<hbm>>
    %dma_wait3A_357 = arith.constant 0 : i32
    %dma_wait3A_358 = arith.constant 0 : i32
    %dma_wait3A_359 = arith.constant 0 : i32
    %dma_wait3A_360 = tpu.memref_slice %arg5[%dma_wait3A_357, %dma_wait3A_358, %dma_wait3A_359] : memref<14x32x128xf32, #tpu.memory_space<vmem>> -> memref<14x28x128xf32, #tpu.memory_space<vmem>>
    tpu.wait_dma2 semaphore(%arg7 : memref<!tpu.dma_semaphore, #tpu.memory_space<semaphore_mem>>) src(%dma_wait3A_360 : memref<14x28x128xf32, #tpu.memory_space<vmem>>) dst(%dma_wait3A_356 : memref<14x28x128xf32, #tpu.memory_space<hbm>>)
    %dma_wait3A_361 = arith.constant 0 : i32
    %dma_wait3A_362 = arith.constant 0 : i32
    %dma_wait3A_363 = arith.constant 0 : i32
    %dma_wait3A_364 = tpu.memref_slice %arg6[%dma_wait3A_361, %dma_wait3A_362, %dma_wait3A_363] : memref<14x32x128xf32, #tpu.memory_space<vmem>> -> memref<14x28x128xf32, #tpu.memory_space<vmem>>
    %dma_wait3A_365 = arith.constant 14 : i32
    %dma_wait3A_366 = arith.constant 0 : i32
    %dma_wait3A_367 = tpu.memref_slice %arg3[%dma_wait3A_365, %dma_wait3A_366, %add3A_332] : memref<28x28x16384xf32, #tpu.memory_space<hbm>> -> memref<14x28x128xf32, #tpu.memory_space<hbm>>
    %dma_wait3A_368 = arith.constant 14 : i32
    %dma_wait3A_369 = arith.constant 0 : i32
    %dma_wait3A_370 = tpu.memref_slice %arg3[%dma_wait3A_368, %dma_wait3A_369, %add3A_332] : memref<28x28x16384xf32, #tpu.memory_space<hbm>> -> memref<14x28x128xf32, #tpu.memory_space<hbm>>
    %dma_wait3A_371 = arith.constant 0 : i32
    %dma_wait3A_372 = arith.constant 0 : i32
    %dma_wait3A_373 = arith.constant 0 : i32
    %dma_wait3A_374 = tpu.memref_slice %arg6[%dma_wait3A_371, %dma_wait3A_372, %dma_wait3A_373] : memref<14x32x128xf32, #tpu.memory_space<vmem>> -> memref<14x28x128xf32, #tpu.memory_space<vmem>>
    tpu.wait_dma2 semaphore(%arg8 : memref<!tpu.dma_semaphore, #tpu.memory_space<semaphore_mem>>) src(%dma_wait3A_374 : memref<14x28x128xf32, #tpu.memory_space<vmem>>) dst(%dma_wait3A_370 : memref<14x28x128xf32, #tpu.memory_space<hbm>>)
    return
  }
}

</mosaic_0001>

<sc_bundles>
// kernel: kernel.3.cloned.1.call-start
scs
__scs_entry_jumppad:
0x0: {  	(pc) =	sbr.rel $0x88, $3  }
0x1: {  	(tag) =	ssettag $0x0;
	lr =	simm.s32 $0x1  }
0x2: {  	[smem:$0x3F9F] =	sst lr;
	_ =	strace $0xD0000000  }
0x3: {  	_ = 	snop  }
0x4: {  	_ = 	snop  }
0x5: {  	_ = 	snop  }
0x6: {  	_ = 	snop  }
0x7: {  	_ = 	snop  }
__scs_overlays_trampoline_lowered:
0x8: {  	[smem:$0x3FAE] =	sst s0  }
0x9: {  	[smem:$0x3FAF] =	sst s1  }
0xa: {  	[smem:$0x3FB0] =	sst s2  }
0xb: {  	[smem:$0x3FB1] =	sst s3  }
0xc: {  	[smem:$0x3FB2] =	sst s4  }
0xd: {  	[smem:$0x3FB3] =	sst s5  }
0xe: {  	[smem:$0x3FB4] =	sst s6  }
0xf: {  	[smem:$0x3FB5] =	sst s7  }
0x10: {  	[smem:$0x3FB6] =	sst s8  }
0x11: {  	[smem:$0x3FB7] =	sst s9;
	s0 =	simm.s32 @!p0 $0x0  }
0x12: {  	s1 =	sld [smem:$0x3F9D];
	s0 =	simm.s32 @p0 $0x1  }
0x13: {  	[smem:$0x3FB8] =	sst s0;
	s0 =	simm.s32 @!p1 $0x0  }
0x14: {  	s2 =	sld [smem:$0x3F9C];
	s0 =	simm.s32 @p1 $0x1  }
0x15: {  	[smem:$0x3FB9] =	sst s0;
	s0 =	simm.s32 @!p2 $0x0  }
0x16: {  	s3 =	sld [smem:$0x3FDB];
	s0 =	simm.s32 @p2 $0x1  }
0x17: {  	s4 =	simm.s32 $0x1BF5;
	[smem:$0x3FBB] =	sst s0  }
0x18: {  	s0 =	sld [smem:$0x3F9E];
	_ =	swait.ge [sflag:s4], $0x0  }
0x19: {  	s7 =	sld [smem:$0x3F9F]  }
0x1a: {  	s8 =	sadd.s32 $0xFFFFE003, lr  }
0x1b: {  	s9 =	sadd.s32 $0xFFFFFEF7, lr;
	s5 =	simm.s32 $0xFFFFFFFF;
	p2 =	slt.u32 s8, $0xFFFFF086  }
0x1c: {  	p1 =	slt.u32 s9, $0xF7A;
	s5 =	simm.s32 @!p2 $0x0  }
0x1d: {  	s5 =	simm.s32 @p1 $0x1;
	p0 =	seq.s32 s7, s2  }
0x1e: {  	s7 =	smul.u32 @!p0 $0xF7A, s2;
	p2 =	seq.s32 @!p0 s5, $0x0  }
0x1f: {  	s9 =	smul.u32 $0xF7A, s1;
	s8 =	simm.s32 @!p0 $0x1BF5;
	p2 =	por !p2, p0  }
0x20: {  	[sflag:s8] =	ssyncset.s32 @!p0 $0xFFFFF086;
	s6 =	sadd.s32 @!p0 s3, s7;
	s7 =	simm.s32 @!p0 $0x108  }
0x21: {  	s3 =	sadd.s32 s3, s9;
	s6 =	sadd.s32 @!p0 $0x88, s6;
	s7 =	simm.s32 @p2 $0x1082  }
0x22: {  	[simem:s7], [sflag:s8] =	dma.local @!p0 [hbm:s6], $0xF7A  }
0x23: {  	s9 =	sor.u32 $0xD0000000, s2;
	s6 =	simm.s32 $0x108;
	_ =	swait.ge @!p0 [sflag:s8], $0x0  }
0x24: {  	s3 =	sadd.s32 $0x88, s3;
	s6 =	simm.s32 @!p1 $0x1082;
	[sflag:s4] =	ssyncset.s32 $0xFFFFF086  }
0x25: {  	[simem:s6], [sflag:s4] =	dma.local [hbm:s3], $0xF7A  }
0x26: {  	[smem:$0x3F9F] =	sst s1;
	(tag) =	ssettag s2;
	_ =	strace s9  }
0x27: {  	s1 =	sld [smem:$0x3FAF]  }
0x28: {  	s2 =	sld [smem:$0x3FB0]  }
0x29: {  	s4 =	sld [smem:$0x3FB2]  }
0x2a: {  	p0 =	seq.s32 s5, $0x0;
	s5 =	sld [smem:$0x3FB3]  }
0x2b: {  	s6 =	sld [smem:$0x3FB4]  }
0x2c: {  	s7 =	sld [smem:$0x3FB5]  }
0x2d: {  	s3 =	simm.s32 $0x108;
	s8 =	sld [smem:$0x3FB6]  }
0x2e: {  	s3 =	simm.s32 @!p0 $0x1082;
	s9 =	sld [smem:$0x3FB7]  }
0x2f: {  	lr =	sadd.s32 s0, s3;
	s0 =	sld [smem:$0x3FAE]  }
0x30: {  	s3 =	sld [smem:$0x3FB1]  }
0x31: {  	[smem:$0x3FBA] =	sst s10  }
0x32: {  	s10 =	sld [smem:$0x3FB8];
	_ =	sdelay $0x3  }
0x33: {  	p0 =	seq.s32 s10, $0x1;
	s10 =	sld [smem:$0x3FBA];
	_ =	sdelay $0x3  }
0x34: {  	[smem:$0x3FBA] =	sst s10  }
0x35: {  	s10 =	sld [smem:$0x3FB9];
	_ =	sdelay $0x3  }
0x36: {  	p1 =	seq.s32 s10, $0x1;
	s10 =	sld [smem:$0x3FBA];
	_ =	sdelay $0x3  }
0x37: {  	[smem:$0x3FBA] =	sst s10  }
0x38: {  	s10 =	sld [smem:$0x3FBB]  }
0x39: {  	_ = 	snop;
	(pc) =	sbr.ind lr, $3  }
0x3a: {  	_ = 	snop  }
0x3b: {  	_ = 	snop  }
0x3c: {  	p2 =	seq.s32 s10, $0x1;
	s10 =	sld [smem:$0x3FBA]  }
0x3d: {  	_ =	shalt  }
0x3e: {  	_ =	shalt  }
0x3f: {  	_ =	shalt  }
0x40: {  	_ =	shalt  }
0x41: {  	_ =	shalt  }
0x42: {  	_ =	shalt  }
0x43: {  	_ =	shalt  }
0x44: {  	_ =	shalt  }
0x45: {  	_ =	shalt  }
0x46: {  	_ =	shalt  }
0x47: {  	_ =	shalt  }
0x48: {  	_ =	shalt  }
0x49: {  	_ =	shalt  }
0x4a: {  	_ =	shalt  }
0x4b: {  	_ =	shalt  }
0x4c: {  	_ =	shalt  }
0x4d: {  	_ =	shalt  }
0x4e: {  	_ =	shalt  }
0x4f: {  	_ =	shalt  }
0x50: {  	_ =	shalt  }
0x51: {  	_ =	shalt  }
0x52: {  	_ =	shalt  }
0x53: {  	_ =	shalt  }
0x54: {  	_ =	shalt  }
0x55: {  	_ =	shalt  }
0x56: {  	_ =	shalt  }
0x57: {  	_ =	shalt  }
0x58: {  	_ =	shalt  }
0x59: {  	_ =	shalt  }
0x5a: {  	_ =	shalt  }
0x5b: {  	_ =	shalt  }
0x5c: {  	_ =	shalt  }
0x5d: {  	_ =	shalt  }
0x5e: {  	_ =	shalt  }
0x5f: {  	_ =	shalt  }
0x60: {  	_ =	shalt  }
0x61: {  	_ =	shalt  }
0x62: {  	_ =	shalt  }
0x63: {  	_ =	shalt  }
0x64: {  	_ =	shalt  }
0x65: {  	_ =	shalt  }
0x66: {  	_ =	shalt  }
0x67: {  	_ =	shalt  }
0x68: {  	_ =	shalt  }
0x69: {  	_ =	shalt  }
0x6a: {  	_ =	shalt  }
0x6b: {  	_ =	shalt  }
0x6c: {  	_ =	shalt  }
0x6d: {  	_ =	shalt  }
0x6e: {  	_ =	shalt  }
0x6f: {  	_ =	shalt  }
0x70: {  	_ =	shalt  }
0x71: {  	_ =	shalt  }
0x72: {  	_ =	shalt  }
0x73: {  	_ =	shalt  }
0x74: {  	_ =	shalt  }
0x75: {  	_ =	shalt  }
0x76: {  	_ =	shalt  }
0x77: {  	_ =	shalt  }
0x78: {  	_ =	shalt  }
0x79: {  	_ =	shalt  }
0x7a: {  	_ =	shalt  }
0x7b: {  	_ =	shalt  }
0x7c: {  	_ =	shalt  }
0x7d: {  	_ =	shalt  }
0x7e: {  	_ =	shalt  }
0x7f: {  	_ =	shalt  }
0x80: {  	_ =	shalt  }
0x81: {  	_ =	shalt  }
0x82: {  	_ =	shalt  }
0x83: {  	_ =	shalt  }
0x84: {  	_ =	shalt  }
0x85: {  	_ =	shalt  }
0x86: {  	_ =	shalt  }
0x87: {  	_ =	shalt  }
.Lfunc_end0:
.L_simem_size_0:
called_computation_lowered:
.L_overlay_start_0:
0x88: {  	s2 =	sld [smem:$0x3FD9]  }
0x89: {  	s3 =	sld [smem:$0x3FFE];
	_ =	sdelay $0x1  }
0x8a: {  	s1 =	srdreg.scid  }
0x8b: {  	s0 =	sand.u32 $0x1, s1  }
0x8c: {  	s14 =	sshll.u32 s0, $0xA;
	s2 =	sadd.s32 s3, s2  }
0x8d: {  	s2 =	sadd.s32 s2, s14  }
0x8e: {  	[smem:$0x3FC6] =	sst s2  }
0x8f: {  	_ = 	snop  }
0x90: {  	s2 =	sld [smem:$0x3FD0];
	_ =	sdelay $0x2  }
0x91: {  	s15 =	simm.s32 $0xA;
	s4 =	simm.s32 $0x10  }
0x92: {  	[smem:s4], [sflag:s15] =	dma.local [hbm:s2], $0x1  }
0x93: {  	_ =	swait.eq [sflag:s15], $0x1  }
0x94: {  	[sflag:s15] =	ssyncset.done $0x0  }
0x95: {  	[sflag:s15] =	ssyncadd.s32 $0xFFFFFFFF  }
0x96: {  	s16 =	sld [smem:$0x10];
	(tm) =	ssettm $0x1  }
0x97: {  	s17 =	sld [smem:$0x3FFB];
	_ =	sdelay $0x3  }
0x98: {  	_ =	strace s17  }
0x99: {  	s3 =	sld [smem:$0x3FFC];
	_ =	sdelay $0x3  }
0x9a: {  	_ =	strace s3  }
0x9b: {  	s3 =	sld [smem:$0x3FFD];
	_ =	sdelay $0x3  }
0x9c: {  	_ =	strace s3  }
0x9d: {  	_ =	strace $0x8FFFFFFF  }
0x9e: {  	s18 =	sld [smem:$0x3FDB];
	_ =	sdelay $0x1  }
0x9f: {  	s19 =	simm.s32 $_scs_section_size  }
0xa0: {  	s5 =	simm.s32 $_size__tile_overlayer_lowered;
	s6 =	simm.s32 $_tile_overlayer_lowered  }
0xa1: {  	s22 =	simm.s32 $0x1BFF;
	s21 =	sshll.u32 s6, $0x1;
	s3 =	sadd.s32 s19, s18  }
0xa2: {  	s7 =	simm.s32 $0x0;
	s20 =	sshll.u32 s5, $0x1;
	s5 =	sadd.s32 s21, s3  }
0xa3: {  	[timem:s7], [sflag:s22] =	dma.local [hbm:s5], s20  }
0xa4: {  	_ =	swait.ge [sflag:s22], s20  }
0xa5: {  	s4 =	ssub.s32 $0x0, s20;
	[sflag:s22] =	ssyncset.done $0x0  }
0xa6: {  	[sflag:s22] =	ssyncadd.s32 s4;
	_ =	sdelay $0x1  }
0xa7: {  	s23 =	simm.s32 $0x1B8B  }
0xa8: {  	_ =	swait.ge [sflag:s23], $0x1  }
0xa9: {  	[sflag:s23] =	ssyncset.done $0x0  }
0xaa: {  	s25 =	simm.s32 $0x1B8E;
	s24 =	sld [smem:$0x3FFE];
	[sflag:s23] =	ssyncadd.s32 $0xFFFFFFFF  }
0xab: {  	s26 =	simm.s32 $execute0_lowered;
	[smem:$0x3FD2] =	sst s25  }
0xac: {  	s5 =	sshll.u32 s26, $0x1;
	_ =	strace $0x80000046;
	[dreg:$0x1] =	wrdreg $0xFFFFFFFF  }
0xad: {  	s28 =	simm.s32 $_size_execute0_lowered;
	s3 =	sadd.s32 s3, s5;
	[dreg:$0x0] =	wrdreg $0x0  }
0xae: {  	s5 =	sshll.u32 s28, $0x1;
	[dreg:$0x2] =	wrdreg s3  }
0xaf: {  	[dreg:$0x3] =	wrdreg s5  }
0xb0: {  	[dreg:$0x4] =	wrdreg $0xC0  }
0xb1: {  	_ =	task [dreg:s7], $0x5FFFF  }
0xb2: {  	[dreg:$0x1] =	wrdreg $0xFFFFFFFF  }
0xb3: {  	[dreg:$0x0] =	wrdreg $0x60  }
0xb4: {  	[dreg:$0x2] =	wrdreg s24  }
0xb5: {  	[dreg:$0x3] =	wrdreg s16  }
0xb6: {  	[dreg:$0x4] =	wrdreg $0x9  }
0xb7: {  	_ =	task.clear_ibuf [dreg:s7], $0x5FFFF;
	_ =	strace $0x90000046  }
0xb8: {  	s29 =	simm.s32 $0x9;
	_ =	strace $0x80000048  }
0xb9: {  	_ =	swait.ge [sflag:s29], $0x1  }
0xba: {  	[sflag:s29] =	ssyncadd.s32 $0xFFFFFFFF  }
0xbb: {  	_ =	strace $0x90000048  }
0xbc: {  	_ =	sfence  }
0xbd: {  	s30 =	sld [smem:$0x0];
	_ =	sdelay $0x2  }
0xbe: {  	s31 =	sshll.u32 s1, $0xD;
	s1 =	sshrl.u32 s1, $0x2  }
0xbf: {  	s3 =	sand.u32 $0x4000, s31;
	s1 =	sadd.s32 s1, s30  }
0xc0: {  	s0 =	sor.u32 s3, s0;
	s1 =	sshll.u32 s1, $0x11  }
0xc1: {  	s0 =	sor.u32 s1, s0  }
0xc2: {  	s0 =	sadd.s32 $0x8F2B, s0  }
0xc3: {  	[sflag:s0] =	ssyncadd.remote.s32 $0x1  }
0xc4: {  	_ =	sfence.sel $0xFFFF  }
0xc5: {  	[dreg:$0x0] =	wrdreg $0xFFFFFFFF;
	(pc) =	sbr.abs _section_cstart, $3  }
0xc6: {  	[dreg:$0x1] =	wrdreg $0xFFFFFFFF  }
0xc7: {  	_ =	task.clear_ibuf [dreg:s7], $0x2FFFF;
	_ =	strace $0x9FFFFFFF  }
0xc8: {  	(tm) =	ssettm $0x7FFFFFFF  }
0xc9: {  	_ =	shalt  }
tec
execute0_lowered:
.L_overlay_start_1:
0x0: {  	(tag) =	ssettag $0x1  }
0x1: {  	s0 =	rddreg [dreg:$0x0]  }
0x2: {  	s1 =	rddreg [dreg:$0x1]  }
0x3: {  	s3 =	srdreg.scid;
	s4 =	stileid.u32;
	s2 =	simm.s32 $0x0  }
0x4: {  	s13 =	simm.s32 $0x2000;
	s14 =	simm.s32 $0x1;
	s15 =	simm.s32 $0x400  }
0x5: {  	s16 =	simm.s32 $0x20000;
	s29 =	simm.s32 $0x15C00;
	s30 =	simm.s32 $0x16C00  }
0x6: {  	s31 =	simm.s32 $0x17C00;
	s12 =	simm.s32 $0x1BC00;
	s17 =	simm.s32 $0x1CC00  }
0x7: {  	s18 =	simm.s32 $0x1DC00;
	s19 =	simm.s32 $0x2;
	s20 =	simm.s32 $0x0  }
0x8: {  	s3 =	sand.u32 $0x1, s3;
	s4 =	sshll.u32 s4, $0x1;
	[smem:$0x7FF] =	sst s2  }
0x9: {  	s4 =	sor.u32 s3, s4;
	_ =	strace $0x80000047;
	s3 =	ssub.s32 $0x2, s3  }
0xa: {  	s5 =	sshll.u32 s4, $0xA;
	s26 =	sshrl.u32 s3, $0x1;
	s4 =	sshll.u32 s4, $0x9  }
0xb: {  	s0 =	sadd.s32 s5, s0;
	s3 =	ssub.s32 s3, s26;
	s4 =	sadd.s32 s1, s4  }
0xc: {  	s26 =	simm.s32 $0x10000;
	s1 =	simm.s32 $0x19C00;
	s0 =	sadd.s32 $0x400, s0  }
0xd: {  	v0 =	vlaneseq.u32;
	s5 =	sadd.s32 $0xE0000, s4;
	s6 =	sadd.s32 $0x80, s4;
	s7 =	sadd.s32 $0xE0080, s4  }
0xe: {  	v1 =	vimm.f32 $0.0e+00;
	v9 =	vimm.f32 $1.000000000e+00;
	v2 =	vor.u32 $0x10, v0;
	s8 =	sadd.s32 $0x100, s4;
	s9 =	sadd.s32 $0xE0100, s4;
	s10 =	sadd.s32 $0x180, s4  }
0xf: {  	v3 =	vor.u32 $0x20, v0;
	v4 =	vor.u32 $0x30, v0;
	v5 =	vor.u32 $0x40, v0;
	s11 =	sadd.s32 $0xE0180, s4;
	s28 =	smax.u32 s3, $0x1;
	[dreg:$0x3] =	wrdreg s0  }
0x10: {  	v6 =	vor.u32 $0x50, v0;
	v7 =	vor.u32 $0x60, v0;
	v8 =	vor.u32 $0x70, v0;
	s3 =	simm.s32 $0x1AC00;
	[dreg:$0x4] =	wrdreg s28;
	s0 =	simm.s32 $0x18C00  }
.LBB2_1:
0x11: {  	s21 =	sand.u32 $0x1C, s2;
	s22 =	simm.s32 $0x0  }
0x12: {  	s22 =	sand.u32 $0xFFFFF000, s22;
	s21 =	sshll.u32 s21, $0x7  }
0x13: {  	s21 =	sor.u32 s21, s22  }
0x14: {  	v10 =	vor.u32 s21, v0  }
0x15: {  	v11 =	vor.u32 s21, v2  }
0x16: {  	v12 =	vor.u32 s21, v3  }
0x17: {  	s23 =	rddreg [dreg:$0x3];
	s25 =	sand.u32 $0x1F, s2;
	v13 =	vor.u32 s21, v4  }
0x18: {  	[tilespmem:s2], [sflag:$0x1] =	stream.linear.gather [hbm4b:s23+s2], $0x2000, $0x38;
	v14 =	vor.u32 s21, v5;
	[tilespmem:$0x1E000] =	vst v63  }
0x19: {  	s23 =	sshll.u32 s25, $0x7;
	[tilespmem:v10+s13+$0x0] =	vst.idx.msk $0xffff, v1;
	v10 =	vor.u32 s21, v6  }
0x1a: {  	s22 =	sor.u32 s22, s23;
	[tilespmem:v11+s13+$0x0] =	vst.idx.msk $0xffff, v1;
	v11 =	vor.u32 s21, v7  }
0x1b: {  	s28 =	sadd.s32 $0x80, s22;
	[tilespmem:v12+s13+$0x0] =	vst.idx.msk $0xffff, v1;
	v12 =	vor.u32 s21, v8  }
0x1c: {  	[tilespmem:v13+s13+$0x0] =	vst.idx.msk $0xffff, v1;
	v13 =	vor.u32 s28, v0  }
0x1d: {  	[tilespmem:v14+s13+$0x0] =	vst.idx.msk $0xffff, v1;
	v14 =	vor.u32 s28, v2  }
0x1e: {  	[tilespmem:v10+s13+$0x0] =	vst.idx.msk $0xffff, v1;
	v10 =	vor.u32 s28, v3  }
0x1f: {  	[tilespmem:v11+s13+$0x0] =	vst.idx.msk $0xffff, v1;
	v11 =	vor.u32 s28, v4  }
0x20: {  	[tilespmem:v12+s13+$0x0] =	vst.idx.msk $0xffff, v1;
	v12 =	vor.u32 s28, v5  }
0x21: {  	[tilespmem:v13+s13+$0x0] =	vst.idx.msk $0xffff, v1;
	v13 =	vor.u32 s28, v6  }
0x22: {  	[tilespmem:v14+s13+$0x0] =	vst.idx.msk $0xffff, v1;
	v14 =	vor.u32 s28, v7  }
0x23: {  	s23 =	sadd.s32 $0x100, s22;
	[tilespmem:v10+s13+$0x0] =	vst.idx.msk $0xffff, v1;
	v10 =	vor.u32 s28, v8  }
0x24: {  	[tilespmem:v11+s13+$0x0] =	vst.idx.msk $0xffff, v1;
	v11 =	vor.u32 s23, v0  }
0x25: {  	[tilespmem:v12+s13+$0x0] =	vst.idx.msk $0xffff, v1;
	v12 =	vor.u32 s23, v2  }
0x26: {  	[tilespmem:v13+s13+$0x0] =	vst.idx.msk $0xffff, v1;
	v13 =	vor.u32 s23, v3  }
0x27: {  	[tilespmem:v14+s13+$0x0] =	vst.idx.msk $0xffff, v1;
	v14 =	vor.u32 s23, v4  }
0x28: {  	[tilespmem:v10+s13+$0x0] =	vst.idx.msk $0xffff, v1;
	v10 =	vor.u32 s23, v5  }
0x29: {  	[tilespmem:v11+s13+$0x0] =	vst.idx.msk $0xffff, v1;
	v11 =	vor.u32 s23, v6  }
0x2a: {  	[tilespmem:v12+s13+$0x0] =	vst.idx.msk $0xffff, v1;
	v12 =	vor.u32 s23, v7  }
0x2b: {  	v16 =	vor.u32 s23, v8;
	[tilespmem:v13+s13+$0x0] =	vst.idx.msk $0xffff, v1  }
0x2c: {  	s22 =	sadd.s32 $0x180, s22;
	[tilespmem:v14+s13+$0x0] =	vst.idx.msk $0xffff, v1  }
0x2d: {  	v15 =	vor.u32 s22, v0;
	[tilespmem:v10+s13+$0x0] =	vst.idx.msk $0xffff, v1  }
0x2e: {  	v13 =	vor.u32 s22, v2;
	[tilespmem:v11+s13+$0x0] =	vst.idx.msk $0xffff, v1  }
0x2f: {  	v14 =	vor.u32 s22, v3;
	[tilespmem:v12+s13+$0x0] =	vst.idx.msk $0xffff, v1  }
0x30: {  	s23 =	simm.s32 $0x4;
	v10 =	vor.u32 s22, v6;
	v11 =	vor.u32 s22, v4;
	v12 =	vor.u32 s22, v5;
	[tilespmem:v16+s13+$0x0] =	vst.idx.msk $0xffff, v1  }
.LBB2_2:
0x31: {  	s24 =	sand.u32 $0x1C, s23  }
0x32: {  	s25 =	sshll.u32 s23, $0x7;
	[tilespmem:v15+s13+$0x0] =	vst.idx.msk $0xffff, v1;
	s28 =	smov.u32 s23;
	s21 =	sadd.s32 $0x4, s23  }
0x33: {  	p0 =	slt.u32 s23, $0x1BC;
	s25 =	sand.u32 $0xFFFFF000, s25;
	s24 =	sshll.u32 s24, $0x7;
	[tilespmem:v13+s13+$0x0] =	vst.idx.msk $0xffff, v1;
	v13 =	vor.u32 s22, v7  }
0x34: {  	s23 =	sor.u32 s24, s25;
	[tilespmem:v14+s13+$0x0] =	vst.idx.msk $0xffff, v1;
	v14 =	vor.u32 s22, v8  }
0x35: {  	v15 =	vor.u32 s23, v0;
	[tilespmem:v11+s13+$0x0] =	vst.idx.msk $0xffff, v1  }
0x36: {  	v11 =	vor.u32 s23, v2;
	[tilespmem:v12+s13+$0x0] =	vst.idx.msk $0xffff, v1  }
0x37: {  	v12 =	vor.u32 s23, v3;
	[tilespmem:v10+s13+$0x0] =	vst.idx.msk $0xffff, v1  }
0x38: {  	v10 =	vor.u32 s23, v4;
	[tilespmem:v13+s13+$0x0] =	vst.idx.msk $0xffff, v1  }
0x39: {  	s22 =	sand.u32 $0x1F, s28;
	v13 =	vor.u32 s23, v5;
	[tilespmem:v14+s13+$0x0] =	vst.idx.msk $0xffff, v1  }
0x3a: {  	s22 =	sshll.u32 s22, $0x7;
	v14 =	vor.u32 s23, v6;
	[tilespmem:v15+s13+$0x0] =	vst.idx.msk $0xffff, v1  }
0x3b: {  	s22 =	sor.u32 s25, s22;
	[tilespmem:v11+s13+$0x0] =	vst.idx.msk $0xffff, v1;
	v11 =	vor.u32 s23, v7  }
0x3c: {  	s24 =	sadd.s32 $0x100, s22;
	[tilespmem:v12+s13+$0x0] =	vst.idx.msk $0xffff, v1;
	v12 =	vor.u32 s23, v8;
	s23 =	sadd.s32 $0x80, s22;
	s22 =	sadd.s32 $0x180, s22  }
0x3d: {  	[tilespmem:v10+s13+$0x0] =	vst.idx.msk $0xffff, v1;
	v15 =	vor.u32 s23, v0;
	v10 =	vor.u32 s22, v6  }
0x3e: {  	[tilespmem:v13+s13+$0x0] =	vst.idx.msk $0xffff, v1;
	v13 =	vor.u32 s23, v2  }
0x3f: {  	[tilespmem:v14+s13+$0x0] =	vst.idx.msk $0xffff, v1;
	v14 =	vor.u32 s23, v3  }
0x40: {  	[tilespmem:v11+s13+$0x0] =	vst.idx.msk $0xffff, v1;
	v11 =	vor.u32 s23, v4  }
0x41: {  	[tilespmem:v12+s13+$0x0] =	vst.idx.msk $0xffff, v1;
	v12 =	vor.u32 s23, v5  }
0x42: {  	[tilespmem:v15+s13+$0x0] =	vst.idx.msk $0xffff, v1;
	v15 =	vor.u32 s23, v6  }
0x43: {  	[tilespmem:v13+s13+$0x0] =	vst.idx.msk $0xffff, v1;
	v13 =	vor.u32 s23, v7  }
0x44: {  	[tilespmem:v14+s13+$0x0] =	vst.idx.msk $0xffff, v1;
	v14 =	vor.u32 s23, v8  }
0x45: {  	[tilespmem:v11+s13+$0x0] =	vst.idx.msk $0xffff, v1;
	v11 =	vor.u32 s24, v0  }
0x46: {  	[tilespmem:v12+s13+$0x0] =	vst.idx.msk $0xffff, v1;
	v12 =	vor.u32 s24, v2  }
0x47: {  	[tilespmem:v15+s13+$0x0] =	vst.idx.msk $0xffff, v1;
	v15 =	vor.u32 s24, v3  }
0x48: {  	[tilespmem:v13+s13+$0x0] =	vst.idx.msk $0xffff, v1;
	v13 =	vor.u32 s24, v4  }
0x49: {  	[tilespmem:v14+s13+$0x0] =	vst.idx.msk $0xffff, v1;
	v14 =	vor.u32 s24, v5  }
0x4a: {  	[tilespmem:v11+s13+$0x0] =	vst.idx.msk $0xffff, v1;
	v11 =	vor.u32 s24, v6  }
0x4b: {  	[tilespmem:v12+s13+$0x0] =	vst.idx.msk $0xffff, v1;
	v12 =	vor.u32 s24, v7  }
0x4c: {  	v16 =	vor.u32 s24, v8;
	[tilespmem:v15+s13+$0x0] =	vst.idx.msk $0xffff, v1  }
.Ltmp0:
0x4d: {  	v15 =	vor.u32 s22, v0;
	[tilespmem:v13+s13+$0x0] =	vst.idx.msk $0xffff, v1;
	(pc) =	sbr.rel @p0 .LBB2_2-.Ltmp0, $4  }
0x4e: {  	v13 =	vor.u32 s22, v2;
	[tilespmem:v14+s13+$0x0] =	vst.idx.msk $0xffff, v1  }
0x4f: {  	v14 =	vor.u32 s22, v3;
	[tilespmem:v11+s13+$0x0] =	vst.idx.msk $0xffff, v1  }
0x50: {  	v11 =	vor.u32 s22, v4;
	[tilespmem:v12+s13+$0x0] =	vst.idx.msk $0xffff, v1  }
0x51: {  	s23 =	smov.u32 s21;
	v12 =	vor.u32 s22, v5;
	[tilespmem:v16+s13+$0x0] =	vst.idx.msk $0xffff, v1  }
0x52: {  	_ =	sdelay $0x3  }
0x53: {  	[tilespmem:v15+s13+$0x0] =	vst.idx.msk $0xffff, v1  }
0x54: {  	[tilespmem:v13+s13+$0x0] =	vst.idx.msk $0xffff, v1;
	v13 =	vor.u32 s22, v7  }
0x55: {  	[tilespmem:v14+s13+$0x0] =	vst.idx.msk $0xffff, v1;
	v14 =	vor.u32 s22, v8  }
0x56: {  	[tilespmem:v11+s13+$0x0] =	vst.idx.msk $0xffff, v1  }
0x57: {  	[tilespmem:v12+s13+$0x0] =	vst.idx.msk $0xffff, v1  }
0x58: {  	[tilespmem:v10+s13+$0x0] =	vst.idx.msk $0xffff, v1  }
0x59: {  	[tilespmem:v13+s13+$0x0] =	vst.idx.msk $0xffff, v1  }
0x5a: {  	[tilespmem:v14+s13+$0x0] =	vst.idx.msk $0xffff, v1  }
0x5b: {  	_ =	swait.ge [sflag:s14], $0x2000  }
0x5c: {  	[sflag:s14] =	ssyncset.done $0x0  }
0x5d: {  	s21 =	simm.s32 $0x20;
	[sflag:s14] =	ssyncadd.s32 $0xFFFFE000  }
0x5e: {  	v12 =	vld [tilespmem:s21+$0xFFFFFFE0]  }
0x5f: {  	v13 =	vld [tilespmem:s21+$0x0]  }
0x60: {  	v14 =	vld [tilespmem:s21+$0x10];
	_ =	sdelay $0x1  }
0x61: {  	v10 =	vld [tilespmem:s21+$0xFFFFFFF0]  }
0x62: {  	v11 =	vmul.u32 $0x925, v12  }
0x63: {  	v15 =	vmul.u32 $0x925, v13  }
0x64: {  	v17 =	vmul.u32 $0x925, v14;
	v16 =	vshra.s32 v11, $0x10  }
0x65: {  	v15 =	vshra.s32 v15, $0x10;
	v18 =	vmul.u32 $0xFFFFFFE4, v16  }
0x66: {  	v11 =	vmul.u32 $0x925, v10;
	v17 =	vshra.s32 v17, $0x10;
	v19 =	vmul.u32 $0xFFFFFFE4, v15  }
0x67: {  	v16 =	vshll.u32 v16, $0x5;
	v63 =	vmul.u32 $0xFFFFFFE4, v17;
	v12 =	vadd.s32 v12, v18  }
0x68: {  	v15 =	vshll.u32 v15, $0x5;
	v13 =	vadd.s32 v13, v19;
	v12 =	vor.u32 v16, v12  }
0x69: {  	s23 =	simm.s32 $0x0;
	s24 =	simm.s32 $0x60;
	s22 =	simm.s32 $0x20;
	[tilespmem:s21+$0xFFFFFFE0] =	vst v12;
	v12 =	vor.u32 v15, v13;
	v13 =	vadd.s32 v14, v63;
	v14 =	vshll.u32 v17, $0x5  }
.LBB2_4:
0x6a: {  	v15 =	vld [tilespmem:s24+$0xFFFFFFE0];
	v11 =	vshra.s32 v11, $0x10;
	[tilespmem:s22+$0x0] =	vst v12;
	v12 =	vor.u32 v14, v13  }
0x6b: {  	v13 =	vld [tilespmem:s24+$0x0];
	v14 =	vmul.u32 $0xFFFFFFE4, v11;
	v11 =	vshll.u32 v11, $0x5;
	[tilespmem:s22+$0x10] =	vst v12  }
0x6c: {  	s23 =	sadd.s32 $0x4, s23;
	v16 =	vld [tilespmem:s24+$0x10]  }
0x6d: {  	p0 =	slt.u32 s23, $0x7C;
	v12 =	vadd.s32 v10, v14;
	v10 =	vld [tilespmem:s24+$0xFFFFFFF0]  }
0x6e: {  	v11 =	vor.u32 v11, v12  }
0x6f: {  	v12 =	vmul.u32 $0x925, v15;
	[tilespmem:s22+$0xFFFFFFF0] =	vst v11;
	s22 =	smov.u32 s24  }
0x70: {  	v14 =	vmul.u32 $0x925, v13  }
0x71: {  	v12 =	vshra.s32 v12, $0x10;
	v17 =	vmul.u32 $0x925, v16  }
.Ltmp1:
0x72: {  	v18 =	vmul.u32 $0xFFFFFFE4, v12;
	v11 =	vmul.u32 $0x925, v10;
	v14 =	vshra.s32 v14, $0x10;
	(pc) =	sbr.rel @p0 .LBB2_4-.Ltmp1, $4  }
0x73: {  	v19 =	vmul.u32 $0xFFFFFFE4, v14;
	v17 =	vshra.s32 v17, $0x10  }
0x74: {  	v12 =	vshll.u32 v12, $0x5;
	v15 =	vadd.s32 v15, v18;
	v18 =	vmul.u32 $0xFFFFFFE4, v17  }
0x75: {  	v14 =	vshll.u32 v14, $0x5;
	v12 =	vor.u32 v12, v15;
	v13 =	vadd.s32 v13, v19  }
0x76: {  	s24 =	sadd.s32 $0x40, s24;
	[tilespmem:s22+$0xFFFFFFE0] =	vst v12;
	v12 =	vor.u32 v14, v13;
	v13 =	vadd.s32 v16, v18;
	v14 =	vshll.u32 v17, $0x5  }
0x77: {  	v11 =	vshra.s32 v11, $0x10  }
0x78: {  	v15 =	vmul.u32 $0xFFFFFFE4, v11;
	_ =	sdelay $0x1  }
0x79: {  	[tilespmem:s22+$0x0] =	vst v12;
	v63 =	vor.u32 v14, v13;
	v11 =	vshll.u32 v11, $0x5;
	v10 =	vadd.s32 v10, v15  }
0x7a: {  	[tilespmem:s22+$0x10] =	vst v63;
	v10 =	vor.u32 v11, v10  }
0x7b: {  	s23 =	simm.s32 $0x0;
	s24 =	simm.s32 $0x3000;
	[tilespmem:s22+$0xFFFFFFF0] =	vst v10  }
.LBB2_6:
0x7c: {  	v10 =	vld [tilespmem:s21+$0xFFFFFFE0];
	_ =	sdelay $0x3  }
0x7d: {  	v11 =	vmov s23  }
0x7e: {  	v11 =	vand.u32 $0x7C, v11;
	v12 =	vshra.s32 v10, $0x5;
	v10 =	vshll.u32 v10, $0x7  }
0x7f: {  	v11 =	vbroadcast v11, $0x0;
	v13 =	vshll.u32 v12, $0xC;
	v10 =	vand.u32 $0xF80, v10  }
0x80: {  	vm0 =	vlt.s32 v12, $0xE;
	v10 =	vor.u32 v10, v13  }
0x81: {  	v10 =	vor.u32 v11, v10;
	_ =	sdelay $0x4  }
0x82: {  	[tilespmem:v10+s13+$0x0] =	vst.idx.msk vm0, v9  }
0x83: {  	v10 =	vld [tilespmem:s21+$0xFFFFFFF0];
	_ =	sdelay $0x2  }
0x84: {  	s22 =	sadd.s32 $0x1, s23  }
0x85: {  	v11 =	vmov s22  }
0x86: {  	v11 =	vand.u32 $0x7D, v11;
	v58 =	vshra.s32 v10, $0x5;
	v10 =	vshll.u32 v10, $0x7  }
0x87: {  	v11 =	vbroadcast v11, $0x0;
	v59 =	vshll.u32 v58, $0xC;
	v10 =	vand.u32 $0xF80, v10  }
0x88: {  	vm13 =	vlt.s32 v58, $0xE;
	v10 =	vor.u32 v10, v59  }
0x89: {  	v10 =	vor.u32 v11, v10;
	_ =	sdelay $0x4  }
0x8a: {  	[tilespmem:v10+s13+$0x0] =	vst.idx.msk vm13, v9  }
0x8b: {  	v10 =	vld [tilespmem:s21+$0x0];
	_ =	sdelay $0x2  }
0x8c: {  	s25 =	sadd.s32 $0x2, s23  }
0x8d: {  	v11 =	vmov s25  }
0x8e: {  	v11 =	vand.u32 $0x7E, v11;
	v60 =	vshra.s32 v10, $0x5;
	v10 =	vshll.u32 v10, $0x7  }
0x8f: {  	v11 =	vbroadcast v11, $0x0;
	v61 =	vshll.u32 v60, $0xC;
	v10 =	vand.u32 $0xF80, v10  }
0x90: {  	vm14 =	vlt.s32 v60, $0xE;
	v10 =	vor.u32 v10, v61  }
0x91: {  	v10 =	vor.u32 v11, v10;
	_ =	sdelay $0x4  }
0x92: {  	[tilespmem:v10+s13+$0x0] =	vst.idx.msk vm14, v9  }
0x93: {  	v10 =	vld [tilespmem:s21+$0x10];
	_ =	sdelay $0x2  }
0x94: {  	s28 =	sadd.s32 $0x3, s23  }
0x95: {  	v11 =	vmov s28  }
0x96: {  	v11 =	vand.u32 $0x7F, v11;
	v62 =	vshra.s32 v10, $0x5;
	v10 =	vshll.u32 v10, $0x7  }
0x97: {  	v11 =	vbroadcast v11, $0x0;
	v63 =	vshll.u32 v62, $0xC;
	v10 =	vand.u32 $0xF80, v10  }
0x98: {  	vm15 =	vlt.s32 v62, $0xE;
	v10 =	vor.u32 v10, v63  }
0x99: {  	p0 =	slt.u32 s23, $0x7C;
	v10 =	vor.u32 v11, v10  }
.Ltmp2:
0x9a: {  	_ = 	snop;
	(pc) =	sbr.rel @p0 .LBB2_6-.Ltmp2, $2  }
0x9b: {  	_ =	sdelay $0x2  }
0x9c: {  	s23 =	sadd.s32 $0x4, s23;
	s21 =	sadd.s32 $0x40, s21;
	[tilespmem:v10+s13+$0x0] =	vst.idx.msk vm15, v9  }
0x9d: {  	[hbm4b:s4+s15] =	stream.strided.scatter [tilespmem:s13], [sflag:$0x1], $0xC00, s16, s15, $0x38;
	[tilespmem:$0x1E000] =	vst v63  }
0x9e: {  	s21 =	sadd.s32 $0x10000, s4  }
0x9f: {  	[hbm4b:s21+s15] =	stream.strided.scatter [tilespmem:s24], [sflag:$0x1], $0xC00, s16, s15, $0x38;
	[tilespmem:$0x1E000] =	vst v63  }
0xa0: {  	s28 =	sadd.s32 $0x20000, s4;
	s22 =	simm.s32 $0x4000  }
0xa1: {  	[hbm4b:s28+s15] =	stream.strided.scatter [tilespmem:s22], [sflag:$0x1], $0xC00, s16, s15, $0x38;
	[tilespmem:$0x1E000] =	vst v63  }
0xa2: {  	s23 =	sadd.s32 $0x30000, s4;
	s24 =	simm.s32 $0x5000  }
0xa3: {  	[hbm4b:s23+s15] =	stream.strided.scatter [tilespmem:s24], [sflag:$0x1], $0xC00, s16, s15, $0x38;
	[tilespmem:$0x1E000] =	vst v63  }
0xa4: {  	s25 =	sadd.s32 $0x40000, s4;
	s28 =	simm.s32 $0x6000  }
0xa5: {  	[hbm4b:s25+s15] =	stream.strided.scatter [tilespmem:s28], [sflag:$0x1], $0xC00, s16, s15, $0x38;
	[tilespmem:$0x1E000] =	vst v63  }
0xa6: {  	s23 =	sadd.s32 $0x50000, s4;
	s24 =	simm.s32 $0x7000  }
0xa7: {  	[hbm4b:s23+s15] =	stream.strided.scatter [tilespmem:s24], [sflag:$0x1], $0xC00, s16, s15, $0x38;
	[tilespmem:$0x1E000] =	vst v63  }
0xa8: {  	s25 =	sadd.s32 $0x60000, s4;
	s28 =	simm.s32 $0x8000  }
0xa9: {  	[hbm4b:s25+s15] =	stream.strided.scatter [tilespmem:s28], [sflag:$0x1], $0xC00, s16, s15, $0x38;
	[tilespmem:$0x1E000] =	vst v63  }
0xaa: {  	s23 =	sadd.s32 $0x70000, s4;
	s24 =	simm.s32 $0x9000  }
0xab: {  	[hbm4b:s23+s15] =	stream.strided.scatter [tilespmem:s24], [sflag:$0x1], $0xC00, s16, s15, $0x38;
	[tilespmem:$0x1E000] =	vst v63  }
0xac: {  	s25 =	sadd.s32 $0x80000, s4;
	s28 =	simm.s32 $0xA000  }
0xad: {  	[hbm4b:s25+s15] =	stream.strided.scatter [tilespmem:s28], [sflag:$0x1], $0xC00, s16, s15, $0x38;
	[tilespmem:$0x1E000] =	vst v63  }
0xae: {  	s23 =	sadd.s32 $0x90000, s4;
	s24 =	simm.s32 $0xB000  }
0xaf: {  	[hbm4b:s23+s15] =	stream.strided.scatter [tilespmem:s24], [sflag:$0x1], $0xC00, s16, s15, $0x38;
	[tilespmem:$0x1E000] =	vst v63  }
0xb0: {  	s25 =	sadd.s32 $0xA0000, s4;
	s28 =	simm.s32 $0xC000  }
0xb1: {  	[hbm4b:s25+s15] =	stream.strided.scatter [tilespmem:s28], [sflag:$0x1], $0xC00, s16, s15, $0x38;
	[tilespmem:$0x1E000] =	vst v63  }
0xb2: {  	s23 =	sadd.s32 $0xB0000, s4;
	s24 =	simm.s32 $0xD000  }
0xb3: {  	[hbm4b:s23+s15] =	stream.strided.scatter [tilespmem:s24], [sflag:$0x1], $0xC00, s16, s15, $0x38;
	[tilespmem:$0x1E000] =	vst v63  }
0xb4: {  	s25 =	sadd.s32 $0xC0000, s4;
	s28 =	simm.s32 $0xE000  }
0xb5: {  	[hbm4b:s25+s15] =	stream.strided.scatter [tilespmem:s28], [sflag:$0x1], $0xC00, s16, s15, $0x38;
	[tilespmem:$0x1E000] =	vst v63  }
0xb6: {  	s22 =	sadd.s32 $0xD0000, s4;
	s23 =	simm.s32 $0xF000  }
0xb7: {  	[hbm4b:s22+s15] =	stream.strided.scatter [tilespmem:s23], [sflag:$0x1], $0xC00, s16, s15, $0x38;
	[tilespmem:$0x1E000] =	vst v63  }
0xb8: {  	s24 =	sadd.s32 $0xC000, s4;
	s22 =	simm.s32 $0x0;
	s23 =	simm.s32 $0x2C00  }
0xb9: {  	[hbm4b:s24+s22] =	stream.linear.scatter [tilespmem:s23], [sflag:$0x1], $0x200, $0x38;
	[tilespmem:$0x1E000] =	vst v63  }
0xba: {  	s25 =	sadd.s32 $0x1C000, s4;
	s28 =	simm.s32 $0x3C00  }
0xbb: {  	[hbm4b:s25+s22] =	stream.linear.scatter [tilespmem:s28], [sflag:$0x1], $0x200, $0x38;
	[tilespmem:$0x1E000] =	vst v63  }
0xbc: {  	s23 =	sadd.s32 $0x2C000, s4;
	s24 =	simm.s32 $0x4C00  }
0xbd: {  	[hbm4b:s23+s22] =	stream.linear.scatter [tilespmem:s24], [sflag:$0x1], $0x200, $0x38;
	[tilespmem:$0x1E000] =	vst v63  }
0xbe: {  	s25 =	sadd.s32 $0x3C000, s4;
	s28 =	simm.s32 $0x5C00  }
0xbf: {  	[hbm4b:s25+s22] =	stream.linear.scatter [tilespmem:s28], [sflag:$0x1], $0x200, $0x38;
	[tilespmem:$0x1E000] =	vst v63  }
0xc0: {  	s23 =	sadd.s32 $0x4C000, s4;
	s24 =	simm.s32 $0x6C00  }
0xc1: {  	[hbm4b:s23+s22] =	stream.linear.scatter [tilespmem:s24], [sflag:$0x1], $0x200, $0x38;
	[tilespmem:$0x1E000] =	vst v63  }
0xc2: {  	s25 =	sadd.s32 $0x5C000, s4;
	s28 =	simm.s32 $0x7C00  }
0xc3: {  	[hbm4b:s25+s22] =	stream.linear.scatter [tilespmem:s28], [sflag:$0x1], $0x200, $0x38;
	[tilespmem:$0x1E000] =	vst v63  }
0xc4: {  	s23 =	sadd.s32 $0x6C000, s4;
	s24 =	simm.s32 $0x8C00  }
0xc5: {  	[hbm4b:s23+s22] =	stream.linear.scatter [tilespmem:s24], [sflag:$0x1], $0x200, $0x38;
	[tilespmem:$0x1E000] =	vst v63  }
0xc6: {  	s25 =	sadd.s32 $0x7C000, s4;
	s28 =	simm.s32 $0x9C00  }
0xc7: {  	[hbm4b:s25+s22] =	stream.linear.scatter [tilespmem:s28], [sflag:$0x1], $0x200, $0x38;
	[tilespmem:$0x1E000] =	vst v63  }
0xc8: {  	s23 =	sadd.s32 $0x8C000, s4;
	s24 =	simm.s32 $0xAC00  }
0xc9: {  	[hbm4b:s23+s22] =	stream.linear.scatter [tilespmem:s24], [sflag:$0x1], $0x200, $0x38;
	[tilespmem:$0x1E000] =	vst v63  }
0xca: {  	s25 =	sadd.s32 $0x9C000, s4;
	s28 =	simm.s32 $0xBC00  }
0xcb: {  	[hbm4b:s25+s22] =	stream.linear.scatter [tilespmem:s28], [sflag:$0x1], $0x200, $0x38;
	[tilespmem:$0x1E000] =	vst v63  }
0xcc: {  	s23 =	sadd.s32 $0xAC000, s4;
	s24 =	simm.s32 $0xCC00  }
0xcd: {  	[hbm4b:s23+s22] =	stream.linear.scatter [tilespmem:s24], [sflag:$0x1], $0x200, $0x38;
	[tilespmem:$0x1E000] =	vst v63  }
0xce: {  	s25 =	sadd.s32 $0xBC000, s4;
	s28 =	simm.s32 $0xDC00  }
0xcf: {  	[hbm4b:s25+s22] =	stream.linear.scatter [tilespmem:s28], [sflag:$0x1], $0x200, $0x38;
	[tilespmem:$0x1E000] =	vst v63  }
0xd0: {  	s24 =	sand.u32 $0x1C, s22;
	s25 =	simm.s32 $0x0  }
0xd1: {  	s21 =	sshll.u32 s24, $0x7;
	s23 =	sand.u32 $0xFFFFF000, s25  }
0xd2: {  	s21 =	sor.u32 s21, s23  }
0xd3: {  	s28 =	sadd.s32 $0xCC000, s4;
	s25 =	simm.s32 $0xEC00;
	v10 =	vor.u32 s21, v0  }
0xd4: {  	[hbm4b:s28+s22] =	stream.linear.scatter [tilespmem:s25], [sflag:$0x1], $0x200, $0x38;
	v11 =	vor.u32 s21, v2;
	[tilespmem:$0x1E000] =	vst v63  }
0xd5: {  	s25 =	sadd.s32 $0xDC000, s4;
	s28 =	simm.s32 $0xFC00;
	v12 =	vor.u32 s21, v3  }
0xd6: {  	v13 =	vor.u32 s21, v4;
	[hbm4b:s25+s22] =	stream.linear.scatter [tilespmem:s28], [sflag:$0x1], $0x200, $0x38;
	[tilespmem:$0x1E000] =	vst v63  }
0xd7: {  	v14 =	vor.u32 s21, v5;
	s22 =	sand.u32 $0x1F, s22  }
0xd8: {  	s22 =	sshll.u32 s22, $0x7;
	[tilespmem:v10+s26+$0x0] =	vst.idx.msk $0xffff, v1;
	v10 =	vor.u32 s21, v6  }
0xd9: {  	s22 =	sor.u32 s23, s22;
	[tilespmem:v11+s26+$0x0] =	vst.idx.msk $0xffff, v1;
	v11 =	vor.u32 s21, v7  }
0xda: {  	s25 =	sadd.s32 $0x80, s22;
	[tilespmem:v12+s26+$0x0] =	vst.idx.msk $0xffff, v1;
	v12 =	vor.u32 s21, v8  }
0xdb: {  	[tilespmem:v13+s26+$0x0] =	vst.idx.msk $0xffff, v1;
	v13 =	vor.u32 s25, v0  }
0xdc: {  	[tilespmem:v14+s26+$0x0] =	vst.idx.msk $0xffff, v1;
	v14 =	vor.u32 s25, v2  }
0xdd: {  	[tilespmem:v10+s26+$0x0] =	vst.idx.msk $0xffff, v1;
	v10 =	vor.u32 s25, v3  }
0xde: {  	[tilespmem:v11+s26+$0x0] =	vst.idx.msk $0xffff, v1;
	v11 =	vor.u32 s25, v4  }
0xdf: {  	[tilespmem:v12+s26+$0x0] =	vst.idx.msk $0xffff, v1;
	v12 =	vor.u32 s25, v5  }
0xe0: {  	[tilespmem:v13+s26+$0x0] =	vst.idx.msk $0xffff, v1;
	v13 =	vor.u32 s25, v6  }
0xe1: {  	[tilespmem:v14+s26+$0x0] =	vst.idx.msk $0xffff, v1;
	v14 =	vor.u32 s25, v7  }
0xe2: {  	s28 =	sadd.s32 $0x100, s22;
	v15 =	vor.u32 s25, v8;
	[tilespmem:v10+s26+$0x0] =	vst.idx.msk $0xffff, v1  }
0xe3: {  	v10 =	vor.u32 s28, v0;
	[tilespmem:v11+s26+$0x0] =	vst.idx.msk $0xffff, v1  }
0xe4: {  	v11 =	vor.u32 s28, v2;
	[tilespmem:v12+s26+$0x0] =	vst.idx.msk $0xffff, v1  }
0xe5: {  	v12 =	vor.u32 s28, v3;
	[tilespmem:v13+s26+$0x0] =	vst.idx.msk $0xffff, v1  }
0xe6: {  	v13 =	vor.u32 s28, v4;
	[tilespmem:v14+s26+$0x0] =	vst.idx.msk $0xffff, v1  }
0xe7: {  	v14 =	vor.u32 s28, v5;
	[tilespmem:v15+s26+$0x0] =	vst.idx.msk $0xffff, v1  }
0xe8: {  	[tilespmem:v10+s26+$0x0] =	vst.idx.msk $0xffff, v1;
	v10 =	vor.u32 s28, v6  }
0xe9: {  	[tilespmem:v11+s26+$0x0] =	vst.idx.msk $0xffff, v1;
	v11 =	vor.u32 s28, v7  }
0xea: {  	[tilespmem:v12+s26+$0x0] =	vst.idx.msk $0xffff, v1;
	v12 =	vor.u32 s28, v8  }
0xeb: {  	s23 =	sadd.s32 $0x180, s22;
	[tilespmem:v13+s26+$0x0] =	vst.idx.msk $0xffff, v1  }
0xec: {  	v15 =	vor.u32 s23, v0;
	[tilespmem:v14+s26+$0x0] =	vst.idx.msk $0xffff, v1  }
0xed: {  	v13 =	vor.u32 s23, v2;
	[tilespmem:v10+s26+$0x0] =	vst.idx.msk $0xffff, v1  }
0xee: {  	v14 =	vor.u32 s23, v3;
	[tilespmem:v11+s26+$0x0] =	vst.idx.msk $0xffff, v1  }
0xef: {  	s24 =	simm.s32 $0x4;
	v10 =	vor.u32 s23, v6;
	v11 =	vor.u32 s23, v4;
	[tilespmem:v12+s26+$0x0] =	vst.idx.msk $0xffff, v1;
	v12 =	vor.u32 s23, v5  }
.LBB2_8:
0xf0: {  	s22 =	sand.u32 $0x1C, s24  }
0xf1: {  	s25 =	sshll.u32 s24, $0x7;
	[tilespmem:v15+s26+$0x0] =	vst.idx.msk $0xffff, v1;
	s28 =	smov.u32 s24;
	s21 =	sadd.s32 $0x4, s24  }
0xf2: {  	p0 =	slt.u32 s24, $0x1BC;
	s25 =	sand.u32 $0xFFFFF000, s25;
	s22 =	sshll.u32 s22, $0x7;
	[tilespmem:v13+s26+$0x0] =	vst.idx.msk $0xffff, v1;
	v13 =	vor.u32 s23, v7  }
0xf3: {  	s22 =	sor.u32 s22, s25;
	[tilespmem:v14+s26+$0x0] =	vst.idx.msk $0xffff, v1;
	v14 =	vor.u32 s23, v8  }
0xf4: {  	v15 =	vor.u32 s22, v0;
	[tilespmem:v11+s26+$0x0] =	vst.idx.msk $0xffff, v1  }
0xf5: {  	v11 =	vor.u32 s22, v2;
	[tilespmem:v12+s26+$0x0] =	vst.idx.msk $0xffff, v1  }
0xf6: {  	v12 =	vor.u32 s22, v3;
	[tilespmem:v10+s26+$0x0] =	vst.idx.msk $0xffff, v1  }
0xf7: {  	v10 =	vor.u32 s22, v4;
	[tilespmem:v13+s26+$0x0] =	vst.idx.msk $0xffff, v1  }
0xf8: {  	s23 =	sand.u32 $0x1F, s28;
	v13 =	vor.u32 s22, v5;
	[tilespmem:v14+s26+$0x0] =	vst.idx.msk $0xffff, v1  }
0xf9: {  	s23 =	sshll.u32 s23, $0x7;
	v14 =	vor.u32 s22, v6;
	[tilespmem:v15+s26+$0x0] =	vst.idx.msk $0xffff, v1  }
0xfa: {  	s23 =	sor.u32 s25, s23;
	[tilespmem:v11+s26+$0x0] =	vst.idx.msk $0xffff, v1;
	v11 =	vor.u32 s22, v7  }
0xfb: {  	s24 =	sadd.s32 $0x100, s23;
	[tilespmem:v12+s26+$0x0] =	vst.idx.msk $0xffff, v1;
	v12 =	vor.u32 s22, v8;
	s22 =	sadd.s32 $0x80, s23;
	s23 =	sadd.s32 $0x180, s23  }
0xfc: {  	[tilespmem:v10+s26+$0x0] =	vst.idx.msk $0xffff, v1;
	v15 =	vor.u32 s22, v0;
	v10 =	vor.u32 s23, v6  }
0xfd: {  	[tilespmem:v13+s26+$0x0] =	vst.idx.msk $0xffff, v1;
	v13 =	vor.u32 s22, v2  }
0xfe: {  	[tilespmem:v14+s26+$0x0] =	vst.idx.msk $0xffff, v1;
	v14 =	vor.u32 s22, v3  }
0xff: {  	[tilespmem:v11+s26+$0x0] =	vst.idx.msk $0xffff, v1;
	v11 =	vor.u32 s22, v4  }
0x100: {  	[tilespmem:v12+s26+$0x0] =	vst.idx.msk $0xffff, v1;
	v12 =	vor.u32 s22, v5  }
0x101: {  	[tilespmem:v15+s26+$0x0] =	vst.idx.msk $0xffff, v1;
	v15 =	vor.u32 s22, v6  }
0x102: {  	[tilespmem:v13+s26+$0x0] =	vst.idx.msk $0xffff, v1;
	v13 =	vor.u32 s22, v7  }
0x103: {  	[tilespmem:v14+s26+$0x0] =	vst.idx.msk $0xffff, v1;
	v14 =	vor.u32 s22, v8  }
0x104: {  	[tilespmem:v11+s26+$0x0] =	vst.idx.msk $0xffff, v1;
	v11 =	vor.u32 s24, v0  }
0x105: {  	[tilespmem:v12+s26+$0x0] =	vst.idx.msk $0xffff, v1;
	v12 =	vor.u32 s24, v2  }
0x106: {  	[tilespmem:v15+s26+$0x0] =	vst.idx.msk $0xffff, v1;
	v15 =	vor.u32 s24, v3  }
0x107: {  	[tilespmem:v13+s26+$0x0] =	vst.idx.msk $0xffff, v1;
	v13 =	vor.u32 s24, v4  }
0x108: {  	[tilespmem:v14+s26+$0x0] =	vst.idx.msk $0xffff, v1;
	v14 =	vor.u32 s24, v5  }
0x109: {  	[tilespmem:v11+s26+$0x0] =	vst.idx.msk $0xffff, v1;
	v11 =	vor.u32 s24, v6  }
0x10a: {  	[tilespmem:v12+s26+$0x0] =	vst.idx.msk $0xffff, v1;
	v12 =	vor.u32 s24, v7  }
0x10b: {  	v16 =	vor.u32 s24, v8;
	[tilespmem:v15+s26+$0x0] =	vst.idx.msk $0xffff, v1  }
.Ltmp3:
0x10c: {  	v15 =	vor.u32 s23, v0;
	[tilespmem:v13+s26+$0x0] =	vst.idx.msk $0xffff, v1;
	(pc) =	sbr.rel @p0 .LBB2_8-.Ltmp3, $4  }
0x10d: {  	v13 =	vor.u32 s23, v2;
	[tilespmem:v14+s26+$0x0] =	vst.idx.msk $0xffff, v1  }
0x10e: {  	v14 =	vor.u32 s23, v3;
	[tilespmem:v11+s26+$0x0] =	vst.idx.msk $0xffff, v1  }
0x10f: {  	v11 =	vor.u32 s23, v4;
	[tilespmem:v12+s26+$0x0] =	vst.idx.msk $0xffff, v1  }
0x110: {  	s22 =	simm.s32 $0x830;
	s24 =	smov.u32 s21;
	v12 =	vor.u32 s23, v5;
	[tilespmem:v16+s26+$0x0] =	vst.idx.msk $0xffff, v1  }
0x111: {  	_ =	sdelay $0x3  }
0x112: {  	[tilespmem:v15+s26+$0x0] =	vst.idx.msk $0xffff, v1  }
0x113: {  	[tilespmem:v13+s26+$0x0] =	vst.idx.msk $0xffff, v1;
	v13 =	vor.u32 s23, v7  }
0x114: {  	[tilespmem:v14+s26+$0x0] =	vst.idx.msk $0xffff, v1;
	v14 =	vor.u32 s23, v8  }
0x115: {  	[tilespmem:v11+s26+$0x0] =	vst.idx.msk $0xffff, v1  }
0x116: {  	[tilespmem:v12+s26+$0x0] =	vst.idx.msk $0xffff, v1  }
0x117: {  	[tilespmem:v10+s26+$0x0] =	vst.idx.msk $0xffff, v1  }
0x118: {  	[tilespmem:v13+s26+$0x0] =	vst.idx.msk $0xffff, v1  }
0x119: {  	[tilespmem:v14+s26+$0x0] =	vst.idx.msk $0xffff, v1  }
0x11a: {  	v12 =	vld [tilespmem:s22+$0xFFFFFFD0]  }
0x11b: {  	v13 =	vld [tilespmem:s22+$0xFFFFFFE0]  }
0x11c: {  	v14 =	vld [tilespmem:s22+$0x0];
	_ =	sdelay $0x1  }
0x11d: {  	v10 =	vld [tilespmem:s22+$0xFFFFFFF0]  }
0x11e: {  	v11 =	vmul.u32 $0x925, v12  }
0x11f: {  	v15 =	vmul.u32 $0x925, v13  }
0x120: {  	v17 =	vmul.u32 $0x925, v14;
	v16 =	vshra.s32 v11, $0x10  }
0x121: {  	v15 =	vshra.s32 v15, $0x10;
	v18 =	vmul.u32 $0xFFFFFFE4, v16  }
0x122: {  	v11 =	vmul.u32 $0x925, v10;
	v17 =	vshra.s32 v17, $0x10;
	v19 =	vmul.u32 $0xFFFFFFE4, v15  }
0x123: {  	v16 =	vshll.u32 v16, $0x5;
	v63 =	vmul.u32 $0xFFFFFFE4, v17;
	v12 =	vadd.s32 v12, v18  }
0x124: {  	v15 =	vshll.u32 v15, $0x5;
	v13 =	vadd.s32 v13, v19;
	v12 =	vor.u32 v16, v12  }
0x125: {  	s21 =	simm.s32 $0x80;
	s23 =	simm.s32 $0x870;
	v13 =	vor.u32 v15, v13;
	[tilespmem:s22+$0xFFFFFFD0] =	vst v12;
	v12 =	vadd.s32 v14, v63;
	v14 =	vshll.u32 v17, $0x5  }
.LBB2_10:
0x126: {  	v15 =	vld [tilespmem:s23+$0xFFFFFFD0];
	[tilespmem:s22+$0xFFFFFFE0] =	vst v13;
	v11 =	vshra.s32 v11, $0x10;
	v12 =	vor.u32 v14, v12  }
0x127: {  	v13 =	vld [tilespmem:s23+$0xFFFFFFE0];
	v14 =	vmul.u32 $0xFFFFFFE4, v11;
	v11 =	vshll.u32 v11, $0x5;
	[tilespmem:s22+$0x0] =	vst v12  }
0x128: {  	s21 =	sadd.s32 $0x4, s21;
	v12 =	vld [tilespmem:s23+$0x0]  }
0x129: {  	p0 =	slt.u32 s21, $0x1FC;
	v14 =	vadd.s32 v10, v14;
	v10 =	vld [tilespmem:s23+$0xFFFFFFF0]  }
0x12a: {  	v11 =	vor.u32 v11, v14  }
0x12b: {  	v14 =	vmul.u32 $0x925, v15;
	[tilespmem:s22+$0xFFFFFFF0] =	vst v11;
	s22 =	smov.u32 s23  }
0x12c: {  	v11 =	vmul.u32 $0x925, v13  }
0x12d: {  	v14 =	vshra.s32 v14, $0x10;
	v16 =	vmul.u32 $0x925, v12  }
.Ltmp4:
0x12e: {  	v17 =	vmul.u32 $0xFFFFFFE4, v14;
	v18 =	vshra.s32 v11, $0x10;
	v11 =	vmul.u32 $0x925, v10;
	(pc) =	sbr.rel @p0 .LBB2_10-.Ltmp4, $4  }
0x12f: {  	v19 =	vmul.u32 $0xFFFFFFE4, v18;
	v16 =	vshra.s32 v16, $0x10  }
0x130: {  	v14 =	vshll.u32 v14, $0x5;
	v15 =	vadd.s32 v15, v17;
	v17 =	vmul.u32 $0xFFFFFFE4, v16  }
0x131: {  	v14 =	vor.u32 v14, v15;
	v13 =	vadd.s32 v13, v19;
	v15 =	vshll.u32 v18, $0x5  }
0x132: {  	s23 =	sadd.s32 $0x40, s23;
	[tilespmem:s22+$0xFFFFFFD0] =	vst v14;
	v13 =	vor.u32 v15, v13;
	v12 =	vadd.s32 v12, v17;
	v14 =	vshll.u32 v16, $0x5  }
0x133: {  	v11 =	vshra.s32 v11, $0x10  }
0x134: {  	v15 =	vmul.u32 $0xFFFFFFE4, v11;
	_ =	sdelay $0x1  }
0x135: {  	[tilespmem:s22+$0xFFFFFFE0] =	vst v13;
	v12 =	vor.u32 v14, v12;
	v11 =	vshll.u32 v11, $0x5;
	v10 =	vadd.s32 v10, v15  }
0x136: {  	[tilespmem:s22+$0x0] =	vst v12;
	v10 =	vor.u32 v11, v10  }
0x137: {  	s21 =	simm.s32 $0x0;
	s23 =	simm.s32 $0x20;
	[tilespmem:s22+$0xFFFFFFF0] =	vst v10  }
.LBB2_12:
0x138: {  	v10 =	vld [tilespmem:s23+$0xFFFFFFE0];
	_ =	sdelay $0x3  }
0x139: {  	v11 =	vmov s21  }
0x13a: {  	v11 =	vand.u32 $0x7C, v11;
	v12 =	vshra.s32 v10, $0x5;
	v10 =	vshll.u32 v10, $0x7  }
0x13b: {  	v11 =	vbroadcast v11, $0x0;
	v13 =	vshll.u32 v12, $0xC;
	v10 =	vand.u32 $0xF80, v10  }
0x13c: {  	v10 =	vor.u32 v10, v13  }
0x13d: {  	vm0 =	vgt.s32 v12, $0xD;
	v10 =	vor.u32 v11, v10  }
0x13e: {  	v10 =	vadd.s32 $0xFFFF2000, v10;
	_ =	sdelay $0x4  }
0x13f: {  	[tilespmem:v10+s26+$0x0] =	vst.idx.msk vm0, v9  }
0x140: {  	v10 =	vld [tilespmem:s23+$0xFFFFFFF0];
	_ =	sdelay $0x2  }
0x141: {  	s22 =	sadd.s32 $0x1, s21  }
0x142: {  	v11 =	vmov s22  }
0x143: {  	v11 =	vand.u32 $0x7D, v11;
	v58 =	vshra.s32 v10, $0x5;
	v10 =	vshll.u32 v10, $0x7  }
0x144: {  	v11 =	vbroadcast v11, $0x0;
	v59 =	vshll.u32 v58, $0xC;
	v10 =	vand.u32 $0xF80, v10  }
0x145: {  	v10 =	vor.u32 v10, v59  }
0x146: {  	vm13 =	vgt.s32 v58, $0xD;
	v10 =	vor.u32 v11, v10  }
0x147: {  	v10 =	vadd.s32 $0xFFFF2000, v10;
	_ =	sdelay $0x4  }
0x148: {  	[tilespmem:v10+s26+$0x0] =	vst.idx.msk vm13, v9  }
0x149: {  	v10 =	vld [tilespmem:s23+$0x0];
	_ =	sdelay $0x2  }
0x14a: {  	s25 =	sadd.s32 $0x2, s21  }
0x14b: {  	v11 =	vmov s25  }
0x14c: {  	v11 =	vand.u32 $0x7E, v11;
	v60 =	vshra.s32 v10, $0x5;
	v10 =	vshll.u32 v10, $0x7  }
0x14d: {  	v11 =	vbroadcast v11, $0x0;
	v61 =	vshll.u32 v60, $0xC;
	v10 =	vand.u32 $0xF80, v10  }
0x14e: {  	v10 =	vor.u32 v10, v61  }
0x14f: {  	vm14 =	vgt.s32 v60, $0xD;
	v10 =	vor.u32 v11, v10  }
0x150: {  	v10 =	vadd.s32 $0xFFFF2000, v10;
	_ =	sdelay $0x4  }
0x151: {  	[tilespmem:v10+s26+$0x0] =	vst.idx.msk vm14, v9  }
0x152: {  	v10 =	vld [tilespmem:s23+$0x10];
	_ =	sdelay $0x2  }
0x153: {  	s28 =	sadd.s32 $0x3, s21  }
0x154: {  	v11 =	vmov s28  }
0x155: {  	v11 =	vand.u32 $0x7F, v11;
	v62 =	vshra.s32 v10, $0x5;
	v10 =	vshll.u32 v10, $0x7  }
0x156: {  	v11 =	vbroadcast v11, $0x0;
	v63 =	vshll.u32 v62, $0xC;
	v10 =	vand.u32 $0xF80, v10  }
0x157: {  	v10 =	vor.u32 v10, v63  }
0x158: {  	vm15 =	vgt.s32 v62, $0xD;
	v10 =	vor.u32 v11, v10  }
0x159: {  	p0 =	slt.u32 s21, $0x7C;
	v10 =	vadd.s32 $0xFFFF2000, v10  }
.Ltmp5:
0x15a: {  	_ = 	snop;
	(pc) =	sbr.rel @p0 .LBB2_12-.Ltmp5, $2  }
0x15b: {  	_ =	sdelay $0x2  }
0x15c: {  	s21 =	sadd.s32 $0x4, s21;
	s23 =	sadd.s32 $0x40, s23;
	[tilespmem:v10+s26+$0x0] =	vst.idx.msk vm15, v9  }
0x15d: {  	[hbm4b:s5+s15] =	stream.strided.scatter [tilespmem:s26], [sflag:$0x2], $0xC00, s16, s15, $0x38;
	[tilespmem:$0x1E000] =	vst v63  }
0x15e: {  	s21 =	sadd.s32 $0x10000, s5;
	s22 =	simm.s32 $0x11000  }
0x15f: {  	[hbm4b:s21+s15] =	stream.strided.scatter [tilespmem:s22], [sflag:$0x2], $0xC00, s16, s15, $0x38;
	[tilespmem:$0x1E000] =	vst v63  }
0x160: {  	s24 =	sadd.s32 $0x20000, s5;
	s25 =	simm.s32 $0x12000  }
0x161: {  	[hbm4b:s24+s15] =	stream.strided.scatter [tilespmem:s25], [sflag:$0x2], $0xC00, s16, s15, $0x38;
	[tilespmem:$0x1E000] =	vst v63  }
0x162: {  	s23 =	simm.s32 $0x13000;
	s22 =	sadd.s32 $0x30000, s5  }
0x163: {  	[hbm4b:s22+s15] =	stream.strided.scatter [tilespmem:s23], [sflag:$0x2], $0xC00, s16, s15, $0x38;
	[tilespmem:$0x1E000] =	vst v63  }
0x164: {  	s24 =	sadd.s32 $0x40000, s5;
	s25 =	simm.s32 $0x14000  }
0x165: {  	[hbm4b:s24+s15] =	stream.strided.scatter [tilespmem:s25], [sflag:$0x2], $0xC00, s16, s15, $0x38;
	[tilespmem:$0x1E000] =	vst v63  }
0x166: {  	s22 =	sadd.s32 $0x50000, s5;
	s23 =	simm.s32 $0x15000  }
0x167: {  	[hbm4b:s22+s15] =	stream.strided.scatter [tilespmem:s23], [sflag:$0x2], $0xC00, s16, s15, $0x38;
	[tilespmem:$0x1E000] =	vst v63  }
0x168: {  	s24 =	sadd.s32 $0x60000, s5;
	s25 =	simm.s32 $0x16000  }
0x169: {  	[hbm4b:s24+s15] =	stream.strided.scatter [tilespmem:s25], [sflag:$0x2], $0xC00, s16, s15, $0x38;
	[tilespmem:$0x1E000] =	vst v63  }
0x16a: {  	s22 =	sadd.s32 $0x70000, s5;
	s23 =	simm.s32 $0x17000  }
0x16b: {  	[hbm4b:s22+s15] =	stream.strided.scatter [tilespmem:s23], [sflag:$0x2], $0xC00, s16, s15, $0x38;
	[tilespmem:$0x1E000] =	vst v63  }
0x16c: {  	s24 =	sadd.s32 $0x80000, s5;
	s25 =	simm.s32 $0x18000  }
0x16d: {  	[hbm4b:s24+s15] =	stream.strided.scatter [tilespmem:s25], [sflag:$0x2], $0xC00, s16, s15, $0x38;
	[tilespmem:$0x1E000] =	vst v63  }
0x16e: {  	s22 =	sadd.s32 $0x90000, s5;
	s23 =	simm.s32 $0x19000  }
0x16f: {  	[hbm4b:s22+s15] =	stream.strided.scatter [tilespmem:s23], [sflag:$0x2], $0xC00, s16, s15, $0x38;
	[tilespmem:$0x1E000] =	vst v63  }
0x170: {  	s24 =	sadd.s32 $0xA0000, s5;
	s25 =	simm.s32 $0x1A000  }
0x171: {  	[hbm4b:s24+s15] =	stream.strided.scatter [tilespmem:s25], [sflag:$0x2], $0xC00, s16, s15, $0x38;
	[tilespmem:$0x1E000] =	vst v63  }
0x172: {  	s22 =	sadd.s32 $0xB0000, s5;
	s23 =	simm.s32 $0x1B000  }
0x173: {  	[hbm4b:s22+s15] =	stream.strided.scatter [tilespmem:s23], [sflag:$0x2], $0xC00, s16, s15, $0x38;
	[tilespmem:$0x1E000] =	vst v63  }
0x174: {  	s24 =	sadd.s32 $0xC0000, s5;
	s25 =	simm.s32 $0x1C000  }
0x175: {  	[hbm4b:s24+s15] =	stream.strided.scatter [tilespmem:s25], [sflag:$0x2], $0xC00, s16, s15, $0x38;
	[tilespmem:$0x1E000] =	vst v63  }
0x176: {  	s23 =	sadd.s32 $0xD0000, s5;
	s24 =	simm.s32 $0x1D000  }
0x177: {  	[hbm4b:s23+s15] =	stream.strided.scatter [tilespmem:s24], [sflag:$0x2], $0xC00, s16, s15, $0x38;
	[tilespmem:$0x1E000] =	vst v63  }
0x178: {  	s21 =	simm.s32 $0x0;
	s25 =	sadd.s32 $0xC000, s5;
	s23 =	simm.s32 $0x10C00  }
0x179: {  	[hbm4b:s25+s21] =	stream.linear.scatter [tilespmem:s23], [sflag:$0x2], $0x200, $0x38;
	[tilespmem:$0x1E000] =	vst v63  }
0x17a: {  	s24 =	sadd.s32 $0x1C000, s5;
	s25 =	simm.s32 $0x11C00  }
0x17b: {  	[hbm4b:s24+s21] =	stream.linear.scatter [tilespmem:s25], [sflag:$0x2], $0x200, $0x38;
	[tilespmem:$0x1E000] =	vst v63  }
0x17c: {  	s24 =	sadd.s32 $0x2C000, s5;
	s25 =	simm.s32 $0x12C00  }
0x17d: {  	[hbm4b:s24+s21] =	stream.linear.scatter [tilespmem:s25], [sflag:$0x2], $0x200, $0x38;
	[tilespmem:$0x1E000] =	vst v63  }
0x17e: {  	s24 =	sadd.s32 $0x3C000, s5;
	s25 =	simm.s32 $0x13C00  }
0x17f: {  	[hbm4b:s24+s21] =	stream.linear.scatter [tilespmem:s25], [sflag:$0x2], $0x200, $0x38;
	[tilespmem:$0x1E000] =	vst v63  }
0x180: {  	s24 =	sadd.s32 $0x4C000, s5;
	s25 =	simm.s32 $0x14C00  }
0x181: {  	[hbm4b:s24+s21] =	stream.linear.scatter [tilespmem:s25], [sflag:$0x2], $0x200, $0x38;
	[tilespmem:$0x1E000] =	vst v63  }
0x182: {  	s23 =	sadd.s32 $0x5C000, s5  }
0x183: {  	[hbm4b:s23+s21] =	stream.linear.scatter [tilespmem:s29], [sflag:$0x2], $0x200, $0x38;
	[tilespmem:$0x1E000] =	vst v63  }
0x184: {  	s24 =	sadd.s32 $0x6C000, s5  }
0x185: {  	[hbm4b:s24+s21] =	stream.linear.scatter [tilespmem:s30], [sflag:$0x2], $0x200, $0x38;
	[tilespmem:$0x1E000] =	vst v63  }
0x186: {  	s25 =	sadd.s32 $0x7C000, s5  }
0x187: {  	[hbm4b:s25+s21] =	stream.linear.scatter [tilespmem:s31], [sflag:$0x2], $0x200, $0x38;
	[tilespmem:$0x1E000] =	vst v63  }
0x188: {  	s23 =	sadd.s32 $0x8C000, s5  }
0x189: {  	[hbm4b:s23+s21] =	stream.linear.scatter [tilespmem:s0], [sflag:$0x2], $0x200, $0x38;
	[tilespmem:$0x1E000] =	vst v63  }
0x18a: {  	s24 =	sadd.s32 $0x9C000, s5  }
0x18b: {  	[hbm4b:s24+s21] =	stream.linear.scatter [tilespmem:s1], [sflag:$0x2], $0x200, $0x38;
	[tilespmem:$0x1E000] =	vst v63  }
0x18c: {  	s25 =	sadd.s32 $0xAC000, s5  }
0x18d: {  	[hbm4b:s25+s21] =	stream.linear.scatter [tilespmem:s3], [sflag:$0x2], $0x200, $0x38;
	[tilespmem:$0x1E000] =	vst v63  }
0x18e: {  	s23 =	sadd.s32 $0xBC000, s5  }
0x18f: {  	[hbm4b:s23+s21] =	stream.linear.scatter [tilespmem:s12], [sflag:$0x2], $0x200, $0x38;
	[tilespmem:$0x1E000] =	vst v63  }
0x190: {  	s24 =	sadd.s32 $0xCC000, s5  }
0x191: {  	[hbm4b:s24+s21] =	stream.linear.scatter [tilespmem:s17], [sflag:$0x2], $0x200, $0x38;
	[tilespmem:$0x1E000] =	vst v63  }
0x192: {  	s25 =	sadd.s32 $0xDC000, s5  }
0x193: {  	[hbm4b:s25+s21] =	stream.linear.scatter [tilespmem:s18], [sflag:$0x2], $0x200, $0x38;
	[tilespmem:$0x1E000] =	vst v63  }
0x194: {  	_ =	swait.ge [sflag:s14], $0xC400  }
0x195: {  	s28 =	simm.s32 $0x3000;
	[sflag:s14] =	ssyncset.done $0x0  }
0x196: {  	s23 =	simm.s32 $0x20;
	s24 =	simm.s32 $0x0;
	[sflag:s14] =	ssyncadd.s32 $0xFFFF3C00  }
.LBB2_14:
0x197: {  	v10 =	vld [tilespmem:s23+$0xFFFFFFE0];
	_ =	sdelay $0x3  }
0x198: {  	v11 =	vmov s24  }
0x199: {  	v11 =	vand.u32 $0x7C, v11;
	v12 =	vshra.s32 v10, $0x5;
	v10 =	vshll.u32 v10, $0x7  }
0x19a: {  	v11 =	vbroadcast v11, $0x0;
	v13 =	vshll.u32 v12, $0xC;
	v10 =	vand.u32 $0xF80, v10  }
0x19b: {  	vm0 =	vlt.s32 v12, $0xE;
	v10 =	vor.u32 v10, v13  }
0x19c: {  	v10 =	vor.u32 v11, v10;
	_ =	sdelay $0x4  }
0x19d: {  	[tilespmem:v10+s13+$0x0] =	vst.idx.msk vm0, v1  }
0x19e: {  	v10 =	vld [tilespmem:s23+$0xFFFFFFF0];
	_ =	sdelay $0x2  }
0x19f: {  	s22 =	sadd.s32 $0x1, s24  }
0x1a0: {  	v11 =	vmov s22  }
0x1a1: {  	v11 =	vand.u32 $0x7D, v11;
	v58 =	vshra.s32 v10, $0x5;
	v10 =	vshll.u32 v10, $0x7  }
0x1a2: {  	v11 =	vbroadcast v11, $0x0;
	v59 =	vshll.u32 v58, $0xC;
	v10 =	vand.u32 $0xF80, v10  }
0x1a3: {  	vm13 =	vlt.s32 v58, $0xE;
	v10 =	vor.u32 v10, v59  }
0x1a4: {  	v10 =	vor.u32 v11, v10;
	_ =	sdelay $0x4  }
0x1a5: {  	[tilespmem:v10+s13+$0x0] =	vst.idx.msk vm13, v1  }
0x1a6: {  	v10 =	vld [tilespmem:s23+$0x0];
	_ =	sdelay $0x2  }
0x1a7: {  	s25 =	sadd.s32 $0x2, s24  }
0x1a8: {  	v11 =	vmov s25  }
0x1a9: {  	v11 =	vand.u32 $0x7E, v11;
	v60 =	vshra.s32 v10, $0x5;
	v10 =	vshll.u32 v10, $0x7  }
0x1aa: {  	v11 =	vbroadcast v11, $0x0;
	v61 =	vshll.u32 v60, $0xC;
	v10 =	vand.u32 $0xF80, v10  }
0x1ab: {  	vm14 =	vlt.s32 v60, $0xE;
	v10 =	vor.u32 v10, v61  }
0x1ac: {  	v10 =	vor.u32 v11, v10;
	_ =	sdelay $0x4  }
0x1ad: {  	[tilespmem:v10+s13+$0x0] =	vst.idx.msk vm14, v1  }
0x1ae: {  	v10 =	vld [tilespmem:s23+$0x10];
	_ =	sdelay $0x2  }
0x1af: {  	s25 =	sadd.s32 $0x3, s24  }
0x1b0: {  	v11 =	vmov s25  }
0x1b1: {  	v11 =	vand.u32 $0x7F, v11;
	v62 =	vshra.s32 v10, $0x5;
	v10 =	vshll.u32 v10, $0x7  }
0x1b2: {  	v11 =	vbroadcast v11, $0x0;
	v63 =	vshll.u32 v62, $0xC;
	v10 =	vand.u32 $0xF80, v10  }
0x1b3: {  	vm15 =	vlt.s32 v62, $0xE;
	v10 =	vor.u32 v10, v63  }
0x1b4: {  	p0 =	slt.u32 s24, $0x7C;
	v10 =	vor.u32 v11, v10  }
.Ltmp6:
0x1b5: {  	_ = 	snop;
	(pc) =	sbr.rel @p0 .LBB2_14-.Ltmp6, $2  }
0x1b6: {  	_ =	sdelay $0x2  }
0x1b7: {  	s22 =	simm.s32 $0x830;
	s24 =	sadd.s32 $0x4, s24;
	s23 =	sadd.s32 $0x40, s23;
	[tilespmem:v10+s13+$0x0] =	vst.idx.msk vm15, v1  }
0x1b8: {  	s23 =	simm.s32 $0x0  }
.LBB2_16:
0x1b9: {  	s24 =	sand.u32 $0x7C0, s21  }
0x1ba: {  	v10 =	vld [tilespmem:s24+$0x800];
	_ =	sdelay $0x3  }
0x1bb: {  	v11 =	vmov s23  }
0x1bc: {  	v11 =	vand.u32 $0x7C, v11;
	v12 =	vshra.s32 v10, $0x5;
	v10 =	vshll.u32 v10, $0x7  }
0x1bd: {  	v11 =	vbroadcast v11, $0x0;
	v13 =	vshll.u32 v12, $0xC;
	v10 =	vand.u32 $0xF80, v10  }
0x1be: {  	vm0 =	vlt.s32 v12, $0xE;
	v10 =	vor.u32 v10, v13  }
0x1bf: {  	v10 =	vor.u32 v11, v10;
	_ =	sdelay $0x4  }
0x1c0: {  	[tilespmem:v10+s13+$0x0] =	vst.idx.msk vm0, v9  }
0x1c1: {  	v10 =	vld [tilespmem:s22+$0xFFFFFFE0];
	_ =	sdelay $0x2  }
0x1c2: {  	s25 =	sadd.s32 $0x1, s23  }
0x1c3: {  	v11 =	vmov s25  }
0x1c4: {  	v11 =	vand.u32 $0x7D, v11;
	v58 =	vshra.s32 v10, $0x5;
	v10 =	vshll.u32 v10, $0x7  }
0x1c5: {  	v11 =	vbroadcast v11, $0x0;
	v59 =	vshll.u32 v58, $0xC;
	v10 =	vand.u32 $0xF80, v10  }
0x1c6: {  	vm13 =	vlt.s32 v58, $0xE;
	v10 =	vor.u32 v10, v59  }
0x1c7: {  	v10 =	vor.u32 v11, v10;
	_ =	sdelay $0x4  }
0x1c8: {  	[tilespmem:v10+s13+$0x0] =	vst.idx.msk vm13, v9  }
0x1c9: {  	v10 =	vld [tilespmem:s22+$0xFFFFFFF0];
	_ =	sdelay $0x2  }
0x1ca: {  	s25 =	sadd.s32 $0x2, s23  }
0x1cb: {  	v11 =	vmov s25  }
0x1cc: {  	v11 =	vand.u32 $0x7E, v11;
	v60 =	vshra.s32 v10, $0x5;
	v10 =	vshll.u32 v10, $0x7  }
0x1cd: {  	v11 =	vbroadcast v11, $0x0;
	v61 =	vshll.u32 v60, $0xC;
	v10 =	vand.u32 $0xF80, v10  }
0x1ce: {  	vm14 =	vlt.s32 v60, $0xE;
	v10 =	vor.u32 v10, v61  }
0x1cf: {  	v10 =	vor.u32 v11, v10;
	_ =	sdelay $0x4  }
0x1d0: {  	[tilespmem:v10+s13+$0x0] =	vst.idx.msk vm14, v9  }
0x1d1: {  	v10 =	vld [tilespmem:s22+$0x0];
	_ =	sdelay $0x2  }
0x1d2: {  	s25 =	sadd.s32 $0x3, s23  }
0x1d3: {  	v11 =	vmov s25  }
0x1d4: {  	v11 =	vand.u32 $0x7F, v11;
	v62 =	vshra.s32 v10, $0x5;
	v10 =	vshll.u32 v10, $0x7  }
0x1d5: {  	v11 =	vbroadcast v11, $0x0;
	v63 =	vshll.u32 v62, $0xC;
	v10 =	vand.u32 $0xF80, v10  }
0x1d6: {  	vm15 =	vlt.s32 v62, $0xE;
	v10 =	vor.u32 v10, v63  }
0x1d7: {  	p0 =	slt.u32 s23, $0x7C;
	v10 =	vor.u32 v11, v10  }
.Ltmp7:
0x1d8: {  	_ = 	snop;
	(pc) =	sbr.rel @p0 .LBB2_16-.Ltmp7, $2  }
0x1d9: {  	_ =	sdelay $0x2  }
0x1da: {  	s21 =	sadd.s32 $0x40, s21;
	s23 =	sadd.s32 $0x4, s23;
	s22 =	sadd.s32 $0x40, s22;
	[tilespmem:v10+s13+$0x0] =	vst.idx.msk vm15, v9  }
0x1db: {  	[hbm4b:s6+s15] =	stream.strided.scatter [tilespmem:s13], [sflag:$0x1], $0xC00, s16, s15, $0x38;
	[tilespmem:$0x1E000] =	vst v63  }
0x1dc: {  	s21 =	sadd.s32 $0x10000, s6  }
0x1dd: {  	[hbm4b:s21+s15] =	stream.strided.scatter [tilespmem:s28], [sflag:$0x1], $0xC00, s16, s15, $0x38;
	[tilespmem:$0x1E000] =	vst v63  }
0x1de: {  	s25 =	sadd.s32 $0x20000, s6;
	s22 =	simm.s32 $0x4000  }
0x1df: {  	[hbm4b:s25+s15] =	stream.strided.scatter [tilespmem:s22], [sflag:$0x1], $0xC00, s16, s15, $0x38;
	[tilespmem:$0x1E000] =	vst v63  }
0x1e0: {  	s23 =	simm.s32 $0x5000;
	s22 =	sadd.s32 $0x30000, s6  }
0x1e1: {  	[hbm4b:s22+s15] =	stream.strided.scatter [tilespmem:s23], [sflag:$0x1], $0xC00, s16, s15, $0x38;
	[tilespmem:$0x1E000] =	vst v63  }
0x1e2: {  	s24 =	sadd.s32 $0x40000, s6;
	s25 =	simm.s32 $0x6000  }
0x1e3: {  	[hbm4b:s24+s15] =	stream.strided.scatter [tilespmem:s25], [sflag:$0x1], $0xC00, s16, s15, $0x38;
	[tilespmem:$0x1E000] =	vst v63  }
0x1e4: {  	s22 =	sadd.s32 $0x50000, s6;
	s23 =	simm.s32 $0x7000  }
0x1e5: {  	[hbm4b:s22+s15] =	stream.strided.scatter [tilespmem:s23], [sflag:$0x1], $0xC00, s16, s15, $0x38;
	[tilespmem:$0x1E000] =	vst v63  }
0x1e6: {  	s24 =	sadd.s32 $0x60000, s6;
	s25 =	simm.s32 $0x8000  }
0x1e7: {  	[hbm4b:s24+s15] =	stream.strided.scatter [tilespmem:s25], [sflag:$0x1], $0xC00, s16, s15, $0x38;
	[tilespmem:$0x1E000] =	vst v63  }
0x1e8: {  	s22 =	sadd.s32 $0x70000, s6;
	s23 =	simm.s32 $0x9000  }
0x1e9: {  	[hbm4b:s22+s15] =	stream.strided.scatter [tilespmem:s23], [sflag:$0x1], $0xC00, s16, s15, $0x38;
	[tilespmem:$0x1E000] =	vst v63  }
0x1ea: {  	s24 =	sadd.s32 $0x80000, s6;
	s25 =	simm.s32 $0xA000  }
0x1eb: {  	[hbm4b:s24+s15] =	stream.strided.scatter [tilespmem:s25], [sflag:$0x1], $0xC00, s16, s15, $0x38;
	[tilespmem:$0x1E000] =	vst v63  }
0x1ec: {  	s22 =	sadd.s32 $0x90000, s6;
	s23 =	simm.s32 $0xB000  }
0x1ed: {  	[hbm4b:s22+s15] =	stream.strided.scatter [tilespmem:s23], [sflag:$0x1], $0xC00, s16, s15, $0x38;
	[tilespmem:$0x1E000] =	vst v63  }
0x1ee: {  	s24 =	sadd.s32 $0xA0000, s6;
	s25 =	simm.s32 $0xC000  }
0x1ef: {  	[hbm4b:s24+s15] =	stream.strided.scatter [tilespmem:s25], [sflag:$0x1], $0xC00, s16, s15, $0x38;
	[tilespmem:$0x1E000] =	vst v63  }
0x1f0: {  	s22 =	sadd.s32 $0xB0000, s6;
	s23 =	simm.s32 $0xD000  }
0x1f1: {  	[hbm4b:s22+s15] =	stream.strided.scatter [tilespmem:s23], [sflag:$0x1], $0xC00, s16, s15, $0x38;
	[tilespmem:$0x1E000] =	vst v63  }
0x1f2: {  	s24 =	sadd.s32 $0xC0000, s6;
	s25 =	simm.s32 $0xE000  }
0x1f3: {  	[hbm4b:s24+s15] =	stream.strided.scatter [tilespmem:s25], [sflag:$0x1], $0xC00, s16, s15, $0x38;
	[tilespmem:$0x1E000] =	vst v63  }
0x1f4: {  	s23 =	sadd.s32 $0xD0000, s6;
	s24 =	simm.s32 $0xF000  }
0x1f5: {  	[hbm4b:s23+s15] =	stream.strided.scatter [tilespmem:s24], [sflag:$0x1], $0xC00, s16, s15, $0x38;
	[tilespmem:$0x1E000] =	vst v63  }
0x1f6: {  	s21 =	simm.s32 $0x0;
	s25 =	sadd.s32 $0xC000, s6;
	s23 =	simm.s32 $0x2C00  }
0x1f7: {  	[hbm4b:s25+s21] =	stream.linear.scatter [tilespmem:s23], [sflag:$0x1], $0x200, $0x38;
	[tilespmem:$0x1E000] =	vst v63  }
0x1f8: {  	s24 =	sadd.s32 $0x1C000, s6;
	s25 =	simm.s32 $0x3C00  }
0x1f9: {  	[hbm4b:s24+s21] =	stream.linear.scatter [tilespmem:s25], [sflag:$0x1], $0x200, $0x38;
	[tilespmem:$0x1E000] =	vst v63  }
0x1fa: {  	s24 =	sadd.s32 $0x2C000, s6;
	s25 =	simm.s32 $0x4C00  }
0x1fb: {  	[hbm4b:s24+s21] =	stream.linear.scatter [tilespmem:s25], [sflag:$0x1], $0x200, $0x38;
	[tilespmem:$0x1E000] =	vst v63  }
0x1fc: {  	s24 =	sadd.s32 $0x3C000, s6;
	s25 =	simm.s32 $0x5C00  }
0x1fd: {  	[hbm4b:s24+s21] =	stream.linear.scatter [tilespmem:s25], [sflag:$0x1], $0x200, $0x38;
	[tilespmem:$0x1E000] =	vst v63  }
0x1fe: {  	s24 =	sadd.s32 $0x4C000, s6;
	s25 =	simm.s32 $0x6C00  }
0x1ff: {  	[hbm4b:s24+s21] =	stream.linear.scatter [tilespmem:s25], [sflag:$0x1], $0x200, $0x38;
	[tilespmem:$0x1E000] =	vst v63  }
0x200: {  	s24 =	sadd.s32 $0x5C000, s6;
	s25 =	simm.s32 $0x7C00  }
0x201: {  	[hbm4b:s24+s21] =	stream.linear.scatter [tilespmem:s25], [sflag:$0x1], $0x200, $0x38;
	[tilespmem:$0x1E000] =	vst v63  }
0x202: {  	s24 =	sadd.s32 $0x6C000, s6;
	s25 =	simm.s32 $0x8C00  }
0x203: {  	[hbm4b:s24+s21] =	stream.linear.scatter [tilespmem:s25], [sflag:$0x1], $0x200, $0x38;
	[tilespmem:$0x1E000] =	vst v63  }
0x204: {  	s24 =	sadd.s32 $0x7C000, s6;
	s25 =	simm.s32 $0x9C00  }
0x205: {  	[hbm4b:s24+s21] =	stream.linear.scatter [tilespmem:s25], [sflag:$0x1], $0x200, $0x38;
	[tilespmem:$0x1E000] =	vst v63  }
0x206: {  	s24 =	sadd.s32 $0x8C000, s6;
	s25 =	simm.s32 $0xAC00  }
0x207: {  	[hbm4b:s24+s21] =	stream.linear.scatter [tilespmem:s25], [sflag:$0x1], $0x200, $0x38;
	[tilespmem:$0x1E000] =	vst v63  }
0x208: {  	s24 =	sadd.s32 $0x9C000, s6;
	s25 =	simm.s32 $0xBC00  }
0x209: {  	[hbm4b:s24+s21] =	stream.linear.scatter [tilespmem:s25], [sflag:$0x1], $0x200, $0x38;
	[tilespmem:$0x1E000] =	vst v63  }
0x20a: {  	s24 =	sadd.s32 $0xAC000, s6;
	s25 =	simm.s32 $0xCC00  }
0x20b: {  	[hbm4b:s24+s21] =	stream.linear.scatter [tilespmem:s25], [sflag:$0x1], $0x200, $0x38;
	[tilespmem:$0x1E000] =	vst v63  }
0x20c: {  	s24 =	sadd.s32 $0xBC000, s6;
	s25 =	simm.s32 $0xDC00  }
0x20d: {  	[hbm4b:s24+s21] =	stream.linear.scatter [tilespmem:s25], [sflag:$0x1], $0x200, $0x38;
	[tilespmem:$0x1E000] =	vst v63  }
0x20e: {  	s24 =	sadd.s32 $0xCC000, s6;
	s25 =	simm.s32 $0xEC00  }
0x20f: {  	[hbm4b:s24+s21] =	stream.linear.scatter [tilespmem:s25], [sflag:$0x1], $0x200, $0x38;
	[tilespmem:$0x1E000] =	vst v63  }
0x210: {  	s24 =	sadd.s32 $0xDC000, s6;
	s25 =	simm.s32 $0xFC00  }
0x211: {  	[hbm4b:s24+s21] =	stream.linear.scatter [tilespmem:s25], [sflag:$0x1], $0x200, $0x38;
	[tilespmem:$0x1E000] =	vst v63  }
0x212: {  	_ =	swait.ge [sflag:s19], $0xC400  }
0x213: {  	[sflag:s19] =	ssyncset.done $0x0  }
0x214: {  	s23 =	simm.s32 $0x20;
	s24 =	simm.s32 $0x0;
	[sflag:s19] =	ssyncadd.s32 $0xFFFF3C00  }
.LBB2_18:
0x215: {  	v10 =	vld [tilespmem:s23+$0xFFFFFFE0];
	_ =	sdelay $0x3  }
0x216: {  	v11 =	vmov s24  }
0x217: {  	v11 =	vand.u32 $0x7C, v11;
	v12 =	vshra.s32 v10, $0x5;
	v10 =	vshll.u32 v10, $0x7  }
0x218: {  	v11 =	vbroadcast v11, $0x0;
	v13 =	vshll.u32 v12, $0xC;
	v10 =	vand.u32 $0xF80, v10  }
0x219: {  	v10 =	vor.u32 v10, v13  }
0x21a: {  	vm0 =	vgt.s32 v12, $0xD;
	v10 =	vor.u32 v11, v10  }
0x21b: {  	v10 =	vadd.s32 $0xFFFF2000, v10;
	_ =	sdelay $0x4  }
0x21c: {  	[tilespmem:v10+s26+$0x0] =	vst.idx.msk vm0, v1  }
0x21d: {  	v10 =	vld [tilespmem:s23+$0xFFFFFFF0];
	_ =	sdelay $0x2  }
0x21e: {  	s22 =	sadd.s32 $0x1, s24  }
0x21f: {  	v11 =	vmov s22  }
0x220: {  	v11 =	vand.u32 $0x7D, v11;
	v58 =	vshra.s32 v10, $0x5;
	v10 =	vshll.u32 v10, $0x7  }
0x221: {  	v11 =	vbroadcast v11, $0x0;
	v59 =	vshll.u32 v58, $0xC;
	v10 =	vand.u32 $0xF80, v10  }
0x222: {  	v10 =	vor.u32 v10, v59  }
0x223: {  	vm13 =	vgt.s32 v58, $0xD;
	v10 =	vor.u32 v11, v10  }
0x224: {  	v10 =	vadd.s32 $0xFFFF2000, v10;
	_ =	sdelay $0x4  }
0x225: {  	[tilespmem:v10+s26+$0x0] =	vst.idx.msk vm13, v1  }
0x226: {  	v10 =	vld [tilespmem:s23+$0x0];
	_ =	sdelay $0x2  }
0x227: {  	s25 =	sadd.s32 $0x2, s24  }
0x228: {  	v11 =	vmov s25  }
0x229: {  	v11 =	vand.u32 $0x7E, v11;
	v60 =	vshra.s32 v10, $0x5;
	v10 =	vshll.u32 v10, $0x7  }
0x22a: {  	v11 =	vbroadcast v11, $0x0;
	v61 =	vshll.u32 v60, $0xC;
	v10 =	vand.u32 $0xF80, v10  }
0x22b: {  	v10 =	vor.u32 v10, v61  }
0x22c: {  	vm14 =	vgt.s32 v60, $0xD;
	v10 =	vor.u32 v11, v10  }
0x22d: {  	v10 =	vadd.s32 $0xFFFF2000, v10;
	_ =	sdelay $0x4  }
0x22e: {  	[tilespmem:v10+s26+$0x0] =	vst.idx.msk vm14, v1  }
0x22f: {  	v10 =	vld [tilespmem:s23+$0x10];
	_ =	sdelay $0x2  }
0x230: {  	s25 =	sadd.s32 $0x3, s24  }
0x231: {  	v11 =	vmov s25  }
0x232: {  	v11 =	vand.u32 $0x7F, v11;
	v62 =	vshra.s32 v10, $0x5;
	v10 =	vshll.u32 v10, $0x7  }
0x233: {  	v11 =	vbroadcast v11, $0x0;
	v63 =	vshll.u32 v62, $0xC;
	v10 =	vand.u32 $0xF80, v10  }
0x234: {  	v10 =	vor.u32 v10, v63  }
0x235: {  	vm15 =	vgt.s32 v62, $0xD;
	v10 =	vor.u32 v11, v10  }
0x236: {  	p0 =	slt.u32 s24, $0x7C;
	v10 =	vadd.s32 $0xFFFF2000, v10  }
.Ltmp8:
0x237: {  	_ = 	snop;
	(pc) =	sbr.rel @p0 .LBB2_18-.Ltmp8, $2  }
0x238: {  	_ =	sdelay $0x2  }
0x239: {  	s22 =	simm.s32 $0x830;
	s24 =	sadd.s32 $0x4, s24;
	s23 =	sadd.s32 $0x40, s23;
	[tilespmem:v10+s26+$0x0] =	vst.idx.msk vm15, v1  }
0x23a: {  	s23 =	simm.s32 $0x0  }
.LBB2_20:
0x23b: {  	s24 =	sand.u32 $0x7C0, s21  }
0x23c: {  	v10 =	vld [tilespmem:s24+$0x800];
	_ =	sdelay $0x3  }
0x23d: {  	v11 =	vmov s23  }
0x23e: {  	v11 =	vand.u32 $0x7C, v11;
	v12 =	vshra.s32 v10, $0x5;
	v10 =	vshll.u32 v10, $0x7  }
0x23f: {  	v11 =	vbroadcast v11, $0x0;
	v13 =	vshll.u32 v12, $0xC;
	v10 =	vand.u32 $0xF80, v10  }
0x240: {  	v10 =	vor.u32 v10, v13  }
0x241: {  	vm0 =	vgt.s32 v12, $0xD;
	v10 =	vor.u32 v11, v10  }
0x242: {  	v10 =	vadd.s32 $0xFFFF2000, v10;
	_ =	sdelay $0x4  }
0x243: {  	[tilespmem:v10+s26+$0x0] =	vst.idx.msk vm0, v9  }
0x244: {  	v10 =	vld [tilespmem:s22+$0xFFFFFFE0];
	_ =	sdelay $0x2  }
0x245: {  	s25 =	sadd.s32 $0x1, s23  }
0x246: {  	v11 =	vmov s25  }
0x247: {  	v11 =	vand.u32 $0x7D, v11;
	v58 =	vshra.s32 v10, $0x5;
	v10 =	vshll.u32 v10, $0x7  }
0x248: {  	v11 =	vbroadcast v11, $0x0;
	v59 =	vshll.u32 v58, $0xC;
	v10 =	vand.u32 $0xF80, v10  }
0x249: {  	v10 =	vor.u32 v10, v59  }
0x24a: {  	vm13 =	vgt.s32 v58, $0xD;
	v10 =	vor.u32 v11, v10  }
0x24b: {  	v10 =	vadd.s32 $0xFFFF2000, v10;
	_ =	sdelay $0x4  }
0x24c: {  	[tilespmem:v10+s26+$0x0] =	vst.idx.msk vm13, v9  }
0x24d: {  	v10 =	vld [tilespmem:s22+$0xFFFFFFF0];
	_ =	sdelay $0x2  }
0x24e: {  	s25 =	sadd.s32 $0x2, s23  }
0x24f: {  	v11 =	vmov s25  }
0x250: {  	v11 =	vand.u32 $0x7E, v11;
	v60 =	vshra.s32 v10, $0x5;
	v10 =	vshll.u32 v10, $0x7  }
0x251: {  	v11 =	vbroadcast v11, $0x0;
	v61 =	vshll.u32 v60, $0xC;
	v10 =	vand.u32 $0xF80, v10  }
0x252: {  	v10 =	vor.u32 v10, v61  }
0x253: {  	vm14 =	vgt.s32 v60, $0xD;
	v10 =	vor.u32 v11, v10  }
0x254: {  	v10 =	vadd.s32 $0xFFFF2000, v10;
	_ =	sdelay $0x4  }
0x255: {  	[tilespmem:v10+s26+$0x0] =	vst.idx.msk vm14, v9  }
0x256: {  	v10 =	vld [tilespmem:s22+$0x0];
	_ =	sdelay $0x2  }
0x257: {  	s25 =	sadd.s32 $0x3, s23  }
0x258: {  	v11 =	vmov s25  }
0x259: {  	v11 =	vand.u32 $0x7F, v11;
	v62 =	vshra.s32 v10, $0x5;
	v10 =	vshll.u32 v10, $0x7  }
0x25a: {  	v11 =	vbroadcast v11, $0x0;
	v63 =	vshll.u32 v62, $0xC;
	v10 =	vand.u32 $0xF80, v10  }
0x25b: {  	v10 =	vor.u32 v10, v63  }
0x25c: {  	vm15 =	vgt.s32 v62, $0xD;
	v10 =	vor.u32 v11, v10  }
0x25d: {  	p0 =	slt.u32 s23, $0x7C;
	v10 =	vadd.s32 $0xFFFF2000, v10  }
.Ltmp9:
0x25e: {  	_ = 	snop;
	(pc) =	sbr.rel @p0 .LBB2_20-.Ltmp9, $2  }
0x25f: {  	_ =	sdelay $0x2  }
0x260: {  	s21 =	sadd.s32 $0x40, s21;
	s23 =	sadd.s32 $0x4, s23;
	s22 =	sadd.s32 $0x40, s22;
	[tilespmem:v10+s26+$0x0] =	vst.idx.msk vm15, v9  }
0x261: {  	[hbm4b:s7+s15] =	stream.strided.scatter [tilespmem:s26], [sflag:$0x2], $0xC00, s16, s15, $0x38;
	[tilespmem:$0x1E000] =	vst v63  }
0x262: {  	s21 =	sadd.s32 $0x10000, s7;
	s22 =	simm.s32 $0x11000  }
0x263: {  	[hbm4b:s21+s15] =	stream.strided.scatter [tilespmem:s22], [sflag:$0x2], $0xC00, s16, s15, $0x38;
	[tilespmem:$0x1E000] =	vst v63  }
0x264: {  	s24 =	sadd.s32 $0x20000, s7;
	s25 =	simm.s32 $0x12000  }
0x265: {  	[hbm4b:s24+s15] =	stream.strided.scatter [tilespmem:s25], [sflag:$0x2], $0xC00, s16, s15, $0x38;
	[tilespmem:$0x1E000] =	vst v63  }
0x266: {  	s23 =	simm.s32 $0x13000;
	s22 =	sadd.s32 $0x30000, s7  }
0x267: {  	[hbm4b:s22+s15] =	stream.strided.scatter [tilespmem:s23], [sflag:$0x2], $0xC00, s16, s15, $0x38;
	[tilespmem:$0x1E000] =	vst v63  }
0x268: {  	s24 =	sadd.s32 $0x40000, s7;
	s25 =	simm.s32 $0x14000  }
0x269: {  	[hbm4b:s24+s15] =	stream.strided.scatter [tilespmem:s25], [sflag:$0x2], $0xC00, s16, s15, $0x38;
	[tilespmem:$0x1E000] =	vst v63  }
0x26a: {  	s22 =	sadd.s32 $0x50000, s7;
	s23 =	simm.s32 $0x15000  }
0x26b: {  	[hbm4b:s22+s15] =	stream.strided.scatter [tilespmem:s23], [sflag:$0x2], $0xC00, s16, s15, $0x38;
	[tilespmem:$0x1E000] =	vst v63  }
0x26c: {  	s24 =	sadd.s32 $0x60000, s7;
	s25 =	simm.s32 $0x16000  }
0x26d: {  	[hbm4b:s24+s15] =	stream.strided.scatter [tilespmem:s25], [sflag:$0x2], $0xC00, s16, s15, $0x38;
	[tilespmem:$0x1E000] =	vst v63  }
0x26e: {  	s22 =	sadd.s32 $0x70000, s7;
	s23 =	simm.s32 $0x17000  }
0x26f: {  	[hbm4b:s22+s15] =	stream.strided.scatter [tilespmem:s23], [sflag:$0x2], $0xC00, s16, s15, $0x38;
	[tilespmem:$0x1E000] =	vst v63  }
0x270: {  	s24 =	sadd.s32 $0x80000, s7;
	s25 =	simm.s32 $0x18000  }
0x271: {  	[hbm4b:s24+s15] =	stream.strided.scatter [tilespmem:s25], [sflag:$0x2], $0xC00, s16, s15, $0x38;
	[tilespmem:$0x1E000] =	vst v63  }
0x272: {  	s22 =	sadd.s32 $0x90000, s7;
	s23 =	simm.s32 $0x19000  }
0x273: {  	[hbm4b:s22+s15] =	stream.strided.scatter [tilespmem:s23], [sflag:$0x2], $0xC00, s16, s15, $0x38;
	[tilespmem:$0x1E000] =	vst v63  }
0x274: {  	s24 =	sadd.s32 $0xA0000, s7;
	s25 =	simm.s32 $0x1A000  }
0x275: {  	[hbm4b:s24+s15] =	stream.strided.scatter [tilespmem:s25], [sflag:$0x2], $0xC00, s16, s15, $0x38;
	[tilespmem:$0x1E000] =	vst v63  }
0x276: {  	s22 =	sadd.s32 $0xB0000, s7;
	s23 =	simm.s32 $0x1B000  }
0x277: {  	[hbm4b:s22+s15] =	stream.strided.scatter [tilespmem:s23], [sflag:$0x2], $0xC00, s16, s15, $0x38;
	[tilespmem:$0x1E000] =	vst v63  }
0x278: {  	s24 =	sadd.s32 $0xC0000, s7;
	s25 =	simm.s32 $0x1C000  }
0x279: {  	[hbm4b:s24+s15] =	stream.strided.scatter [tilespmem:s25], [sflag:$0x2], $0xC00, s16, s15, $0x38;
	[tilespmem:$0x1E000] =	vst v63  }
0x27a: {  	s23 =	sadd.s32 $0xD0000, s7;
	s24 =	simm.s32 $0x1D000  }
0x27b: {  	[hbm4b:s23+s15] =	stream.strided.scatter [tilespmem:s24], [sflag:$0x2], $0xC00, s16, s15, $0x38;
	[tilespmem:$0x1E000] =	vst v63  }
0x27c: {  	s21 =	simm.s32 $0x0;
	s25 =	sadd.s32 $0xC000, s7;
	s23 =	simm.s32 $0x10C00  }
0x27d: {  	[hbm4b:s25+s21] =	stream.linear.scatter [tilespmem:s23], [sflag:$0x2], $0x200, $0x38;
	[tilespmem:$0x1E000] =	vst v63  }
0x27e: {  	s24 =	sadd.s32 $0x1C000, s7;
	s25 =	simm.s32 $0x11C00  }
0x27f: {  	[hbm4b:s24+s21] =	stream.linear.scatter [tilespmem:s25], [sflag:$0x2], $0x200, $0x38;
	[tilespmem:$0x1E000] =	vst v63  }
0x280: {  	s24 =	sadd.s32 $0x2C000, s7;
	s25 =	simm.s32 $0x12C00  }
0x281: {  	[hbm4b:s24+s21] =	stream.linear.scatter [tilespmem:s25], [sflag:$0x2], $0x200, $0x38;
	[tilespmem:$0x1E000] =	vst v63  }
0x282: {  	s24 =	sadd.s32 $0x3C000, s7;
	s25 =	simm.s32 $0x13C00  }
0x283: {  	[hbm4b:s24+s21] =	stream.linear.scatter [tilespmem:s25], [sflag:$0x2], $0x200, $0x38;
	[tilespmem:$0x1E000] =	vst v63  }
0x284: {  	s24 =	sadd.s32 $0x4C000, s7;
	s25 =	simm.s32 $0x14C00  }
0x285: {  	[hbm4b:s24+s21] =	stream.linear.scatter [tilespmem:s25], [sflag:$0x2], $0x200, $0x38;
	[tilespmem:$0x1E000] =	vst v63  }
0x286: {  	s23 =	sadd.s32 $0x5C000, s7  }
0x287: {  	[hbm4b:s23+s21] =	stream.linear.scatter [tilespmem:s29], [sflag:$0x2], $0x200, $0x38;
	[tilespmem:$0x1E000] =	vst v63  }
0x288: {  	s24 =	sadd.s32 $0x6C000, s7  }
0x289: {  	[hbm4b:s24+s21] =	stream.linear.scatter [tilespmem:s30], [sflag:$0x2], $0x200, $0x38;
	[tilespmem:$0x1E000] =	vst v63  }
0x28a: {  	s25 =	sadd.s32 $0x7C000, s7  }
0x28b: {  	[hbm4b:s25+s21] =	stream.linear.scatter [tilespmem:s31], [sflag:$0x2], $0x200, $0x38;
	[tilespmem:$0x1E000] =	vst v63  }
0x28c: {  	s23 =	sadd.s32 $0x8C000, s7  }
0x28d: {  	[hbm4b:s23+s21] =	stream.linear.scatter [tilespmem:s0], [sflag:$0x2], $0x200, $0x38;
	[tilespmem:$0x1E000] =	vst v63  }
0x28e: {  	s24 =	sadd.s32 $0x9C000, s7  }
0x28f: {  	[hbm4b:s24+s21] =	stream.linear.scatter [tilespmem:s1], [sflag:$0x2], $0x200, $0x38;
	[tilespmem:$0x1E000] =	vst v63  }
0x290: {  	s25 =	sadd.s32 $0xAC000, s7  }
0x291: {  	[hbm4b:s25+s21] =	stream.linear.scatter [tilespmem:s3], [sflag:$0x2], $0x200, $0x38;
	[tilespmem:$0x1E000] =	vst v63  }
0x292: {  	s23 =	sadd.s32 $0xBC000, s7  }
0x293: {  	[hbm4b:s23+s21] =	stream.linear.scatter [tilespmem:s12], [sflag:$0x2], $0x200, $0x38;
	[tilespmem:$0x1E000] =	vst v63  }
0x294: {  	s24 =	sadd.s32 $0xCC000, s7  }
0x295: {  	[hbm4b:s24+s21] =	stream.linear.scatter [tilespmem:s17], [sflag:$0x2], $0x200, $0x38;
	[tilespmem:$0x1E000] =	vst v63  }
0x296: {  	s25 =	sadd.s32 $0xDC000, s7  }
0x297: {  	[hbm4b:s25+s21] =	stream.linear.scatter [tilespmem:s18], [sflag:$0x2], $0x200, $0x38;
	[tilespmem:$0x1E000] =	vst v63  }
0x298: {  	_ =	swait.ge [sflag:s14], $0xC400  }
0x299: {  	s23 =	simm.s32 $0x830;
	[sflag:s14] =	ssyncset.done $0x0  }
0x29a: {  	s24 =	simm.s32 $0x0;
	s25 =	simm.s32 $0x0;
	[sflag:s14] =	ssyncadd.s32 $0xFFFF3C00  }
.LBB2_22:
0x29b: {  	s22 =	sand.u32 $0x7C0, s24  }
0x29c: {  	v10 =	vld [tilespmem:s22+$0x800];
	_ =	sdelay $0x3  }
0x29d: {  	v11 =	vmov s25  }
0x29e: {  	v11 =	vand.u32 $0x7C, v11;
	v12 =	vshra.s32 v10, $0x5;
	v10 =	vshll.u32 v10, $0x7  }
0x29f: {  	v11 =	vbroadcast v11, $0x0;
	v13 =	vshll.u32 v12, $0xC;
	v10 =	vand.u32 $0xF80, v10  }
0x2a0: {  	vm0 =	vlt.s32 v12, $0xE;
	v10 =	vor.u32 v10, v13  }
0x2a1: {  	v10 =	vor.u32 v11, v10;
	_ =	sdelay $0x4  }
0x2a2: {  	[tilespmem:v10+s13+$0x0] =	vst.idx.msk vm0, v1  }
0x2a3: {  	v10 =	vld [tilespmem:s23+$0xFFFFFFE0];
	_ =	sdelay $0x2  }
0x2a4: {  	s22 =	sadd.s32 $0x1, s25  }
0x2a5: {  	v11 =	vmov s22  }
0x2a6: {  	v11 =	vand.u32 $0x7D, v11;
	v58 =	vshra.s32 v10, $0x5;
	v10 =	vshll.u32 v10, $0x7  }
0x2a7: {  	v11 =	vbroadcast v11, $0x0;
	v59 =	vshll.u32 v58, $0xC;
	v10 =	vand.u32 $0xF80, v10  }
0x2a8: {  	vm13 =	vlt.s32 v58, $0xE;
	v10 =	vor.u32 v10, v59  }
0x2a9: {  	v10 =	vor.u32 v11, v10;
	_ =	sdelay $0x4  }
0x2aa: {  	[tilespmem:v10+s13+$0x0] =	vst.idx.msk vm13, v1  }
0x2ab: {  	v10 =	vld [tilespmem:s23+$0xFFFFFFF0];
	_ =	sdelay $0x2  }
0x2ac: {  	s22 =	sadd.s32 $0x2, s25  }
0x2ad: {  	v11 =	vmov s22  }
0x2ae: {  	v11 =	vand.u32 $0x7E, v11;
	v60 =	vshra.s32 v10, $0x5;
	v10 =	vshll.u32 v10, $0x7  }
0x2af: {  	v11 =	vbroadcast v11, $0x0;
	v61 =	vshll.u32 v60, $0xC;
	v10 =	vand.u32 $0xF80, v10  }
0x2b0: {  	vm14 =	vlt.s32 v60, $0xE;
	v10 =	vor.u32 v10, v61  }
0x2b1: {  	v10 =	vor.u32 v11, v10;
	_ =	sdelay $0x4  }
0x2b2: {  	[tilespmem:v10+s13+$0x0] =	vst.idx.msk vm14, v1  }
0x2b3: {  	v10 =	vld [tilespmem:s23+$0x0];
	_ =	sdelay $0x2  }
0x2b4: {  	s22 =	sadd.s32 $0x3, s25  }
0x2b5: {  	v11 =	vmov s22  }
0x2b6: {  	v11 =	vand.u32 $0x7F, v11;
	v62 =	vshra.s32 v10, $0x5;
	v10 =	vshll.u32 v10, $0x7  }
0x2b7: {  	v11 =	vbroadcast v11, $0x0;
	v63 =	vshll.u32 v62, $0xC;
	v10 =	vand.u32 $0xF80, v10  }
0x2b8: {  	vm15 =	vlt.s32 v62, $0xE;
	v10 =	vor.u32 v10, v63  }
0x2b9: {  	p0 =	slt.u32 s25, $0x7C;
	v10 =	vor.u32 v11, v10  }
.Ltmp10:
0x2ba: {  	_ = 	snop;
	(pc) =	sbr.rel @p0 .LBB2_22-.Ltmp10, $3  }
0x2bb: {  	_ =	sdelay $0x1  }
0x2bc: {  	s24 =	sadd.s32 $0x40, s24  }
0x2bd: {  	s25 =	sadd.s32 $0x4, s25;
	s22 =	simm.s32 $0x1030;
	s23 =	sadd.s32 $0x40, s23;
	[tilespmem:v10+s13+$0x0] =	vst.idx.msk vm15, v1  }
0x2be: {  	s23 =	simm.s32 $0x0  }
.LBB2_24:
0x2bf: {  	s24 =	sand.u32 $0x7C0, s21  }
0x2c0: {  	v10 =	vld [tilespmem:s24+$0x1000];
	_ =	sdelay $0x3  }
0x2c1: {  	v11 =	vmov s23  }
0x2c2: {  	v11 =	vand.u32 $0x7C, v11;
	v12 =	vshra.s32 v10, $0x5;
	v10 =	vshll.u32 v10, $0x7  }
0x2c3: {  	v11 =	vbroadcast v11, $0x0;
	v13 =	vshll.u32 v12, $0xC;
	v10 =	vand.u32 $0xF80, v10  }
0x2c4: {  	vm0 =	vlt.s32 v12, $0xE;
	v10 =	vor.u32 v10, v13  }
0x2c5: {  	v10 =	vor.u32 v11, v10;
	_ =	sdelay $0x4  }
0x2c6: {  	[tilespmem:v10+s13+$0x0] =	vst.idx.msk vm0, v9  }
0x2c7: {  	v10 =	vld [tilespmem:s22+$0xFFFFFFE0];
	_ =	sdelay $0x2  }
0x2c8: {  	s25 =	sadd.s32 $0x1, s23  }
0x2c9: {  	v11 =	vmov s25  }
0x2ca: {  	v11 =	vand.u32 $0x7D, v11;
	v58 =	vshra.s32 v10, $0x5;
	v10 =	vshll.u32 v10, $0x7  }
0x2cb: {  	v11 =	vbroadcast v11, $0x0;
	v59 =	vshll.u32 v58, $0xC;
	v10 =	vand.u32 $0xF80, v10  }
0x2cc: {  	vm13 =	vlt.s32 v58, $0xE;
	v10 =	vor.u32 v10, v59  }
0x2cd: {  	v10 =	vor.u32 v11, v10;
	_ =	sdelay $0x4  }
0x2ce: {  	[tilespmem:v10+s13+$0x0] =	vst.idx.msk vm13, v9  }
0x2cf: {  	v10 =	vld [tilespmem:s22+$0xFFFFFFF0];
	_ =	sdelay $0x2  }
0x2d0: {  	s25 =	sadd.s32 $0x2, s23  }
0x2d1: {  	v11 =	vmov s25  }
0x2d2: {  	v11 =	vand.u32 $0x7E, v11;
	v60 =	vshra.s32 v10, $0x5;
	v10 =	vshll.u32 v10, $0x7  }
0x2d3: {  	v11 =	vbroadcast v11, $0x0;
	v61 =	vshll.u32 v60, $0xC;
	v10 =	vand.u32 $0xF80, v10  }
0x2d4: {  	vm14 =	vlt.s32 v60, $0xE;
	v10 =	vor.u32 v10, v61  }
0x2d5: {  	v10 =	vor.u32 v11, v10;
	_ =	sdelay $0x4  }
0x2d6: {  	[tilespmem:v10+s13+$0x0] =	vst.idx.msk vm14, v9  }
0x2d7: {  	v10 =	vld [tilespmem:s22+$0x0];
	_ =	sdelay $0x2  }
0x2d8: {  	s25 =	sadd.s32 $0x3, s23  }
0x2d9: {  	v11 =	vmov s25  }
0x2da: {  	v11 =	vand.u32 $0x7F, v11;
	v62 =	vshra.s32 v10, $0x5;
	v10 =	vshll.u32 v10, $0x7  }
0x2db: {  	v11 =	vbroadcast v11, $0x0;
	v63 =	vshll.u32 v62, $0xC;
	v10 =	vand.u32 $0xF80, v10  }
0x2dc: {  	vm15 =	vlt.s32 v62, $0xE;
	v10 =	vor.u32 v10, v63  }
0x2dd: {  	p0 =	slt.u32 s23, $0x7C;
	v10 =	vor.u32 v11, v10  }
.Ltmp11:
0x2de: {  	_ = 	snop;
	(pc) =	sbr.rel @p0 .LBB2_24-.Ltmp11, $2  }
0x2df: {  	_ =	sdelay $0x2  }
0x2e0: {  	s21 =	sadd.s32 $0x40, s21;
	s23 =	sadd.s32 $0x4, s23;
	s22 =	sadd.s32 $0x40, s22;
	[tilespmem:v10+s13+$0x0] =	vst.idx.msk vm15, v9  }
0x2e1: {  	[hbm4b:s8+s15] =	stream.strided.scatter [tilespmem:s13], [sflag:$0x1], $0xC00, s16, s15, $0x38;
	[tilespmem:$0x1E000] =	vst v63  }
0x2e2: {  	s21 =	sadd.s32 $0x10000, s8  }
0x2e3: {  	[hbm4b:s21+s15] =	stream.strided.scatter [tilespmem:s28], [sflag:$0x1], $0xC00, s16, s15, $0x38;
	[tilespmem:$0x1E000] =	vst v63  }
0x2e4: {  	s25 =	sadd.s32 $0x20000, s8;
	s22 =	simm.s32 $0x4000  }
0x2e5: {  	[hbm4b:s25+s15] =	stream.strided.scatter [tilespmem:s22], [sflag:$0x1], $0xC00, s16, s15, $0x38;
	[tilespmem:$0x1E000] =	vst v63  }
0x2e6: {  	s23 =	simm.s32 $0x5000;
	s22 =	sadd.s32 $0x30000, s8  }
0x2e7: {  	[hbm4b:s22+s15] =	stream.strided.scatter [tilespmem:s23], [sflag:$0x1], $0xC00, s16, s15, $0x38;
	[tilespmem:$0x1E000] =	vst v63  }
0x2e8: {  	s24 =	sadd.s32 $0x40000, s8;
	s25 =	simm.s32 $0x6000  }
0x2e9: {  	[hbm4b:s24+s15] =	stream.strided.scatter [tilespmem:s25], [sflag:$0x1], $0xC00, s16, s15, $0x38;
	[tilespmem:$0x1E000] =	vst v63  }
0x2ea: {  	s22 =	sadd.s32 $0x50000, s8;
	s23 =	simm.s32 $0x7000  }
0x2eb: {  	[hbm4b:s22+s15] =	stream.strided.scatter [tilespmem:s23], [sflag:$0x1], $0xC00, s16, s15, $0x38;
	[tilespmem:$0x1E000] =	vst v63  }
0x2ec: {  	s24 =	sadd.s32 $0x60000, s8;
	s25 =	simm.s32 $0x8000  }
0x2ed: {  	[hbm4b:s24+s15] =	stream.strided.scatter [tilespmem:s25], [sflag:$0x1], $0xC00, s16, s15, $0x38;
	[tilespmem:$0x1E000] =	vst v63  }
0x2ee: {  	s22 =	sadd.s32 $0x70000, s8;
	s23 =	simm.s32 $0x9000  }
0x2ef: {  	[hbm4b:s22+s15] =	stream.strided.scatter [tilespmem:s23], [sflag:$0x1], $0xC00, s16, s15, $0x38;
	[tilespmem:$0x1E000] =	vst v63  }
0x2f0: {  	s24 =	sadd.s32 $0x80000, s8;
	s25 =	simm.s32 $0xA000  }
0x2f1: {  	[hbm4b:s24+s15] =	stream.strided.scatter [tilespmem:s25], [sflag:$0x1], $0xC00, s16, s15, $0x38;
	[tilespmem:$0x1E000] =	vst v63  }
0x2f2: {  	s22 =	sadd.s32 $0x90000, s8;
	s23 =	simm.s32 $0xB000  }
0x2f3: {  	[hbm4b:s22+s15] =	stream.strided.scatter [tilespmem:s23], [sflag:$0x1], $0xC00, s16, s15, $0x38;
	[tilespmem:$0x1E000] =	vst v63  }
0x2f4: {  	s24 =	sadd.s32 $0xA0000, s8;
	s25 =	simm.s32 $0xC000  }
0x2f5: {  	[hbm4b:s24+s15] =	stream.strided.scatter [tilespmem:s25], [sflag:$0x1], $0xC00, s16, s15, $0x38;
	[tilespmem:$0x1E000] =	vst v63  }
0x2f6: {  	s22 =	sadd.s32 $0xB0000, s8;
	s23 =	simm.s32 $0xD000  }
0x2f7: {  	[hbm4b:s22+s15] =	stream.strided.scatter [tilespmem:s23], [sflag:$0x1], $0xC00, s16, s15, $0x38;
	[tilespmem:$0x1E000] =	vst v63  }
0x2f8: {  	s24 =	sadd.s32 $0xC0000, s8;
	s25 =	simm.s32 $0xE000  }
0x2f9: {  	[hbm4b:s24+s15] =	stream.strided.scatter [tilespmem:s25], [sflag:$0x1], $0xC00, s16, s15, $0x38;
	[tilespmem:$0x1E000] =	vst v63  }
0x2fa: {  	s23 =	sadd.s32 $0xD0000, s8;
	s24 =	simm.s32 $0xF000  }
0x2fb: {  	[hbm4b:s23+s15] =	stream.strided.scatter [tilespmem:s24], [sflag:$0x1], $0xC00, s16, s15, $0x38;
	[tilespmem:$0x1E000] =	vst v63  }
0x2fc: {  	s21 =	simm.s32 $0x0;
	s25 =	sadd.s32 $0xC000, s8;
	s23 =	simm.s32 $0x2C00  }
0x2fd: {  	[hbm4b:s25+s21] =	stream.linear.scatter [tilespmem:s23], [sflag:$0x1], $0x200, $0x38;
	[tilespmem:$0x1E000] =	vst v63  }
0x2fe: {  	s24 =	sadd.s32 $0x1C000, s8;
	s25 =	simm.s32 $0x3C00  }
0x2ff: {  	[hbm4b:s24+s21] =	stream.linear.scatter [tilespmem:s25], [sflag:$0x1], $0x200, $0x38;
	[tilespmem:$0x1E000] =	vst v63  }
0x300: {  	s24 =	sadd.s32 $0x2C000, s8;
	s25 =	simm.s32 $0x4C00  }
0x301: {  	[hbm4b:s24+s21] =	stream.linear.scatter [tilespmem:s25], [sflag:$0x1], $0x200, $0x38;
	[tilespmem:$0x1E000] =	vst v63  }
0x302: {  	s24 =	sadd.s32 $0x3C000, s8;
	s25 =	simm.s32 $0x5C00  }
0x303: {  	[hbm4b:s24+s21] =	stream.linear.scatter [tilespmem:s25], [sflag:$0x1], $0x200, $0x38;
	[tilespmem:$0x1E000] =	vst v63  }
0x304: {  	s24 =	sadd.s32 $0x4C000, s8;
	s25 =	simm.s32 $0x6C00  }
0x305: {  	[hbm4b:s24+s21] =	stream.linear.scatter [tilespmem:s25], [sflag:$0x1], $0x200, $0x38;
	[tilespmem:$0x1E000] =	vst v63  }
0x306: {  	s24 =	sadd.s32 $0x5C000, s8;
	s25 =	simm.s32 $0x7C00  }
0x307: {  	[hbm4b:s24+s21] =	stream.linear.scatter [tilespmem:s25], [sflag:$0x1], $0x200, $0x38;
	[tilespmem:$0x1E000] =	vst v63  }
0x308: {  	s24 =	sadd.s32 $0x6C000, s8;
	s25 =	simm.s32 $0x8C00  }
0x309: {  	[hbm4b:s24+s21] =	stream.linear.scatter [tilespmem:s25], [sflag:$0x1], $0x200, $0x38;
	[tilespmem:$0x1E000] =	vst v63  }
0x30a: {  	s24 =	sadd.s32 $0x7C000, s8;
	s25 =	simm.s32 $0x9C00  }
0x30b: {  	[hbm4b:s24+s21] =	stream.linear.scatter [tilespmem:s25], [sflag:$0x1], $0x200, $0x38;
	[tilespmem:$0x1E000] =	vst v63  }
0x30c: {  	s24 =	sadd.s32 $0x8C000, s8;
	s25 =	simm.s32 $0xAC00  }
0x30d: {  	[hbm4b:s24+s21] =	stream.linear.scatter [tilespmem:s25], [sflag:$0x1], $0x200, $0x38;
	[tilespmem:$0x1E000] =	vst v63  }
0x30e: {  	s24 =	sadd.s32 $0x9C000, s8;
	s25 =	simm.s32 $0xBC00  }
0x30f: {  	[hbm4b:s24+s21] =	stream.linear.scatter [tilespmem:s25], [sflag:$0x1], $0x200, $0x38;
	[tilespmem:$0x1E000] =	vst v63  }
0x310: {  	s24 =	sadd.s32 $0xAC000, s8;
	s25 =	simm.s32 $0xCC00  }
0x311: {  	[hbm4b:s24+s21] =	stream.linear.scatter [tilespmem:s25], [sflag:$0x1], $0x200, $0x38;
	[tilespmem:$0x1E000] =	vst v63  }
0x312: {  	s24 =	sadd.s32 $0xBC000, s8;
	s25 =	simm.s32 $0xDC00  }
0x313: {  	[hbm4b:s24+s21] =	stream.linear.scatter [tilespmem:s25], [sflag:$0x1], $0x200, $0x38;
	[tilespmem:$0x1E000] =	vst v63  }
0x314: {  	s24 =	sadd.s32 $0xCC000, s8;
	s25 =	simm.s32 $0xEC00  }
0x315: {  	[hbm4b:s24+s21] =	stream.linear.scatter [tilespmem:s25], [sflag:$0x1], $0x200, $0x38;
	[tilespmem:$0x1E000] =	vst v63  }
0x316: {  	s24 =	sadd.s32 $0xDC000, s8;
	s25 =	simm.s32 $0xFC00  }
0x317: {  	[hbm4b:s24+s21] =	stream.linear.scatter [tilespmem:s25], [sflag:$0x1], $0x200, $0x38;
	[tilespmem:$0x1E000] =	vst v63  }
0x318: {  	_ =	swait.ge [sflag:s19], $0xC400  }
0x319: {  	s23 =	simm.s32 $0x830;
	[sflag:s19] =	ssyncset.done $0x0  }
0x31a: {  	s24 =	simm.s32 $0x0;
	s25 =	simm.s32 $0x0;
	[sflag:s19] =	ssyncadd.s32 $0xFFFF3C00  }
.LBB2_26:
0x31b: {  	s22 =	sand.u32 $0x7C0, s24  }
0x31c: {  	v10 =	vld [tilespmem:s22+$0x800];
	_ =	sdelay $0x3  }
0x31d: {  	v11 =	vmov s25  }
0x31e: {  	v11 =	vand.u32 $0x7C, v11;
	v12 =	vshra.s32 v10, $0x5;
	v10 =	vshll.u32 v10, $0x7  }
0x31f: {  	v11 =	vbroadcast v11, $0x0;
	v13 =	vshll.u32 v12, $0xC;
	v10 =	vand.u32 $0xF80, v10  }
0x320: {  	v10 =	vor.u32 v10, v13  }
0x321: {  	vm0 =	vgt.s32 v12, $0xD;
	v10 =	vor.u32 v11, v10  }
0x322: {  	v10 =	vadd.s32 $0xFFFF2000, v10;
	_ =	sdelay $0x4  }
0x323: {  	[tilespmem:v10+s26+$0x0] =	vst.idx.msk vm0, v1  }
0x324: {  	v10 =	vld [tilespmem:s23+$0xFFFFFFE0];
	_ =	sdelay $0x2  }
0x325: {  	s22 =	sadd.s32 $0x1, s25  }
0x326: {  	v11 =	vmov s22  }
0x327: {  	v11 =	vand.u32 $0x7D, v11;
	v58 =	vshra.s32 v10, $0x5;
	v10 =	vshll.u32 v10, $0x7  }
0x328: {  	v11 =	vbroadcast v11, $0x0;
	v59 =	vshll.u32 v58, $0xC;
	v10 =	vand.u32 $0xF80, v10  }
0x329: {  	v10 =	vor.u32 v10, v59  }
0x32a: {  	vm13 =	vgt.s32 v58, $0xD;
	v10 =	vor.u32 v11, v10  }
0x32b: {  	v10 =	vadd.s32 $0xFFFF2000, v10;
	_ =	sdelay $0x4  }
0x32c: {  	[tilespmem:v10+s26+$0x0] =	vst.idx.msk vm13, v1  }
0x32d: {  	v10 =	vld [tilespmem:s23+$0xFFFFFFF0];
	_ =	sdelay $0x2  }
0x32e: {  	s22 =	sadd.s32 $0x2, s25  }
0x32f: {  	v11 =	vmov s22  }
0x330: {  	v11 =	vand.u32 $0x7E, v11;
	v60 =	vshra.s32 v10, $0x5;
	v10 =	vshll.u32 v10, $0x7  }
0x331: {  	v11 =	vbroadcast v11, $0x0;
	v61 =	vshll.u32 v60, $0xC;
	v10 =	vand.u32 $0xF80, v10  }
0x332: {  	v10 =	vor.u32 v10, v61  }
0x333: {  	vm14 =	vgt.s32 v60, $0xD;
	v10 =	vor.u32 v11, v10  }
0x334: {  	v10 =	vadd.s32 $0xFFFF2000, v10;
	_ =	sdelay $0x4  }
0x335: {  	[tilespmem:v10+s26+$0x0] =	vst.idx.msk vm14, v1  }
0x336: {  	v10 =	vld [tilespmem:s23+$0x0];
	_ =	sdelay $0x2  }
0x337: {  	s22 =	sadd.s32 $0x3, s25  }
0x338: {  	v11 =	vmov s22  }
0x339: {  	v11 =	vand.u32 $0x7F, v11;
	v62 =	vshra.s32 v10, $0x5;
	v10 =	vshll.u32 v10, $0x7  }
0x33a: {  	v11 =	vbroadcast v11, $0x0;
	v63 =	vshll.u32 v62, $0xC;
	v10 =	vand.u32 $0xF80, v10  }
0x33b: {  	v10 =	vor.u32 v10, v63  }
0x33c: {  	vm15 =	vgt.s32 v62, $0xD;
	v10 =	vor.u32 v11, v10  }
0x33d: {  	p0 =	slt.u32 s25, $0x7C;
	v10 =	vadd.s32 $0xFFFF2000, v10  }
.Ltmp12:
0x33e: {  	_ = 	snop;
	(pc) =	sbr.rel @p0 .LBB2_26-.Ltmp12, $3  }
0x33f: {  	_ =	sdelay $0x1  }
0x340: {  	s24 =	sadd.s32 $0x40, s24  }
0x341: {  	s25 =	sadd.s32 $0x4, s25;
	s22 =	simm.s32 $0x1030;
	s23 =	sadd.s32 $0x40, s23;
	[tilespmem:v10+s26+$0x0] =	vst.idx.msk vm15, v1  }
0x342: {  	s23 =	simm.s32 $0x0  }
.LBB2_28:
0x343: {  	s24 =	sand.u32 $0x7C0, s21  }
0x344: {  	v10 =	vld [tilespmem:s24+$0x1000];
	_ =	sdelay $0x3  }
0x345: {  	v11 =	vmov s23  }
0x346: {  	v11 =	vand.u32 $0x7C, v11;
	v12 =	vshra.s32 v10, $0x5;
	v10 =	vshll.u32 v10, $0x7  }
0x347: {  	v11 =	vbroadcast v11, $0x0;
	v13 =	vshll.u32 v12, $0xC;
	v10 =	vand.u32 $0xF80, v10  }
0x348: {  	v10 =	vor.u32 v10, v13  }
0x349: {  	vm0 =	vgt.s32 v12, $0xD;
	v10 =	vor.u32 v11, v10  }
0x34a: {  	v10 =	vadd.s32 $0xFFFF2000, v10;
	_ =	sdelay $0x4  }
0x34b: {  	[tilespmem:v10+s26+$0x0] =	vst.idx.msk vm0, v9  }
0x34c: {  	v10 =	vld [tilespmem:s22+$0xFFFFFFE0];
	_ =	sdelay $0x2  }
0x34d: {  	s25 =	sadd.s32 $0x1, s23  }
0x34e: {  	v11 =	vmov s25  }
0x34f: {  	v11 =	vand.u32 $0x7D, v11;
	v58 =	vshra.s32 v10, $0x5;
	v10 =	vshll.u32 v10, $0x7  }
0x350: {  	v11 =	vbroadcast v11, $0x0;
	v59 =	vshll.u32 v58, $0xC;
	v10 =	vand.u32 $0xF80, v10  }
0x351: {  	v10 =	vor.u32 v10, v59  }
0x352: {  	vm13 =	vgt.s32 v58, $0xD;
	v10 =	vor.u32 v11, v10  }
0x353: {  	v10 =	vadd.s32 $0xFFFF2000, v10;
	_ =	sdelay $0x4  }
0x354: {  	[tilespmem:v10+s26+$0x0] =	vst.idx.msk vm13, v9  }
0x355: {  	v10 =	vld [tilespmem:s22+$0xFFFFFFF0];
	_ =	sdelay $0x2  }
0x356: {  	s25 =	sadd.s32 $0x2, s23  }
0x357: {  	v11 =	vmov s25  }
0x358: {  	v11 =	vand.u32 $0x7E, v11;
	v60 =	vshra.s32 v10, $0x5;
	v10 =	vshll.u32 v10, $0x7  }
0x359: {  	v11 =	vbroadcast v11, $0x0;
	v61 =	vshll.u32 v60, $0xC;
	v10 =	vand.u32 $0xF80, v10  }
0x35a: {  	v10 =	vor.u32 v10, v61  }
0x35b: {  	vm14 =	vgt.s32 v60, $0xD;
	v10 =	vor.u32 v11, v10  }
0x35c: {  	v10 =	vadd.s32 $0xFFFF2000, v10;
	_ =	sdelay $0x4  }
0x35d: {  	[tilespmem:v10+s26+$0x0] =	vst.idx.msk vm14, v9  }
0x35e: {  	v10 =	vld [tilespmem:s22+$0x0];
	_ =	sdelay $0x2  }
0x35f: {  	s25 =	sadd.s32 $0x3, s23  }
0x360: {  	v11 =	vmov s25  }
0x361: {  	v11 =	vand.u32 $0x7F, v11;
	v62 =	vshra.s32 v10, $0x5;
	v10 =	vshll.u32 v10, $0x7  }
0x362: {  	v11 =	vbroadcast v11, $0x0;
	v63 =	vshll.u32 v62, $0xC;
	v10 =	vand.u32 $0xF80, v10  }
0x363: {  	v10 =	vor.u32 v10, v63  }
0x364: {  	vm15 =	vgt.s32 v62, $0xD;
	v10 =	vor.u32 v11, v10  }
0x365: {  	p0 =	slt.u32 s23, $0x7C;
	v10 =	vadd.s32 $0xFFFF2000, v10  }
.Ltmp13:
0x366: {  	_ = 	snop;
	(pc) =	sbr.rel @p0 .LBB2_28-.Ltmp13, $2  }
0x367: {  	_ =	sdelay $0x2  }
0x368: {  	s21 =	sadd.s32 $0x40, s21;
	s23 =	sadd.s32 $0x4, s23;
	s22 =	sadd.s32 $0x40, s22;
	[tilespmem:v10+s26+$0x0] =	vst.idx.msk vm15, v9  }
0x369: {  	[hbm4b:s9+s15] =	stream.strided.scatter [tilespmem:s26], [sflag:$0x2], $0xC00, s16, s15, $0x38;
	[tilespmem:$0x1E000] =	vst v63  }
0x36a: {  	s21 =	sadd.s32 $0x10000, s9;
	s22 =	simm.s32 $0x11000  }
0x36b: {  	[hbm4b:s21+s15] =	stream.strided.scatter [tilespmem:s22], [sflag:$0x2], $0xC00, s16, s15, $0x38;
	[tilespmem:$0x1E000] =	vst v63  }
0x36c: {  	s24 =	sadd.s32 $0x20000, s9;
	s25 =	simm.s32 $0x12000  }
0x36d: {  	[hbm4b:s24+s15] =	stream.strided.scatter [tilespmem:s25], [sflag:$0x2], $0xC00, s16, s15, $0x38;
	[tilespmem:$0x1E000] =	vst v63  }
0x36e: {  	s23 =	simm.s32 $0x13000;
	s22 =	sadd.s32 $0x30000, s9  }
0x36f: {  	[hbm4b:s22+s15] =	stream.strided.scatter [tilespmem:s23], [sflag:$0x2], $0xC00, s16, s15, $0x38;
	[tilespmem:$0x1E000] =	vst v63  }
0x370: {  	s24 =	sadd.s32 $0x40000, s9;
	s25 =	simm.s32 $0x14000  }
0x371: {  	[hbm4b:s24+s15] =	stream.strided.scatter [tilespmem:s25], [sflag:$0x2], $0xC00, s16, s15, $0x38;
	[tilespmem:$0x1E000] =	vst v63  }
0x372: {  	s22 =	sadd.s32 $0x50000, s9;
	s23 =	simm.s32 $0x15000  }
0x373: {  	[hbm4b:s22+s15] =	stream.strided.scatter [tilespmem:s23], [sflag:$0x2], $0xC00, s16, s15, $0x38;
	[tilespmem:$0x1E000] =	vst v63  }
0x374: {  	s24 =	sadd.s32 $0x60000, s9;
	s25 =	simm.s32 $0x16000  }
0x375: {  	[hbm4b:s24+s15] =	stream.strided.scatter [tilespmem:s25], [sflag:$0x2], $0xC00, s16, s15, $0x38;
	[tilespmem:$0x1E000] =	vst v63  }
0x376: {  	s22 =	sadd.s32 $0x70000, s9;
	s23 =	simm.s32 $0x17000  }
0x377: {  	[hbm4b:s22+s15] =	stream.strided.scatter [tilespmem:s23], [sflag:$0x2], $0xC00, s16, s15, $0x38;
	[tilespmem:$0x1E000] =	vst v63  }
0x378: {  	s24 =	sadd.s32 $0x80000, s9;
	s25 =	simm.s32 $0x18000  }
0x379: {  	[hbm4b:s24+s15] =	stream.strided.scatter [tilespmem:s25], [sflag:$0x2], $0xC00, s16, s15, $0x38;
	[tilespmem:$0x1E000] =	vst v63  }
0x37a: {  	s22 =	sadd.s32 $0x90000, s9;
	s23 =	simm.s32 $0x19000  }
0x37b: {  	[hbm4b:s22+s15] =	stream.strided.scatter [tilespmem:s23], [sflag:$0x2], $0xC00, s16, s15, $0x38;
	[tilespmem:$0x1E000] =	vst v63  }
0x37c: {  	s24 =	sadd.s32 $0xA0000, s9;
	s25 =	simm.s32 $0x1A000  }
0x37d: {  	[hbm4b:s24+s15] =	stream.strided.scatter [tilespmem:s25], [sflag:$0x2], $0xC00, s16, s15, $0x38;
	[tilespmem:$0x1E000] =	vst v63  }
0x37e: {  	s22 =	sadd.s32 $0xB0000, s9;
	s23 =	simm.s32 $0x1B000  }
0x37f: {  	[hbm4b:s22+s15] =	stream.strided.scatter [tilespmem:s23], [sflag:$0x2], $0xC00, s16, s15, $0x38;
	[tilespmem:$0x1E000] =	vst v63  }
0x380: {  	s24 =	sadd.s32 $0xC0000, s9;
	s25 =	simm.s32 $0x1C000  }
0x381: {  	[hbm4b:s24+s15] =	stream.strided.scatter [tilespmem:s25], [sflag:$0x2], $0xC00, s16, s15, $0x38;
	[tilespmem:$0x1E000] =	vst v63  }
0x382: {  	s23 =	sadd.s32 $0xD0000, s9;
	s24 =	simm.s32 $0x1D000  }
0x383: {  	[hbm4b:s23+s15] =	stream.strided.scatter [tilespmem:s24], [sflag:$0x2], $0xC00, s16, s15, $0x38;
	[tilespmem:$0x1E000] =	vst v63  }
0x384: {  	s21 =	simm.s32 $0x0;
	s25 =	sadd.s32 $0xC000, s9;
	s23 =	simm.s32 $0x10C00  }
0x385: {  	[hbm4b:s25+s21] =	stream.linear.scatter [tilespmem:s23], [sflag:$0x2], $0x200, $0x38;
	[tilespmem:$0x1E000] =	vst v63  }
0x386: {  	s24 =	sadd.s32 $0x1C000, s9;
	s25 =	simm.s32 $0x11C00  }
0x387: {  	[hbm4b:s24+s21] =	stream.linear.scatter [tilespmem:s25], [sflag:$0x2], $0x200, $0x38;
	[tilespmem:$0x1E000] =	vst v63  }
0x388: {  	s24 =	sadd.s32 $0x2C000, s9;
	s25 =	simm.s32 $0x12C00  }
0x389: {  	[hbm4b:s24+s21] =	stream.linear.scatter [tilespmem:s25], [sflag:$0x2], $0x200, $0x38;
	[tilespmem:$0x1E000] =	vst v63  }
0x38a: {  	s24 =	sadd.s32 $0x3C000, s9;
	s25 =	simm.s32 $0x13C00  }
0x38b: {  	[hbm4b:s24+s21] =	stream.linear.scatter [tilespmem:s25], [sflag:$0x2], $0x200, $0x38;
	[tilespmem:$0x1E000] =	vst v63  }
0x38c: {  	s24 =	sadd.s32 $0x4C000, s9;
	s25 =	simm.s32 $0x14C00  }
0x38d: {  	[hbm4b:s24+s21] =	stream.linear.scatter [tilespmem:s25], [sflag:$0x2], $0x200, $0x38;
	[tilespmem:$0x1E000] =	vst v63  }
0x38e: {  	s23 =	sadd.s32 $0x5C000, s9  }
0x38f: {  	[hbm4b:s23+s21] =	stream.linear.scatter [tilespmem:s29], [sflag:$0x2], $0x200, $0x38;
	[tilespmem:$0x1E000] =	vst v63  }
0x390: {  	s24 =	sadd.s32 $0x6C000, s9  }
0x391: {  	[hbm4b:s24+s21] =	stream.linear.scatter [tilespmem:s30], [sflag:$0x2], $0x200, $0x38;
	[tilespmem:$0x1E000] =	vst v63  }
0x392: {  	s25 =	sadd.s32 $0x7C000, s9  }
0x393: {  	[hbm4b:s25+s21] =	stream.linear.scatter [tilespmem:s31], [sflag:$0x2], $0x200, $0x38;
	[tilespmem:$0x1E000] =	vst v63  }
0x394: {  	s23 =	sadd.s32 $0x8C000, s9  }
0x395: {  	[hbm4b:s23+s21] =	stream.linear.scatter [tilespmem:s0], [sflag:$0x2], $0x200, $0x38;
	[tilespmem:$0x1E000] =	vst v63  }
0x396: {  	s24 =	sadd.s32 $0x9C000, s9  }
0x397: {  	[hbm4b:s24+s21] =	stream.linear.scatter [tilespmem:s1], [sflag:$0x2], $0x200, $0x38;
	[tilespmem:$0x1E000] =	vst v63  }
0x398: {  	s25 =	sadd.s32 $0xAC000, s9  }
0x399: {  	[hbm4b:s25+s21] =	stream.linear.scatter [tilespmem:s3], [sflag:$0x2], $0x200, $0x38;
	[tilespmem:$0x1E000] =	vst v63  }
0x39a: {  	s23 =	sadd.s32 $0xBC000, s9  }
0x39b: {  	[hbm4b:s23+s21] =	stream.linear.scatter [tilespmem:s12], [sflag:$0x2], $0x200, $0x38;
	[tilespmem:$0x1E000] =	vst v63  }
0x39c: {  	s24 =	sadd.s32 $0xCC000, s9  }
0x39d: {  	[hbm4b:s24+s21] =	stream.linear.scatter [tilespmem:s17], [sflag:$0x2], $0x200, $0x38;
	[tilespmem:$0x1E000] =	vst v63  }
0x39e: {  	s25 =	sadd.s32 $0xDC000, s9  }
0x39f: {  	[hbm4b:s25+s21] =	stream.linear.scatter [tilespmem:s18], [sflag:$0x2], $0x200, $0x38;
	[tilespmem:$0x1E000] =	vst v63  }
0x3a0: {  	_ =	swait.ge [sflag:s14], $0xC400  }
0x3a1: {  	s23 =	simm.s32 $0x1030;
	[sflag:s14] =	ssyncset.done $0x0  }
0x3a2: {  	s24 =	simm.s32 $0x0;
	s25 =	simm.s32 $0x0;
	[sflag:s14] =	ssyncadd.s32 $0xFFFF3C00  }
.LBB2_30:
0x3a3: {  	s22 =	sand.u32 $0x7C0, s24  }
0x3a4: {  	v10 =	vld [tilespmem:s22+$0x1000];
	_ =	sdelay $0x3  }
0x3a5: {  	v11 =	vmov s25  }
0x3a6: {  	v11 =	vand.u32 $0x7C, v11;
	v12 =	vshra.s32 v10, $0x5;
	v10 =	vshll.u32 v10, $0x7  }
0x3a7: {  	v11 =	vbroadcast v11, $0x0;
	v13 =	vshll.u32 v12, $0xC;
	v10 =	vand.u32 $0xF80, v10  }
0x3a8: {  	vm0 =	vlt.s32 v12, $0xE;
	v10 =	vor.u32 v10, v13  }
0x3a9: {  	v10 =	vor.u32 v11, v10;
	_ =	sdelay $0x4  }
0x3aa: {  	[tilespmem:v10+s13+$0x0] =	vst.idx.msk vm0, v1  }
0x3ab: {  	v10 =	vld [tilespmem:s23+$0xFFFFFFE0];
	_ =	sdelay $0x2  }
0x3ac: {  	s22 =	sadd.s32 $0x1, s25  }
0x3ad: {  	v11 =	vmov s22  }
0x3ae: {  	v11 =	vand.u32 $0x7D, v11;
	v58 =	vshra.s32 v10, $0x5;
	v10 =	vshll.u32 v10, $0x7  }
0x3af: {  	v11 =	vbroadcast v11, $0x0;
	v59 =	vshll.u32 v58, $0xC;
	v10 =	vand.u32 $0xF80, v10  }
0x3b0: {  	vm13 =	vlt.s32 v58, $0xE;
	v10 =	vor.u32 v10, v59  }
0x3b1: {  	v10 =	vor.u32 v11, v10;
	_ =	sdelay $0x4  }
0x3b2: {  	[tilespmem:v10+s13+$0x0] =	vst.idx.msk vm13, v1  }
0x3b3: {  	v10 =	vld [tilespmem:s23+$0xFFFFFFF0];
	_ =	sdelay $0x2  }
0x3b4: {  	s22 =	sadd.s32 $0x2, s25  }
0x3b5: {  	v11 =	vmov s22  }
0x3b6: {  	v11 =	vand.u32 $0x7E, v11;
	v60 =	vshra.s32 v10, $0x5;
	v10 =	vshll.u32 v10, $0x7  }
0x3b7: {  	v11 =	vbroadcast v11, $0x0;
	v61 =	vshll.u32 v60, $0xC;
	v10 =	vand.u32 $0xF80, v10  }
0x3b8: {  	vm14 =	vlt.s32 v60, $0xE;
	v10 =	vor.u32 v10, v61  }
0x3b9: {  	v10 =	vor.u32 v11, v10;
	_ =	sdelay $0x4  }
0x3ba: {  	[tilespmem:v10+s13+$0x0] =	vst.idx.msk vm14, v1  }
0x3bb: {  	v10 =	vld [tilespmem:s23+$0x0];
	_ =	sdelay $0x2  }
0x3bc: {  	s22 =	sadd.s32 $0x3, s25  }
0x3bd: {  	v11 =	vmov s22  }
0x3be: {  	v11 =	vand.u32 $0x7F, v11;
	v62 =	vshra.s32 v10, $0x5;
	v10 =	vshll.u32 v10, $0x7  }
0x3bf: {  	v11 =	vbroadcast v11, $0x0;
	v63 =	vshll.u32 v62, $0xC;
	v10 =	vand.u32 $0xF80, v10  }
0x3c0: {  	vm15 =	vlt.s32 v62, $0xE;
	v10 =	vor.u32 v10, v63  }
0x3c1: {  	p0 =	slt.u32 s25, $0x7C;
	v10 =	vor.u32 v11, v10  }
.Ltmp14:
0x3c2: {  	_ = 	snop;
	(pc) =	sbr.rel @p0 .LBB2_30-.Ltmp14, $3  }
0x3c3: {  	_ =	sdelay $0x1  }
0x3c4: {  	s24 =	sadd.s32 $0x40, s24  }
0x3c5: {  	s25 =	sadd.s32 $0x4, s25;
	s22 =	simm.s32 $0x1830;
	s23 =	sadd.s32 $0x40, s23;
	[tilespmem:v10+s13+$0x0] =	vst.idx.msk vm15, v1  }
0x3c6: {  	s23 =	simm.s32 $0x0  }
.LBB2_32:
0x3c7: {  	s24 =	sand.u32 $0x7C0, s21  }
0x3c8: {  	v10 =	vld [tilespmem:s24+$0x1800];
	_ =	sdelay $0x3  }
0x3c9: {  	v11 =	vmov s23  }
0x3ca: {  	v11 =	vand.u32 $0x7C, v11;
	v12 =	vshra.s32 v10, $0x5;
	v10 =	vshll.u32 v10, $0x7  }
0x3cb: {  	v11 =	vbroadcast v11, $0x0;
	v13 =	vshll.u32 v12, $0xC;
	v10 =	vand.u32 $0xF80, v10  }
0x3cc: {  	vm0 =	vlt.s32 v12, $0xE;
	v10 =	vor.u32 v10, v13  }
0x3cd: {  	v10 =	vor.u32 v11, v10;
	_ =	sdelay $0x4  }
0x3ce: {  	[tilespmem:v10+s13+$0x0] =	vst.idx.msk vm0, v9  }
0x3cf: {  	v10 =	vld [tilespmem:s22+$0xFFFFFFE0];
	_ =	sdelay $0x2  }
0x3d0: {  	s25 =	sadd.s32 $0x1, s23  }
0x3d1: {  	v11 =	vmov s25  }
0x3d2: {  	v11 =	vand.u32 $0x7D, v11;
	v58 =	vshra.s32 v10, $0x5;
	v10 =	vshll.u32 v10, $0x7  }
0x3d3: {  	v11 =	vbroadcast v11, $0x0;
	v59 =	vshll.u32 v58, $0xC;
	v10 =	vand.u32 $0xF80, v10  }
0x3d4: {  	vm13 =	vlt.s32 v58, $0xE;
	v10 =	vor.u32 v10, v59  }
0x3d5: {  	v10 =	vor.u32 v11, v10;
	_ =	sdelay $0x4  }
0x3d6: {  	[tilespmem:v10+s13+$0x0] =	vst.idx.msk vm13, v9  }
0x3d7: {  	v10 =	vld [tilespmem:s22+$0xFFFFFFF0];
	_ =	sdelay $0x2  }
0x3d8: {  	s25 =	sadd.s32 $0x2, s23  }
0x3d9: {  	v11 =	vmov s25  }
0x3da: {  	v11 =	vand.u32 $0x7E, v11;
	v60 =	vshra.s32 v10, $0x5;
	v10 =	vshll.u32 v10, $0x7  }
0x3db: {  	v11 =	vbroadcast v11, $0x0;
	v61 =	vshll.u32 v60, $0xC;
	v10 =	vand.u32 $0xF80, v10  }
0x3dc: {  	vm14 =	vlt.s32 v60, $0xE;
	v10 =	vor.u32 v10, v61  }
0x3dd: {  	v10 =	vor.u32 v11, v10;
	_ =	sdelay $0x4  }
0x3de: {  	[tilespmem:v10+s13+$0x0] =	vst.idx.msk vm14, v9  }
0x3df: {  	v10 =	vld [tilespmem:s22+$0x0];
	_ =	sdelay $0x2  }
0x3e0: {  	s25 =	sadd.s32 $0x3, s23  }
0x3e1: {  	v11 =	vmov s25  }
0x3e2: {  	v11 =	vand.u32 $0x7F, v11;
	v62 =	vshra.s32 v10, $0x5;
	v10 =	vshll.u32 v10, $0x7  }
0x3e3: {  	v11 =	vbroadcast v11, $0x0;
	v63 =	vshll.u32 v62, $0xC;
	v10 =	vand.u32 $0xF80, v10  }
0x3e4: {  	vm15 =	vlt.s32 v62, $0xE;
	v10 =	vor.u32 v10, v63  }
0x3e5: {  	p0 =	slt.u32 s23, $0x7C;
	v10 =	vor.u32 v11, v10  }
.Ltmp15:
0x3e6: {  	_ = 	snop;
	(pc) =	sbr.rel @p0 .LBB2_32-.Ltmp15, $2  }
0x3e7: {  	_ =	sdelay $0x2  }
0x3e8: {  	s21 =	sadd.s32 $0x40, s21;
	s23 =	sadd.s32 $0x4, s23;
	s22 =	sadd.s32 $0x40, s22;
	[tilespmem:v10+s13+$0x0] =	vst.idx.msk vm15, v9  }
0x3e9: {  	[hbm4b:s10+s15] =	stream.strided.scatter [tilespmem:s13], [sflag:$0x1], $0xC00, s16, s15, $0x38;
	[tilespmem:$0x1E000] =	vst v63  }
0x3ea: {  	s21 =	sadd.s32 $0x10000, s10  }
0x3eb: {  	[hbm4b:s21+s15] =	stream.strided.scatter [tilespmem:s28], [sflag:$0x1], $0xC00, s16, s15, $0x38;
	[tilespmem:$0x1E000] =	vst v63  }
0x3ec: {  	s22 =	simm.s32 $0x4000;
	s28 =	sadd.s32 $0x20000, s10  }
0x3ed: {  	[hbm4b:s28+s15] =	stream.strided.scatter [tilespmem:s22], [sflag:$0x1], $0xC00, s16, s15, $0x38;
	[tilespmem:$0x1E000] =	vst v63  }
0x3ee: {  	s23 =	sadd.s32 $0x30000, s10;
	s24 =	simm.s32 $0x5000  }
0x3ef: {  	[hbm4b:s23+s15] =	stream.strided.scatter [tilespmem:s24], [sflag:$0x1], $0xC00, s16, s15, $0x38;
	[tilespmem:$0x1E000] =	vst v63  }
0x3f0: {  	s25 =	sadd.s32 $0x40000, s10;
	s28 =	simm.s32 $0x6000  }
0x3f1: {  	[hbm4b:s25+s15] =	stream.strided.scatter [tilespmem:s28], [sflag:$0x1], $0xC00, s16, s15, $0x38;
	[tilespmem:$0x1E000] =	vst v63  }
0x3f2: {  	s23 =	sadd.s32 $0x50000, s10;
	s24 =	simm.s32 $0x7000  }
0x3f3: {  	[hbm4b:s23+s15] =	stream.strided.scatter [tilespmem:s24], [sflag:$0x1], $0xC00, s16, s15, $0x38;
	[tilespmem:$0x1E000] =	vst v63  }
0x3f4: {  	s25 =	sadd.s32 $0x60000, s10;
	s28 =	simm.s32 $0x8000  }
0x3f5: {  	[hbm4b:s25+s15] =	stream.strided.scatter [tilespmem:s28], [sflag:$0x1], $0xC00, s16, s15, $0x38;
	[tilespmem:$0x1E000] =	vst v63  }
0x3f6: {  	s23 =	sadd.s32 $0x70000, s10;
	s24 =	simm.s32 $0x9000  }
0x3f7: {  	[hbm4b:s23+s15] =	stream.strided.scatter [tilespmem:s24], [sflag:$0x1], $0xC00, s16, s15, $0x38;
	[tilespmem:$0x1E000] =	vst v63  }
0x3f8: {  	s25 =	sadd.s32 $0x80000, s10;
	s28 =	simm.s32 $0xA000  }
0x3f9: {  	[hbm4b:s25+s15] =	stream.strided.scatter [tilespmem:s28], [sflag:$0x1], $0xC00, s16, s15, $0x38;
	[tilespmem:$0x1E000] =	vst v63  }
0x3fa: {  	s23 =	sadd.s32 $0x90000, s10;
	s24 =	simm.s32 $0xB000  }
0x3fb: {  	[hbm4b:s23+s15] =	stream.strided.scatter [tilespmem:s24], [sflag:$0x1], $0xC00, s16, s15, $0x38;
	[tilespmem:$0x1E000] =	vst v63  }
0x3fc: {  	s25 =	sadd.s32 $0xA0000, s10;
	s28 =	simm.s32 $0xC000  }
0x3fd: {  	[hbm4b:s25+s15] =	stream.strided.scatter [tilespmem:s28], [sflag:$0x1], $0xC00, s16, s15, $0x38;
	[tilespmem:$0x1E000] =	vst v63  }
0x3fe: {  	s23 =	sadd.s32 $0xB0000, s10;
	s24 =	simm.s32 $0xD000  }
0x3ff: {  	[hbm4b:s23+s15] =	stream.strided.scatter [tilespmem:s24], [sflag:$0x1], $0xC00, s16, s15, $0x38;
	[tilespmem:$0x1E000] =	vst v63  }
0x400: {  	s25 =	sadd.s32 $0xC0000, s10;
	s28 =	simm.s32 $0xE000  }
0x401: {  	[hbm4b:s25+s15] =	stream.strided.scatter [tilespmem:s28], [sflag:$0x1], $0xC00, s16, s15, $0x38;
	[tilespmem:$0x1E000] =	vst v63  }
0x402: {  	s22 =	sadd.s32 $0xD0000, s10;
	s23 =	simm.s32 $0xF000  }
0x403: {  	[hbm4b:s22+s15] =	stream.strided.scatter [tilespmem:s23], [sflag:$0x1], $0xC00, s16, s15, $0x38;
	[tilespmem:$0x1E000] =	vst v63  }
0x404: {  	s21 =	simm.s32 $0x0;
	s24 =	sadd.s32 $0xC000, s10;
	s23 =	simm.s32 $0x2C00  }
0x405: {  	[hbm4b:s24+s21] =	stream.linear.scatter [tilespmem:s23], [sflag:$0x1], $0x200, $0x38;
	[tilespmem:$0x1E000] =	vst v63  }
0x406: {  	s25 =	sadd.s32 $0x1C000, s10;
	s28 =	simm.s32 $0x3C00  }
0x407: {  	[hbm4b:s25+s21] =	stream.linear.scatter [tilespmem:s28], [sflag:$0x1], $0x200, $0x38;
	[tilespmem:$0x1E000] =	vst v63  }
0x408: {  	s23 =	sadd.s32 $0x2C000, s10;
	s24 =	simm.s32 $0x4C00  }
0x409: {  	[hbm4b:s23+s21] =	stream.linear.scatter [tilespmem:s24], [sflag:$0x1], $0x200, $0x38;
	[tilespmem:$0x1E000] =	vst v63  }
0x40a: {  	s25 =	sadd.s32 $0x3C000, s10;
	s28 =	simm.s32 $0x5C00  }
0x40b: {  	[hbm4b:s25+s21] =	stream.linear.scatter [tilespmem:s28], [sflag:$0x1], $0x200, $0x38;
	[tilespmem:$0x1E000] =	vst v63  }
0x40c: {  	s23 =	sadd.s32 $0x4C000, s10;
	s24 =	simm.s32 $0x6C00  }
0x40d: {  	[hbm4b:s23+s21] =	stream.linear.scatter [tilespmem:s24], [sflag:$0x1], $0x200, $0x38;
	[tilespmem:$0x1E000] =	vst v63  }
0x40e: {  	s25 =	sadd.s32 $0x5C000, s10;
	s28 =	simm.s32 $0x7C00  }
0x40f: {  	[hbm4b:s25+s21] =	stream.linear.scatter [tilespmem:s28], [sflag:$0x1], $0x200, $0x38;
	[tilespmem:$0x1E000] =	vst v63  }
0x410: {  	s23 =	sadd.s32 $0x6C000, s10;
	s24 =	simm.s32 $0x8C00  }
0x411: {  	[hbm4b:s23+s21] =	stream.linear.scatter [tilespmem:s24], [sflag:$0x1], $0x200, $0x38;
	[tilespmem:$0x1E000] =	vst v63  }
0x412: {  	s25 =	sadd.s32 $0x7C000, s10;
	s28 =	simm.s32 $0x9C00  }
0x413: {  	[hbm4b:s25+s21] =	stream.linear.scatter [tilespmem:s28], [sflag:$0x1], $0x200, $0x38;
	[tilespmem:$0x1E000] =	vst v63  }
0x414: {  	s23 =	sadd.s32 $0x8C000, s10;
	s24 =	simm.s32 $0xAC00  }
0x415: {  	[hbm4b:s23+s21] =	stream.linear.scatter [tilespmem:s24], [sflag:$0x1], $0x200, $0x38;
	[tilespmem:$0x1E000] =	vst v63  }
0x416: {  	s25 =	sadd.s32 $0x9C000, s10;
	s28 =	simm.s32 $0xBC00  }
0x417: {  	[hbm4b:s25+s21] =	stream.linear.scatter [tilespmem:s28], [sflag:$0x1], $0x200, $0x38;
	[tilespmem:$0x1E000] =	vst v63  }
0x418: {  	s23 =	sadd.s32 $0xAC000, s10;
	s24 =	simm.s32 $0xCC00  }
0x419: {  	[hbm4b:s23+s21] =	stream.linear.scatter [tilespmem:s24], [sflag:$0x1], $0x200, $0x38;
	[tilespmem:$0x1E000] =	vst v63  }
0x41a: {  	s25 =	sadd.s32 $0xBC000, s10;
	s28 =	simm.s32 $0xDC00  }
0x41b: {  	[hbm4b:s25+s21] =	stream.linear.scatter [tilespmem:s28], [sflag:$0x1], $0x200, $0x38;
	[tilespmem:$0x1E000] =	vst v63  }
0x41c: {  	s23 =	sadd.s32 $0xCC000, s10;
	s24 =	simm.s32 $0xEC00  }
0x41d: {  	[hbm4b:s23+s21] =	stream.linear.scatter [tilespmem:s24], [sflag:$0x1], $0x200, $0x38;
	[tilespmem:$0x1E000] =	vst v63  }
0x41e: {  	s25 =	sadd.s32 $0xDC000, s10;
	s28 =	simm.s32 $0xFC00  }
0x41f: {  	[hbm4b:s25+s21] =	stream.linear.scatter [tilespmem:s28], [sflag:$0x1], $0x200, $0x38;
	[tilespmem:$0x1E000] =	vst v63  }
0x420: {  	_ =	swait.ge [sflag:s19], $0xC400  }
0x421: {  	s23 =	simm.s32 $0x1030;
	[sflag:s19] =	ssyncset.done $0x0  }
0x422: {  	s24 =	simm.s32 $0x0;
	s25 =	simm.s32 $0x0;
	[sflag:s19] =	ssyncadd.s32 $0xFFFF3C00  }
.LBB2_34:
0x423: {  	s22 =	sand.u32 $0x7C0, s24  }
0x424: {  	v10 =	vld [tilespmem:s22+$0x1000];
	_ =	sdelay $0x3  }
0x425: {  	v11 =	vmov s25  }
0x426: {  	v11 =	vand.u32 $0x7C, v11;
	v12 =	vshra.s32 v10, $0x5;
	v10 =	vshll.u32 v10, $0x7  }
0x427: {  	v11 =	vbroadcast v11, $0x0;
	v13 =	vshll.u32 v12, $0xC;
	v10 =	vand.u32 $0xF80, v10  }
0x428: {  	v10 =	vor.u32 v10, v13  }
0x429: {  	vm0 =	vgt.s32 v12, $0xD;
	v10 =	vor.u32 v11, v10  }
0x42a: {  	v10 =	vadd.s32 $0xFFFF2000, v10;
	_ =	sdelay $0x4  }
0x42b: {  	[tilespmem:v10+s26+$0x0] =	vst.idx.msk vm0, v1  }
0x42c: {  	v10 =	vld [tilespmem:s23+$0xFFFFFFE0];
	_ =	sdelay $0x2  }
0x42d: {  	s28 =	sadd.s32 $0x1, s25  }
0x42e: {  	v11 =	vmov s28  }
0x42f: {  	v11 =	vand.u32 $0x7D, v11;
	v58 =	vshra.s32 v10, $0x5;
	v10 =	vshll.u32 v10, $0x7  }
0x430: {  	v11 =	vbroadcast v11, $0x0;
	v59 =	vshll.u32 v58, $0xC;
	v10 =	vand.u32 $0xF80, v10  }
0x431: {  	v10 =	vor.u32 v10, v59  }
0x432: {  	vm13 =	vgt.s32 v58, $0xD;
	v10 =	vor.u32 v11, v10  }
0x433: {  	v10 =	vadd.s32 $0xFFFF2000, v10;
	_ =	sdelay $0x4  }
0x434: {  	[tilespmem:v10+s26+$0x0] =	vst.idx.msk vm13, v1  }
0x435: {  	v10 =	vld [tilespmem:s23+$0xFFFFFFF0];
	_ =	sdelay $0x2  }
0x436: {  	s28 =	sadd.s32 $0x2, s25  }
0x437: {  	v11 =	vmov s28  }
0x438: {  	v11 =	vand.u32 $0x7E, v11;
	v60 =	vshra.s32 v10, $0x5;
	v10 =	vshll.u32 v10, $0x7  }
0x439: {  	v11 =	vbroadcast v11, $0x0;
	v61 =	vshll.u32 v60, $0xC;
	v10 =	vand.u32 $0xF80, v10  }
0x43a: {  	v10 =	vor.u32 v10, v61  }
0x43b: {  	vm14 =	vgt.s32 v60, $0xD;
	v10 =	vor.u32 v11, v10  }
0x43c: {  	v10 =	vadd.s32 $0xFFFF2000, v10;
	_ =	sdelay $0x4  }
0x43d: {  	[tilespmem:v10+s26+$0x0] =	vst.idx.msk vm14, v1  }
0x43e: {  	v10 =	vld [tilespmem:s23+$0x0];
	_ =	sdelay $0x2  }
0x43f: {  	s28 =	sadd.s32 $0x3, s25  }
0x440: {  	v11 =	vmov s28  }
0x441: {  	v11 =	vand.u32 $0x7F, v11;
	v62 =	vshra.s32 v10, $0x5;
	v10 =	vshll.u32 v10, $0x7  }
0x442: {  	v11 =	vbroadcast v11, $0x0;
	v63 =	vshll.u32 v62, $0xC;
	v10 =	vand.u32 $0xF80, v10  }
0x443: {  	v10 =	vor.u32 v10, v63  }
0x444: {  	vm15 =	vgt.s32 v62, $0xD;
	v10 =	vor.u32 v11, v10  }
0x445: {  	p0 =	slt.u32 s25, $0x7C;
	v10 =	vadd.s32 $0xFFFF2000, v10  }
.Ltmp16:
0x446: {  	_ = 	snop;
	(pc) =	sbr.rel @p0 .LBB2_34-.Ltmp16, $3  }
0x447: {  	_ =	sdelay $0x1  }
0x448: {  	s24 =	sadd.s32 $0x40, s24  }
0x449: {  	s22 =	simm.s32 $0x1830;
	s25 =	sadd.s32 $0x4, s25;
	s23 =	sadd.s32 $0x40, s23;
	[tilespmem:v10+s26+$0x0] =	vst.idx.msk vm15, v1  }
0x44a: {  	s23 =	simm.s32 $0x0  }
.LBB2_36:
0x44b: {  	s24 =	sand.u32 $0x7C0, s21  }
0x44c: {  	v10 =	vld [tilespmem:s24+$0x1800];
	_ =	sdelay $0x3  }
0x44d: {  	v11 =	vmov s23  }
0x44e: {  	v11 =	vand.u32 $0x7C, v11;
	v12 =	vshra.s32 v10, $0x5;
	v10 =	vshll.u32 v10, $0x7  }
0x44f: {  	v11 =	vbroadcast v11, $0x0;
	v13 =	vshll.u32 v12, $0xC;
	v10 =	vand.u32 $0xF80, v10  }
0x450: {  	v10 =	vor.u32 v10, v13  }
0x451: {  	vm0 =	vgt.s32 v12, $0xD;
	v10 =	vor.u32 v11, v10  }
0x452: {  	v10 =	vadd.s32 $0xFFFF2000, v10;
	_ =	sdelay $0x4  }
0x453: {  	[tilespmem:v10+s26+$0x0] =	vst.idx.msk vm0, v9  }
0x454: {  	v10 =	vld [tilespmem:s22+$0xFFFFFFE0];
	_ =	sdelay $0x2  }
0x455: {  	s28 =	sadd.s32 $0x1, s23  }
0x456: {  	v11 =	vmov s28  }
0x457: {  	v11 =	vand.u32 $0x7D, v11;
	v58 =	vshra.s32 v10, $0x5;
	v10 =	vshll.u32 v10, $0x7  }
0x458: {  	v11 =	vbroadcast v11, $0x0;
	v59 =	vshll.u32 v58, $0xC;
	v10 =	vand.u32 $0xF80, v10  }
0x459: {  	v10 =	vor.u32 v10, v59  }
0x45a: {  	vm13 =	vgt.s32 v58, $0xD;
	v10 =	vor.u32 v11, v10  }
0x45b: {  	v10 =	vadd.s32 $0xFFFF2000, v10;
	_ =	sdelay $0x4  }
0x45c: {  	[tilespmem:v10+s26+$0x0] =	vst.idx.msk vm13, v9  }
0x45d: {  	v10 =	vld [tilespmem:s22+$0xFFFFFFF0];
	_ =	sdelay $0x2  }
0x45e: {  	s25 =	sadd.s32 $0x2, s23  }
0x45f: {  	v11 =	vmov s25  }
0x460: {  	v11 =	vand.u32 $0x7E, v11;
	v60 =	vshra.s32 v10, $0x5;
	v10 =	vshll.u32 v10, $0x7  }
0x461: {  	v11 =	vbroadcast v11, $0x0;
	v61 =	vshll.u32 v60, $0xC;
	v10 =	vand.u32 $0xF80, v10  }
0x462: {  	v10 =	vor.u32 v10, v61  }
0x463: {  	vm14 =	vgt.s32 v60, $0xD;
	v10 =	vor.u32 v11, v10  }
0x464: {  	v10 =	vadd.s32 $0xFFFF2000, v10;
	_ =	sdelay $0x4  }
0x465: {  	[tilespmem:v10+s26+$0x0] =	vst.idx.msk vm14, v9  }
0x466: {  	v10 =	vld [tilespmem:s22+$0x0];
	_ =	sdelay $0x2  }
0x467: {  	s28 =	sadd.s32 $0x3, s23  }
0x468: {  	v11 =	vmov s28  }
0x469: {  	v11 =	vand.u32 $0x7F, v11;
	v62 =	vshra.s32 v10, $0x5;
	v10 =	vshll.u32 v10, $0x7  }
0x46a: {  	v11 =	vbroadcast v11, $0x0;
	v63 =	vshll.u32 v62, $0xC;
	v10 =	vand.u32 $0xF80, v10  }
0x46b: {  	v10 =	vor.u32 v10, v63  }
0x46c: {  	vm15 =	vgt.s32 v62, $0xD;
	v10 =	vor.u32 v11, v10  }
0x46d: {  	p0 =	slt.u32 s23, $0x7C;
	v10 =	vadd.s32 $0xFFFF2000, v10  }
.Ltmp17:
0x46e: {  	_ = 	snop;
	(pc) =	sbr.rel @p0 .LBB2_36-.Ltmp17, $2  }
0x46f: {  	_ =	sdelay $0x2  }
0x470: {  	s21 =	sadd.s32 $0x40, s21;
	s23 =	sadd.s32 $0x4, s23;
	s22 =	sadd.s32 $0x40, s22;
	[tilespmem:v10+s26+$0x0] =	vst.idx.msk vm15, v9  }
0x471: {  	[hbm4b:s11+s15] =	stream.strided.scatter [tilespmem:s26], [sflag:$0x2], $0xC00, s16, s15, $0x38;
	[tilespmem:$0x1E000] =	vst v63  }
0x472: {  	s21 =	sadd.s32 $0x10000, s11;
	s22 =	simm.s32 $0x11000  }
0x473: {  	[hbm4b:s21+s15] =	stream.strided.scatter [tilespmem:s22], [sflag:$0x2], $0xC00, s16, s15, $0x38;
	[tilespmem:$0x1E000] =	vst v63  }
0x474: {  	s25 =	sadd.s32 $0x20000, s11;
	s28 =	simm.s32 $0x12000  }
0x475: {  	[hbm4b:s25+s15] =	stream.strided.scatter [tilespmem:s28], [sflag:$0x2], $0xC00, s16, s15, $0x38;
	[tilespmem:$0x1E000] =	vst v63  }
0x476: {  	s23 =	sadd.s32 $0x30000, s11;
	s24 =	simm.s32 $0x13000  }
0x477: {  	[hbm4b:s23+s15] =	stream.strided.scatter [tilespmem:s24], [sflag:$0x2], $0xC00, s16, s15, $0x38;
	[tilespmem:$0x1E000] =	vst v63  }
0x478: {  	s25 =	sadd.s32 $0x40000, s11;
	s28 =	simm.s32 $0x14000  }
0x479: {  	[hbm4b:s25+s15] =	stream.strided.scatter [tilespmem:s28], [sflag:$0x2], $0xC00, s16, s15, $0x38;
	[tilespmem:$0x1E000] =	vst v63  }
0x47a: {  	s23 =	sadd.s32 $0x50000, s11;
	s24 =	simm.s32 $0x15000  }
0x47b: {  	[hbm4b:s23+s15] =	stream.strided.scatter [tilespmem:s24], [sflag:$0x2], $0xC00, s16, s15, $0x38;
	[tilespmem:$0x1E000] =	vst v63  }
0x47c: {  	s25 =	sadd.s32 $0x60000, s11;
	s28 =	simm.s32 $0x16000  }
0x47d: {  	[hbm4b:s25+s15] =	stream.strided.scatter [tilespmem:s28], [sflag:$0x2], $0xC00, s16, s15, $0x38;
	[tilespmem:$0x1E000] =	vst v63  }
0x47e: {  	s23 =	sadd.s32 $0x70000, s11;
	s24 =	simm.s32 $0x17000  }
0x47f: {  	[hbm4b:s23+s15] =	stream.strided.scatter [tilespmem:s24], [sflag:$0x2], $0xC00, s16, s15, $0x38;
	[tilespmem:$0x1E000] =	vst v63  }
0x480: {  	s25 =	sadd.s32 $0x80000, s11;
	s28 =	simm.s32 $0x18000  }
0x481: {  	[hbm4b:s25+s15] =	stream.strided.scatter [tilespmem:s28], [sflag:$0x2], $0xC00, s16, s15, $0x38;
	[tilespmem:$0x1E000] =	vst v63  }
0x482: {  	s23 =	sadd.s32 $0x90000, s11;
	s24 =	simm.s32 $0x19000  }
0x483: {  	[hbm4b:s23+s15] =	stream.strided.scatter [tilespmem:s24], [sflag:$0x2], $0xC00, s16, s15, $0x38;
	[tilespmem:$0x1E000] =	vst v63  }
0x484: {  	s25 =	sadd.s32 $0xA0000, s11;
	s28 =	simm.s32 $0x1A000  }
0x485: {  	[hbm4b:s25+s15] =	stream.strided.scatter [tilespmem:s28], [sflag:$0x2], $0xC00, s16, s15, $0x38;
	[tilespmem:$0x1E000] =	vst v63  }
0x486: {  	s23 =	sadd.s32 $0xB0000, s11;
	s24 =	simm.s32 $0x1B000  }
0x487: {  	[hbm4b:s23+s15] =	stream.strided.scatter [tilespmem:s24], [sflag:$0x2], $0xC00, s16, s15, $0x38;
	[tilespmem:$0x1E000] =	vst v63  }
0x488: {  	s25 =	sadd.s32 $0xC0000, s11;
	s28 =	simm.s32 $0x1C000  }
0x489: {  	[hbm4b:s25+s15] =	stream.strided.scatter [tilespmem:s28], [sflag:$0x2], $0xC00, s16, s15, $0x38;
	[tilespmem:$0x1E000] =	vst v63  }
0x48a: {  	s23 =	sadd.s32 $0xD0000, s11;
	s24 =	simm.s32 $0x1D000  }
0x48b: {  	[hbm4b:s23+s15] =	stream.strided.scatter [tilespmem:s24], [sflag:$0x2], $0xC00, s16, s15, $0x38;
	[tilespmem:$0x1E000] =	vst v63  }
0x48c: {  	s25 =	sadd.s32 $0xC000, s11;
	s28 =	simm.s32 $0x10C00  }
0x48d: {  	[hbm4b:s25+s2] =	stream.linear.scatter [tilespmem:s28], [sflag:$0x2], $0x200, $0x38;
	[tilespmem:$0x1E000] =	vst v63  }
0x48e: {  	s23 =	sadd.s32 $0x1C000, s11;
	s24 =	simm.s32 $0x11C00  }
0x48f: {  	[hbm4b:s23+s2] =	stream.linear.scatter [tilespmem:s24], [sflag:$0x2], $0x200, $0x38;
	[tilespmem:$0x1E000] =	vst v63  }
0x490: {  	s25 =	sadd.s32 $0x2C000, s11;
	s28 =	simm.s32 $0x12C00  }
0x491: {  	[hbm4b:s25+s2] =	stream.linear.scatter [tilespmem:s28], [sflag:$0x2], $0x200, $0x38;
	[tilespmem:$0x1E000] =	vst v63  }
0x492: {  	s23 =	sadd.s32 $0x3C000, s11;
	s24 =	simm.s32 $0x13C00  }
0x493: {  	[hbm4b:s23+s2] =	stream.linear.scatter [tilespmem:s24], [sflag:$0x2], $0x200, $0x38;
	[tilespmem:$0x1E000] =	vst v63  }
0x494: {  	s25 =	sadd.s32 $0x4C000, s11;
	s28 =	simm.s32 $0x14C00  }
0x495: {  	[hbm4b:s25+s2] =	stream.linear.scatter [tilespmem:s28], [sflag:$0x2], $0x200, $0x38;
	[tilespmem:$0x1E000] =	vst v63  }
0x496: {  	s22 =	sadd.s32 $0x5C000, s11  }
0x497: {  	[hbm4b:s22+s2] =	stream.linear.scatter [tilespmem:s29], [sflag:$0x2], $0x200, $0x38;
	[tilespmem:$0x1E000] =	vst v63  }
0x498: {  	s23 =	sadd.s32 $0x6C000, s11  }
0x499: {  	[hbm4b:s23+s2] =	stream.linear.scatter [tilespmem:s30], [sflag:$0x2], $0x200, $0x38;
	[tilespmem:$0x1E000] =	vst v63  }
0x49a: {  	s24 =	sadd.s32 $0x7C000, s11  }
0x49b: {  	[hbm4b:s24+s2] =	stream.linear.scatter [tilespmem:s31], [sflag:$0x2], $0x200, $0x38;
	[tilespmem:$0x1E000] =	vst v63  }
0x49c: {  	s25 =	sadd.s32 $0x8C000, s11  }
0x49d: {  	[hbm4b:s25+s2] =	stream.linear.scatter [tilespmem:s0], [sflag:$0x2], $0x200, $0x38;
	[tilespmem:$0x1E000] =	vst v63  }
0x49e: {  	s28 =	sadd.s32 $0x9C000, s11  }
0x49f: {  	[hbm4b:s28+s2] =	stream.linear.scatter [tilespmem:s1], [sflag:$0x2], $0x200, $0x38;
	[tilespmem:$0x1E000] =	vst v63  }
0x4a0: {  	s22 =	sadd.s32 $0xAC000, s11  }
0x4a1: {  	[hbm4b:s22+s2] =	stream.linear.scatter [tilespmem:s3], [sflag:$0x2], $0x200, $0x38;
	[tilespmem:$0x1E000] =	vst v63  }
0x4a2: {  	s23 =	sadd.s32 $0xBC000, s11  }
0x4a3: {  	[hbm4b:s23+s2] =	stream.linear.scatter [tilespmem:s12], [sflag:$0x2], $0x200, $0x38;
	[tilespmem:$0x1E000] =	vst v63  }
0x4a4: {  	s24 =	sadd.s32 $0xCC000, s11  }
0x4a5: {  	[hbm4b:s24+s2] =	stream.linear.scatter [tilespmem:s17], [sflag:$0x2], $0x200, $0x38;
	[tilespmem:$0x1E000] =	vst v63  }
0x4a6: {  	s25 =	sadd.s32 $0xDC000, s11  }
0x4a7: {  	[hbm4b:s25+s2] =	stream.linear.scatter [tilespmem:s18], [sflag:$0x2], $0x200, $0x38;
	[tilespmem:$0x1E000] =	vst v63  }
0x4a8: {  	_ =	swait.ge [sflag:s14], $0xC400  }
0x4a9: {  	[sflag:s14] =	ssyncset.done $0x0  }
0x4aa: {  	[sflag:s14] =	ssyncadd.s32 $0xFFFF3C00  }
0x4ab: {  	_ =	swait.ge [sflag:s19], $0xC400  }
0x4ac: {  	s20 =	sadd.s32 $0x1, s20;
	s28 =	rddreg [dreg:$0x4]  }
0x4ad: {  	p0 =	sne.s32 s20, s28  }
.Ltmp18:
0x4ae: {  	_ = 	snop;
	(pc) =	sbr.rel @p0 .LBB2_1-.Ltmp18, $3  }
0x4af: {  	_ =	sdelay $0x1  }
0x4b0: {  	[sflag:s19] =	ssyncset.done $0x0  }
0x4b1: {  	[sflag:s19] =	ssyncadd.s32 $0xFFFF3C00  }
0x4b2: {  	_ =	sfence.sel $0x180000  }
0x4b3: {  	[bflag:$0x0] =	sbarrier.arrive $0xFFFF  }
0x4b4: {  	_ =	strace $0x90000047  }
0x4b5: {  	s0 =	stileid.u32;
	[bflag:$0x2] =	sbarrier.arrive $0xFFFF  }
0x4b6: {  	p0 =	sne.s32 s0, $0x0;
	s0 =	rddreg [dreg:$0x2]  }
0x4b7: {  	s0 =	sadd.s32 @!p0 $0x100000, s0  }
0x4b8: {  	[sflag:s0] =	ssyncadd.tile.s32 @!p0 $0x1;
	_ =	shalt  }
.Lfunc_end2:
_tile_overlayer_lowered:
.L_overlay_start_2:
0x4b9: {  	(tag) =	ssettag $0x2  }
0x4ba: {  	s0 =	rddreg [dreg:$0x0];
	s2 =	stileid.u32  }
0x4bb: {  	s1 =	rddreg [dreg:$0x1];
	p0 =	sne.s32 s2, $0x0  }
0x4bc: {  	s3 =	rddreg [dreg:$0x2];
	[bflag:$0x3] =	sbarrier.arrive $0xFFFF;
	s2 =	simm.s32 @!p0 $0x1C03  }
0x4bd: {  	[timem:s3], [sflag:s2] =	dma.local @!p0 [hbm:s0], s1  }
0x4be: {  	s0 =	simm.s32 @!p0 $0x3  }
0x4bf: {  	_ =	swait.ge @!p0 [sflag:s0], s1  }
0x4c0: {  	s1 =	ssub.s32 @!p0 $0x0, s1;
	[sflag:s0] =	ssyncset.done @!p0 $0x0  }
0x4c1: {  	[sflag:s0] =	ssyncadd.s32 @!p0 s1  }
0x4c2: {  	[bflag:$0x3] =	sbarrier.arrive $0xFFFF  }
0x4c3: {  	_ =	shalt  }

</sc_bundles>
